<compile_context>
chip_gen: v7x
topology: tpu7x:2x2x1
jax: 0.10.2.dev20260603
libtpu: 0.0.44.dev20260713+nightly
codegen_flags: <defaults>
</compile_context>

<pallas_src>
import functools

import jax
import jax.numpy as jnp
from jax import lax
from jax.experimental import pallas as pl
from jax.experimental.pallas import tpu as pltpu
import jax.experimental.pallas.tpu_sc as plsc

N = 10000
E = 320000
D_IN = 128
H = 256
HH = H // 2

NC = 2
NT = 16
CH = 128
KCH = 157
EPAD = NT * KCH * CH
ACC_ROWS = 10112

_f32 = jnp.float32
_i32 = jnp.int32


def _deg_body(dst_hbm, deg_hbm, dst_v, ones_v, buf_v, deg_sp, sem):
    c = lax.axis_index("c")
    s = lax.axis_index("s")

    def fill_ones(i, _):
        ones_v[pl.ds(i * 16, 16)] = jnp.ones((16,), _f32)
        return 0

    lax.fori_loop(0, 64, fill_ones, 0)

    on_core0 = c == 0

    @pl.when(jnp.logical_and(on_core0, s < 10))
    def _():
        pltpu.sync_copy(ones_v.at[pl.ds(0, 1000)], deg_sp.at[pl.ds(s * 1000, 1000)])

    plsc.subcore_barrier()

    @pl.when(on_core0)
    def _():
        for blk, cnt in [(0, 32), (1, 32), (2, 32), (3, 32), (4, 29)]:
            pltpu.sync_copy(dst_hbm.at[s, pl.ds(blk * 32, cnt)], dst_v.at[pl.ds(0, cnt)])

            def step(j, _):
                pltpu.sync_copy(ones_v.at[pl.ds(0, CH)], deg_sp.at[dst_v.at[j]], add=True)
                return 0

            lax.fori_loop(0, cnt, step, 0)

    plsc.subcore_barrier()

    @pl.when(jnp.logical_and(on_core0, s < 10))
    def _():
        pltpu.sync_copy(deg_sp.at[pl.ds(s * 1000, 1000)], buf_v)
        pltpu.sync_copy(buf_v, deg_hbm.at[pl.ds(s * 1000, 1000)])


def _sc_degree(dst_t):
    mesh = plsc.VectorSubcoreMesh(core_axis_name="c", subcore_axis_name="s")
    return pl.kernel(
        _deg_body,
        out_type=jax.ShapeDtypeStruct((N,), _f32),
        mesh=mesh,
        scratch_types=[
            pltpu.VMEM((32, CH), _i32),
            pltpu.VMEM((1024,), _f32),
            pltpu.VMEM((1000,), _f32),
            pltpu.VMEM_SHARED((ACC_ROWS,), _f32),
            pltpu.SemaphoreType.DMA,
        ],
    )(dst_t)


def _agg_body(y_hbm, src_hbm, dst_hbm, out_hbm, src_v, dst_v, buf0, acc_sp, sem):
    c = lax.axis_index("c")
    s = lax.axis_index("s")

    def fill_zero(i, _):
        buf0[i // 8, pl.ds((i % 8) * 16, 16)] = jnp.zeros((16,), _f32)
        return 0

    lax.fori_loop(0, 1024, fill_zero, 0)

    base = s * 632
    for q in range(4):
        pltpu.sync_copy(buf0, acc_sp.at[pl.ds(base + q * CH, CH)])
    pltpu.sync_copy(buf0.at[pl.ds(0, 120)], acc_sp.at[pl.ds(base + 512, 120)])

    plsc.subcore_barrier()

    for blk, cnt in [(0, 32), (1, 32), (2, 32), (3, 32), (4, 29)]:
        pltpu.sync_copy(src_hbm.at[c, s, pl.ds(blk * 32, cnt)], src_v.at[pl.ds(0, cnt)])
        pltpu.sync_copy(dst_hbm.at[s, pl.ds(blk * 32, cnt)], dst_v.at[pl.ds(0, cnt)])

        def step(j, _):
            pltpu.async_copy(y_hbm.at[src_v.at[j]], buf0, sem).wait()
            pltpu.sync_copy(buf0, acc_sp.at[dst_v.at[j]], add=True)
            return 0

        lax.fori_loop(0, cnt, step, 0)

    plsc.subcore_barrier()

    for q, (off, sz) in enumerate([(0, CH), (CH, CH), (2 * CH, CH), (3 * CH, CH), (4 * CH, 112)]):
        row = s * 624 + off
        pltpu.sync_copy(acc_sp.at[pl.ds(row, sz)], buf0.at[pl.ds(0, sz)])
        pltpu.sync_copy(buf0.at[pl.ds(0, sz)], out_hbm.at[pl.ds(c * N + row, sz)])

    @pl.when(s == 0)
    def _():
        pltpu.sync_copy(acc_sp.at[pl.ds(9984, 16)], buf0.at[pl.ds(0, 16)])
        pltpu.sync_copy(buf0.at[pl.ds(0, 16)], out_hbm.at[pl.ds(c * N + 9984, 16)])


def _sc_aggregate(y_cat, src2, dst_t):
    mesh = plsc.VectorSubcoreMesh(core_axis_name="c", subcore_axis_name="s")
    return pl.kernel(
        _agg_body,
        out_type=jax.ShapeDtypeStruct((2 * N, HH), _f32),
        mesh=mesh,
        scratch_types=[
            pltpu.VMEM((32, CH), _i32),
            pltpu.VMEM((32, CH), _i32),
            pltpu.VMEM((CH, HH), _f32),
            pltpu.VMEM_SHARED((ACC_ROWS, HH), _f32),
            pltpu.SemaphoreType.DMA,
        ],
    )(y_cat, src2, dst_t)


_RB = 1000
_NRB = N // _RB

_DOT = functools.partial(
    jnp.dot, preferred_element_type=_f32, precision=jax.lax.Precision.HIGHEST
)


def _tc1_body(x_ref, w_ref, deg_ref, out_ref):
    dinv = lax.rsqrt(deg_ref[...][:, 0])
    xw = _DOT(x_ref[...], w_ref[...])
    out_ref[...] = xw * dinv[:, None]


def _tc1(x, W1, deg):
    return pl.pallas_call(
        _tc1_body,
        grid=(_NRB, 2),
        in_specs=[
            pl.BlockSpec((_RB, D_IN), lambda r, h: (r, 0)),
            pl.BlockSpec((D_IN, HH), lambda r, h: (0, h)),
            pl.BlockSpec((_RB, 1), lambda r, h: (r, 0)),
        ],
        out_specs=pl.BlockSpec((_RB, HH), lambda r, h: (h * _NRB + r, 0)),
        out_shape=jax.ShapeDtypeStruct((2 * N, HH), _f32),
    )(x, W1, deg)


def _tc2_body(alo_ref, ahi_ref, ylo_ref, yhi_ref, deg_ref, b_ref, w_ref, out_ref):
    dinv = lax.rsqrt(deg_ref[...])
    h_lo = jax.nn.relu(dinv * (alo_ref[...] + ylo_ref[...]) + b_ref[0:1, :HH])
    h_hi = jax.nn.relu(dinv * (ahi_ref[...] + yhi_ref[...]) + b_ref[0:1, HH:])
    hcat = jnp.concatenate([h_lo, h_hi], axis=1)
    out_ref[...] = _DOT(hcat, w_ref[...]) * dinv


def _tc2(agg1, y1, deg, b1, W2):
    b2d = b1[None, :]
    return pl.pallas_call(
        _tc2_body,
        grid=(_NRB, 2),
        in_specs=[
            pl.BlockSpec((_RB, HH), lambda r, h: (r, 0)),
            pl.BlockSpec((_RB, HH), lambda r, h: (_NRB + r, 0)),
            pl.BlockSpec((_RB, HH), lambda r, h: (r, 0)),
            pl.BlockSpec((_RB, HH), lambda r, h: (_NRB + r, 0)),
            pl.BlockSpec((_RB, 1), lambda r, h: (r, 0)),
            pl.BlockSpec((1, H), lambda r, h: (0, 0)),
            pl.BlockSpec((H, HH), lambda r, h: (0, h)),
        ],
        out_specs=pl.BlockSpec((_RB, HH), lambda r, h: (h * _NRB + r, 0)),
        out_shape=jax.ShapeDtypeStruct((2 * N, HH), _f32),
    )(agg1, agg1, y1, y1, deg, b2d, W2)


def _tc3_body(alo_ref, ahi_ref, ylo_ref, yhi_ref, deg_ref, b_ref, out_ref):
    dinv = lax.rsqrt(deg_ref[...])
    h_lo = jax.nn.relu(dinv * (alo_ref[...] + ylo_ref[...]) + b_ref[0:1, :HH])
    h_hi = jax.nn.relu(dinv * (ahi_ref[...] + yhi_ref[...]) + b_ref[0:1, HH:])
    out_ref[...] = jnp.concatenate([h_lo, h_hi], axis=1)


def _tc3(agg2, y2, deg, b2):
    b2d = b2[None, :]
    return pl.pallas_call(
        _tc3_body,
        grid=(_NRB,),
        in_specs=[
            pl.BlockSpec((_RB, HH), lambda r: (r, 0)),
            pl.BlockSpec((_RB, HH), lambda r: (_NRB + r, 0)),
            pl.BlockSpec((_RB, HH), lambda r: (r, 0)),
            pl.BlockSpec((_RB, HH), lambda r: (_NRB + r, 0)),
            pl.BlockSpec((_RB, 1), lambda r: (r, 0)),
            pl.BlockSpec((1, H), lambda r: (0, 0)),
        ],
        out_specs=pl.BlockSpec((_RB, H), lambda r: (r, 0)),
        out_shape=jax.ShapeDtypeStruct((N, H), _f32),
    )(agg2, agg2, y2, y2, deg, b2d)


def kernel(x, edge_index, W1, b1, W2, b2):
    src = edge_index[0].astype(_i32)
    dst = edge_index[1].astype(_i32)

    pad = EPAD - E
    src_p = jnp.concatenate([src, jnp.zeros((pad,), _i32)])
    dst_p = jnp.concatenate([dst, jnp.full((pad,), N, _i32)])
    src_t = src_p.reshape(NT, KCH, CH)
    dst_t = dst_p.reshape(NT, KCH, CH)
    src2 = jnp.stack([src_t, src_t + N])

    deg = _sc_degree(dst_t)[:, None]
    y1 = _tc1(x, W1, deg)
    agg1 = _sc_aggregate(y1, src2, dst_t)
    y2 = _tc2(agg1, y1, deg, b1, W2)
    agg2 = _sc_aggregate(y2, src2, dst_t)
    out = _tc3(agg2, y2, deg, b2)
    return out

# --- scband reference (transcript-rebuilt; emitter-appended) ---
"""Pipeline reference for scband-gnnclassic-stage-82669530514068 (READ-ONLY COPY).

The authoritative reference and input builder live on the scoring server;
editing this copy changes nothing except your own understanding.
"""

import jax, jax.numpy as jnp
import numpy as np

N = 10000
E = 320000
D_IN = 128
H = 256


def setup_inputs(seed: int = 0) -> dict:
    key = jax.random.key(seed)
    k1, k2, k3, k4 = jax.random.split(key, 4)
    x = jax.random.normal(k1, (N, D_IN), dtype=jnp.float32)
    edge_index = jax.random.randint(k2, (2, E), 0, N, dtype=jnp.int32)
    W1 = jax.random.normal(k3, (D_IN, H), dtype=jnp.float32) * (1.0 / np.sqrt(D_IN))
    b1 = jnp.zeros((H,), dtype=jnp.float32)
    W2 = jax.random.normal(k4, (H, H), dtype=jnp.float32) * (1.0 / np.sqrt(H))
    b2 = jnp.zeros((H,), dtype=jnp.float32)
    return {"x": x, "edge_index": edge_index, "W1": W1, "b1": b1, "W2": W2, "b2": b2}


def gcn_conv(x, src, dst, W, b):
    # GCNConv with added self-loops and symmetric normalization (PyG default)
    n = x.shape[0]
    loop = jnp.arange(n, dtype=src.dtype)
    src_full = jnp.concatenate([src, loop])
    dst_full = jnp.concatenate([dst, loop])
    xw = x @ W
    ones = jnp.ones(src_full.shape[0], dtype=x.dtype)
    deg = jax.ops.segment_sum(ones, dst_full, num_segments=n)
    dinv = jnp.where(deg > 0, jax.lax.rsqrt(deg), 0.0)
    norm = dinv[src_full] * dinv[dst_full]
    msg = jnp.take(xw, src_full, axis=0) * norm[:, None]
    out = jax.ops.segment_sum(msg, dst_full, num_segments=n)
    return out + b


def reference(x, edge_index, W1, b1, W2, b2):
    src = edge_index[0]
    dst = edge_index[1]
    # layer0: dim_in -> hidden_dim, ReLU (has_act=True)
    h = jax.nn.relu(gcn_conv(x, src, dst, W1, b1))
    # layer1: hidden_dim -> hidden_dim, ReLU
    h = jax.nn.relu(gcn_conv(h, src, dst, W2, b2))
    return h

if __name__ == "__main__":
    import jax
    _d = setup_inputs()
    print(jax.jit(kernel)(*tuple(_d.values())))

</pallas_src>

<mosaic_0001>
#map = affine_map<(d0, d1) -> (0, 0)>
#map1 = affine_map<(d0, d1) -> (0, 0, 0, 0)>
#map2 = affine_map<(d0, d1) -> (0, 0, 0)>
module attributes {stable_mosaic.version = 14 : i64} {
  func.func @_agg_body(%arg0: i32, %arg1: i32, %arg2: memref<20000x128xf32, #tpu.memory_space<hbm>>, %arg3: memref<2x16x157x128xi32, #tpu.memory_space<hbm>>, %arg4: memref<16x157x128xi32, #tpu.memory_space<hbm>>, %arg5: memref<20000x128xf32, #tpu.memory_space<hbm>>, %arg6: memref<32x128xi32, #tpu.memory_space<vmem>>, %arg7: memref<32x128xi32, #tpu.memory_space<vmem>>, %arg8: memref<128x128xf32, #tpu.memory_space<vmem>>, %arg9: memref<10112x128xf32, #tpu.memory_space<vmem_shared>>, %arg10: memref<!tpu.dma_semaphore, #tpu.memory_space<semaphore_mem>>) attributes {dimension_semantics = [#tpu.dimension_semantics<core_parallel>, #tpu.dimension_semantics<subcore_parallel>], iteration_bounds = array<i64: 2, 16>, scalar_prefetch = 0 : i64, scratch_operands = 5 : i64, tpu.core_type = #tpu.core_type<sc_vector_subcore>, window_params = [{transform_indices = #map}, {transform_indices = #map1}, {transform_indices = #map2}, {transform_indices = #map}]} {
    %scan3A = arith.constant 0 : i32
    %scan3A_0 = arith.constant 0 : i32
    %scan3A_1 = arith.constant 1024 : i32
    %scan3A_2 = arith.addi %scan3A_0, %scan3A_1 : i32
    %scan3A_3 = arith.constant 1 : i32
    %scan3A_4 = scf.for %scan3A_89 = %scan3A_0 to %scan3A_2 step %scan3A_3 iter_args(%scan3A_90 = %scan3A) -> (i32)  : i32 {
      %broadcast_in_dim3A = arith.constant 0.000000e+00 : f32
      %broadcast_in_dim3A_91 = vector.broadcast %broadcast_in_dim3A : f32 to vector<16xf32>
      %jit3A = arith.constant 8 : i32
      %div3A = arith.divsi %scan3A_89, %jit3A : i32
      %sign3A = arith.constant 0 : i32
      %sign3A_92 = arith.cmpi sgt, %scan3A_89, %sign3A : i32
      %sign3A_93 = arith.extui %sign3A_92 : i1 to i32
      %sign3A_94 = arith.constant 0 : i32
      %sign3A_95 = arith.cmpi slt, %scan3A_89, %sign3A_94 : i32
      %sign3A_96 = arith.extui %sign3A_95 : i1 to i32
      %sign3A_97 = arith.subi %sign3A_93, %sign3A_96 : i32
      %sign3A_98 = arith.constant 0 : i32
      %sign3A_99 = arith.cmpi sgt, %jit3A, %sign3A_98 : i32
      %sign3A_100 = arith.extui %sign3A_99 : i1 to i32
      %sign3A_101 = arith.constant 0 : i32
      %sign3A_102 = arith.cmpi slt, %jit3A, %sign3A_101 : i32
      %sign3A_103 = arith.extui %sign3A_102 : i1 to i32
      %sign3A_104 = arith.subi %sign3A_100, %sign3A_103 : i32
      %ne3A = arith.cmpi ne, %sign3A_97, %sign3A_104 : i32
      %rem3A = arith.remsi %scan3A_89, %jit3A : i32
      %ne3A_105 = arith.constant 0 : i32
      %ne3A_106 = arith.cmpi ne, %rem3A, %ne3A_105 : i32
      %and3A = arith.andi %ne3A, %ne3A_106 : i1
      %sub3A = arith.constant 1 : i32
      %sub3A_107 = arith.subi %div3A, %sub3A : i32
      %select_n3A = arith.select %and3A, %sub3A_107, %div3A : i32
      %jit3A_108 = arith.constant 8 : i32
      %eq3A_109 = arith.constant 0 : i32
      %eq3A_110 = arith.cmpi eq, %jit3A_108, %eq3A_109 : i32
      %jit3A_111 = arith.constant 1 : i32
      %select_n3A_112 = arith.select %eq3A_110, %jit3A_111, %jit3A_108 : i32
      %rem3A_113 = arith.remsi %scan3A_89, %select_n3A_112 : i32
      %ne3A_114 = arith.constant 0 : i32
      %ne3A_115 = arith.cmpi ne, %rem3A_113, %ne3A_114 : i32
      %lt3A = arith.constant 0 : i32
      %lt3A_116 = arith.cmpi slt, %rem3A_113, %lt3A : i32
      %lt3A_117 = arith.constant 0 : i32
      %lt3A_118 = arith.cmpi slt, %select_n3A_112, %lt3A_117 : i32
      %ne3A_119 = arith.xori %lt3A_116, %lt3A_118 : i1
      %and3A_120 = arith.andi %ne3A_119, %ne3A_115 : i1
      %add3A_121 = arith.addi %rem3A_113, %select_n3A_112 : i32
      %select_n3A_122 = arith.select %and3A_120, %add3A_121, %rem3A_113 : i32
      %mul3A_123 = arith.constant 16 : i32
      %mul3A_124 = arith.muli %select_n3A_122, %mul3A_123 : i32
      %swap3A = arith.index_cast %select_n3A : i32 to index
      %swap3A_125 = arith.index_cast %mul3A_124 : i32 to index
      %swap3A_126 = tpu.vector_load %arg8[%swap3A, %swap3A_125] {strides = array<i32>} : memref<128x128xf32, #tpu.memory_space<vmem>>, vector<1x16xf32>,
      %swap3A_127 = vector.shape_cast %swap3A_126 : vector<1x16xf32> to vector<16xf32>
      %swap3A_128 = vector.shape_cast %broadcast_in_dim3A_91 : vector<16xf32> to vector<1x16xf32>
      tpu.vector_store %arg8[%swap3A, %swap3A_125], %swap3A_128 {strides = array<i32>} : memref<128x128xf32, #tpu.memory_space<vmem>>, vector<1x16xf32>,
      %scan3A_129 = arith.constant 0 : i32
      scf.yield %scan3A_129 : i32
    }
    %scan3A_5 = arith.constant 1024 : i32
    %mul3A = arith.constant 632 : i32
    %mul3A_6 = arith.muli %arg1, %mul3A : i32
    %add3A = arith.constant 0 : i32
    %add3A_7 = arith.addi %mul3A_6, %add3A : i32
    "tpu.region"() ({
      %run_scoped3A = tpu.sem_alloc : memref<!tpu.dma_semaphore, #tpu.memory_space<semaphore_mem>>
      %dma_start3A = arith.constant 0 : i32
      %dma_start3A_89 = tpu.memref_slice %arg9[%add3A_7, %dma_start3A] : memref<10112x128xf32, #tpu.memory_space<vmem_shared>> -> memref<128x128xf32, #tpu.memory_space<vmem_shared>>
      %dma_start3A_90 = arith.constant 0 : i32
      %dma_start3A_91 = tpu.memref_slice %arg9[%add3A_7, %dma_start3A_90] : memref<10112x128xf32, #tpu.memory_space<vmem_shared>> -> memref<128x128xf32, #tpu.memory_space<vmem_shared>>
      tpu.enqueue_dma source(%arg8 : memref<128x128xf32, #tpu.memory_space<vmem>>) target(%dma_start3A_91 : memref<128x128xf32, #tpu.memory_space<vmem_shared>>) target_semaphore(%run_scoped3A : memref<!tpu.dma_semaphore, #tpu.memory_space<semaphore_mem>>)
      %dma_wait3A = arith.constant 0 : i32
      %dma_wait3A_92 = tpu.memref_slice %arg9[%add3A_7, %dma_wait3A] : memref<10112x128xf32, #tpu.memory_space<vmem_shared>> -> memref<128x128xf32, #tpu.memory_space<vmem_shared>>
      %dma_wait3A_93 = arith.constant 0 : i32
      %dma_wait3A_94 = tpu.memref_slice %arg9[%add3A_7, %dma_wait3A_93] : memref<10112x128xf32, #tpu.memory_space<vmem_shared>> -> memref<128x128xf32, #tpu.memory_space<vmem_shared>>
      tpu.wait_dma2 semaphore(%run_scoped3A : memref<!tpu.dma_semaphore, #tpu.memory_space<semaphore_mem>>) src(%arg8 : memref<128x128xf32, #tpu.memory_space<vmem>>) dst(%dma_wait3A_94 : memref<128x128xf32, #tpu.memory_space<vmem_shared>>)
      tpu.yield
    }) : () -> ()
    %add3A_8 = arith.constant 128 : i32
    %add3A_9 = arith.addi %mul3A_6, %add3A_8 : i32
    "tpu.region"() ({
      %run_scoped3A = tpu.sem_alloc : memref<!tpu.dma_semaphore, #tpu.memory_space<semaphore_mem>>
      %dma_start3A = arith.constant 0 : i32
      %dma_start3A_89 = tpu.memref_slice %arg9[%add3A_9, %dma_start3A] : memref<10112x128xf32, #tpu.memory_space<vmem_shared>> -> memref<128x128xf32, #tpu.memory_space<vmem_shared>>
      %dma_start3A_90 = arith.constant 0 : i32
      %dma_start3A_91 = tpu.memref_slice %arg9[%add3A_9, %dma_start3A_90] : memref<10112x128xf32, #tpu.memory_space<vmem_shared>> -> memref<128x128xf32, #tpu.memory_space<vmem_shared>>
      tpu.enqueue_dma source(%arg8 : memref<128x128xf32, #tpu.memory_space<vmem>>) target(%dma_start3A_91 : memref<128x128xf32, #tpu.memory_space<vmem_shared>>) target_semaphore(%run_scoped3A : memref<!tpu.dma_semaphore, #tpu.memory_space<semaphore_mem>>)
      %dma_wait3A = arith.constant 0 : i32
      %dma_wait3A_92 = tpu.memref_slice %arg9[%add3A_9, %dma_wait3A] : memref<10112x128xf32, #tpu.memory_space<vmem_shared>> -> memref<128x128xf32, #tpu.memory_space<vmem_shared>>
      %dma_wait3A_93 = arith.constant 0 : i32
      %dma_wait3A_94 = tpu.memref_slice %arg9[%add3A_9, %dma_wait3A_93] : memref<10112x128xf32, #tpu.memory_space<vmem_shared>> -> memref<128x128xf32, #tpu.memory_space<vmem_shared>>
      tpu.wait_dma2 semaphore(%run_scoped3A : memref<!tpu.dma_semaphore, #tpu.memory_space<semaphore_mem>>) src(%arg8 : memref<128x128xf32, #tpu.memory_space<vmem>>) dst(%dma_wait3A_94 : memref<128x128xf32, #tpu.memory_space<vmem_shared>>)
      tpu.yield
    }) : () -> ()
    %add3A_10 = arith.constant 256 : i32
    %add3A_11 = arith.addi %mul3A_6, %add3A_10 : i32
    "tpu.region"() ({
      %run_scoped3A = tpu.sem_alloc : memref<!tpu.dma_semaphore, #tpu.memory_space<semaphore_mem>>
      %dma_start3A = arith.constant 0 : i32
      %dma_start3A_89 = tpu.memref_slice %arg9[%add3A_11, %dma_start3A] : memref<10112x128xf32, #tpu.memory_space<vmem_shared>> -> memref<128x128xf32, #tpu.memory_space<vmem_shared>>
      %dma_start3A_90 = arith.constant 0 : i32
      %dma_start3A_91 = tpu.memref_slice %arg9[%add3A_11, %dma_start3A_90] : memref<10112x128xf32, #tpu.memory_space<vmem_shared>> -> memref<128x128xf32, #tpu.memory_space<vmem_shared>>
      tpu.enqueue_dma source(%arg8 : memref<128x128xf32, #tpu.memory_space<vmem>>) target(%dma_start3A_91 : memref<128x128xf32, #tpu.memory_space<vmem_shared>>) target_semaphore(%run_scoped3A : memref<!tpu.dma_semaphore, #tpu.memory_space<semaphore_mem>>)
      %dma_wait3A = arith.constant 0 : i32
      %dma_wait3A_92 = tpu.memref_slice %arg9[%add3A_11, %dma_wait3A] : memref<10112x128xf32, #tpu.memory_space<vmem_shared>> -> memref<128x128xf32, #tpu.memory_space<vmem_shared>>
      %dma_wait3A_93 = arith.constant 0 : i32
      %dma_wait3A_94 = tpu.memref_slice %arg9[%add3A_11, %dma_wait3A_93] : memref<10112x128xf32, #tpu.memory_space<vmem_shared>> -> memref<128x128xf32, #tpu.memory_space<vmem_shared>>
      tpu.wait_dma2 semaphore(%run_scoped3A : memref<!tpu.dma_semaphore, #tpu.memory_space<semaphore_mem>>) src(%arg8 : memref<128x128xf32, #tpu.memory_space<vmem>>) dst(%dma_wait3A_94 : memref<128x128xf32, #tpu.memory_space<vmem_shared>>)
      tpu.yield
    }) : () -> ()
    %add3A_12 = arith.constant 384 : i32
    %add3A_13 = arith.addi %mul3A_6, %add3A_12 : i32
    "tpu.region"() ({
      %run_scoped3A = tpu.sem_alloc : memref<!tpu.dma_semaphore, #tpu.memory_space<semaphore_mem>>
      %dma_start3A = arith.constant 0 : i32
      %dma_start3A_89 = tpu.memref_slice %arg9[%add3A_13, %dma_start3A] : memref<10112x128xf32, #tpu.memory_space<vmem_shared>> -> memref<128x128xf32, #tpu.memory_space<vmem_shared>>
      %dma_start3A_90 = arith.constant 0 : i32
      %dma_start3A_91 = tpu.memref_slice %arg9[%add3A_13, %dma_start3A_90] : memref<10112x128xf32, #tpu.memory_space<vmem_shared>> -> memref<128x128xf32, #tpu.memory_space<vmem_shared>>
      tpu.enqueue_dma source(%arg8 : memref<128x128xf32, #tpu.memory_space<vmem>>) target(%dma_start3A_91 : memref<128x128xf32, #tpu.memory_space<vmem_shared>>) target_semaphore(%run_scoped3A : memref<!tpu.dma_semaphore, #tpu.memory_space<semaphore_mem>>)
      %dma_wait3A = arith.constant 0 : i32
      %dma_wait3A_92 = tpu.memref_slice %arg9[%add3A_13, %dma_wait3A] : memref<10112x128xf32, #tpu.memory_space<vmem_shared>> -> memref<128x128xf32, #tpu.memory_space<vmem_shared>>
      %dma_wait3A_93 = arith.constant 0 : i32
      %dma_wait3A_94 = tpu.memref_slice %arg9[%add3A_13, %dma_wait3A_93] : memref<10112x128xf32, #tpu.memory_space<vmem_shared>> -> memref<128x128xf32, #tpu.memory_space<vmem_shared>>
      tpu.wait_dma2 semaphore(%run_scoped3A : memref<!tpu.dma_semaphore, #tpu.memory_space<semaphore_mem>>) src(%arg8 : memref<128x128xf32, #tpu.memory_space<vmem>>) dst(%dma_wait3A_94 : memref<128x128xf32, #tpu.memory_space<vmem_shared>>)
      tpu.yield
    }) : () -> ()
    %add3A_14 = arith.constant 512 : i32
    %add3A_15 = arith.addi %mul3A_6, %add3A_14 : i32
    "tpu.region"() ({
      %run_scoped3A = tpu.sem_alloc : memref<!tpu.dma_semaphore, #tpu.memory_space<semaphore_mem>>
      %dma_start3A = arith.constant 0 : i32
      %dma_start3A_89 = arith.constant 0 : i32
      %dma_start3A_90 = tpu.memref_slice %arg8[%dma_start3A, %dma_start3A_89] : memref<128x128xf32, #tpu.memory_space<vmem>> -> memref<120x128xf32, #tpu.memory_space<vmem>>
      %dma_start3A_91 = arith.constant 0 : i32
      %dma_start3A_92 = tpu.memref_slice %arg9[%add3A_15, %dma_start3A_91] : memref<10112x128xf32, #tpu.memory_space<vmem_shared>> -> memref<120x128xf32, #tpu.memory_space<vmem_shared>>
      %dma_start3A_93 = arith.constant 0 : i32
      %dma_start3A_94 = tpu.memref_slice %arg9[%add3A_15, %dma_start3A_93] : memref<10112x128xf32, #tpu.memory_space<vmem_shared>> -> memref<120x128xf32, #tpu.memory_space<vmem_shared>>
      %dma_start3A_95 = arith.constant 0 : i32
      %dma_start3A_96 = arith.constant 0 : i32
      %dma_start3A_97 = tpu.memref_slice %arg8[%dma_start3A_95, %dma_start3A_96] : memref<128x128xf32, #tpu.memory_space<vmem>> -> memref<120x128xf32, #tpu.memory_space<vmem>>
      tpu.enqueue_dma source(%dma_start3A_97 : memref<120x128xf32, #tpu.memory_space<vmem>>) target(%dma_start3A_94 : memref<120x128xf32, #tpu.memory_space<vmem_shared>>) target_semaphore(%run_scoped3A : memref<!tpu.dma_semaphore, #tpu.memory_space<semaphore_mem>>)
      %dma_wait3A = arith.constant 0 : i32
      %dma_wait3A_98 = arith.constant 0 : i32
      %dma_wait3A_99 = tpu.memref_slice %arg8[%dma_wait3A, %dma_wait3A_98] : memref<128x128xf32, #tpu.memory_space<vmem>> -> memref<120x128xf32, #tpu.memory_space<vmem>>
      %dma_wait3A_100 = arith.constant 0 : i32
      %dma_wait3A_101 = tpu.memref_slice %arg9[%add3A_15, %dma_wait3A_100] : memref<10112x128xf32, #tpu.memory_space<vmem_shared>> -> memref<120x128xf32, #tpu.memory_space<vmem_shared>>
      %dma_wait3A_102 = arith.constant 0 : i32
      %dma_wait3A_103 = tpu.memref_slice %arg9[%add3A_15, %dma_wait3A_102] : memref<10112x128xf32, #tpu.memory_space<vmem_shared>> -> memref<120x128xf32, #tpu.memory_space<vmem_shared>>
      %dma_wait3A_104 = arith.constant 0 : i32
      %dma_wait3A_105 = arith.constant 0 : i32
      %dma_wait3A_106 = tpu.memref_slice %arg8[%dma_wait3A_104, %dma_wait3A_105] : memref<128x128xf32, #tpu.memory_space<vmem>> -> memref<120x128xf32, #tpu.memory_space<vmem>>
      tpu.wait_dma2 semaphore(%run_scoped3A : memref<!tpu.dma_semaphore, #tpu.memory_space<semaphore_mem>>) src(%dma_wait3A_106 : memref<120x128xf32, #tpu.memory_space<vmem>>) dst(%dma_wait3A_103 : memref<120x128xf32, #tpu.memory_space<vmem_shared>>)
      tpu.yield
    }) : () -> ()
    %barrier3A = arith.constant 0 : index
    tpu.barrier barrier_id(%barrier3A)
    "tpu.region"() ({
      %run_scoped3A = tpu.sem_alloc : memref<!tpu.dma_semaphore, #tpu.memory_space<semaphore_mem>>
      %dma_start3A = arith.constant 0 : i32
      %dma_start3A_89 = arith.constant 0 : i32
      %dma_start3A_90 = tpu.memref_slice %arg6[%dma_start3A, %dma_start3A_89] : memref<32x128xi32, #tpu.memory_space<vmem>> -> memref<32x128xi32, #tpu.memory_space<vmem>>
      %dma_start3A_91 = arith.constant 0 : i32
      %dma_start3A_92 = arith.constant 0 : i32
      %dma_start3A_93 = tpu.memref_slice %arg3[%arg0, %arg1, %dma_start3A_91, %dma_start3A_92] : memref<2x16x157x128xi32, #tpu.memory_space<hbm>> -> memref<1x1x32x128xi32, #tpu.memory_space<hbm>>
      %dma_start3A_94 = tpu.memref_squeeze %dma_start3A_93 : memref<1x1x32x128xi32, #tpu.memory_space<hbm>> -> memref<32x128xi32, #tpu.memory_space<hbm>>
      %dma_start3A_95 = arith.constant 0 : i32
      %dma_start3A_96 = arith.constant 0 : i32
      %dma_start3A_97 = tpu.memref_slice %arg6[%dma_start3A_95, %dma_start3A_96] : memref<32x128xi32, #tpu.memory_space<vmem>> -> memref<32x128xi32, #tpu.memory_space<vmem>>
      %dma_start3A_98 = arith.constant 0 : i32
      %dma_start3A_99 = arith.constant 0 : i32
      %dma_start3A_100 = tpu.memref_slice %arg3[%arg0, %arg1, %dma_start3A_98, %dma_start3A_99] : memref<2x16x157x128xi32, #tpu.memory_space<hbm>> -> memref<1x1x32x128xi32, #tpu.memory_space<hbm>>
      %dma_start3A_101 = tpu.memref_squeeze %dma_start3A_100 : memref<1x1x32x128xi32, #tpu.memory_space<hbm>> -> memref<32x128xi32, #tpu.memory_space<hbm>>
      tpu.enqueue_dma source(%dma_start3A_101 : memref<32x128xi32, #tpu.memory_space<hbm>>) target(%dma_start3A_97 : memref<32x128xi32, #tpu.memory_space<vmem>>) target_semaphore(%run_scoped3A : memref<!tpu.dma_semaphore, #tpu.memory_space<semaphore_mem>>)
      %dma_wait3A = arith.constant 0 : i32
      %dma_wait3A_102 = arith.constant 0 : i32
      %dma_wait3A_103 = tpu.memref_slice %arg6[%dma_wait3A, %dma_wait3A_102] : memref<32x128xi32, #tpu.memory_space<vmem>> -> memref<32x128xi32, #tpu.memory_space<vmem>>
      %dma_wait3A_104 = arith.constant 0 : i32
      %dma_wait3A_105 = arith.constant 0 : i32
      %dma_wait3A_106 = tpu.memref_slice %arg3[%arg0, %arg1, %dma_wait3A_104, %dma_wait3A_105] : memref<2x16x157x128xi32, #tpu.memory_space<hbm>> -> memref<1x1x32x128xi32, #tpu.memory_space<hbm>>
      %dma_wait3A_107 = tpu.memref_squeeze %dma_wait3A_106 : memref<1x1x32x128xi32, #tpu.memory_space<hbm>> -> memref<32x128xi32, #tpu.memory_space<hbm>>
      %dma_wait3A_108 = arith.constant 0 : i32
      %dma_wait3A_109 = arith.constant 0 : i32
      %dma_wait3A_110 = tpu.memref_slice %arg6[%dma_wait3A_108, %dma_wait3A_109] : memref<32x128xi32, #tpu.memory_space<vmem>> -> memref<32x128xi32, #tpu.memory_space<vmem>>
      %dma_wait3A_111 = arith.constant 0 : i32
      %dma_wait3A_112 = arith.constant 0 : i32
      %dma_wait3A_113 = tpu.memref_slice %arg3[%arg0, %arg1, %dma_wait3A_111, %dma_wait3A_112] : memref<2x16x157x128xi32, #tpu.memory_space<hbm>> -> memref<1x1x32x128xi32, #tpu.memory_space<hbm>>
      %dma_wait3A_114 = tpu.memref_squeeze %dma_wait3A_113 : memref<1x1x32x128xi32, #tpu.memory_space<hbm>> -> memref<32x128xi32, #tpu.memory_space<hbm>>
      tpu.wait_dma2 semaphore(%run_scoped3A : memref<!tpu.dma_semaphore, #tpu.memory_space<semaphore_mem>>) src(%dma_wait3A_114 : memref<32x128xi32, #tpu.memory_space<hbm>>) dst(%dma_wait3A_110 : memref<32x128xi32, #tpu.memory_space<vmem>>)
      tpu.yield
    }) : () -> ()
    "tpu.region"() ({
      %run_scoped3A = tpu.sem_alloc : memref<!tpu.dma_semaphore, #tpu.memory_space<semaphore_mem>>
      %dma_start3A = arith.constant 0 : i32
      %dma_start3A_89 = arith.constant 0 : i32
      %dma_start3A_90 = tpu.memref_slice %arg7[%dma_start3A, %dma_start3A_89] : memref<32x128xi32, #tpu.memory_space<vmem>> -> memref<32x128xi32, #tpu.memory_space<vmem>>
      %dma_start3A_91 = arith.constant 0 : i32
      %dma_start3A_92 = arith.constant 0 : i32
      %dma_start3A_93 = tpu.memref_slice %arg4[%arg1, %dma_start3A_91, %dma_start3A_92] : memref<16x157x128xi32, #tpu.memory_space<hbm>> -> memref<1x32x128xi32, #tpu.memory_space<hbm>>
      %dma_start3A_94 = tpu.memref_squeeze %dma_start3A_93 : memref<1x32x128xi32, #tpu.memory_space<hbm>> -> memref<32x128xi32, #tpu.memory_space<hbm>>
      %dma_start3A_95 = arith.constant 0 : i32
      %dma_start3A_96 = arith.constant 0 : i32
      %dma_start3A_97 = tpu.memref_slice %arg7[%dma_start3A_95, %dma_start3A_96] : memref<32x128xi32, #tpu.memory_space<vmem>> -> memref<32x128xi32, #tpu.memory_space<vmem>>
      %dma_start3A_98 = arith.constant 0 : i32
      %dma_start3A_99 = arith.constant 0 : i32
      %dma_start3A_100 = tpu.memref_slice %arg4[%arg1, %dma_start3A_98, %dma_start3A_99] : memref<16x157x128xi32, #tpu.memory_space<hbm>> -> memref<1x32x128xi32, #tpu.memory_space<hbm>>
      %dma_start3A_101 = tpu.memref_squeeze %dma_start3A_100 : memref<1x32x128xi32, #tpu.memory_space<hbm>> -> memref<32x128xi32, #tpu.memory_space<hbm>>
      tpu.enqueue_dma source(%dma_start3A_101 : memref<32x128xi32, #tpu.memory_space<hbm>>) target(%dma_start3A_97 : memref<32x128xi32, #tpu.memory_space<vmem>>) target_semaphore(%run_scoped3A : memref<!tpu.dma_semaphore, #tpu.memory_space<semaphore_mem>>)
      %dma_wait3A = arith.constant 0 : i32
      %dma_wait3A_102 = arith.constant 0 : i32
      %dma_wait3A_103 = tpu.memref_slice %arg7[%dma_wait3A, %dma_wait3A_102] : memref<32x128xi32, #tpu.memory_space<vmem>> -> memref<32x128xi32, #tpu.memory_space<vmem>>
      %dma_wait3A_104 = arith.constant 0 : i32
      %dma_wait3A_105 = arith.constant 0 : i32
      %dma_wait3A_106 = tpu.memref_slice %arg4[%arg1, %dma_wait3A_104, %dma_wait3A_105] : memref<16x157x128xi32, #tpu.memory_space<hbm>> -> memref<1x32x128xi32, #tpu.memory_space<hbm>>
      %dma_wait3A_107 = tpu.memref_squeeze %dma_wait3A_106 : memref<1x32x128xi32, #tpu.memory_space<hbm>> -> memref<32x128xi32, #tpu.memory_space<hbm>>
      %dma_wait3A_108 = arith.constant 0 : i32
      %dma_wait3A_109 = arith.constant 0 : i32
      %dma_wait3A_110 = tpu.memref_slice %arg7[%dma_wait3A_108, %dma_wait3A_109] : memref<32x128xi32, #tpu.memory_space<vmem>> -> memref<32x128xi32, #tpu.memory_space<vmem>>
      %dma_wait3A_111 = arith.constant 0 : i32
      %dma_wait3A_112 = arith.constant 0 : i32
      %dma_wait3A_113 = tpu.memref_slice %arg4[%arg1, %dma_wait3A_111, %dma_wait3A_112] : memref<16x157x128xi32, #tpu.memory_space<hbm>> -> memref<1x32x128xi32, #tpu.memory_space<hbm>>
      %dma_wait3A_114 = tpu.memref_squeeze %dma_wait3A_113 : memref<1x32x128xi32, #tpu.memory_space<hbm>> -> memref<32x128xi32, #tpu.memory_space<hbm>>
      tpu.wait_dma2 semaphore(%run_scoped3A : memref<!tpu.dma_semaphore, #tpu.memory_space<semaphore_mem>>) src(%dma_wait3A_114 : memref<32x128xi32, #tpu.memory_space<hbm>>) dst(%dma_wait3A_110 : memref<32x128xi32, #tpu.memory_space<vmem>>)
      tpu.yield
    }) : () -> ()
    %scan3A_16 = arith.constant 0 : i32
    %scan3A_17 = arith.constant 0 : i32
    %scan3A_18 = arith.constant 32 : i32
    %scan3A_19 = arith.addi %scan3A_17, %scan3A_18 : i32
    %scan3A_20 = arith.constant 1 : i32
    %scan3A_21 = scf.for %scan3A_89 = %scan3A_17 to %scan3A_19 step %scan3A_20 iter_args(%scan3A_90 = %scan3A_16) -> (i32)  : i32 {
      %dma_start3A = arith.constant 0 : i32
      %dma_start3A_91 = tpu.memref_slice %arg6[%scan3A_89, %dma_start3A] : memref<32x128xi32, #tpu.memory_space<vmem>> -> memref<1x128xi32, #tpu.memory_space<vmem>>
      %dma_start3A_92 = tpu.memref_squeeze %dma_start3A_91 : memref<1x128xi32, #tpu.memory_space<vmem>> -> memref<128xi32, #tpu.memory_space<vmem>>
      %dma_start3A_93 = arith.constant 0 : i32
      %dma_start3A_94 = arith.constant 0 : i32
      %dma_start3A_95 = tpu.memref_slice %arg2[%dma_start3A_93, %dma_start3A_94] : memref<20000x128xf32, #tpu.memory_space<hbm>> -> memref<20000x128xf32, #tpu.memory_space<hbm>>
      tpu.enqueue_indirect_dma source(%dma_start3A_95 : memref<20000x128xf32, #tpu.memory_space<hbm>>) target(%arg8 : memref<128x128xf32, #tpu.memory_space<vmem>>) offsets(%dma_start3A_92 : memref<128xi32, #tpu.memory_space<vmem>>) semaphore(%arg10 : memref<!tpu.dma_semaphore, #tpu.memory_space<semaphore_mem>>)
      %dma_wait3A = arith.constant 0 : i32
      %dma_wait3A_96 = tpu.memref_slice %arg6[%scan3A_89, %dma_wait3A] : memref<32x128xi32, #tpu.memory_space<vmem>> -> memref<1x128xi32, #tpu.memory_space<vmem>>
      %dma_wait3A_97 = tpu.memref_squeeze %dma_wait3A_96 : memref<1x128xi32, #tpu.memory_space<vmem>> -> memref<128xi32, #tpu.memory_space<vmem>>
      %dma_wait3A_98 = arith.constant 0 : i32
      %dma_wait3A_99 = arith.constant 0 : i32
      %dma_wait3A_100 = tpu.memref_slice %arg2[%dma_wait3A_98, %dma_wait3A_99] : memref<20000x128xf32, #tpu.memory_space<hbm>> -> memref<20000x128xf32, #tpu.memory_space<hbm>>
      tpu.wait_indirect_dma semaphore(%arg10 : memref<!tpu.dma_semaphore, #tpu.memory_space<semaphore_mem>>) src(%dma_wait3A_100 : memref<20000x128xf32, #tpu.memory_space<hbm>>) dst(%arg8 : memref<128x128xf32, #tpu.memory_space<vmem>>)
      "tpu.region"() ({
        %run_scoped3A = tpu.sem_alloc : memref<!tpu.dma_semaphore, #tpu.memory_space<semaphore_mem>>
        %dma_start3A_102 = arith.constant 0 : i32
        %dma_start3A_103 = tpu.memref_slice %arg7[%scan3A_89, %dma_start3A_102] : memref<32x128xi32, #tpu.memory_space<vmem>> -> memref<1x128xi32, #tpu.memory_space<vmem>>
        %dma_start3A_104 = tpu.memref_squeeze %dma_start3A_103 : memref<1x128xi32, #tpu.memory_space<vmem>> -> memref<128xi32, #tpu.memory_space<vmem>>
        %dma_start3A_105 = arith.constant 0 : i32
        %dma_start3A_106 = arith.constant 0 : i32
        %dma_start3A_107 = tpu.memref_slice %arg9[%dma_start3A_105, %dma_start3A_106] : memref<10112x128xf32, #tpu.memory_space<vmem_shared>> -> memref<10112x128xf32, #tpu.memory_space<vmem_shared>>
        tpu.enqueue_indirect_dma source(%arg8 : memref<128x128xf32, #tpu.memory_space<vmem>>) target(%dma_start3A_107 : memref<10112x128xf32, #tpu.memory_space<vmem_shared>>) offsets(%dma_start3A_104 : memref<128xi32, #tpu.memory_space<vmem>>) semaphore(%run_scoped3A : memref<!tpu.dma_semaphore, #tpu.memory_space<semaphore_mem>>) {add = true}
        %dma_wait3A_108 = arith.constant 0 : i32
        %dma_wait3A_109 = tpu.memref_slice %arg7[%scan3A_89, %dma_wait3A_108] : memref<32x128xi32, #tpu.memory_space<vmem>> -> memref<1x128xi32, #tpu.memory_space<vmem>>
        %dma_wait3A_110 = tpu.memref_squeeze %dma_wait3A_109 : memref<1x128xi32, #tpu.memory_space<vmem>> -> memref<128xi32, #tpu.memory_space<vmem>>
        %dma_wait3A_111 = arith.constant 0 : i32
        %dma_wait3A_112 = arith.constant 0 : i32
        %dma_wait3A_113 = tpu.memref_slice %arg9[%dma_wait3A_111, %dma_wait3A_112] : memref<10112x128xf32, #tpu.memory_space<vmem_shared>> -> memref<10112x128xf32, #tpu.memory_space<vmem_shared>>
        tpu.wait_indirect_dma semaphore(%run_scoped3A : memref<!tpu.dma_semaphore, #tpu.memory_space<semaphore_mem>>) src(%arg8 : memref<128x128xf32, #tpu.memory_space<vmem>>) dst(%dma_wait3A_113 : memref<10112x128xf32, #tpu.memory_space<vmem_shared>>)
        tpu.yield
      }) : () -> ()
      %scan3A_101 = arith.constant 0 : i32
      scf.yield %scan3A_101 : i32
    }
    %scan3A_22 = arith.constant 32 : i32
    "tpu.region"() ({
      %run_scoped3A = tpu.sem_alloc : memref<!tpu.dma_semaphore, #tpu.memory_space<semaphore_mem>>
      %dma_start3A = arith.constant 0 : i32
      %dma_start3A_89 = arith.constant 0 : i32
      %dma_start3A_90 = tpu.memref_slice %arg6[%dma_start3A, %dma_start3A_89] : memref<32x128xi32, #tpu.memory_space<vmem>> -> memref<32x128xi32, #tpu.memory_space<vmem>>
      %dma_start3A_91 = arith.constant 32 : i32
      %dma_start3A_92 = arith.constant 0 : i32
      %dma_start3A_93 = tpu.memref_slice %arg3[%arg0, %arg1, %dma_start3A_91, %dma_start3A_92] : memref<2x16x157x128xi32, #tpu.memory_space<hbm>> -> memref<1x1x32x128xi32, #tpu.memory_space<hbm>>
      %dma_start3A_94 = tpu.memref_squeeze %dma_start3A_93 : memref<1x1x32x128xi32, #tpu.memory_space<hbm>> -> memref<32x128xi32, #tpu.memory_space<hbm>>
      %dma_start3A_95 = arith.constant 0 : i32
      %dma_start3A_96 = arith.constant 0 : i32
      %dma_start3A_97 = tpu.memref_slice %arg6[%dma_start3A_95, %dma_start3A_96] : memref<32x128xi32, #tpu.memory_space<vmem>> -> memref<32x128xi32, #tpu.memory_space<vmem>>
      %dma_start3A_98 = arith.constant 32 : i32
      %dma_start3A_99 = arith.constant 0 : i32
      %dma_start3A_100 = tpu.memref_slice %arg3[%arg0, %arg1, %dma_start3A_98, %dma_start3A_99] : memref<2x16x157x128xi32, #tpu.memory_space<hbm>> -> memref<1x1x32x128xi32, #tpu.memory_space<hbm>>
      %dma_start3A_101 = tpu.memref_squeeze %dma_start3A_100 : memref<1x1x32x128xi32, #tpu.memory_space<hbm>> -> memref<32x128xi32, #tpu.memory_space<hbm>>
      tpu.enqueue_dma source(%dma_start3A_101 : memref<32x128xi32, #tpu.memory_space<hbm>>) target(%dma_start3A_97 : memref<32x128xi32, #tpu.memory_space<vmem>>) target_semaphore(%run_scoped3A : memref<!tpu.dma_semaphore, #tpu.memory_space<semaphore_mem>>)
      %dma_wait3A = arith.constant 0 : i32
      %dma_wait3A_102 = arith.constant 0 : i32
      %dma_wait3A_103 = tpu.memref_slice %arg6[%dma_wait3A, %dma_wait3A_102] : memref<32x128xi32, #tpu.memory_space<vmem>> -> memref<32x128xi32, #tpu.memory_space<vmem>>
      %dma_wait3A_104 = arith.constant 32 : i32
      %dma_wait3A_105 = arith.constant 0 : i32
      %dma_wait3A_106 = tpu.memref_slice %arg3[%arg0, %arg1, %dma_wait3A_104, %dma_wait3A_105] : memref<2x16x157x128xi32, #tpu.memory_space<hbm>> -> memref<1x1x32x128xi32, #tpu.memory_space<hbm>>
      %dma_wait3A_107 = tpu.memref_squeeze %dma_wait3A_106 : memref<1x1x32x128xi32, #tpu.memory_space<hbm>> -> memref<32x128xi32, #tpu.memory_space<hbm>>
      %dma_wait3A_108 = arith.constant 0 : i32
      %dma_wait3A_109 = arith.constant 0 : i32
      %dma_wait3A_110 = tpu.memref_slice %arg6[%dma_wait3A_108, %dma_wait3A_109] : memref<32x128xi32, #tpu.memory_space<vmem>> -> memref<32x128xi32, #tpu.memory_space<vmem>>
      %dma_wait3A_111 = arith.constant 32 : i32
      %dma_wait3A_112 = arith.constant 0 : i32
      %dma_wait3A_113 = tpu.memref_slice %arg3[%arg0, %arg1, %dma_wait3A_111, %dma_wait3A_112] : memref<2x16x157x128xi32, #tpu.memory_space<hbm>> -> memref<1x1x32x128xi32, #tpu.memory_space<hbm>>
      %dma_wait3A_114 = tpu.memref_squeeze %dma_wait3A_113 : memref<1x1x32x128xi32, #tpu.memory_space<hbm>> -> memref<32x128xi32, #tpu.memory_space<hbm>>
      tpu.wait_dma2 semaphore(%run_scoped3A : memref<!tpu.dma_semaphore, #tpu.memory_space<semaphore_mem>>) src(%dma_wait3A_114 : memref<32x128xi32, #tpu.memory_space<hbm>>) dst(%dma_wait3A_110 : memref<32x128xi32, #tpu.memory_space<vmem>>)
      tpu.yield
    }) : () -> ()
    "tpu.region"() ({
      %run_scoped3A = tpu.sem_alloc : memref<!tpu.dma_semaphore, #tpu.memory_space<semaphore_mem>>
      %dma_start3A = arith.constant 0 : i32
      %dma_start3A_89 = arith.constant 0 : i32
      %dma_start3A_90 = tpu.memref_slice %arg7[%dma_start3A, %dma_start3A_89] : memref<32x128xi32, #tpu.memory_space<vmem>> -> memref<32x128xi32, #tpu.memory_space<vmem>>
      %dma_start3A_91 = arith.constant 32 : i32
      %dma_start3A_92 = arith.constant 0 : i32
      %dma_start3A_93 = tpu.memref_slice %arg4[%arg1, %dma_start3A_91, %dma_start3A_92] : memref<16x157x128xi32, #tpu.memory_space<hbm>> -> memref<1x32x128xi32, #tpu.memory_space<hbm>>
      %dma_start3A_94 = tpu.memref_squeeze %dma_start3A_93 : memref<1x32x128xi32, #tpu.memory_space<hbm>> -> memref<32x128xi32, #tpu.memory_space<hbm>>
      %dma_start3A_95 = arith.constant 0 : i32
      %dma_start3A_96 = arith.constant 0 : i32
      %dma_start3A_97 = tpu.memref_slice %arg7[%dma_start3A_95, %dma_start3A_96] : memref<32x128xi32, #tpu.memory_space<vmem>> -> memref<32x128xi32, #tpu.memory_space<vmem>>
      %dma_start3A_98 = arith.constant 32 : i32
      %dma_start3A_99 = arith.constant 0 : i32
      %dma_start3A_100 = tpu.memref_slice %arg4[%arg1, %dma_start3A_98, %dma_start3A_99] : memref<16x157x128xi32, #tpu.memory_space<hbm>> -> memref<1x32x128xi32, #tpu.memory_space<hbm>>
      %dma_start3A_101 = tpu.memref_squeeze %dma_start3A_100 : memref<1x32x128xi32, #tpu.memory_space<hbm>> -> memref<32x128xi32, #tpu.memory_space<hbm>>
      tpu.enqueue_dma source(%dma_start3A_101 : memref<32x128xi32, #tpu.memory_space<hbm>>) target(%dma_start3A_97 : memref<32x128xi32, #tpu.memory_space<vmem>>) target_semaphore(%run_scoped3A : memref<!tpu.dma_semaphore, #tpu.memory_space<semaphore_mem>>)
      %dma_wait3A = arith.constant 0 : i32
      %dma_wait3A_102 = arith.constant 0 : i32
      %dma_wait3A_103 = tpu.memref_slice %arg7[%dma_wait3A, %dma_wait3A_102] : memref<32x128xi32, #tpu.memory_space<vmem>> -> memref<32x128xi32, #tpu.memory_space<vmem>>
      %dma_wait3A_104 = arith.constant 32 : i32
      %dma_wait3A_105 = arith.constant 0 : i32
      %dma_wait3A_106 = tpu.memref_slice %arg4[%arg1, %dma_wait3A_104, %dma_wait3A_105] : memref<16x157x128xi32, #tpu.memory_space<hbm>> -> memref<1x32x128xi32, #tpu.memory_space<hbm>>
      %dma_wait3A_107 = tpu.memref_squeeze %dma_wait3A_106 : memref<1x32x128xi32, #tpu.memory_space<hbm>> -> memref<32x128xi32, #tpu.memory_space<hbm>>
      %dma_wait3A_108 = arith.constant 0 : i32
      %dma_wait3A_109 = arith.constant 0 : i32
      %dma_wait3A_110 = tpu.memref_slice %arg7[%dma_wait3A_108, %dma_wait3A_109] : memref<32x128xi32, #tpu.memory_space<vmem>> -> memref<32x128xi32, #tpu.memory_space<vmem>>
      %dma_wait3A_111 = arith.constant 32 : i32
      %dma_wait3A_112 = arith.constant 0 : i32
      %dma_wait3A_113 = tpu.memref_slice %arg4[%arg1, %dma_wait3A_111, %dma_wait3A_112] : memref<16x157x128xi32, #tpu.memory_space<hbm>> -> memref<1x32x128xi32, #tpu.memory_space<hbm>>
      %dma_wait3A_114 = tpu.memref_squeeze %dma_wait3A_113 : memref<1x32x128xi32, #tpu.memory_space<hbm>> -> memref<32x128xi32, #tpu.memory_space<hbm>>
      tpu.wait_dma2 semaphore(%run_scoped3A : memref<!tpu.dma_semaphore, #tpu.memory_space<semaphore_mem>>) src(%dma_wait3A_114 : memref<32x128xi32, #tpu.memory_space<hbm>>) dst(%dma_wait3A_110 : memref<32x128xi32, #tpu.memory_space<vmem>>)
      tpu.yield
    }) : () -> ()
    %scan3A_23 = arith.constant 0 : i32
    %scan3A_24 = arith.constant 0 : i32
    %scan3A_25 = arith.constant 32 : i32
    %scan3A_26 = arith.addi %scan3A_24, %scan3A_25 : i32
    %scan3A_27 = arith.constant 1 : i32
    %scan3A_28 = scf.for %scan3A_89 = %scan3A_24 to %scan3A_26 step %scan3A_27 iter_args(%scan3A_90 = %scan3A_23) -> (i32)  : i32 {
      %dma_start3A = arith.constant 0 : i32
      %dma_start3A_91 = tpu.memref_slice %arg6[%scan3A_89, %dma_start3A] : memref<32x128xi32, #tpu.memory_space<vmem>> -> memref<1x128xi32, #tpu.memory_space<vmem>>
      %dma_start3A_92 = tpu.memref_squeeze %dma_start3A_91 : memref<1x128xi32, #tpu.memory_space<vmem>> -> memref<128xi32, #tpu.memory_space<vmem>>
      %dma_start3A_93 = arith.constant 0 : i32
      %dma_start3A_94 = arith.constant 0 : i32
      %dma_start3A_95 = tpu.memref_slice %arg2[%dma_start3A_93, %dma_start3A_94] : memref<20000x128xf32, #tpu.memory_space<hbm>> -> memref<20000x128xf32, #tpu.memory_space<hbm>>
      tpu.enqueue_indirect_dma source(%dma_start3A_95 : memref<20000x128xf32, #tpu.memory_space<hbm>>) target(%arg8 : memref<128x128xf32, #tpu.memory_space<vmem>>) offsets(%dma_start3A_92 : memref<128xi32, #tpu.memory_space<vmem>>) semaphore(%arg10 : memref<!tpu.dma_semaphore, #tpu.memory_space<semaphore_mem>>)
      %dma_wait3A = arith.constant 0 : i32
      %dma_wait3A_96 = tpu.memref_slice %arg6[%scan3A_89, %dma_wait3A] : memref<32x128xi32, #tpu.memory_space<vmem>> -> memref<1x128xi32, #tpu.memory_space<vmem>>
      %dma_wait3A_97 = tpu.memref_squeeze %dma_wait3A_96 : memref<1x128xi32, #tpu.memory_space<vmem>> -> memref<128xi32, #tpu.memory_space<vmem>>
      %dma_wait3A_98 = arith.constant 0 : i32
      %dma_wait3A_99 = arith.constant 0 : i32
      %dma_wait3A_100 = tpu.memref_slice %arg2[%dma_wait3A_98, %dma_wait3A_99] : memref<20000x128xf32, #tpu.memory_space<hbm>> -> memref<20000x128xf32, #tpu.memory_space<hbm>>
      tpu.wait_indirect_dma semaphore(%arg10 : memref<!tpu.dma_semaphore, #tpu.memory_space<semaphore_mem>>) src(%dma_wait3A_100 : memref<20000x128xf32, #tpu.memory_space<hbm>>) dst(%arg8 : memref<128x128xf32, #tpu.memory_space<vmem>>)
      "tpu.region"() ({
        %run_scoped3A = tpu.sem_alloc : memref<!tpu.dma_semaphore, #tpu.memory_space<semaphore_mem>>
        %dma_start3A_102 = arith.constant 0 : i32
        %dma_start3A_103 = tpu.memref_slice %arg7[%scan3A_89, %dma_start3A_102] : memref<32x128xi32, #tpu.memory_space<vmem>> -> memref<1x128xi32, #tpu.memory_space<vmem>>
        %dma_start3A_104 = tpu.memref_squeeze %dma_start3A_103 : memref<1x128xi32, #tpu.memory_space<vmem>> -> memref<128xi32, #tpu.memory_space<vmem>>
        %dma_start3A_105 = arith.constant 0 : i32
        %dma_start3A_106 = arith.constant 0 : i32
        %dma_start3A_107 = tpu.memref_slice %arg9[%dma_start3A_105, %dma_start3A_106] : memref<10112x128xf32, #tpu.memory_space<vmem_shared>> -> memref<10112x128xf32, #tpu.memory_space<vmem_shared>>
        tpu.enqueue_indirect_dma source(%arg8 : memref<128x128xf32, #tpu.memory_space<vmem>>) target(%dma_start3A_107 : memref<10112x128xf32, #tpu.memory_space<vmem_shared>>) offsets(%dma_start3A_104 : memref<128xi32, #tpu.memory_space<vmem>>) semaphore(%run_scoped3A : memref<!tpu.dma_semaphore, #tpu.memory_space<semaphore_mem>>) {add = true}
        %dma_wait3A_108 = arith.constant 0 : i32
        %dma_wait3A_109 = tpu.memref_slice %arg7[%scan3A_89, %dma_wait3A_108] : memref<32x128xi32, #tpu.memory_space<vmem>> -> memref<1x128xi32, #tpu.memory_space<vmem>>
        %dma_wait3A_110 = tpu.memref_squeeze %dma_wait3A_109 : memref<1x128xi32, #tpu.memory_space<vmem>> -> memref<128xi32, #tpu.memory_space<vmem>>
        %dma_wait3A_111 = arith.constant 0 : i32
        %dma_wait3A_112 = arith.constant 0 : i32
        %dma_wait3A_113 = tpu.memref_slice %arg9[%dma_wait3A_111, %dma_wait3A_112] : memref<10112x128xf32, #tpu.memory_space<vmem_shared>> -> memref<10112x128xf32, #tpu.memory_space<vmem_shared>>
        tpu.wait_indirect_dma semaphore(%run_scoped3A : memref<!tpu.dma_semaphore, #tpu.memory_space<semaphore_mem>>) src(%arg8 : memref<128x128xf32, #tpu.memory_space<vmem>>) dst(%dma_wait3A_113 : memref<10112x128xf32, #tpu.memory_space<vmem_shared>>)
        tpu.yield
      }) : () -> ()
      %scan3A_101 = arith.constant 0 : i32
      scf.yield %scan3A_101 : i32
    }
    %scan3A_29 = arith.constant 32 : i32
    "tpu.region"() ({
      %run_scoped3A = tpu.sem_alloc : memref<!tpu.dma_semaphore, #tpu.memory_space<semaphore_mem>>
      %dma_start3A = arith.constant 0 : i32
      %dma_start3A_89 = arith.constant 0 : i32
      %dma_start3A_90 = tpu.memref_slice %arg6[%dma_start3A, %dma_start3A_89] : memref<32x128xi32, #tpu.memory_space<vmem>> -> memref<32x128xi32, #tpu.memory_space<vmem>>
      %dma_start3A_91 = arith.constant 64 : i32
      %dma_start3A_92 = arith.constant 0 : i32
      %dma_start3A_93 = tpu.memref_slice %arg3[%arg0, %arg1, %dma_start3A_91, %dma_start3A_92] : memref<2x16x157x128xi32, #tpu.memory_space<hbm>> -> memref<1x1x32x128xi32, #tpu.memory_space<hbm>>
      %dma_start3A_94 = tpu.memref_squeeze %dma_start3A_93 : memref<1x1x32x128xi32, #tpu.memory_space<hbm>> -> memref<32x128xi32, #tpu.memory_space<hbm>>
      %dma_start3A_95 = arith.constant 0 : i32
      %dma_start3A_96 = arith.constant 0 : i32
      %dma_start3A_97 = tpu.memref_slice %arg6[%dma_start3A_95, %dma_start3A_96] : memref<32x128xi32, #tpu.memory_space<vmem>> -> memref<32x128xi32, #tpu.memory_space<vmem>>
      %dma_start3A_98 = arith.constant 64 : i32
      %dma_start3A_99 = arith.constant 0 : i32
      %dma_start3A_100 = tpu.memref_slice %arg3[%arg0, %arg1, %dma_start3A_98, %dma_start3A_99] : memref<2x16x157x128xi32, #tpu.memory_space<hbm>> -> memref<1x1x32x128xi32, #tpu.memory_space<hbm>>
      %dma_start3A_101 = tpu.memref_squeeze %dma_start3A_100 : memref<1x1x32x128xi32, #tpu.memory_space<hbm>> -> memref<32x128xi32, #tpu.memory_space<hbm>>
      tpu.enqueue_dma source(%dma_start3A_101 : memref<32x128xi32, #tpu.memory_space<hbm>>) target(%dma_start3A_97 : memref<32x128xi32, #tpu.memory_space<vmem>>) target_semaphore(%run_scoped3A : memref<!tpu.dma_semaphore, #tpu.memory_space<semaphore_mem>>)
      %dma_wait3A = arith.constant 0 : i32
      %dma_wait3A_102 = arith.constant 0 : i32
      %dma_wait3A_103 = tpu.memref_slice %arg6[%dma_wait3A, %dma_wait3A_102] : memref<32x128xi32, #tpu.memory_space<vmem>> -> memref<32x128xi32, #tpu.memory_space<vmem>>
      %dma_wait3A_104 = arith.constant 64 : i32
      %dma_wait3A_105 = arith.constant 0 : i32
      %dma_wait3A_106 = tpu.memref_slice %arg3[%arg0, %arg1, %dma_wait3A_104, %dma_wait3A_105] : memref<2x16x157x128xi32, #tpu.memory_space<hbm>> -> memref<1x1x32x128xi32, #tpu.memory_space<hbm>>
      %dma_wait3A_107 = tpu.memref_squeeze %dma_wait3A_106 : memref<1x1x32x128xi32, #tpu.memory_space<hbm>> -> memref<32x128xi32, #tpu.memory_space<hbm>>
      %dma_wait3A_108 = arith.constant 0 : i32
      %dma_wait3A_109 = arith.constant 0 : i32
      %dma_wait3A_110 = tpu.memref_slice %arg6[%dma_wait3A_108, %dma_wait3A_109] : memref<32x128xi32, #tpu.memory_space<vmem>> -> memref<32x128xi32, #tpu.memory_space<vmem>>
      %dma_wait3A_111 = arith.constant 64 : i32
      %dma_wait3A_112 = arith.constant 0 : i32
      %dma_wait3A_113 = tpu.memref_slice %arg3[%arg0, %arg1, %dma_wait3A_111, %dma_wait3A_112] : memref<2x16x157x128xi32, #tpu.memory_space<hbm>> -> memref<1x1x32x128xi32, #tpu.memory_space<hbm>>
      %dma_wait3A_114 = tpu.memref_squeeze %dma_wait3A_113 : memref<1x1x32x128xi32, #tpu.memory_space<hbm>> -> memref<32x128xi32, #tpu.memory_space<hbm>>
      tpu.wait_dma2 semaphore(%run_scoped3A : memref<!tpu.dma_semaphore, #tpu.memory_space<semaphore_mem>>) src(%dma_wait3A_114 : memref<32x128xi32, #tpu.memory_space<hbm>>) dst(%dma_wait3A_110 : memref<32x128xi32, #tpu.memory_space<vmem>>)
      tpu.yield
    }) : () -> ()
    "tpu.region"() ({
      %run_scoped3A = tpu.sem_alloc : memref<!tpu.dma_semaphore, #tpu.memory_space<semaphore_mem>>
      %dma_start3A = arith.constant 0 : i32
      %dma_start3A_89 = arith.constant 0 : i32
      %dma_start3A_90 = tpu.memref_slice %arg7[%dma_start3A, %dma_start3A_89] : memref<32x128xi32, #tpu.memory_space<vmem>> -> memref<32x128xi32, #tpu.memory_space<vmem>>
      %dma_start3A_91 = arith.constant 64 : i32
      %dma_start3A_92 = arith.constant 0 : i32
      %dma_start3A_93 = tpu.memref_slice %arg4[%arg1, %dma_start3A_91, %dma_start3A_92] : memref<16x157x128xi32, #tpu.memory_space<hbm>> -> memref<1x32x128xi32, #tpu.memory_space<hbm>>
      %dma_start3A_94 = tpu.memref_squeeze %dma_start3A_93 : memref<1x32x128xi32, #tpu.memory_space<hbm>> -> memref<32x128xi32, #tpu.memory_space<hbm>>
      %dma_start3A_95 = arith.constant 0 : i32
      %dma_start3A_96 = arith.constant 0 : i32
      %dma_start3A_97 = tpu.memref_slice %arg7[%dma_start3A_95, %dma_start3A_96] : memref<32x128xi32, #tpu.memory_space<vmem>> -> memref<32x128xi32, #tpu.memory_space<vmem>>
      %dma_start3A_98 = arith.constant 64 : i32
      %dma_start3A_99 = arith.constant 0 : i32
      %dma_start3A_100 = tpu.memref_slice %arg4[%arg1, %dma_start3A_98, %dma_start3A_99] : memref<16x157x128xi32, #tpu.memory_space<hbm>> -> memref<1x32x128xi32, #tpu.memory_space<hbm>>
      %dma_start3A_101 = tpu.memref_squeeze %dma_start3A_100 : memref<1x32x128xi32, #tpu.memory_space<hbm>> -> memref<32x128xi32, #tpu.memory_space<hbm>>
      tpu.enqueue_dma source(%dma_start3A_101 : memref<32x128xi32, #tpu.memory_space<hbm>>) target(%dma_start3A_97 : memref<32x128xi32, #tpu.memory_space<vmem>>) target_semaphore(%run_scoped3A : memref<!tpu.dma_semaphore, #tpu.memory_space<semaphore_mem>>)
      %dma_wait3A = arith.constant 0 : i32
      %dma_wait3A_102 = arith.constant 0 : i32
      %dma_wait3A_103 = tpu.memref_slice %arg7[%dma_wait3A, %dma_wait3A_102] : memref<32x128xi32, #tpu.memory_space<vmem>> -> memref<32x128xi32, #tpu.memory_space<vmem>>
      %dma_wait3A_104 = arith.constant 64 : i32
      %dma_wait3A_105 = arith.constant 0 : i32
      %dma_wait3A_106 = tpu.memref_slice %arg4[%arg1, %dma_wait3A_104, %dma_wait3A_105] : memref<16x157x128xi32, #tpu.memory_space<hbm>> -> memref<1x32x128xi32, #tpu.memory_space<hbm>>
      %dma_wait3A_107 = tpu.memref_squeeze %dma_wait3A_106 : memref<1x32x128xi32, #tpu.memory_space<hbm>> -> memref<32x128xi32, #tpu.memory_space<hbm>>
      %dma_wait3A_108 = arith.constant 0 : i32
      %dma_wait3A_109 = arith.constant 0 : i32
      %dma_wait3A_110 = tpu.memref_slice %arg7[%dma_wait3A_108, %dma_wait3A_109] : memref<32x128xi32, #tpu.memory_space<vmem>> -> memref<32x128xi32, #tpu.memory_space<vmem>>
      %dma_wait3A_111 = arith.constant 64 : i32
      %dma_wait3A_112 = arith.constant 0 : i32
      %dma_wait3A_113 = tpu.memref_slice %arg4[%arg1, %dma_wait3A_111, %dma_wait3A_112] : memref<16x157x128xi32, #tpu.memory_space<hbm>> -> memref<1x32x128xi32, #tpu.memory_space<hbm>>
      %dma_wait3A_114 = tpu.memref_squeeze %dma_wait3A_113 : memref<1x32x128xi32, #tpu.memory_space<hbm>> -> memref<32x128xi32, #tpu.memory_space<hbm>>
      tpu.wait_dma2 semaphore(%run_scoped3A : memref<!tpu.dma_semaphore, #tpu.memory_space<semaphore_mem>>) src(%dma_wait3A_114 : memref<32x128xi32, #tpu.memory_space<hbm>>) dst(%dma_wait3A_110 : memref<32x128xi32, #tpu.memory_space<vmem>>)
      tpu.yield
    }) : () -> ()
    %scan3A_30 = arith.constant 0 : i32
    %scan3A_31 = arith.constant 0 : i32
    %scan3A_32 = arith.constant 32 : i32
    %scan3A_33 = arith.addi %scan3A_31, %scan3A_32 : i32
    %scan3A_34 = arith.constant 1 : i32
    %scan3A_35 = scf.for %scan3A_89 = %scan3A_31 to %scan3A_33 step %scan3A_34 iter_args(%scan3A_90 = %scan3A_30) -> (i32)  : i32 {
      %dma_start3A = arith.constant 0 : i32
      %dma_start3A_91 = tpu.memref_slice %arg6[%scan3A_89, %dma_start3A] : memref<32x128xi32, #tpu.memory_space<vmem>> -> memref<1x128xi32, #tpu.memory_space<vmem>>
      %dma_start3A_92 = tpu.memref_squeeze %dma_start3A_91 : memref<1x128xi32, #tpu.memory_space<vmem>> -> memref<128xi32, #tpu.memory_space<vmem>>
      %dma_start3A_93 = arith.constant 0 : i32
      %dma_start3A_94 = arith.constant 0 : i32
      %dma_start3A_95 = tpu.memref_slice %arg2[%dma_start3A_93, %dma_start3A_94] : memref<20000x128xf32, #tpu.memory_space<hbm>> -> memref<20000x128xf32, #tpu.memory_space<hbm>>
      tpu.enqueue_indirect_dma source(%dma_start3A_95 : memref<20000x128xf32, #tpu.memory_space<hbm>>) target(%arg8 : memref<128x128xf32, #tpu.memory_space<vmem>>) offsets(%dma_start3A_92 : memref<128xi32, #tpu.memory_space<vmem>>) semaphore(%arg10 : memref<!tpu.dma_semaphore, #tpu.memory_space<semaphore_mem>>)
      %dma_wait3A = arith.constant 0 : i32
      %dma_wait3A_96 = tpu.memref_slice %arg6[%scan3A_89, %dma_wait3A] : memref<32x128xi32, #tpu.memory_space<vmem>> -> memref<1x128xi32, #tpu.memory_space<vmem>>
      %dma_wait3A_97 = tpu.memref_squeeze %dma_wait3A_96 : memref<1x128xi32, #tpu.memory_space<vmem>> -> memref<128xi32, #tpu.memory_space<vmem>>
      %dma_wait3A_98 = arith.constant 0 : i32
      %dma_wait3A_99 = arith.constant 0 : i32
      %dma_wait3A_100 = tpu.memref_slice %arg2[%dma_wait3A_98, %dma_wait3A_99] : memref<20000x128xf32, #tpu.memory_space<hbm>> -> memref<20000x128xf32, #tpu.memory_space<hbm>>
      tpu.wait_indirect_dma semaphore(%arg10 : memref<!tpu.dma_semaphore, #tpu.memory_space<semaphore_mem>>) src(%dma_wait3A_100 : memref<20000x128xf32, #tpu.memory_space<hbm>>) dst(%arg8 : memref<128x128xf32, #tpu.memory_space<vmem>>)
      "tpu.region"() ({
        %run_scoped3A = tpu.sem_alloc : memref<!tpu.dma_semaphore, #tpu.memory_space<semaphore_mem>>
        %dma_start3A_102 = arith.constant 0 : i32
        %dma_start3A_103 = tpu.memref_slice %arg7[%scan3A_89, %dma_start3A_102] : memref<32x128xi32, #tpu.memory_space<vmem>> -> memref<1x128xi32, #tpu.memory_space<vmem>>
        %dma_start3A_104 = tpu.memref_squeeze %dma_start3A_103 : memref<1x128xi32, #tpu.memory_space<vmem>> -> memref<128xi32, #tpu.memory_space<vmem>>
        %dma_start3A_105 = arith.constant 0 : i32
        %dma_start3A_106 = arith.constant 0 : i32
        %dma_start3A_107 = tpu.memref_slice %arg9[%dma_start3A_105, %dma_start3A_106] : memref<10112x128xf32, #tpu.memory_space<vmem_shared>> -> memref<10112x128xf32, #tpu.memory_space<vmem_shared>>
        tpu.enqueue_indirect_dma source(%arg8 : memref<128x128xf32, #tpu.memory_space<vmem>>) target(%dma_start3A_107 : memref<10112x128xf32, #tpu.memory_space<vmem_shared>>) offsets(%dma_start3A_104 : memref<128xi32, #tpu.memory_space<vmem>>) semaphore(%run_scoped3A : memref<!tpu.dma_semaphore, #tpu.memory_space<semaphore_mem>>) {add = true}
        %dma_wait3A_108 = arith.constant 0 : i32
        %dma_wait3A_109 = tpu.memref_slice %arg7[%scan3A_89, %dma_wait3A_108] : memref<32x128xi32, #tpu.memory_space<vmem>> -> memref<1x128xi32, #tpu.memory_space<vmem>>
        %dma_wait3A_110 = tpu.memref_squeeze %dma_wait3A_109 : memref<1x128xi32, #tpu.memory_space<vmem>> -> memref<128xi32, #tpu.memory_space<vmem>>
        %dma_wait3A_111 = arith.constant 0 : i32
        %dma_wait3A_112 = arith.constant 0 : i32
        %dma_wait3A_113 = tpu.memref_slice %arg9[%dma_wait3A_111, %dma_wait3A_112] : memref<10112x128xf32, #tpu.memory_space<vmem_shared>> -> memref<10112x128xf32, #tpu.memory_space<vmem_shared>>
        tpu.wait_indirect_dma semaphore(%run_scoped3A : memref<!tpu.dma_semaphore, #tpu.memory_space<semaphore_mem>>) src(%arg8 : memref<128x128xf32, #tpu.memory_space<vmem>>) dst(%dma_wait3A_113 : memref<10112x128xf32, #tpu.memory_space<vmem_shared>>)
        tpu.yield
      }) : () -> ()
      %scan3A_101 = arith.constant 0 : i32
      scf.yield %scan3A_101 : i32
    }
    %scan3A_36 = arith.constant 32 : i32
    "tpu.region"() ({
      %run_scoped3A = tpu.sem_alloc : memref<!tpu.dma_semaphore, #tpu.memory_space<semaphore_mem>>
      %dma_start3A = arith.constant 0 : i32
      %dma_start3A_89 = arith.constant 0 : i32
      %dma_start3A_90 = tpu.memref_slice %arg6[%dma_start3A, %dma_start3A_89] : memref<32x128xi32, #tpu.memory_space<vmem>> -> memref<32x128xi32, #tpu.memory_space<vmem>>
      %dma_start3A_91 = arith.constant 96 : i32
      %dma_start3A_92 = arith.constant 0 : i32
      %dma_start3A_93 = tpu.memref_slice %arg3[%arg0, %arg1, %dma_start3A_91, %dma_start3A_92] : memref<2x16x157x128xi32, #tpu.memory_space<hbm>> -> memref<1x1x32x128xi32, #tpu.memory_space<hbm>>
      %dma_start3A_94 = tpu.memref_squeeze %dma_start3A_93 : memref<1x1x32x128xi32, #tpu.memory_space<hbm>> -> memref<32x128xi32, #tpu.memory_space<hbm>>
      %dma_start3A_95 = arith.constant 0 : i32
      %dma_start3A_96 = arith.constant 0 : i32
      %dma_start3A_97 = tpu.memref_slice %arg6[%dma_start3A_95, %dma_start3A_96] : memref<32x128xi32, #tpu.memory_space<vmem>> -> memref<32x128xi32, #tpu.memory_space<vmem>>
      %dma_start3A_98 = arith.constant 96 : i32
      %dma_start3A_99 = arith.constant 0 : i32
      %dma_start3A_100 = tpu.memref_slice %arg3[%arg0, %arg1, %dma_start3A_98, %dma_start3A_99] : memref<2x16x157x128xi32, #tpu.memory_space<hbm>> -> memref<1x1x32x128xi32, #tpu.memory_space<hbm>>
      %dma_start3A_101 = tpu.memref_squeeze %dma_start3A_100 : memref<1x1x32x128xi32, #tpu.memory_space<hbm>> -> memref<32x128xi32, #tpu.memory_space<hbm>>
      tpu.enqueue_dma source(%dma_start3A_101 : memref<32x128xi32, #tpu.memory_space<hbm>>) target(%dma_start3A_97 : memref<32x128xi32, #tpu.memory_space<vmem>>) target_semaphore(%run_scoped3A : memref<!tpu.dma_semaphore, #tpu.memory_space<semaphore_mem>>)
      %dma_wait3A = arith.constant 0 : i32
      %dma_wait3A_102 = arith.constant 0 : i32
      %dma_wait3A_103 = tpu.memref_slice %arg6[%dma_wait3A, %dma_wait3A_102] : memref<32x128xi32, #tpu.memory_space<vmem>> -> memref<32x128xi32, #tpu.memory_space<vmem>>
      %dma_wait3A_104 = arith.constant 96 : i32
      %dma_wait3A_105 = arith.constant 0 : i32
      %dma_wait3A_106 = tpu.memref_slice %arg3[%arg0, %arg1, %dma_wait3A_104, %dma_wait3A_105] : memref<2x16x157x128xi32, #tpu.memory_space<hbm>> -> memref<1x1x32x128xi32, #tpu.memory_space<hbm>>
      %dma_wait3A_107 = tpu.memref_squeeze %dma_wait3A_106 : memref<1x1x32x128xi32, #tpu.memory_space<hbm>> -> memref<32x128xi32, #tpu.memory_space<hbm>>
      %dma_wait3A_108 = arith.constant 0 : i32
      %dma_wait3A_109 = arith.constant 0 : i32
      %dma_wait3A_110 = tpu.memref_slice %arg6[%dma_wait3A_108, %dma_wait3A_109] : memref<32x128xi32, #tpu.memory_space<vmem>> -> memref<32x128xi32, #tpu.memory_space<vmem>>
      %dma_wait3A_111 = arith.constant 96 : i32
      %dma_wait3A_112 = arith.constant 0 : i32
      %dma_wait3A_113 = tpu.memref_slice %arg3[%arg0, %arg1, %dma_wait3A_111, %dma_wait3A_112] : memref<2x16x157x128xi32, #tpu.memory_space<hbm>> -> memref<1x1x32x128xi32, #tpu.memory_space<hbm>>
      %dma_wait3A_114 = tpu.memref_squeeze %dma_wait3A_113 : memref<1x1x32x128xi32, #tpu.memory_space<hbm>> -> memref<32x128xi32, #tpu.memory_space<hbm>>
      tpu.wait_dma2 semaphore(%run_scoped3A : memref<!tpu.dma_semaphore, #tpu.memory_space<semaphore_mem>>) src(%dma_wait3A_114 : memref<32x128xi32, #tpu.memory_space<hbm>>) dst(%dma_wait3A_110 : memref<32x128xi32, #tpu.memory_space<vmem>>)
      tpu.yield
    }) : () -> ()
    "tpu.region"() ({
      %run_scoped3A = tpu.sem_alloc : memref<!tpu.dma_semaphore, #tpu.memory_space<semaphore_mem>>
      %dma_start3A = arith.constant 0 : i32
      %dma_start3A_89 = arith.constant 0 : i32
      %dma_start3A_90 = tpu.memref_slice %arg7[%dma_start3A, %dma_start3A_89] : memref<32x128xi32, #tpu.memory_space<vmem>> -> memref<32x128xi32, #tpu.memory_space<vmem>>
      %dma_start3A_91 = arith.constant 96 : i32
      %dma_start3A_92 = arith.constant 0 : i32
      %dma_start3A_93 = tpu.memref_slice %arg4[%arg1, %dma_start3A_91, %dma_start3A_92] : memref<16x157x128xi32, #tpu.memory_space<hbm>> -> memref<1x32x128xi32, #tpu.memory_space<hbm>>
      %dma_start3A_94 = tpu.memref_squeeze %dma_start3A_93 : memref<1x32x128xi32, #tpu.memory_space<hbm>> -> memref<32x128xi32, #tpu.memory_space<hbm>>
      %dma_start3A_95 = arith.constant 0 : i32
      %dma_start3A_96 = arith.constant 0 : i32
      %dma_start3A_97 = tpu.memref_slice %arg7[%dma_start3A_95, %dma_start3A_96] : memref<32x128xi32, #tpu.memory_space<vmem>> -> memref<32x128xi32, #tpu.memory_space<vmem>>
      %dma_start3A_98 = arith.constant 96 : i32
      %dma_start3A_99 = arith.constant 0 : i32
      %dma_start3A_100 = tpu.memref_slice %arg4[%arg1, %dma_start3A_98, %dma_start3A_99] : memref<16x157x128xi32, #tpu.memory_space<hbm>> -> memref<1x32x128xi32, #tpu.memory_space<hbm>>
      %dma_start3A_101 = tpu.memref_squeeze %dma_start3A_100 : memref<1x32x128xi32, #tpu.memory_space<hbm>> -> memref<32x128xi32, #tpu.memory_space<hbm>>
      tpu.enqueue_dma source(%dma_start3A_101 : memref<32x128xi32, #tpu.memory_space<hbm>>) target(%dma_start3A_97 : memref<32x128xi32, #tpu.memory_space<vmem>>) target_semaphore(%run_scoped3A : memref<!tpu.dma_semaphore, #tpu.memory_space<semaphore_mem>>)
      %dma_wait3A = arith.constant 0 : i32
      %dma_wait3A_102 = arith.constant 0 : i32
      %dma_wait3A_103 = tpu.memref_slice %arg7[%dma_wait3A, %dma_wait3A_102] : memref<32x128xi32, #tpu.memory_space<vmem>> -> memref<32x128xi32, #tpu.memory_space<vmem>>
      %dma_wait3A_104 = arith.constant 96 : i32
      %dma_wait3A_105 = arith.constant 0 : i32
      %dma_wait3A_106 = tpu.memref_slice %arg4[%arg1, %dma_wait3A_104, %dma_wait3A_105] : memref<16x157x128xi32, #tpu.memory_space<hbm>> -> memref<1x32x128xi32, #tpu.memory_space<hbm>>
      %dma_wait3A_107 = tpu.memref_squeeze %dma_wait3A_106 : memref<1x32x128xi32, #tpu.memory_space<hbm>> -> memref<32x128xi32, #tpu.memory_space<hbm>>
      %dma_wait3A_108 = arith.constant 0 : i32
      %dma_wait3A_109 = arith.constant 0 : i32
      %dma_wait3A_110 = tpu.memref_slice %arg7[%dma_wait3A_108, %dma_wait3A_109] : memref<32x128xi32, #tpu.memory_space<vmem>> -> memref<32x128xi32, #tpu.memory_space<vmem>>
      %dma_wait3A_111 = arith.constant 96 : i32
      %dma_wait3A_112 = arith.constant 0 : i32
      %dma_wait3A_113 = tpu.memref_slice %arg4[%arg1, %dma_wait3A_111, %dma_wait3A_112] : memref<16x157x128xi32, #tpu.memory_space<hbm>> -> memref<1x32x128xi32, #tpu.memory_space<hbm>>
      %dma_wait3A_114 = tpu.memref_squeeze %dma_wait3A_113 : memref<1x32x128xi32, #tpu.memory_space<hbm>> -> memref<32x128xi32, #tpu.memory_space<hbm>>
      tpu.wait_dma2 semaphore(%run_scoped3A : memref<!tpu.dma_semaphore, #tpu.memory_space<semaphore_mem>>) src(%dma_wait3A_114 : memref<32x128xi32, #tpu.memory_space<hbm>>) dst(%dma_wait3A_110 : memref<32x128xi32, #tpu.memory_space<vmem>>)
      tpu.yield
    }) : () -> ()
    %scan3A_37 = arith.constant 0 : i32
    %scan3A_38 = arith.constant 0 : i32
    %scan3A_39 = arith.constant 32 : i32
    %scan3A_40 = arith.addi %scan3A_38, %scan3A_39 : i32
    %scan3A_41 = arith.constant 1 : i32
    %scan3A_42 = scf.for %scan3A_89 = %scan3A_38 to %scan3A_40 step %scan3A_41 iter_args(%scan3A_90 = %scan3A_37) -> (i32)  : i32 {
      %dma_start3A = arith.constant 0 : i32
      %dma_start3A_91 = tpu.memref_slice %arg6[%scan3A_89, %dma_start3A] : memref<32x128xi32, #tpu.memory_space<vmem>> -> memref<1x128xi32, #tpu.memory_space<vmem>>
      %dma_start3A_92 = tpu.memref_squeeze %dma_start3A_91 : memref<1x128xi32, #tpu.memory_space<vmem>> -> memref<128xi32, #tpu.memory_space<vmem>>
      %dma_start3A_93 = arith.constant 0 : i32
      %dma_start3A_94 = arith.constant 0 : i32
      %dma_start3A_95 = tpu.memref_slice %arg2[%dma_start3A_93, %dma_start3A_94] : memref<20000x128xf32, #tpu.memory_space<hbm>> -> memref<20000x128xf32, #tpu.memory_space<hbm>>
      tpu.enqueue_indirect_dma source(%dma_start3A_95 : memref<20000x128xf32, #tpu.memory_space<hbm>>) target(%arg8 : memref<128x128xf32, #tpu.memory_space<vmem>>) offsets(%dma_start3A_92 : memref<128xi32, #tpu.memory_space<vmem>>) semaphore(%arg10 : memref<!tpu.dma_semaphore, #tpu.memory_space<semaphore_mem>>)
      %dma_wait3A = arith.constant 0 : i32
      %dma_wait3A_96 = tpu.memref_slice %arg6[%scan3A_89, %dma_wait3A] : memref<32x128xi32, #tpu.memory_space<vmem>> -> memref<1x128xi32, #tpu.memory_space<vmem>>
      %dma_wait3A_97 = tpu.memref_squeeze %dma_wait3A_96 : memref<1x128xi32, #tpu.memory_space<vmem>> -> memref<128xi32, #tpu.memory_space<vmem>>
      %dma_wait3A_98 = arith.constant 0 : i32
      %dma_wait3A_99 = arith.constant 0 : i32
      %dma_wait3A_100 = tpu.memref_slice %arg2[%dma_wait3A_98, %dma_wait3A_99] : memref<20000x128xf32, #tpu.memory_space<hbm>> -> memref<20000x128xf32, #tpu.memory_space<hbm>>
      tpu.wait_indirect_dma semaphore(%arg10 : memref<!tpu.dma_semaphore, #tpu.memory_space<semaphore_mem>>) src(%dma_wait3A_100 : memref<20000x128xf32, #tpu.memory_space<hbm>>) dst(%arg8 : memref<128x128xf32, #tpu.memory_space<vmem>>)
      "tpu.region"() ({
        %run_scoped3A = tpu.sem_alloc : memref<!tpu.dma_semaphore, #tpu.memory_space<semaphore_mem>>
        %dma_start3A_102 = arith.constant 0 : i32
        %dma_start3A_103 = tpu.memref_slice %arg7[%scan3A_89, %dma_start3A_102] : memref<32x128xi32, #tpu.memory_space<vmem>> -> memref<1x128xi32, #tpu.memory_space<vmem>>
        %dma_start3A_104 = tpu.memref_squeeze %dma_start3A_103 : memref<1x128xi32, #tpu.memory_space<vmem>> -> memref<128xi32, #tpu.memory_space<vmem>>
        %dma_start3A_105 = arith.constant 0 : i32
        %dma_start3A_106 = arith.constant 0 : i32
        %dma_start3A_107 = tpu.memref_slice %arg9[%dma_start3A_105, %dma_start3A_106] : memref<10112x128xf32, #tpu.memory_space<vmem_shared>> -> memref<10112x128xf32, #tpu.memory_space<vmem_shared>>
        tpu.enqueue_indirect_dma source(%arg8 : memref<128x128xf32, #tpu.memory_space<vmem>>) target(%dma_start3A_107 : memref<10112x128xf32, #tpu.memory_space<vmem_shared>>) offsets(%dma_start3A_104 : memref<128xi32, #tpu.memory_space<vmem>>) semaphore(%run_scoped3A : memref<!tpu.dma_semaphore, #tpu.memory_space<semaphore_mem>>) {add = true}
        %dma_wait3A_108 = arith.constant 0 : i32
        %dma_wait3A_109 = tpu.memref_slice %arg7[%scan3A_89, %dma_wait3A_108] : memref<32x128xi32, #tpu.memory_space<vmem>> -> memref<1x128xi32, #tpu.memory_space<vmem>>
        %dma_wait3A_110 = tpu.memref_squeeze %dma_wait3A_109 : memref<1x128xi32, #tpu.memory_space<vmem>> -> memref<128xi32, #tpu.memory_space<vmem>>
        %dma_wait3A_111 = arith.constant 0 : i32
        %dma_wait3A_112 = arith.constant 0 : i32
        %dma_wait3A_113 = tpu.memref_slice %arg9[%dma_wait3A_111, %dma_wait3A_112] : memref<10112x128xf32, #tpu.memory_space<vmem_shared>> -> memref<10112x128xf32, #tpu.memory_space<vmem_shared>>
        tpu.wait_indirect_dma semaphore(%run_scoped3A : memref<!tpu.dma_semaphore, #tpu.memory_space<semaphore_mem>>) src(%arg8 : memref<128x128xf32, #tpu.memory_space<vmem>>) dst(%dma_wait3A_113 : memref<10112x128xf32, #tpu.memory_space<vmem_shared>>)
        tpu.yield
      }) : () -> ()
      %scan3A_101 = arith.constant 0 : i32
      scf.yield %scan3A_101 : i32
    }
    %scan3A_43 = arith.constant 32 : i32
    "tpu.region"() ({
      %run_scoped3A = tpu.sem_alloc : memref<!tpu.dma_semaphore, #tpu.memory_space<semaphore_mem>>
      %dma_start3A = arith.constant 0 : i32
      %dma_start3A_89 = arith.constant 0 : i32
      %dma_start3A_90 = tpu.memref_slice %arg6[%dma_start3A, %dma_start3A_89] : memref<32x128xi32, #tpu.memory_space<vmem>> -> memref<29x128xi32, #tpu.memory_space<vmem>>
      %dma_start3A_91 = arith.constant 128 : i32
      %dma_start3A_92 = arith.constant 0 : i32
      %dma_start3A_93 = tpu.memref_slice %arg3[%arg0, %arg1, %dma_start3A_91, %dma_start3A_92] : memref<2x16x157x128xi32, #tpu.memory_space<hbm>> -> memref<1x1x29x128xi32, #tpu.memory_space<hbm>>
      %dma_start3A_94 = tpu.memref_squeeze %dma_start3A_93 : memref<1x1x29x128xi32, #tpu.memory_space<hbm>> -> memref<29x128xi32, #tpu.memory_space<hbm>>
      %dma_start3A_95 = arith.constant 0 : i32
      %dma_start3A_96 = arith.constant 0 : i32
      %dma_start3A_97 = tpu.memref_slice %arg6[%dma_start3A_95, %dma_start3A_96] : memref<32x128xi32, #tpu.memory_space<vmem>> -> memref<29x128xi32, #tpu.memory_space<vmem>>
      %dma_start3A_98 = arith.constant 128 : i32
      %dma_start3A_99 = arith.constant 0 : i32
      %dma_start3A_100 = tpu.memref_slice %arg3[%arg0, %arg1, %dma_start3A_98, %dma_start3A_99] : memref<2x16x157x128xi32, #tpu.memory_space<hbm>> -> memref<1x1x29x128xi32, #tpu.memory_space<hbm>>
      %dma_start3A_101 = tpu.memref_squeeze %dma_start3A_100 : memref<1x1x29x128xi32, #tpu.memory_space<hbm>> -> memref<29x128xi32, #tpu.memory_space<hbm>>
      tpu.enqueue_dma source(%dma_start3A_101 : memref<29x128xi32, #tpu.memory_space<hbm>>) target(%dma_start3A_97 : memref<29x128xi32, #tpu.memory_space<vmem>>) target_semaphore(%run_scoped3A : memref<!tpu.dma_semaphore, #tpu.memory_space<semaphore_mem>>)
      %dma_wait3A = arith.constant 0 : i32
      %dma_wait3A_102 = arith.constant 0 : i32
      %dma_wait3A_103 = tpu.memref_slice %arg6[%dma_wait3A, %dma_wait3A_102] : memref<32x128xi32, #tpu.memory_space<vmem>> -> memref<29x128xi32, #tpu.memory_space<vmem>>
      %dma_wait3A_104 = arith.constant 128 : i32
      %dma_wait3A_105 = arith.constant 0 : i32
      %dma_wait3A_106 = tpu.memref_slice %arg3[%arg0, %arg1, %dma_wait3A_104, %dma_wait3A_105] : memref<2x16x157x128xi32, #tpu.memory_space<hbm>> -> memref<1x1x29x128xi32, #tpu.memory_space<hbm>>
      %dma_wait3A_107 = tpu.memref_squeeze %dma_wait3A_106 : memref<1x1x29x128xi32, #tpu.memory_space<hbm>> -> memref<29x128xi32, #tpu.memory_space<hbm>>
      %dma_wait3A_108 = arith.constant 0 : i32
      %dma_wait3A_109 = arith.constant 0 : i32
      %dma_wait3A_110 = tpu.memref_slice %arg6[%dma_wait3A_108, %dma_wait3A_109] : memref<32x128xi32, #tpu.memory_space<vmem>> -> memref<29x128xi32, #tpu.memory_space<vmem>>
      %dma_wait3A_111 = arith.constant 128 : i32
      %dma_wait3A_112 = arith.constant 0 : i32
      %dma_wait3A_113 = tpu.memref_slice %arg3[%arg0, %arg1, %dma_wait3A_111, %dma_wait3A_112] : memref<2x16x157x128xi32, #tpu.memory_space<hbm>> -> memref<1x1x29x128xi32, #tpu.memory_space<hbm>>
      %dma_wait3A_114 = tpu.memref_squeeze %dma_wait3A_113 : memref<1x1x29x128xi32, #tpu.memory_space<hbm>> -> memref<29x128xi32, #tpu.memory_space<hbm>>
      tpu.wait_dma2 semaphore(%run_scoped3A : memref<!tpu.dma_semaphore, #tpu.memory_space<semaphore_mem>>) src(%dma_wait3A_114 : memref<29x128xi32, #tpu.memory_space<hbm>>) dst(%dma_wait3A_110 : memref<29x128xi32, #tpu.memory_space<vmem>>)
      tpu.yield
    }) : () -> ()
    "tpu.region"() ({
      %run_scoped3A = tpu.sem_alloc : memref<!tpu.dma_semaphore, #tpu.memory_space<semaphore_mem>>
      %dma_start3A = arith.constant 0 : i32
      %dma_start3A_89 = arith.constant 0 : i32
      %dma_start3A_90 = tpu.memref_slice %arg7[%dma_start3A, %dma_start3A_89] : memref<32x128xi32, #tpu.memory_space<vmem>> -> memref<29x128xi32, #tpu.memory_space<vmem>>
      %dma_start3A_91 = arith.constant 128 : i32
      %dma_start3A_92 = arith.constant 0 : i32
      %dma_start3A_93 = tpu.memref_slice %arg4[%arg1, %dma_start3A_91, %dma_start3A_92] : memref<16x157x128xi32, #tpu.memory_space<hbm>> -> memref<1x29x128xi32, #tpu.memory_space<hbm>>
      %dma_start3A_94 = tpu.memref_squeeze %dma_start3A_93 : memref<1x29x128xi32, #tpu.memory_space<hbm>> -> memref<29x128xi32, #tpu.memory_space<hbm>>
      %dma_start3A_95 = arith.constant 0 : i32
      %dma_start3A_96 = arith.constant 0 : i32
      %dma_start3A_97 = tpu.memref_slice %arg7[%dma_start3A_95, %dma_start3A_96] : memref<32x128xi32, #tpu.memory_space<vmem>> -> memref<29x128xi32, #tpu.memory_space<vmem>>
      %dma_start3A_98 = arith.constant 128 : i32
      %dma_start3A_99 = arith.constant 0 : i32
      %dma_start3A_100 = tpu.memref_slice %arg4[%arg1, %dma_start3A_98, %dma_start3A_99] : memref<16x157x128xi32, #tpu.memory_space<hbm>> -> memref<1x29x128xi32, #tpu.memory_space<hbm>>
      %dma_start3A_101 = tpu.memref_squeeze %dma_start3A_100 : memref<1x29x128xi32, #tpu.memory_space<hbm>> -> memref<29x128xi32, #tpu.memory_space<hbm>>
      tpu.enqueue_dma source(%dma_start3A_101 : memref<29x128xi32, #tpu.memory_space<hbm>>) target(%dma_start3A_97 : memref<29x128xi32, #tpu.memory_space<vmem>>) target_semaphore(%run_scoped3A : memref<!tpu.dma_semaphore, #tpu.memory_space<semaphore_mem>>)
      %dma_wait3A = arith.constant 0 : i32
      %dma_wait3A_102 = arith.constant 0 : i32
      %dma_wait3A_103 = tpu.memref_slice %arg7[%dma_wait3A, %dma_wait3A_102] : memref<32x128xi32, #tpu.memory_space<vmem>> -> memref<29x128xi32, #tpu.memory_space<vmem>>
      %dma_wait3A_104 = arith.constant 128 : i32
      %dma_wait3A_105 = arith.constant 0 : i32
      %dma_wait3A_106 = tpu.memref_slice %arg4[%arg1, %dma_wait3A_104, %dma_wait3A_105] : memref<16x157x128xi32, #tpu.memory_space<hbm>> -> memref<1x29x128xi32, #tpu.memory_space<hbm>>
      %dma_wait3A_107 = tpu.memref_squeeze %dma_wait3A_106 : memref<1x29x128xi32, #tpu.memory_space<hbm>> -> memref<29x128xi32, #tpu.memory_space<hbm>>
      %dma_wait3A_108 = arith.constant 0 : i32
      %dma_wait3A_109 = arith.constant 0 : i32
      %dma_wait3A_110 = tpu.memref_slice %arg7[%dma_wait3A_108, %dma_wait3A_109] : memref<32x128xi32, #tpu.memory_space<vmem>> -> memref<29x128xi32, #tpu.memory_space<vmem>>
      %dma_wait3A_111 = arith.constant 128 : i32
      %dma_wait3A_112 = arith.constant 0 : i32
      %dma_wait3A_113 = tpu.memref_slice %arg4[%arg1, %dma_wait3A_111, %dma_wait3A_112] : memref<16x157x128xi32, #tpu.memory_space<hbm>> -> memref<1x29x128xi32, #tpu.memory_space<hbm>>
      %dma_wait3A_114 = tpu.memref_squeeze %dma_wait3A_113 : memref<1x29x128xi32, #tpu.memory_space<hbm>> -> memref<29x128xi32, #tpu.memory_space<hbm>>
      tpu.wait_dma2 semaphore(%run_scoped3A : memref<!tpu.dma_semaphore, #tpu.memory_space<semaphore_mem>>) src(%dma_wait3A_114 : memref<29x128xi32, #tpu.memory_space<hbm>>) dst(%dma_wait3A_110 : memref<29x128xi32, #tpu.memory_space<vmem>>)
      tpu.yield
    }) : () -> ()
    %scan3A_44 = arith.constant 0 : i32
    %scan3A_45 = arith.constant 0 : i32
    %scan3A_46 = arith.constant 29 : i32
    %scan3A_47 = arith.addi %scan3A_45, %scan3A_46 : i32
    %scan3A_48 = arith.constant 1 : i32
    %scan3A_49 = scf.for %scan3A_89 = %scan3A_45 to %scan3A_47 step %scan3A_48 iter_args(%scan3A_90 = %scan3A_44) -> (i32)  : i32 {
      %dma_start3A = arith.constant 0 : i32
      %dma_start3A_91 = tpu.memref_slice %arg6[%scan3A_89, %dma_start3A] : memref<32x128xi32, #tpu.memory_space<vmem>> -> memref<1x128xi32, #tpu.memory_space<vmem>>
      %dma_start3A_92 = tpu.memref_squeeze %dma_start3A_91 : memref<1x128xi32, #tpu.memory_space<vmem>> -> memref<128xi32, #tpu.memory_space<vmem>>
      %dma_start3A_93 = arith.constant 0 : i32
      %dma_start3A_94 = arith.constant 0 : i32
      %dma_start3A_95 = tpu.memref_slice %arg2[%dma_start3A_93, %dma_start3A_94] : memref<20000x128xf32, #tpu.memory_space<hbm>> -> memref<20000x128xf32, #tpu.memory_space<hbm>>
      tpu.enqueue_indirect_dma source(%dma_start3A_95 : memref<20000x128xf32, #tpu.memory_space<hbm>>) target(%arg8 : memref<128x128xf32, #tpu.memory_space<vmem>>) offsets(%dma_start3A_92 : memref<128xi32, #tpu.memory_space<vmem>>) semaphore(%arg10 : memref<!tpu.dma_semaphore, #tpu.memory_space<semaphore_mem>>)
      %dma_wait3A = arith.constant 0 : i32
      %dma_wait3A_96 = tpu.memref_slice %arg6[%scan3A_89, %dma_wait3A] : memref<32x128xi32, #tpu.memory_space<vmem>> -> memref<1x128xi32, #tpu.memory_space<vmem>>
      %dma_wait3A_97 = tpu.memref_squeeze %dma_wait3A_96 : memref<1x128xi32, #tpu.memory_space<vmem>> -> memref<128xi32, #tpu.memory_space<vmem>>
      %dma_wait3A_98 = arith.constant 0 : i32
      %dma_wait3A_99 = arith.constant 0 : i32
      %dma_wait3A_100 = tpu.memref_slice %arg2[%dma_wait3A_98, %dma_wait3A_99] : memref<20000x128xf32, #tpu.memory_space<hbm>> -> memref<20000x128xf32, #tpu.memory_space<hbm>>
      tpu.wait_indirect_dma semaphore(%arg10 : memref<!tpu.dma_semaphore, #tpu.memory_space<semaphore_mem>>) src(%dma_wait3A_100 : memref<20000x128xf32, #tpu.memory_space<hbm>>) dst(%arg8 : memref<128x128xf32, #tpu.memory_space<vmem>>)
      "tpu.region"() ({
        %run_scoped3A = tpu.sem_alloc : memref<!tpu.dma_semaphore, #tpu.memory_space<semaphore_mem>>
        %dma_start3A_102 = arith.constant 0 : i32
        %dma_start3A_103 = tpu.memref_slice %arg7[%scan3A_89, %dma_start3A_102] : memref<32x128xi32, #tpu.memory_space<vmem>> -> memref<1x128xi32, #tpu.memory_space<vmem>>
        %dma_start3A_104 = tpu.memref_squeeze %dma_start3A_103 : memref<1x128xi32, #tpu.memory_space<vmem>> -> memref<128xi32, #tpu.memory_space<vmem>>
        %dma_start3A_105 = arith.constant 0 : i32
        %dma_start3A_106 = arith.constant 0 : i32
        %dma_start3A_107 = tpu.memref_slice %arg9[%dma_start3A_105, %dma_start3A_106] : memref<10112x128xf32, #tpu.memory_space<vmem_shared>> -> memref<10112x128xf32, #tpu.memory_space<vmem_shared>>
        tpu.enqueue_indirect_dma source(%arg8 : memref<128x128xf32, #tpu.memory_space<vmem>>) target(%dma_start3A_107 : memref<10112x128xf32, #tpu.memory_space<vmem_shared>>) offsets(%dma_start3A_104 : memref<128xi32, #tpu.memory_space<vmem>>) semaphore(%run_scoped3A : memref<!tpu.dma_semaphore, #tpu.memory_space<semaphore_mem>>) {add = true}
        %dma_wait3A_108 = arith.constant 0 : i32
        %dma_wait3A_109 = tpu.memref_slice %arg7[%scan3A_89, %dma_wait3A_108] : memref<32x128xi32, #tpu.memory_space<vmem>> -> memref<1x128xi32, #tpu.memory_space<vmem>>
        %dma_wait3A_110 = tpu.memref_squeeze %dma_wait3A_109 : memref<1x128xi32, #tpu.memory_space<vmem>> -> memref<128xi32, #tpu.memory_space<vmem>>
        %dma_wait3A_111 = arith.constant 0 : i32
        %dma_wait3A_112 = arith.constant 0 : i32
        %dma_wait3A_113 = tpu.memref_slice %arg9[%dma_wait3A_111, %dma_wait3A_112] : memref<10112x128xf32, #tpu.memory_space<vmem_shared>> -> memref<10112x128xf32, #tpu.memory_space<vmem_shared>>
        tpu.wait_indirect_dma semaphore(%run_scoped3A : memref<!tpu.dma_semaphore, #tpu.memory_space<semaphore_mem>>) src(%arg8 : memref<128x128xf32, #tpu.memory_space<vmem>>) dst(%dma_wait3A_113 : memref<10112x128xf32, #tpu.memory_space<vmem_shared>>)
        tpu.yield
      }) : () -> ()
      %scan3A_101 = arith.constant 0 : i32
      scf.yield %scan3A_101 : i32
    }
    %scan3A_50 = arith.constant 29 : i32
    %barrier3A_51 = arith.constant 0 : index
    tpu.barrier barrier_id(%barrier3A_51)
    %mul3A_52 = arith.constant 624 : i32
    %mul3A_53 = arith.muli %arg1, %mul3A_52 : i32
    %add3A_54 = arith.constant 0 : i32
    %add3A_55 = arith.addi %mul3A_53, %add3A_54 : i32
    "tpu.region"() ({
      %run_scoped3A = tpu.sem_alloc : memref<!tpu.dma_semaphore, #tpu.memory_space<semaphore_mem>>
      %dma_start3A = arith.constant 0 : i32
      %dma_start3A_89 = arith.constant 0 : i32
      %dma_start3A_90 = tpu.memref_slice %arg8[%dma_start3A, %dma_start3A_89] : memref<128x128xf32, #tpu.memory_space<vmem>> -> memref<128x128xf32, #tpu.memory_space<vmem>>
      %dma_start3A_91 = arith.constant 0 : i32
      %dma_start3A_92 = tpu.memref_slice %arg9[%add3A_55, %dma_start3A_91] : memref<10112x128xf32, #tpu.memory_space<vmem_shared>> -> memref<128x128xf32, #tpu.memory_space<vmem_shared>>
      %dma_start3A_93 = arith.constant 0 : i32
      %dma_start3A_94 = arith.constant 0 : i32
      %dma_start3A_95 = tpu.memref_slice %arg8[%dma_start3A_93, %dma_start3A_94] : memref<128x128xf32, #tpu.memory_space<vmem>> -> memref<128x128xf32, #tpu.memory_space<vmem>>
      %dma_start3A_96 = arith.constant 0 : i32
      %dma_start3A_97 = tpu.memref_slice %arg9[%add3A_55, %dma_start3A_96] : memref<10112x128xf32, #tpu.memory_space<vmem_shared>> -> memref<128x128xf32, #tpu.memory_space<vmem_shared>>
      tpu.enqueue_dma source(%dma_start3A_97 : memref<128x128xf32, #tpu.memory_space<vmem_shared>>) target(%dma_start3A_95 : memref<128x128xf32, #tpu.memory_space<vmem>>) target_semaphore(%run_scoped3A : memref<!tpu.dma_semaphore, #tpu.memory_space<semaphore_mem>>)
      %dma_wait3A = arith.constant 0 : i32
      %dma_wait3A_98 = arith.constant 0 : i32
      %dma_wait3A_99 = tpu.memref_slice %arg8[%dma_wait3A, %dma_wait3A_98] : memref<128x128xf32, #tpu.memory_space<vmem>> -> memref<128x128xf32, #tpu.memory_space<vmem>>
      %dma_wait3A_100 = arith.constant 0 : i32
      %dma_wait3A_101 = tpu.memref_slice %arg9[%add3A_55, %dma_wait3A_100] : memref<10112x128xf32, #tpu.memory_space<vmem_shared>> -> memref<128x128xf32, #tpu.memory_space<vmem_shared>>
      %dma_wait3A_102 = arith.constant 0 : i32
      %dma_wait3A_103 = arith.constant 0 : i32
      %dma_wait3A_104 = tpu.memref_slice %arg8[%dma_wait3A_102, %dma_wait3A_103] : memref<128x128xf32, #tpu.memory_space<vmem>> -> memref<128x128xf32, #tpu.memory_space<vmem>>
      %dma_wait3A_105 = arith.constant 0 : i32
      %dma_wait3A_106 = tpu.memref_slice %arg9[%add3A_55, %dma_wait3A_105] : memref<10112x128xf32, #tpu.memory_space<vmem_shared>> -> memref<128x128xf32, #tpu.memory_space<vmem_shared>>
      tpu.wait_dma2 semaphore(%run_scoped3A : memref<!tpu.dma_semaphore, #tpu.memory_space<semaphore_mem>>) src(%dma_wait3A_106 : memref<128x128xf32, #tpu.memory_space<vmem_shared>>) dst(%dma_wait3A_104 : memref<128x128xf32, #tpu.memory_space<vmem>>)
      tpu.yield
    }) : () -> ()
    %mul3A_56 = arith.constant 10000 : i32
    %mul3A_57 = arith.muli %arg0, %mul3A_56 : i32
    %add3A_58 = arith.addi %mul3A_57, %add3A_55 : i32
    "tpu.region"() ({
      %run_scoped3A = tpu.sem_alloc : memref<!tpu.dma_semaphore, #tpu.memory_space<semaphore_mem>>
      %dma_start3A = arith.constant 0 : i32
      %dma_start3A_89 = arith.constant 0 : i32
      %dma_start3A_90 = tpu.memref_slice %arg8[%dma_start3A, %dma_start3A_89] : memref<128x128xf32, #tpu.memory_space<vmem>> -> memref<128x128xf32, #tpu.memory_space<vmem>>
      %dma_start3A_91 = arith.constant 0 : i32
      %dma_start3A_92 = tpu.memref_slice %arg5[%add3A_58, %dma_start3A_91] : memref<20000x128xf32, #tpu.memory_space<hbm>> -> memref<128x128xf32, #tpu.memory_space<hbm>>
      %dma_start3A_93 = arith.constant 0 : i32
      %dma_start3A_94 = tpu.memref_slice %arg5[%add3A_58, %dma_start3A_93] : memref<20000x128xf32, #tpu.memory_space<hbm>> -> memref<128x128xf32, #tpu.memory_space<hbm>>
      %dma_start3A_95 = arith.constant 0 : i32
      %dma_start3A_96 = arith.constant 0 : i32
      %dma_start3A_97 = tpu.memref_slice %arg8[%dma_start3A_95, %dma_start3A_96] : memref<128x128xf32, #tpu.memory_space<vmem>> -> memref<128x128xf32, #tpu.memory_space<vmem>>
      tpu.enqueue_dma source(%dma_start3A_97 : memref<128x128xf32, #tpu.memory_space<vmem>>) target(%dma_start3A_94 : memref<128x128xf32, #tpu.memory_space<hbm>>) target_semaphore(%run_scoped3A : memref<!tpu.dma_semaphore, #tpu.memory_space<semaphore_mem>>)
      %dma_wait3A = arith.constant 0 : i32
      %dma_wait3A_98 = arith.constant 0 : i32
      %dma_wait3A_99 = tpu.memref_slice %arg8[%dma_wait3A, %dma_wait3A_98] : memref<128x128xf32, #tpu.memory_space<vmem>> -> memref<128x128xf32, #tpu.memory_space<vmem>>
      %dma_wait3A_100 = arith.constant 0 : i32
      %dma_wait3A_101 = tpu.memref_slice %arg5[%add3A_58, %dma_wait3A_100] : memref<20000x128xf32, #tpu.memory_space<hbm>> -> memref<128x128xf32, #tpu.memory_space<hbm>>
      %dma_wait3A_102 = arith.constant 0 : i32
      %dma_wait3A_103 = tpu.memref_slice %arg5[%add3A_58, %dma_wait3A_102] : memref<20000x128xf32, #tpu.memory_space<hbm>> -> memref<128x128xf32, #tpu.memory_space<hbm>>
      %dma_wait3A_104 = arith.constant 0 : i32
      %dma_wait3A_105 = arith.constant 0 : i32
      %dma_wait3A_106 = tpu.memref_slice %arg8[%dma_wait3A_104, %dma_wait3A_105] : memref<128x128xf32, #tpu.memory_space<vmem>> -> memref<128x128xf32, #tpu.memory_space<vmem>>
      tpu.wait_dma2 semaphore(%run_scoped3A : memref<!tpu.dma_semaphore, #tpu.memory_space<semaphore_mem>>) src(%dma_wait3A_106 : memref<128x128xf32, #tpu.memory_space<vmem>>) dst(%dma_wait3A_103 : memref<128x128xf32, #tpu.memory_space<hbm>>)
      tpu.yield
    }) : () -> ()
    %mul3A_59 = arith.constant 624 : i32
    %mul3A_60 = arith.muli %arg1, %mul3A_59 : i32
    %add3A_61 = arith.constant 128 : i32
    %add3A_62 = arith.addi %mul3A_60, %add3A_61 : i32
    "tpu.region"() ({
      %run_scoped3A = tpu.sem_alloc : memref<!tpu.dma_semaphore, #tpu.memory_space<semaphore_mem>>
      %dma_start3A = arith.constant 0 : i32
      %dma_start3A_89 = arith.constant 0 : i32
      %dma_start3A_90 = tpu.memref_slice %arg8[%dma_start3A, %dma_start3A_89] : memref<128x128xf32, #tpu.memory_space<vmem>> -> memref<128x128xf32, #tpu.memory_space<vmem>>
      %dma_start3A_91 = arith.constant 0 : i32
      %dma_start3A_92 = tpu.memref_slice %arg9[%add3A_62, %dma_start3A_91] : memref<10112x128xf32, #tpu.memory_space<vmem_shared>> -> memref<128x128xf32, #tpu.memory_space<vmem_shared>>
      %dma_start3A_93 = arith.constant 0 : i32
      %dma_start3A_94 = arith.constant 0 : i32
      %dma_start3A_95 = tpu.memref_slice %arg8[%dma_start3A_93, %dma_start3A_94] : memref<128x128xf32, #tpu.memory_space<vmem>> -> memref<128x128xf32, #tpu.memory_space<vmem>>
      %dma_start3A_96 = arith.constant 0 : i32
      %dma_start3A_97 = tpu.memref_slice %arg9[%add3A_62, %dma_start3A_96] : memref<10112x128xf32, #tpu.memory_space<vmem_shared>> -> memref<128x128xf32, #tpu.memory_space<vmem_shared>>
      tpu.enqueue_dma source(%dma_start3A_97 : memref<128x128xf32, #tpu.memory_space<vmem_shared>>) target(%dma_start3A_95 : memref<128x128xf32, #tpu.memory_space<vmem>>) target_semaphore(%run_scoped3A : memref<!tpu.dma_semaphore, #tpu.memory_space<semaphore_mem>>)
      %dma_wait3A = arith.constant 0 : i32
      %dma_wait3A_98 = arith.constant 0 : i32
      %dma_wait3A_99 = tpu.memref_slice %arg8[%dma_wait3A, %dma_wait3A_98] : memref<128x128xf32, #tpu.memory_space<vmem>> -> memref<128x128xf32, #tpu.memory_space<vmem>>
      %dma_wait3A_100 = arith.constant 0 : i32
      %dma_wait3A_101 = tpu.memref_slice %arg9[%add3A_62, %dma_wait3A_100] : memref<10112x128xf32, #tpu.memory_space<vmem_shared>> -> memref<128x128xf32, #tpu.memory_space<vmem_shared>>
      %dma_wait3A_102 = arith.constant 0 : i32
      %dma_wait3A_103 = arith.constant 0 : i32
      %dma_wait3A_104 = tpu.memref_slice %arg8[%dma_wait3A_102, %dma_wait3A_103] : memref<128x128xf32, #tpu.memory_space<vmem>> -> memref<128x128xf32, #tpu.memory_space<vmem>>
      %dma_wait3A_105 = arith.constant 0 : i32
      %dma_wait3A_106 = tpu.memref_slice %arg9[%add3A_62, %dma_wait3A_105] : memref<10112x128xf32, #tpu.memory_space<vmem_shared>> -> memref<128x128xf32, #tpu.memory_space<vmem_shared>>
      tpu.wait_dma2 semaphore(%run_scoped3A : memref<!tpu.dma_semaphore, #tpu.memory_space<semaphore_mem>>) src(%dma_wait3A_106 : memref<128x128xf32, #tpu.memory_space<vmem_shared>>) dst(%dma_wait3A_104 : memref<128x128xf32, #tpu.memory_space<vmem>>)
      tpu.yield
    }) : () -> ()
    %mul3A_63 = arith.constant 10000 : i32
    %mul3A_64 = arith.muli %arg0, %mul3A_63 : i32
    %add3A_65 = arith.addi %mul3A_64, %add3A_62 : i32
    "tpu.region"() ({
      %run_scoped3A = tpu.sem_alloc : memref<!tpu.dma_semaphore, #tpu.memory_space<semaphore_mem>>
      %dma_start3A = arith.constant 0 : i32
      %dma_start3A_89 = arith.constant 0 : i32
      %dma_start3A_90 = tpu.memref_slice %arg8[%dma_start3A, %dma_start3A_89] : memref<128x128xf32, #tpu.memory_space<vmem>> -> memref<128x128xf32, #tpu.memory_space<vmem>>
      %dma_start3A_91 = arith.constant 0 : i32
      %dma_start3A_92 = tpu.memref_slice %arg5[%add3A_65, %dma_start3A_91] : memref<20000x128xf32, #tpu.memory_space<hbm>> -> memref<128x128xf32, #tpu.memory_space<hbm>>
      %dma_start3A_93 = arith.constant 0 : i32
      %dma_start3A_94 = tpu.memref_slice %arg5[%add3A_65, %dma_start3A_93] : memref<20000x128xf32, #tpu.memory_space<hbm>> -> memref<128x128xf32, #tpu.memory_space<hbm>>
      %dma_start3A_95 = arith.constant 0 : i32
      %dma_start3A_96 = arith.constant 0 : i32
      %dma_start3A_97 = tpu.memref_slice %arg8[%dma_start3A_95, %dma_start3A_96] : memref<128x128xf32, #tpu.memory_space<vmem>> -> memref<128x128xf32, #tpu.memory_space<vmem>>
      tpu.enqueue_dma source(%dma_start3A_97 : memref<128x128xf32, #tpu.memory_space<vmem>>) target(%dma_start3A_94 : memref<128x128xf32, #tpu.memory_space<hbm>>) target_semaphore(%run_scoped3A : memref<!tpu.dma_semaphore, #tpu.memory_space<semaphore_mem>>)
      %dma_wait3A = arith.constant 0 : i32
      %dma_wait3A_98 = arith.constant 0 : i32
      %dma_wait3A_99 = tpu.memref_slice %arg8[%dma_wait3A, %dma_wait3A_98] : memref<128x128xf32, #tpu.memory_space<vmem>> -> memref<128x128xf32, #tpu.memory_space<vmem>>
      %dma_wait3A_100 = arith.constant 0 : i32
      %dma_wait3A_101 = tpu.memref_slice %arg5[%add3A_65, %dma_wait3A_100] : memref<20000x128xf32, #tpu.memory_space<hbm>> -> memref<128x128xf32, #tpu.memory_space<hbm>>
      %dma_wait3A_102 = arith.constant 0 : i32
      %dma_wait3A_103 = tpu.memref_slice %arg5[%add3A_65, %dma_wait3A_102] : memref<20000x128xf32, #tpu.memory_space<hbm>> -> memref<128x128xf32, #tpu.memory_space<hbm>>
      %dma_wait3A_104 = arith.constant 0 : i32
      %dma_wait3A_105 = arith.constant 0 : i32
      %dma_wait3A_106 = tpu.memref_slice %arg8[%dma_wait3A_104, %dma_wait3A_105] : memref<128x128xf32, #tpu.memory_space<vmem>> -> memref<128x128xf32, #tpu.memory_space<vmem>>
      tpu.wait_dma2 semaphore(%run_scoped3A : memref<!tpu.dma_semaphore, #tpu.memory_space<semaphore_mem>>) src(%dma_wait3A_106 : memref<128x128xf32, #tpu.memory_space<vmem>>) dst(%dma_wait3A_103 : memref<128x128xf32, #tpu.memory_space<hbm>>)
      tpu.yield
    }) : () -> ()
    %mul3A_66 = arith.constant 624 : i32
    %mul3A_67 = arith.muli %arg1, %mul3A_66 : i32
    %add3A_68 = arith.constant 256 : i32
    %add3A_69 = arith.addi %mul3A_67, %add3A_68 : i32
    "tpu.region"() ({
      %run_scoped3A = tpu.sem_alloc : memref<!tpu.dma_semaphore, #tpu.memory_space<semaphore_mem>>
      %dma_start3A = arith.constant 0 : i32
      %dma_start3A_89 = arith.constant 0 : i32
      %dma_start3A_90 = tpu.memref_slice %arg8[%dma_start3A, %dma_start3A_89] : memref<128x128xf32, #tpu.memory_space<vmem>> -> memref<128x128xf32, #tpu.memory_space<vmem>>
      %dma_start3A_91 = arith.constant 0 : i32
      %dma_start3A_92 = tpu.memref_slice %arg9[%add3A_69, %dma_start3A_91] : memref<10112x128xf32, #tpu.memory_space<vmem_shared>> -> memref<128x128xf32, #tpu.memory_space<vmem_shared>>
      %dma_start3A_93 = arith.constant 0 : i32
      %dma_start3A_94 = arith.constant 0 : i32
      %dma_start3A_95 = tpu.memref_slice %arg8[%dma_start3A_93, %dma_start3A_94] : memref<128x128xf32, #tpu.memory_space<vmem>> -> memref<128x128xf32, #tpu.memory_space<vmem>>
      %dma_start3A_96 = arith.constant 0 : i32
      %dma_start3A_97 = tpu.memref_slice %arg9[%add3A_69, %dma_start3A_96] : memref<10112x128xf32, #tpu.memory_space<vmem_shared>> -> memref<128x128xf32, #tpu.memory_space<vmem_shared>>
      tpu.enqueue_dma source(%dma_start3A_97 : memref<128x128xf32, #tpu.memory_space<vmem_shared>>) target(%dma_start3A_95 : memref<128x128xf32, #tpu.memory_space<vmem>>) target_semaphore(%run_scoped3A : memref<!tpu.dma_semaphore, #tpu.memory_space<semaphore_mem>>)
      %dma_wait3A = arith.constant 0 : i32
      %dma_wait3A_98 = arith.constant 0 : i32
      %dma_wait3A_99 = tpu.memref_slice %arg8[%dma_wait3A, %dma_wait3A_98] : memref<128x128xf32, #tpu.memory_space<vmem>> -> memref<128x128xf32, #tpu.memory_space<vmem>>
      %dma_wait3A_100 = arith.constant 0 : i32
      %dma_wait3A_101 = tpu.memref_slice %arg9[%add3A_69, %dma_wait3A_100] : memref<10112x128xf32, #tpu.memory_space<vmem_shared>> -> memref<128x128xf32, #tpu.memory_space<vmem_shared>>
      %dma_wait3A_102 = arith.constant 0 : i32
      %dma_wait3A_103 = arith.constant 0 : i32
      %dma_wait3A_104 = tpu.memref_slice %arg8[%dma_wait3A_102, %dma_wait3A_103] : memref<128x128xf32, #tpu.memory_space<vmem>> -> memref<128x128xf32, #tpu.memory_space<vmem>>
      %dma_wait3A_105 = arith.constant 0 : i32
      %dma_wait3A_106 = tpu.memref_slice %arg9[%add3A_69, %dma_wait3A_105] : memref<10112x128xf32, #tpu.memory_space<vmem_shared>> -> memref<128x128xf32, #tpu.memory_space<vmem_shared>>
      tpu.wait_dma2 semaphore(%run_scoped3A : memref<!tpu.dma_semaphore, #tpu.memory_space<semaphore_mem>>) src(%dma_wait3A_106 : memref<128x128xf32, #tpu.memory_space<vmem_shared>>) dst(%dma_wait3A_104 : memref<128x128xf32, #tpu.memory_space<vmem>>)
      tpu.yield
    }) : () -> ()
    %mul3A_70 = arith.constant 10000 : i32
    %mul3A_71 = arith.muli %arg0, %mul3A_70 : i32
    %add3A_72 = arith.addi %mul3A_71, %add3A_69 : i32
    "tpu.region"() ({
      %run_scoped3A = tpu.sem_alloc : memref<!tpu.dma_semaphore, #tpu.memory_space<semaphore_mem>>
      %dma_start3A = arith.constant 0 : i32
      %dma_start3A_89 = arith.constant 0 : i32
      %dma_start3A_90 = tpu.memref_slice %arg8[%dma_start3A, %dma_start3A_89] : memref<128x128xf32, #tpu.memory_space<vmem>> -> memref<128x128xf32, #tpu.memory_space<vmem>>
      %dma_start3A_91 = arith.constant 0 : i32
      %dma_start3A_92 = tpu.memref_slice %arg5[%add3A_72, %dma_start3A_91] : memref<20000x128xf32, #tpu.memory_space<hbm>> -> memref<128x128xf32, #tpu.memory_space<hbm>>
      %dma_start3A_93 = arith.constant 0 : i32
      %dma_start3A_94 = tpu.memref_slice %arg5[%add3A_72, %dma_start3A_93] : memref<20000x128xf32, #tpu.memory_space<hbm>> -> memref<128x128xf32, #tpu.memory_space<hbm>>
      %dma_start3A_95 = arith.constant 0 : i32
      %dma_start3A_96 = arith.constant 0 : i32
      %dma_start3A_97 = tpu.memref_slice %arg8[%dma_start3A_95, %dma_start3A_96] : memref<128x128xf32, #tpu.memory_space<vmem>> -> memref<128x128xf32, #tpu.memory_space<vmem>>
      tpu.enqueue_dma source(%dma_start3A_97 : memref<128x128xf32, #tpu.memory_space<vmem>>) target(%dma_start3A_94 : memref<128x128xf32, #tpu.memory_space<hbm>>) target_semaphore(%run_scoped3A : memref<!tpu.dma_semaphore, #tpu.memory_space<semaphore_mem>>)
      %dma_wait3A = arith.constant 0 : i32
      %dma_wait3A_98 = arith.constant 0 : i32
      %dma_wait3A_99 = tpu.memref_slice %arg8[%dma_wait3A, %dma_wait3A_98] : memref<128x128xf32, #tpu.memory_space<vmem>> -> memref<128x128xf32, #tpu.memory_space<vmem>>
      %dma_wait3A_100 = arith.constant 0 : i32
      %dma_wait3A_101 = tpu.memref_slice %arg5[%add3A_72, %dma_wait3A_100] : memref<20000x128xf32, #tpu.memory_space<hbm>> -> memref<128x128xf32, #tpu.memory_space<hbm>>
      %dma_wait3A_102 = arith.constant 0 : i32
      %dma_wait3A_103 = tpu.memref_slice %arg5[%add3A_72, %dma_wait3A_102] : memref<20000x128xf32, #tpu.memory_space<hbm>> -> memref<128x128xf32, #tpu.memory_space<hbm>>
      %dma_wait3A_104 = arith.constant 0 : i32
      %dma_wait3A_105 = arith.constant 0 : i32
      %dma_wait3A_106 = tpu.memref_slice %arg8[%dma_wait3A_104, %dma_wait3A_105] : memref<128x128xf32, #tpu.memory_space<vmem>> -> memref<128x128xf32, #tpu.memory_space<vmem>>
      tpu.wait_dma2 semaphore(%run_scoped3A : memref<!tpu.dma_semaphore, #tpu.memory_space<semaphore_mem>>) src(%dma_wait3A_106 : memref<128x128xf32, #tpu.memory_space<vmem>>) dst(%dma_wait3A_103 : memref<128x128xf32, #tpu.memory_space<hbm>>)
      tpu.yield
    }) : () -> ()
    %mul3A_73 = arith.constant 624 : i32
    %mul3A_74 = arith.muli %arg1, %mul3A_73 : i32
    %add3A_75 = arith.constant 384 : i32
    %add3A_76 = arith.addi %mul3A_74, %add3A_75 : i32
    "tpu.region"() ({
      %run_scoped3A = tpu.sem_alloc : memref<!tpu.dma_semaphore, #tpu.memory_space<semaphore_mem>>
      %dma_start3A = arith.constant 0 : i32
      %dma_start3A_89 = arith.constant 0 : i32
      %dma_start3A_90 = tpu.memref_slice %arg8[%dma_start3A, %dma_start3A_89] : memref<128x128xf32, #tpu.memory_space<vmem>> -> memref<128x128xf32, #tpu.memory_space<vmem>>
      %dma_start3A_91 = arith.constant 0 : i32
      %dma_start3A_92 = tpu.memref_slice %arg9[%add3A_76, %dma_start3A_91] : memref<10112x128xf32, #tpu.memory_space<vmem_shared>> -> memref<128x128xf32, #tpu.memory_space<vmem_shared>>
      %dma_start3A_93 = arith.constant 0 : i32
      %dma_start3A_94 = arith.constant 0 : i32
      %dma_start3A_95 = tpu.memref_slice %arg8[%dma_start3A_93, %dma_start3A_94] : memref<128x128xf32, #tpu.memory_space<vmem>> -> memref<128x128xf32, #tpu.memory_space<vmem>>
      %dma_start3A_96 = arith.constant 0 : i32
      %dma_start3A_97 = tpu.memref_slice %arg9[%add3A_76, %dma_start3A_96] : memref<10112x128xf32, #tpu.memory_space<vmem_shared>> -> memref<128x128xf32, #tpu.memory_space<vmem_shared>>
      tpu.enqueue_dma source(%dma_start3A_97 : memref<128x128xf32, #tpu.memory_space<vmem_shared>>) target(%dma_start3A_95 : memref<128x128xf32, #tpu.memory_space<vmem>>) target_semaphore(%run_scoped3A : memref<!tpu.dma_semaphore, #tpu.memory_space<semaphore_mem>>)
      %dma_wait3A = arith.constant 0 : i32
      %dma_wait3A_98 = arith.constant 0 : i32
      %dma_wait3A_99 = tpu.memref_slice %arg8[%dma_wait3A, %dma_wait3A_98] : memref<128x128xf32, #tpu.memory_space<vmem>> -> memref<128x128xf32, #tpu.memory_space<vmem>>
      %dma_wait3A_100 = arith.constant 0 : i32
      %dma_wait3A_101 = tpu.memref_slice %arg9[%add3A_76, %dma_wait3A_100] : memref<10112x128xf32, #tpu.memory_space<vmem_shared>> -> memref<128x128xf32, #tpu.memory_space<vmem_shared>>
      %dma_wait3A_102 = arith.constant 0 : i32
      %dma_wait3A_103 = arith.constant 0 : i32
      %dma_wait3A_104 = tpu.memref_slice %arg8[%dma_wait3A_102, %dma_wait3A_103] : memref<128x128xf32, #tpu.memory_space<vmem>> -> memref<128x128xf32, #tpu.memory_space<vmem>>
      %dma_wait3A_105 = arith.constant 0 : i32
      %dma_wait3A_106 = tpu.memref_slice %arg9[%add3A_76, %dma_wait3A_105] : memref<10112x128xf32, #tpu.memory_space<vmem_shared>> -> memref<128x128xf32, #tpu.memory_space<vmem_shared>>
      tpu.wait_dma2 semaphore(%run_scoped3A : memref<!tpu.dma_semaphore, #tpu.memory_space<semaphore_mem>>) src(%dma_wait3A_106 : memref<128x128xf32, #tpu.memory_space<vmem_shared>>) dst(%dma_wait3A_104 : memref<128x128xf32, #tpu.memory_space<vmem>>)
      tpu.yield
    }) : () -> ()
    %mul3A_77 = arith.constant 10000 : i32
    %mul3A_78 = arith.muli %arg0, %mul3A_77 : i32
    %add3A_79 = arith.addi %mul3A_78, %add3A_76 : i32
    "tpu.region"() ({
      %run_scoped3A = tpu.sem_alloc : memref<!tpu.dma_semaphore, #tpu.memory_space<semaphore_mem>>
      %dma_start3A = arith.constant 0 : i32
      %dma_start3A_89 = arith.constant 0 : i32
      %dma_start3A_90 = tpu.memref_slice %arg8[%dma_start3A, %dma_start3A_89] : memref<128x128xf32, #tpu.memory_space<vmem>> -> memref<128x128xf32, #tpu.memory_space<vmem>>
      %dma_start3A_91 = arith.constant 0 : i32
      %dma_start3A_92 = tpu.memref_slice %arg5[%add3A_79, %dma_start3A_91] : memref<20000x128xf32, #tpu.memory_space<hbm>> -> memref<128x128xf32, #tpu.memory_space<hbm>>
      %dma_start3A_93 = arith.constant 0 : i32
      %dma_start3A_94 = tpu.memref_slice %arg5[%add3A_79, %dma_start3A_93] : memref<20000x128xf32, #tpu.memory_space<hbm>> -> memref<128x128xf32, #tpu.memory_space<hbm>>
      %dma_start3A_95 = arith.constant 0 : i32
      %dma_start3A_96 = arith.constant 0 : i32
      %dma_start3A_97 = tpu.memref_slice %arg8[%dma_start3A_95, %dma_start3A_96] : memref<128x128xf32, #tpu.memory_space<vmem>> -> memref<128x128xf32, #tpu.memory_space<vmem>>
      tpu.enqueue_dma source(%dma_start3A_97 : memref<128x128xf32, #tpu.memory_space<vmem>>) target(%dma_start3A_94 : memref<128x128xf32, #tpu.memory_space<hbm>>) target_semaphore(%run_scoped3A : memref<!tpu.dma_semaphore, #tpu.memory_space<semaphore_mem>>)
      %dma_wait3A = arith.constant 0 : i32
      %dma_wait3A_98 = arith.constant 0 : i32
      %dma_wait3A_99 = tpu.memref_slice %arg8[%dma_wait3A, %dma_wait3A_98] : memref<128x128xf32, #tpu.memory_space<vmem>> -> memref<128x128xf32, #tpu.memory_space<vmem>>
      %dma_wait3A_100 = arith.constant 0 : i32
      %dma_wait3A_101 = tpu.memref_slice %arg5[%add3A_79, %dma_wait3A_100] : memref<20000x128xf32, #tpu.memory_space<hbm>> -> memref<128x128xf32, #tpu.memory_space<hbm>>
      %dma_wait3A_102 = arith.constant 0 : i32
      %dma_wait3A_103 = tpu.memref_slice %arg5[%add3A_79, %dma_wait3A_102] : memref<20000x128xf32, #tpu.memory_space<hbm>> -> memref<128x128xf32, #tpu.memory_space<hbm>>
      %dma_wait3A_104 = arith.constant 0 : i32
      %dma_wait3A_105 = arith.constant 0 : i32
      %dma_wait3A_106 = tpu.memref_slice %arg8[%dma_wait3A_104, %dma_wait3A_105] : memref<128x128xf32, #tpu.memory_space<vmem>> -> memref<128x128xf32, #tpu.memory_space<vmem>>
      tpu.wait_dma2 semaphore(%run_scoped3A : memref<!tpu.dma_semaphore, #tpu.memory_space<semaphore_mem>>) src(%dma_wait3A_106 : memref<128x128xf32, #tpu.memory_space<vmem>>) dst(%dma_wait3A_103 : memref<128x128xf32, #tpu.memory_space<hbm>>)
      tpu.yield
    }) : () -> ()
    %mul3A_80 = arith.constant 624 : i32
    %mul3A_81 = arith.muli %arg1, %mul3A_80 : i32
    %add3A_82 = arith.constant 512 : i32
    %add3A_83 = arith.addi %mul3A_81, %add3A_82 : i32
    "tpu.region"() ({
      %run_scoped3A = tpu.sem_alloc : memref<!tpu.dma_semaphore, #tpu.memory_space<semaphore_mem>>
      %dma_start3A = arith.constant 0 : i32
      %dma_start3A_89 = arith.constant 0 : i32
      %dma_start3A_90 = tpu.memref_slice %arg8[%dma_start3A, %dma_start3A_89] : memref<128x128xf32, #tpu.memory_space<vmem>> -> memref<112x128xf32, #tpu.memory_space<vmem>>
      %dma_start3A_91 = arith.constant 0 : i32
      %dma_start3A_92 = tpu.memref_slice %arg9[%add3A_83, %dma_start3A_91] : memref<10112x128xf32, #tpu.memory_space<vmem_shared>> -> memref<112x128xf32, #tpu.memory_space<vmem_shared>>
      %dma_start3A_93 = arith.constant 0 : i32
      %dma_start3A_94 = arith.constant 0 : i32
      %dma_start3A_95 = tpu.memref_slice %arg8[%dma_start3A_93, %dma_start3A_94] : memref<128x128xf32, #tpu.memory_space<vmem>> -> memref<112x128xf32, #tpu.memory_space<vmem>>
      %dma_start3A_96 = arith.constant 0 : i32
      %dma_start3A_97 = tpu.memref_slice %arg9[%add3A_83, %dma_start3A_96] : memref<10112x128xf32, #tpu.memory_space<vmem_shared>> -> memref<112x128xf32, #tpu.memory_space<vmem_shared>>
      tpu.enqueue_dma source(%dma_start3A_97 : memref<112x128xf32, #tpu.memory_space<vmem_shared>>) target(%dma_start3A_95 : memref<112x128xf32, #tpu.memory_space<vmem>>) target_semaphore(%run_scoped3A : memref<!tpu.dma_semaphore, #tpu.memory_space<semaphore_mem>>)
      %dma_wait3A = arith.constant 0 : i32
      %dma_wait3A_98 = arith.constant 0 : i32
      %dma_wait3A_99 = tpu.memref_slice %arg8[%dma_wait3A, %dma_wait3A_98] : memref<128x128xf32, #tpu.memory_space<vmem>> -> memref<112x128xf32, #tpu.memory_space<vmem>>
      %dma_wait3A_100 = arith.constant 0 : i32
      %dma_wait3A_101 = tpu.memref_slice %arg9[%add3A_83, %dma_wait3A_100] : memref<10112x128xf32, #tpu.memory_space<vmem_shared>> -> memref<112x128xf32, #tpu.memory_space<vmem_shared>>
      %dma_wait3A_102 = arith.constant 0 : i32
      %dma_wait3A_103 = arith.constant 0 : i32
      %dma_wait3A_104 = tpu.memref_slice %arg8[%dma_wait3A_102, %dma_wait3A_103] : memref<128x128xf32, #tpu.memory_space<vmem>> -> memref<112x128xf32, #tpu.memory_space<vmem>>
      %dma_wait3A_105 = arith.constant 0 : i32
      %dma_wait3A_106 = tpu.memref_slice %arg9[%add3A_83, %dma_wait3A_105] : memref<10112x128xf32, #tpu.memory_space<vmem_shared>> -> memref<112x128xf32, #tpu.memory_space<vmem_shared>>
      tpu.wait_dma2 semaphore(%run_scoped3A : memref<!tpu.dma_semaphore, #tpu.memory_space<semaphore_mem>>) src(%dma_wait3A_106 : memref<112x128xf32, #tpu.memory_space<vmem_shared>>) dst(%dma_wait3A_104 : memref<112x128xf32, #tpu.memory_space<vmem>>)
      tpu.yield
    }) : () -> ()
    %mul3A_84 = arith.constant 10000 : i32
    %mul3A_85 = arith.muli %arg0, %mul3A_84 : i32
    %add3A_86 = arith.addi %mul3A_85, %add3A_83 : i32
    "tpu.region"() ({
      %run_scoped3A = tpu.sem_alloc : memref<!tpu.dma_semaphore, #tpu.memory_space<semaphore_mem>>
      %dma_start3A = arith.constant 0 : i32
      %dma_start3A_89 = arith.constant 0 : i32
      %dma_start3A_90 = tpu.memref_slice %arg8[%dma_start3A, %dma_start3A_89] : memref<128x128xf32, #tpu.memory_space<vmem>> -> memref<112x128xf32, #tpu.memory_space<vmem>>
      %dma_start3A_91 = arith.constant 0 : i32
      %dma_start3A_92 = tpu.memref_slice %arg5[%add3A_86, %dma_start3A_91] : memref<20000x128xf32, #tpu.memory_space<hbm>> -> memref<112x128xf32, #tpu.memory_space<hbm>>
      %dma_start3A_93 = arith.constant 0 : i32
      %dma_start3A_94 = tpu.memref_slice %arg5[%add3A_86, %dma_start3A_93] : memref<20000x128xf32, #tpu.memory_space<hbm>> -> memref<112x128xf32, #tpu.memory_space<hbm>>
      %dma_start3A_95 = arith.constant 0 : i32
      %dma_start3A_96 = arith.constant 0 : i32
      %dma_start3A_97 = tpu.memref_slice %arg8[%dma_start3A_95, %dma_start3A_96] : memref<128x128xf32, #tpu.memory_space<vmem>> -> memref<112x128xf32, #tpu.memory_space<vmem>>
      tpu.enqueue_dma source(%dma_start3A_97 : memref<112x128xf32, #tpu.memory_space<vmem>>) target(%dma_start3A_94 : memref<112x128xf32, #tpu.memory_space<hbm>>) target_semaphore(%run_scoped3A : memref<!tpu.dma_semaphore, #tpu.memory_space<semaphore_mem>>)
      %dma_wait3A = arith.constant 0 : i32
      %dma_wait3A_98 = arith.constant 0 : i32
      %dma_wait3A_99 = tpu.memref_slice %arg8[%dma_wait3A, %dma_wait3A_98] : memref<128x128xf32, #tpu.memory_space<vmem>> -> memref<112x128xf32, #tpu.memory_space<vmem>>
      %dma_wait3A_100 = arith.constant 0 : i32
      %dma_wait3A_101 = tpu.memref_slice %arg5[%add3A_86, %dma_wait3A_100] : memref<20000x128xf32, #tpu.memory_space<hbm>> -> memref<112x128xf32, #tpu.memory_space<hbm>>
      %dma_wait3A_102 = arith.constant 0 : i32
      %dma_wait3A_103 = tpu.memref_slice %arg5[%add3A_86, %dma_wait3A_102] : memref<20000x128xf32, #tpu.memory_space<hbm>> -> memref<112x128xf32, #tpu.memory_space<hbm>>
      %dma_wait3A_104 = arith.constant 0 : i32
      %dma_wait3A_105 = arith.constant 0 : i32
      %dma_wait3A_106 = tpu.memref_slice %arg8[%dma_wait3A_104, %dma_wait3A_105] : memref<128x128xf32, #tpu.memory_space<vmem>> -> memref<112x128xf32, #tpu.memory_space<vmem>>
      tpu.wait_dma2 semaphore(%run_scoped3A : memref<!tpu.dma_semaphore, #tpu.memory_space<semaphore_mem>>) src(%dma_wait3A_106 : memref<112x128xf32, #tpu.memory_space<vmem>>) dst(%dma_wait3A_103 : memref<112x128xf32, #tpu.memory_space<hbm>>)
      tpu.yield
    }) : () -> ()
    %eq3A = arith.constant 0 : i32
    %eq3A_87 = arith.cmpi eq, %arg1, %eq3A : i32
    %convert_element_type3A = arith.extui %eq3A_87 : i1 to i32
    %cond3A = arith.constant 0 : i32
    %cond3A_88 = arith.cmpi ne, %convert_element_type3A, %cond3A : i32
    scf.if %cond3A_88 {
      "tpu.region"() ({
        %run_scoped3A = tpu.sem_alloc : memref<!tpu.dma_semaphore, #tpu.memory_space<semaphore_mem>>
        %dma_start3A = arith.constant 0 : i32
        %dma_start3A_93 = arith.constant 0 : i32
        %dma_start3A_94 = tpu.memref_slice %arg8[%dma_start3A, %dma_start3A_93] : memref<128x128xf32, #tpu.memory_space<vmem>> -> memref<16x128xf32, #tpu.memory_space<vmem>>
        %dma_start3A_95 = arith.constant 9984 : i32
        %dma_start3A_96 = arith.constant 0 : i32
        %dma_start3A_97 = tpu.memref_slice %arg9[%dma_start3A_95, %dma_start3A_96] : memref<10112x128xf32, #tpu.memory_space<vmem_shared>> -> memref<16x128xf32, #tpu.memory_space<vmem_shared>>
        %dma_start3A_98 = arith.constant 0 : i32
        %dma_start3A_99 = arith.constant 0 : i32
        %dma_start3A_100 = tpu.memref_slice %arg8[%dma_start3A_98, %dma_start3A_99] : memref<128x128xf32, #tpu.memory_space<vmem>> -> memref<16x128xf32, #tpu.memory_space<vmem>>
        %dma_start3A_101 = arith.constant 9984 : i32
        %dma_start3A_102 = arith.constant 0 : i32
        %dma_start3A_103 = tpu.memref_slice %arg9[%dma_start3A_101, %dma_start3A_102] : memref<10112x128xf32, #tpu.memory_space<vmem_shared>> -> memref<16x128xf32, #tpu.memory_space<vmem_shared>>
        tpu.enqueue_dma source(%dma_start3A_103 : memref<16x128xf32, #tpu.memory_space<vmem_shared>>) target(%dma_start3A_100 : memref<16x128xf32, #tpu.memory_space<vmem>>) target_semaphore(%run_scoped3A : memref<!tpu.dma_semaphore, #tpu.memory_space<semaphore_mem>>)
        %dma_wait3A = arith.constant 0 : i32
        %dma_wait3A_104 = arith.constant 0 : i32
        %dma_wait3A_105 = tpu.memref_slice %arg8[%dma_wait3A, %dma_wait3A_104] : memref<128x128xf32, #tpu.memory_space<vmem>> -> memref<16x128xf32, #tpu.memory_space<vmem>>
        %dma_wait3A_106 = arith.constant 9984 : i32
        %dma_wait3A_107 = arith.constant 0 : i32
        %dma_wait3A_108 = tpu.memref_slice %arg9[%dma_wait3A_106, %dma_wait3A_107] : memref<10112x128xf32, #tpu.memory_space<vmem_shared>> -> memref<16x128xf32, #tpu.memory_space<vmem_shared>>
        %dma_wait3A_109 = arith.constant 0 : i32
        %dma_wait3A_110 = arith.constant 0 : i32
        %dma_wait3A_111 = tpu.memref_slice %arg8[%dma_wait3A_109, %dma_wait3A_110] : memref<128x128xf32, #tpu.memory_space<vmem>> -> memref<16x128xf32, #tpu.memory_space<vmem>>
        %dma_wait3A_112 = arith.constant 9984 : i32
        %dma_wait3A_113 = arith.constant 0 : i32
        %dma_wait3A_114 = tpu.memref_slice %arg9[%dma_wait3A_112, %dma_wait3A_113] : memref<10112x128xf32, #tpu.memory_space<vmem_shared>> -> memref<16x128xf32, #tpu.memory_space<vmem_shared>>
        tpu.wait_dma2 semaphore(%run_scoped3A : memref<!tpu.dma_semaphore, #tpu.memory_space<semaphore_mem>>) src(%dma_wait3A_114 : memref<16x128xf32, #tpu.memory_space<vmem_shared>>) dst(%dma_wait3A_111 : memref<16x128xf32, #tpu.memory_space<vmem>>)
        tpu.yield
      }) : () -> ()
      %mul3A_89 = arith.constant 10000 : i32
      %mul3A_90 = arith.muli %arg0, %mul3A_89 : i32
      %add3A_91 = arith.constant 9984 : i32
      %add3A_92 = arith.addi %mul3A_90, %add3A_91 : i32
      "tpu.region"() ({
        %run_scoped3A = tpu.sem_alloc : memref<!tpu.dma_semaphore, #tpu.memory_space<semaphore_mem>>
        %dma_start3A = arith.constant 0 : i32
        %dma_start3A_93 = arith.constant 0 : i32
        %dma_start3A_94 = tpu.memref_slice %arg8[%dma_start3A, %dma_start3A_93] : memref<128x128xf32, #tpu.memory_space<vmem>> -> memref<16x128xf32, #tpu.memory_space<vmem>>
        %dma_start3A_95 = arith.constant 0 : i32
        %dma_start3A_96 = tpu.memref_slice %arg5[%add3A_92, %dma_start3A_95] : memref<20000x128xf32, #tpu.memory_space<hbm>> -> memref<16x128xf32, #tpu.memory_space<hbm>>
        %dma_start3A_97 = arith.constant 0 : i32
        %dma_start3A_98 = tpu.memref_slice %arg5[%add3A_92, %dma_start3A_97] : memref<20000x128xf32, #tpu.memory_space<hbm>> -> memref<16x128xf32, #tpu.memory_space<hbm>>
        %dma_start3A_99 = arith.constant 0 : i32
        %dma_start3A_100 = arith.constant 0 : i32
        %dma_start3A_101 = tpu.memref_slice %arg8[%dma_start3A_99, %dma_start3A_100] : memref<128x128xf32, #tpu.memory_space<vmem>> -> memref<16x128xf32, #tpu.memory_space<vmem>>
        tpu.enqueue_dma source(%dma_start3A_101 : memref<16x128xf32, #tpu.memory_space<vmem>>) target(%dma_start3A_98 : memref<16x128xf32, #tpu.memory_space<hbm>>) target_semaphore(%run_scoped3A : memref<!tpu.dma_semaphore, #tpu.memory_space<semaphore_mem>>)
        %dma_wait3A = arith.constant 0 : i32
        %dma_wait3A_102 = arith.constant 0 : i32
        %dma_wait3A_103 = tpu.memref_slice %arg8[%dma_wait3A, %dma_wait3A_102] : memref<128x128xf32, #tpu.memory_space<vmem>> -> memref<16x128xf32, #tpu.memory_space<vmem>>
        %dma_wait3A_104 = arith.constant 0 : i32
        %dma_wait3A_105 = tpu.memref_slice %arg5[%add3A_92, %dma_wait3A_104] : memref<20000x128xf32, #tpu.memory_space<hbm>> -> memref<16x128xf32, #tpu.memory_space<hbm>>
        %dma_wait3A_106 = arith.constant 0 : i32
        %dma_wait3A_107 = tpu.memref_slice %arg5[%add3A_92, %dma_wait3A_106] : memref<20000x128xf32, #tpu.memory_space<hbm>> -> memref<16x128xf32, #tpu.memory_space<hbm>>
        %dma_wait3A_108 = arith.constant 0 : i32
        %dma_wait3A_109 = arith.constant 0 : i32
        %dma_wait3A_110 = tpu.memref_slice %arg8[%dma_wait3A_108, %dma_wait3A_109] : memref<128x128xf32, #tpu.memory_space<vmem>> -> memref<16x128xf32, #tpu.memory_space<vmem>>
        tpu.wait_dma2 semaphore(%run_scoped3A : memref<!tpu.dma_semaphore, #tpu.memory_space<semaphore_mem>>) src(%dma_wait3A_110 : memref<16x128xf32, #tpu.memory_space<vmem>>) dst(%dma_wait3A_107 : memref<16x128xf32, #tpu.memory_space<hbm>>)
        tpu.yield
      }) : () -> ()
    } else {
    }
    return
  }
}

#map = affine_map<(d0, d1) -> (0, 0, 0)>
#map1 = affine_map<(d0, d1) -> (0)>
module attributes {stable_mosaic.version = 14 : i64} {
  func.func @_deg_body(%arg0: i32, %arg1: i32, %arg2: memref<16x157x128xi32, #tpu.memory_space<hbm>>, %arg3: memref<10000xf32, #tpu.memory_space<hbm>>, %arg4: memref<32x128xi32, #tpu.memory_space<vmem>>, %arg5: memref<1024xf32, #tpu.memory_space<vmem>>, %arg6: memref<1000xf32, #tpu.memory_space<vmem>>, %arg7: memref<10112xf32, #tpu.memory_space<vmem_shared>>, %arg8: memref<!tpu.dma_semaphore, #tpu.memory_space<semaphore_mem>>) attributes {dimension_semantics = [#tpu.dimension_semantics<core_parallel>, #tpu.dimension_semantics<subcore_parallel>], iteration_bounds = array<i64: 2, 16>, scalar_prefetch = 0 : i64, scratch_operands = 5 : i64, tpu.core_type = #tpu.core_type<sc_vector_subcore>, window_params = [{transform_indices = #map}, {transform_indices = #map1}]} {
    %scan3A = arith.constant 0 : i32
    %scan3A_0 = arith.constant 0 : i32
    %scan3A_1 = arith.constant 64 : i32
    %scan3A_2 = arith.addi %scan3A_0, %scan3A_1 : i32
    %scan3A_3 = arith.constant 1 : i32
    %scan3A_4 = scf.for %scan3A_19 = %scan3A_0 to %scan3A_2 step %scan3A_3 iter_args(%scan3A_20 = %scan3A) -> (i32)  : i32 {
      %broadcast_in_dim3A = arith.constant 1.000000e+00 : f32
      %broadcast_in_dim3A_21 = vector.broadcast %broadcast_in_dim3A : f32 to vector<16xf32>
      %mul3A = arith.constant 16 : i32
      %mul3A_22 = arith.muli %scan3A_19, %mul3A : i32
      %swap3A = arith.index_cast %mul3A_22 : i32 to index
      %swap3A_23 = tpu.vector_load %arg5[%swap3A] {strides = array<i32>} : memref<1024xf32, #tpu.memory_space<vmem>>, vector<16xf32>,
      %swap3A_24 = vector.shape_cast %swap3A_23 : vector<16xf32> to vector<16xf32>
      %swap3A_25 = vector.shape_cast %broadcast_in_dim3A_21 : vector<16xf32> to vector<16xf32>
      tpu.vector_store %arg5[%swap3A], %swap3A_25 {strides = array<i32>} : memref<1024xf32, #tpu.memory_space<vmem>>, vector<16xf32>,
      %scan3A_26 = arith.constant 0 : i32
      scf.yield %scan3A_26 : i32
    }
    %scan3A_5 = arith.constant 64 : i32
    %eq3A = arith.constant 0 : i32
    %eq3A_6 = arith.cmpi eq, %arg0, %eq3A : i32
    %lt3A = arith.constant 10 : i32
    %lt3A_7 = arith.cmpi slt, %arg1, %lt3A : i32
    %and3A = arith.andi %eq3A_6, %lt3A_7 : i1
    %convert_element_type3A = arith.extui %and3A : i1 to i32
    %cond3A = arith.constant 0 : i32
    %cond3A_8 = arith.cmpi ne, %convert_element_type3A, %cond3A : i32
    scf.if %cond3A_8 {
      %mul3A = arith.constant 1000 : i32
      %mul3A_19 = arith.muli %arg1, %mul3A : i32
      "tpu.region"() ({
        %run_scoped3A = tpu.sem_alloc : memref<!tpu.dma_semaphore, #tpu.memory_space<semaphore_mem>>
        %dma_start3A = arith.constant 0 : i32
        %dma_start3A_20 = tpu.memref_slice %arg5[%dma_start3A] : memref<1024xf32, #tpu.memory_space<vmem>> -> memref<1000xf32, #tpu.memory_space<vmem>>
        %dma_start3A_21 = tpu.memref_slice %arg7[%mul3A_19] : memref<10112xf32, #tpu.memory_space<vmem_shared>> -> memref<1000xf32, #tpu.memory_space<vmem_shared>>
        %dma_start3A_22 = tpu.memref_slice %arg7[%mul3A_19] : memref<10112xf32, #tpu.memory_space<vmem_shared>> -> memref<1000xf32, #tpu.memory_space<vmem_shared>>
        %dma_start3A_23 = arith.constant 0 : i32
        %dma_start3A_24 = tpu.memref_slice %arg5[%dma_start3A_23] : memref<1024xf32, #tpu.memory_space<vmem>> -> memref<1000xf32, #tpu.memory_space<vmem>>
        tpu.enqueue_dma source(%dma_start3A_24 : memref<1000xf32, #tpu.memory_space<vmem>>) target(%dma_start3A_22 : memref<1000xf32, #tpu.memory_space<vmem_shared>>) target_semaphore(%run_scoped3A : memref<!tpu.dma_semaphore, #tpu.memory_space<semaphore_mem>>)
        %dma_wait3A = arith.constant 0 : i32
        %dma_wait3A_25 = tpu.memref_slice %arg5[%dma_wait3A] : memref<1024xf32, #tpu.memory_space<vmem>> -> memref<1000xf32, #tpu.memory_space<vmem>>
        %dma_wait3A_26 = tpu.memref_slice %arg7[%mul3A_19] : memref<10112xf32, #tpu.memory_space<vmem_shared>> -> memref<1000xf32, #tpu.memory_space<vmem_shared>>
        %dma_wait3A_27 = tpu.memref_slice %arg7[%mul3A_19] : memref<10112xf32, #tpu.memory_space<vmem_shared>> -> memref<1000xf32, #tpu.memory_space<vmem_shared>>
        %dma_wait3A_28 = arith.constant 0 : i32
        %dma_wait3A_29 = tpu.memref_slice %arg5[%dma_wait3A_28] : memref<1024xf32, #tpu.memory_space<vmem>> -> memref<1000xf32, #tpu.memory_space<vmem>>
        tpu.wait_dma2 semaphore(%run_scoped3A : memref<!tpu.dma_semaphore, #tpu.memory_space<semaphore_mem>>) src(%dma_wait3A_29 : memref<1000xf32, #tpu.memory_space<vmem>>) dst(%dma_wait3A_27 : memref<1000xf32, #tpu.memory_space<vmem_shared>>)
        tpu.yield
      }) : () -> ()
    } else {
    }
    %barrier3A = arith.constant 0 : index
    tpu.barrier barrier_id(%barrier3A)
    %convert_element_type3A_9 = arith.extui %eq3A_6 : i1 to i32
    %cond3A_10 = arith.constant 0 : i32
    %cond3A_11 = arith.cmpi ne, %convert_element_type3A_9, %cond3A_10 : i32
    scf.if %cond3A_11 {
      "tpu.region"() ({
        %run_scoped3A = tpu.sem_alloc : memref<!tpu.dma_semaphore, #tpu.memory_space<semaphore_mem>>
        %dma_start3A = arith.constant 0 : i32
        %dma_start3A_54 = arith.constant 0 : i32
        %dma_start3A_55 = tpu.memref_slice %arg4[%dma_start3A, %dma_start3A_54] : memref<32x128xi32, #tpu.memory_space<vmem>> -> memref<32x128xi32, #tpu.memory_space<vmem>>
        %dma_start3A_56 = arith.constant 0 : i32
        %dma_start3A_57 = arith.constant 0 : i32
        %dma_start3A_58 = tpu.memref_slice %arg2[%arg1, %dma_start3A_56, %dma_start3A_57] : memref<16x157x128xi32, #tpu.memory_space<hbm>> -> memref<1x32x128xi32, #tpu.memory_space<hbm>>
        %dma_start3A_59 = tpu.memref_squeeze %dma_start3A_58 : memref<1x32x128xi32, #tpu.memory_space<hbm>> -> memref<32x128xi32, #tpu.memory_space<hbm>>
        %dma_start3A_60 = arith.constant 0 : i32
        %dma_start3A_61 = arith.constant 0 : i32
        %dma_start3A_62 = tpu.memref_slice %arg4[%dma_start3A_60, %dma_start3A_61] : memref<32x128xi32, #tpu.memory_space<vmem>> -> memref<32x128xi32, #tpu.memory_space<vmem>>
        %dma_start3A_63 = arith.constant 0 : i32
        %dma_start3A_64 = arith.constant 0 : i32
        %dma_start3A_65 = tpu.memref_slice %arg2[%arg1, %dma_start3A_63, %dma_start3A_64] : memref<16x157x128xi32, #tpu.memory_space<hbm>> -> memref<1x32x128xi32, #tpu.memory_space<hbm>>
        %dma_start3A_66 = tpu.memref_squeeze %dma_start3A_65 : memref<1x32x128xi32, #tpu.memory_space<hbm>> -> memref<32x128xi32, #tpu.memory_space<hbm>>
        tpu.enqueue_dma source(%dma_start3A_66 : memref<32x128xi32, #tpu.memory_space<hbm>>) target(%dma_start3A_62 : memref<32x128xi32, #tpu.memory_space<vmem>>) target_semaphore(%run_scoped3A : memref<!tpu.dma_semaphore, #tpu.memory_space<semaphore_mem>>)
        %dma_wait3A = arith.constant 0 : i32
        %dma_wait3A_67 = arith.constant 0 : i32
        %dma_wait3A_68 = tpu.memref_slice %arg4[%dma_wait3A, %dma_wait3A_67] : memref<32x128xi32, #tpu.memory_space<vmem>> -> memref<32x128xi32, #tpu.memory_space<vmem>>
        %dma_wait3A_69 = arith.constant 0 : i32
        %dma_wait3A_70 = arith.constant 0 : i32
        %dma_wait3A_71 = tpu.memref_slice %arg2[%arg1, %dma_wait3A_69, %dma_wait3A_70] : memref<16x157x128xi32, #tpu.memory_space<hbm>> -> memref<1x32x128xi32, #tpu.memory_space<hbm>>
        %dma_wait3A_72 = tpu.memref_squeeze %dma_wait3A_71 : memref<1x32x128xi32, #tpu.memory_space<hbm>> -> memref<32x128xi32, #tpu.memory_space<hbm>>
        %dma_wait3A_73 = arith.constant 0 : i32
        %dma_wait3A_74 = arith.constant 0 : i32
        %dma_wait3A_75 = tpu.memref_slice %arg4[%dma_wait3A_73, %dma_wait3A_74] : memref<32x128xi32, #tpu.memory_space<vmem>> -> memref<32x128xi32, #tpu.memory_space<vmem>>
        %dma_wait3A_76 = arith.constant 0 : i32
        %dma_wait3A_77 = arith.constant 0 : i32
        %dma_wait3A_78 = tpu.memref_slice %arg2[%arg1, %dma_wait3A_76, %dma_wait3A_77] : memref<16x157x128xi32, #tpu.memory_space<hbm>> -> memref<1x32x128xi32, #tpu.memory_space<hbm>>
        %dma_wait3A_79 = tpu.memref_squeeze %dma_wait3A_78 : memref<1x32x128xi32, #tpu.memory_space<hbm>> -> memref<32x128xi32, #tpu.memory_space<hbm>>
        tpu.wait_dma2 semaphore(%run_scoped3A : memref<!tpu.dma_semaphore, #tpu.memory_space<semaphore_mem>>) src(%dma_wait3A_79 : memref<32x128xi32, #tpu.memory_space<hbm>>) dst(%dma_wait3A_75 : memref<32x128xi32, #tpu.memory_space<vmem>>)
        tpu.yield
      }) : () -> ()
      %scan3A_19 = arith.constant 0 : i32
      %scan3A_20 = arith.constant 0 : i32
      %scan3A_21 = arith.constant 32 : i32
      %scan3A_22 = arith.addi %scan3A_20, %scan3A_21 : i32
      %scan3A_23 = arith.constant 1 : i32
      %scan3A_24 = scf.for %scan3A_54 = %scan3A_20 to %scan3A_22 step %scan3A_23 iter_args(%scan3A_55 = %scan3A_19) -> (i32)  : i32 {
        "tpu.region"() ({
          %run_scoped3A = tpu.sem_alloc : memref<!tpu.dma_semaphore, #tpu.memory_space<semaphore_mem>>
          %dma_start3A = arith.constant 0 : i32
          %dma_start3A_57 = tpu.memref_slice %arg5[%dma_start3A] : memref<1024xf32, #tpu.memory_space<vmem>> -> memref<128xf32, #tpu.memory_space<vmem>>
          %dma_start3A_58 = arith.constant 0 : i32
          %dma_start3A_59 = tpu.memref_slice %arg4[%scan3A_54, %dma_start3A_58] : memref<32x128xi32, #tpu.memory_space<vmem>> -> memref<1x128xi32, #tpu.memory_space<vmem>>
          %dma_start3A_60 = tpu.memref_squeeze %dma_start3A_59 : memref<1x128xi32, #tpu.memory_space<vmem>> -> memref<128xi32, #tpu.memory_space<vmem>>
          %dma_start3A_61 = arith.constant 0 : i32
          %dma_start3A_62 = tpu.memref_slice %arg7[%dma_start3A_61] : memref<10112xf32, #tpu.memory_space<vmem_shared>> -> memref<10112xf32, #tpu.memory_space<vmem_shared>>
          tpu.enqueue_indirect_dma source(%dma_start3A_57 : memref<128xf32, #tpu.memory_space<vmem>>) target(%dma_start3A_62 : memref<10112xf32, #tpu.memory_space<vmem_shared>>) offsets(%dma_start3A_60 : memref<128xi32, #tpu.memory_space<vmem>>) semaphore(%run_scoped3A : memref<!tpu.dma_semaphore, #tpu.memory_space<semaphore_mem>>) {add = true}
          %dma_wait3A = arith.constant 0 : i32
          %dma_wait3A_63 = tpu.memref_slice %arg5[%dma_wait3A] : memref<1024xf32, #tpu.memory_space<vmem>> -> memref<128xf32, #tpu.memory_space<vmem>>
          %dma_wait3A_64 = arith.constant 0 : i32
          %dma_wait3A_65 = tpu.memref_slice %arg4[%scan3A_54, %dma_wait3A_64] : memref<32x128xi32, #tpu.memory_space<vmem>> -> memref<1x128xi32, #tpu.memory_space<vmem>>
          %dma_wait3A_66 = tpu.memref_squeeze %dma_wait3A_65 : memref<1x128xi32, #tpu.memory_space<vmem>> -> memref<128xi32, #tpu.memory_space<vmem>>
          %dma_wait3A_67 = arith.constant 0 : i32
          %dma_wait3A_68 = tpu.memref_slice %arg7[%dma_wait3A_67] : memref<10112xf32, #tpu.memory_space<vmem_shared>> -> memref<10112xf32, #tpu.memory_space<vmem_shared>>
          tpu.wait_indirect_dma semaphore(%run_scoped3A : memref<!tpu.dma_semaphore, #tpu.memory_space<semaphore_mem>>) src(%dma_wait3A_63 : memref<128xf32, #tpu.memory_space<vmem>>) dst(%dma_wait3A_68 : memref<10112xf32, #tpu.memory_space<vmem_shared>>)
          tpu.yield
        }) : () -> ()
        %scan3A_56 = arith.constant 0 : i32
        scf.yield %scan3A_56 : i32
      }
      %scan3A_25 = arith.constant 32 : i32
      "tpu.region"() ({
        %run_scoped3A = tpu.sem_alloc : memref<!tpu.dma_semaphore, #tpu.memory_space<semaphore_mem>>
        %dma_start3A = arith.constant 0 : i32
        %dma_start3A_54 = arith.constant 0 : i32
        %dma_start3A_55 = tpu.memref_slice %arg4[%dma_start3A, %dma_start3A_54] : memref<32x128xi32, #tpu.memory_space<vmem>> -> memref<32x128xi32, #tpu.memory_space<vmem>>
        %dma_start3A_56 = arith.constant 32 : i32
        %dma_start3A_57 = arith.constant 0 : i32
        %dma_start3A_58 = tpu.memref_slice %arg2[%arg1, %dma_start3A_56, %dma_start3A_57] : memref<16x157x128xi32, #tpu.memory_space<hbm>> -> memref<1x32x128xi32, #tpu.memory_space<hbm>>
        %dma_start3A_59 = tpu.memref_squeeze %dma_start3A_58 : memref<1x32x128xi32, #tpu.memory_space<hbm>> -> memref<32x128xi32, #tpu.memory_space<hbm>>
        %dma_start3A_60 = arith.constant 0 : i32
        %dma_start3A_61 = arith.constant 0 : i32
        %dma_start3A_62 = tpu.memref_slice %arg4[%dma_start3A_60, %dma_start3A_61] : memref<32x128xi32, #tpu.memory_space<vmem>> -> memref<32x128xi32, #tpu.memory_space<vmem>>
        %dma_start3A_63 = arith.constant 32 : i32
        %dma_start3A_64 = arith.constant 0 : i32
        %dma_start3A_65 = tpu.memref_slice %arg2[%arg1, %dma_start3A_63, %dma_start3A_64] : memref<16x157x128xi32, #tpu.memory_space<hbm>> -> memref<1x32x128xi32, #tpu.memory_space<hbm>>
        %dma_start3A_66 = tpu.memref_squeeze %dma_start3A_65 : memref<1x32x128xi32, #tpu.memory_space<hbm>> -> memref<32x128xi32, #tpu.memory_space<hbm>>
        tpu.enqueue_dma source(%dma_start3A_66 : memref<32x128xi32, #tpu.memory_space<hbm>>) target(%dma_start3A_62 : memref<32x128xi32, #tpu.memory_space<vmem>>) target_semaphore(%run_scoped3A : memref<!tpu.dma_semaphore, #tpu.memory_space<semaphore_mem>>)
        %dma_wait3A = arith.constant 0 : i32
        %dma_wait3A_67 = arith.constant 0 : i32
        %dma_wait3A_68 = tpu.memref_slice %arg4[%dma_wait3A, %dma_wait3A_67] : memref<32x128xi32, #tpu.memory_space<vmem>> -> memref<32x128xi32, #tpu.memory_space<vmem>>
        %dma_wait3A_69 = arith.constant 32 : i32
        %dma_wait3A_70 = arith.constant 0 : i32
        %dma_wait3A_71 = tpu.memref_slice %arg2[%arg1, %dma_wait3A_69, %dma_wait3A_70] : memref<16x157x128xi32, #tpu.memory_space<hbm>> -> memref<1x32x128xi32, #tpu.memory_space<hbm>>
        %dma_wait3A_72 = tpu.memref_squeeze %dma_wait3A_71 : memref<1x32x128xi32, #tpu.memory_space<hbm>> -> memref<32x128xi32, #tpu.memory_space<hbm>>
        %dma_wait3A_73 = arith.constant 0 : i32
        %dma_wait3A_74 = arith.constant 0 : i32
        %dma_wait3A_75 = tpu.memref_slice %arg4[%dma_wait3A_73, %dma_wait3A_74] : memref<32x128xi32, #tpu.memory_space<vmem>> -> memref<32x128xi32, #tpu.memory_space<vmem>>
        %dma_wait3A_76 = arith.constant 32 : i32
        %dma_wait3A_77 = arith.constant 0 : i32
        %dma_wait3A_78 = tpu.memref_slice %arg2[%arg1, %dma_wait3A_76, %dma_wait3A_77] : memref<16x157x128xi32, #tpu.memory_space<hbm>> -> memref<1x32x128xi32, #tpu.memory_space<hbm>>
        %dma_wait3A_79 = tpu.memref_squeeze %dma_wait3A_78 : memref<1x32x128xi32, #tpu.memory_space<hbm>> -> memref<32x128xi32, #tpu.memory_space<hbm>>
        tpu.wait_dma2 semaphore(%run_scoped3A : memref<!tpu.dma_semaphore, #tpu.memory_space<semaphore_mem>>) src(%dma_wait3A_79 : memref<32x128xi32, #tpu.memory_space<hbm>>) dst(%dma_wait3A_75 : memref<32x128xi32, #tpu.memory_space<vmem>>)
        tpu.yield
      }) : () -> ()
      %scan3A_26 = arith.constant 0 : i32
      %scan3A_27 = arith.constant 0 : i32
      %scan3A_28 = arith.constant 32 : i32
      %scan3A_29 = arith.addi %scan3A_27, %scan3A_28 : i32
      %scan3A_30 = arith.constant 1 : i32
      %scan3A_31 = scf.for %scan3A_54 = %scan3A_27 to %scan3A_29 step %scan3A_30 iter_args(%scan3A_55 = %scan3A_26) -> (i32)  : i32 {
        "tpu.region"() ({
          %run_scoped3A = tpu.sem_alloc : memref<!tpu.dma_semaphore, #tpu.memory_space<semaphore_mem>>
          %dma_start3A = arith.constant 0 : i32
          %dma_start3A_57 = tpu.memref_slice %arg5[%dma_start3A] : memref<1024xf32, #tpu.memory_space<vmem>> -> memref<128xf32, #tpu.memory_space<vmem>>
          %dma_start3A_58 = arith.constant 0 : i32
          %dma_start3A_59 = tpu.memref_slice %arg4[%scan3A_54, %dma_start3A_58] : memref<32x128xi32, #tpu.memory_space<vmem>> -> memref<1x128xi32, #tpu.memory_space<vmem>>
          %dma_start3A_60 = tpu.memref_squeeze %dma_start3A_59 : memref<1x128xi32, #tpu.memory_space<vmem>> -> memref<128xi32, #tpu.memory_space<vmem>>
          %dma_start3A_61 = arith.constant 0 : i32
          %dma_start3A_62 = tpu.memref_slice %arg7[%dma_start3A_61] : memref<10112xf32, #tpu.memory_space<vmem_shared>> -> memref<10112xf32, #tpu.memory_space<vmem_shared>>
          tpu.enqueue_indirect_dma source(%dma_start3A_57 : memref<128xf32, #tpu.memory_space<vmem>>) target(%dma_start3A_62 : memref<10112xf32, #tpu.memory_space<vmem_shared>>) offsets(%dma_start3A_60 : memref<128xi32, #tpu.memory_space<vmem>>) semaphore(%run_scoped3A : memref<!tpu.dma_semaphore, #tpu.memory_space<semaphore_mem>>) {add = true}
          %dma_wait3A = arith.constant 0 : i32
          %dma_wait3A_63 = tpu.memref_slice %arg5[%dma_wait3A] : memref<1024xf32, #tpu.memory_space<vmem>> -> memref<128xf32, #tpu.memory_space<vmem>>
          %dma_wait3A_64 = arith.constant 0 : i32
          %dma_wait3A_65 = tpu.memref_slice %arg4[%scan3A_54, %dma_wait3A_64] : memref<32x128xi32, #tpu.memory_space<vmem>> -> memref<1x128xi32, #tpu.memory_space<vmem>>
          %dma_wait3A_66 = tpu.memref_squeeze %dma_wait3A_65 : memref<1x128xi32, #tpu.memory_space<vmem>> -> memref<128xi32, #tpu.memory_space<vmem>>
          %dma_wait3A_67 = arith.constant 0 : i32
          %dma_wait3A_68 = tpu.memref_slice %arg7[%dma_wait3A_67] : memref<10112xf32, #tpu.memory_space<vmem_shared>> -> memref<10112xf32, #tpu.memory_space<vmem_shared>>
          tpu.wait_indirect_dma semaphore(%run_scoped3A : memref<!tpu.dma_semaphore, #tpu.memory_space<semaphore_mem>>) src(%dma_wait3A_63 : memref<128xf32, #tpu.memory_space<vmem>>) dst(%dma_wait3A_68 : memref<10112xf32, #tpu.memory_space<vmem_shared>>)
          tpu.yield
        }) : () -> ()
        %scan3A_56 = arith.constant 0 : i32
        scf.yield %scan3A_56 : i32
      }
      %scan3A_32 = arith.constant 32 : i32
      "tpu.region"() ({
        %run_scoped3A = tpu.sem_alloc : memref<!tpu.dma_semaphore, #tpu.memory_space<semaphore_mem>>
        %dma_start3A = arith.constant 0 : i32
        %dma_start3A_54 = arith.constant 0 : i32
        %dma_start3A_55 = tpu.memref_slice %arg4[%dma_start3A, %dma_start3A_54] : memref<32x128xi32, #tpu.memory_space<vmem>> -> memref<32x128xi32, #tpu.memory_space<vmem>>
        %dma_start3A_56 = arith.constant 64 : i32
        %dma_start3A_57 = arith.constant 0 : i32
        %dma_start3A_58 = tpu.memref_slice %arg2[%arg1, %dma_start3A_56, %dma_start3A_57] : memref<16x157x128xi32, #tpu.memory_space<hbm>> -> memref<1x32x128xi32, #tpu.memory_space<hbm>>
        %dma_start3A_59 = tpu.memref_squeeze %dma_start3A_58 : memref<1x32x128xi32, #tpu.memory_space<hbm>> -> memref<32x128xi32, #tpu.memory_space<hbm>>
        %dma_start3A_60 = arith.constant 0 : i32
        %dma_start3A_61 = arith.constant 0 : i32
        %dma_start3A_62 = tpu.memref_slice %arg4[%dma_start3A_60, %dma_start3A_61] : memref<32x128xi32, #tpu.memory_space<vmem>> -> memref<32x128xi32, #tpu.memory_space<vmem>>
        %dma_start3A_63 = arith.constant 64 : i32
        %dma_start3A_64 = arith.constant 0 : i32
        %dma_start3A_65 = tpu.memref_slice %arg2[%arg1, %dma_start3A_63, %dma_start3A_64] : memref<16x157x128xi32, #tpu.memory_space<hbm>> -> memref<1x32x128xi32, #tpu.memory_space<hbm>>
        %dma_start3A_66 = tpu.memref_squeeze %dma_start3A_65 : memref<1x32x128xi32, #tpu.memory_space<hbm>> -> memref<32x128xi32, #tpu.memory_space<hbm>>
        tpu.enqueue_dma source(%dma_start3A_66 : memref<32x128xi32, #tpu.memory_space<hbm>>) target(%dma_start3A_62 : memref<32x128xi32, #tpu.memory_space<vmem>>) target_semaphore(%run_scoped3A : memref<!tpu.dma_semaphore, #tpu.memory_space<semaphore_mem>>)
        %dma_wait3A = arith.constant 0 : i32
        %dma_wait3A_67 = arith.constant 0 : i32
        %dma_wait3A_68 = tpu.memref_slice %arg4[%dma_wait3A, %dma_wait3A_67] : memref<32x128xi32, #tpu.memory_space<vmem>> -> memref<32x128xi32, #tpu.memory_space<vmem>>
        %dma_wait3A_69 = arith.constant 64 : i32
        %dma_wait3A_70 = arith.constant 0 : i32
        %dma_wait3A_71 = tpu.memref_slice %arg2[%arg1, %dma_wait3A_69, %dma_wait3A_70] : memref<16x157x128xi32, #tpu.memory_space<hbm>> -> memref<1x32x128xi32, #tpu.memory_space<hbm>>
        %dma_wait3A_72 = tpu.memref_squeeze %dma_wait3A_71 : memref<1x32x128xi32, #tpu.memory_space<hbm>> -> memref<32x128xi32, #tpu.memory_space<hbm>>
        %dma_wait3A_73 = arith.constant 0 : i32
        %dma_wait3A_74 = arith.constant 0 : i32
        %dma_wait3A_75 = tpu.memref_slice %arg4[%dma_wait3A_73, %dma_wait3A_74] : memref<32x128xi32, #tpu.memory_space<vmem>> -> memref<32x128xi32, #tpu.memory_space<vmem>>
        %dma_wait3A_76 = arith.constant 64 : i32
        %dma_wait3A_77 = arith.constant 0 : i32
        %dma_wait3A_78 = tpu.memref_slice %arg2[%arg1, %dma_wait3A_76, %dma_wait3A_77] : memref<16x157x128xi32, #tpu.memory_space<hbm>> -> memref<1x32x128xi32, #tpu.memory_space<hbm>>
        %dma_wait3A_79 = tpu.memref_squeeze %dma_wait3A_78 : memref<1x32x128xi32, #tpu.memory_space<hbm>> -> memref<32x128xi32, #tpu.memory_space<hbm>>
        tpu.wait_dma2 semaphore(%run_scoped3A : memref<!tpu.dma_semaphore, #tpu.memory_space<semaphore_mem>>) src(%dma_wait3A_79 : memref<32x128xi32, #tpu.memory_space<hbm>>) dst(%dma_wait3A_75 : memref<32x128xi32, #tpu.memory_space<vmem>>)
        tpu.yield
      }) : () -> ()
      %scan3A_33 = arith.constant 0 : i32
      %scan3A_34 = arith.constant 0 : i32
      %scan3A_35 = arith.constant 32 : i32
      %scan3A_36 = arith.addi %scan3A_34, %scan3A_35 : i32
      %scan3A_37 = arith.constant 1 : i32
      %scan3A_38 = scf.for %scan3A_54 = %scan3A_34 to %scan3A_36 step %scan3A_37 iter_args(%scan3A_55 = %scan3A_33) -> (i32)  : i32 {
        "tpu.region"() ({
          %run_scoped3A = tpu.sem_alloc : memref<!tpu.dma_semaphore, #tpu.memory_space<semaphore_mem>>
          %dma_start3A = arith.constant 0 : i32
          %dma_start3A_57 = tpu.memref_slice %arg5[%dma_start3A] : memref<1024xf32, #tpu.memory_space<vmem>> -> memref<128xf32, #tpu.memory_space<vmem>>
          %dma_start3A_58 = arith.constant 0 : i32
          %dma_start3A_59 = tpu.memref_slice %arg4[%scan3A_54, %dma_start3A_58] : memref<32x128xi32, #tpu.memory_space<vmem>> -> memref<1x128xi32, #tpu.memory_space<vmem>>
          %dma_start3A_60 = tpu.memref_squeeze %dma_start3A_59 : memref<1x128xi32, #tpu.memory_space<vmem>> -> memref<128xi32, #tpu.memory_space<vmem>>
          %dma_start3A_61 = arith.constant 0 : i32
          %dma_start3A_62 = tpu.memref_slice %arg7[%dma_start3A_61] : memref<10112xf32, #tpu.memory_space<vmem_shared>> -> memref<10112xf32, #tpu.memory_space<vmem_shared>>
          tpu.enqueue_indirect_dma source(%dma_start3A_57 : memref<128xf32, #tpu.memory_space<vmem>>) target(%dma_start3A_62 : memref<10112xf32, #tpu.memory_space<vmem_shared>>) offsets(%dma_start3A_60 : memref<128xi32, #tpu.memory_space<vmem>>) semaphore(%run_scoped3A : memref<!tpu.dma_semaphore, #tpu.memory_space<semaphore_mem>>) {add = true}
          %dma_wait3A = arith.constant 0 : i32
          %dma_wait3A_63 = tpu.memref_slice %arg5[%dma_wait3A] : memref<1024xf32, #tpu.memory_space<vmem>> -> memref<128xf32, #tpu.memory_space<vmem>>
          %dma_wait3A_64 = arith.constant 0 : i32
          %dma_wait3A_65 = tpu.memref_slice %arg4[%scan3A_54, %dma_wait3A_64] : memref<32x128xi32, #tpu.memory_space<vmem>> -> memref<1x128xi32, #tpu.memory_space<vmem>>
          %dma_wait3A_66 = tpu.memref_squeeze %dma_wait3A_65 : memref<1x128xi32, #tpu.memory_space<vmem>> -> memref<128xi32, #tpu.memory_space<vmem>>
          %dma_wait3A_67 = arith.constant 0 : i32
          %dma_wait3A_68 = tpu.memref_slice %arg7[%dma_wait3A_67] : memref<10112xf32, #tpu.memory_space<vmem_shared>> -> memref<10112xf32, #tpu.memory_space<vmem_shared>>
          tpu.wait_indirect_dma semaphore(%run_scoped3A : memref<!tpu.dma_semaphore, #tpu.memory_space<semaphore_mem>>) src(%dma_wait3A_63 : memref<128xf32, #tpu.memory_space<vmem>>) dst(%dma_wait3A_68 : memref<10112xf32, #tpu.memory_space<vmem_shared>>)
          tpu.yield
        }) : () -> ()
        %scan3A_56 = arith.constant 0 : i32
        scf.yield %scan3A_56 : i32
      }
      %scan3A_39 = arith.constant 32 : i32
      "tpu.region"() ({
        %run_scoped3A = tpu.sem_alloc : memref<!tpu.dma_semaphore, #tpu.memory_space<semaphore_mem>>
        %dma_start3A = arith.constant 0 : i32
        %dma_start3A_54 = arith.constant 0 : i32
        %dma_start3A_55 = tpu.memref_slice %arg4[%dma_start3A, %dma_start3A_54] : memref<32x128xi32, #tpu.memory_space<vmem>> -> memref<32x128xi32, #tpu.memory_space<vmem>>
        %dma_start3A_56 = arith.constant 96 : i32
        %dma_start3A_57 = arith.constant 0 : i32
        %dma_start3A_58 = tpu.memref_slice %arg2[%arg1, %dma_start3A_56, %dma_start3A_57] : memref<16x157x128xi32, #tpu.memory_space<hbm>> -> memref<1x32x128xi32, #tpu.memory_space<hbm>>
        %dma_start3A_59 = tpu.memref_squeeze %dma_start3A_58 : memref<1x32x128xi32, #tpu.memory_space<hbm>> -> memref<32x128xi32, #tpu.memory_space<hbm>>
        %dma_start3A_60 = arith.constant 0 : i32
        %dma_start3A_61 = arith.constant 0 : i32
        %dma_start3A_62 = tpu.memref_slice %arg4[%dma_start3A_60, %dma_start3A_61] : memref<32x128xi32, #tpu.memory_space<vmem>> -> memref<32x128xi32, #tpu.memory_space<vmem>>
        %dma_start3A_63 = arith.constant 96 : i32
        %dma_start3A_64 = arith.constant 0 : i32
        %dma_start3A_65 = tpu.memref_slice %arg2[%arg1, %dma_start3A_63, %dma_start3A_64] : memref<16x157x128xi32, #tpu.memory_space<hbm>> -> memref<1x32x128xi32, #tpu.memory_space<hbm>>
        %dma_start3A_66 = tpu.memref_squeeze %dma_start3A_65 : memref<1x32x128xi32, #tpu.memory_space<hbm>> -> memref<32x128xi32, #tpu.memory_space<hbm>>
        tpu.enqueue_dma source(%dma_start3A_66 : memref<32x128xi32, #tpu.memory_space<hbm>>) target(%dma_start3A_62 : memref<32x128xi32, #tpu.memory_space<vmem>>) target_semaphore(%run_scoped3A : memref<!tpu.dma_semaphore, #tpu.memory_space<semaphore_mem>>)
        %dma_wait3A = arith.constant 0 : i32
        %dma_wait3A_67 = arith.constant 0 : i32
        %dma_wait3A_68 = tpu.memref_slice %arg4[%dma_wait3A, %dma_wait3A_67] : memref<32x128xi32, #tpu.memory_space<vmem>> -> memref<32x128xi32, #tpu.memory_space<vmem>>
        %dma_wait3A_69 = arith.constant 96 : i32
        %dma_wait3A_70 = arith.constant 0 : i32
        %dma_wait3A_71 = tpu.memref_slice %arg2[%arg1, %dma_wait3A_69, %dma_wait3A_70] : memref<16x157x128xi32, #tpu.memory_space<hbm>> -> memref<1x32x128xi32, #tpu.memory_space<hbm>>
        %dma_wait3A_72 = tpu.memref_squeeze %dma_wait3A_71 : memref<1x32x128xi32, #tpu.memory_space<hbm>> -> memref<32x128xi32, #tpu.memory_space<hbm>>
        %dma_wait3A_73 = arith.constant 0 : i32
        %dma_wait3A_74 = arith.constant 0 : i32
        %dma_wait3A_75 = tpu.memref_slice %arg4[%dma_wait3A_73, %dma_wait3A_74] : memref<32x128xi32, #tpu.memory_space<vmem>> -> memref<32x128xi32, #tpu.memory_space<vmem>>
        %dma_wait3A_76 = arith.constant 96 : i32
        %dma_wait3A_77 = arith.constant 0 : i32
        %dma_wait3A_78 = tpu.memref_slice %arg2[%arg1, %dma_wait3A_76, %dma_wait3A_77] : memref<16x157x128xi32, #tpu.memory_space<hbm>> -> memref<1x32x128xi32, #tpu.memory_space<hbm>>
        %dma_wait3A_79 = tpu.memref_squeeze %dma_wait3A_78 : memref<1x32x128xi32, #tpu.memory_space<hbm>> -> memref<32x128xi32, #tpu.memory_space<hbm>>
        tpu.wait_dma2 semaphore(%run_scoped3A : memref<!tpu.dma_semaphore, #tpu.memory_space<semaphore_mem>>) src(%dma_wait3A_79 : memref<32x128xi32, #tpu.memory_space<hbm>>) dst(%dma_wait3A_75 : memref<32x128xi32, #tpu.memory_space<vmem>>)
        tpu.yield
      }) : () -> ()
      %scan3A_40 = arith.constant 0 : i32
      %scan3A_41 = arith.constant 0 : i32
      %scan3A_42 = arith.constant 32 : i32
      %scan3A_43 = arith.addi %scan3A_41, %scan3A_42 : i32
      %scan3A_44 = arith.constant 1 : i32
      %scan3A_45 = scf.for %scan3A_54 = %scan3A_41 to %scan3A_43 step %scan3A_44 iter_args(%scan3A_55 = %scan3A_40) -> (i32)  : i32 {
        "tpu.region"() ({
          %run_scoped3A = tpu.sem_alloc : memref<!tpu.dma_semaphore, #tpu.memory_space<semaphore_mem>>
          %dma_start3A = arith.constant 0 : i32
          %dma_start3A_57 = tpu.memref_slice %arg5[%dma_start3A] : memref<1024xf32, #tpu.memory_space<vmem>> -> memref<128xf32, #tpu.memory_space<vmem>>
          %dma_start3A_58 = arith.constant 0 : i32
          %dma_start3A_59 = tpu.memref_slice %arg4[%scan3A_54, %dma_start3A_58] : memref<32x128xi32, #tpu.memory_space<vmem>> -> memref<1x128xi32, #tpu.memory_space<vmem>>
          %dma_start3A_60 = tpu.memref_squeeze %dma_start3A_59 : memref<1x128xi32, #tpu.memory_space<vmem>> -> memref<128xi32, #tpu.memory_space<vmem>>
          %dma_start3A_61 = arith.constant 0 : i32
          %dma_start3A_62 = tpu.memref_slice %arg7[%dma_start3A_61] : memref<10112xf32, #tpu.memory_space<vmem_shared>> -> memref<10112xf32, #tpu.memory_space<vmem_shared>>
          tpu.enqueue_indirect_dma source(%dma_start3A_57 : memref<128xf32, #tpu.memory_space<vmem>>) target(%dma_start3A_62 : memref<10112xf32, #tpu.memory_space<vmem_shared>>) offsets(%dma_start3A_60 : memref<128xi32, #tpu.memory_space<vmem>>) semaphore(%run_scoped3A : memref<!tpu.dma_semaphore, #tpu.memory_space<semaphore_mem>>) {add = true}
          %dma_wait3A = arith.constant 0 : i32
          %dma_wait3A_63 = tpu.memref_slice %arg5[%dma_wait3A] : memref<1024xf32, #tpu.memory_space<vmem>> -> memref<128xf32, #tpu.memory_space<vmem>>
          %dma_wait3A_64 = arith.constant 0 : i32
          %dma_wait3A_65 = tpu.memref_slice %arg4[%scan3A_54, %dma_wait3A_64] : memref<32x128xi32, #tpu.memory_space<vmem>> -> memref<1x128xi32, #tpu.memory_space<vmem>>
          %dma_wait3A_66 = tpu.memref_squeeze %dma_wait3A_65 : memref<1x128xi32, #tpu.memory_space<vmem>> -> memref<128xi32, #tpu.memory_space<vmem>>
          %dma_wait3A_67 = arith.constant 0 : i32
          %dma_wait3A_68 = tpu.memref_slice %arg7[%dma_wait3A_67] : memref<10112xf32, #tpu.memory_space<vmem_shared>> -> memref<10112xf32, #tpu.memory_space<vmem_shared>>
          tpu.wait_indirect_dma semaphore(%run_scoped3A : memref<!tpu.dma_semaphore, #tpu.memory_space<semaphore_mem>>) src(%dma_wait3A_63 : memref<128xf32, #tpu.memory_space<vmem>>) dst(%dma_wait3A_68 : memref<10112xf32, #tpu.memory_space<vmem_shared>>)
          tpu.yield
        }) : () -> ()
        %scan3A_56 = arith.constant 0 : i32
        scf.yield %scan3A_56 : i32
      }
      %scan3A_46 = arith.constant 32 : i32
      "tpu.region"() ({
        %run_scoped3A = tpu.sem_alloc : memref<!tpu.dma_semaphore, #tpu.memory_space<semaphore_mem>>
        %dma_start3A = arith.constant 0 : i32
        %dma_start3A_54 = arith.constant 0 : i32
        %dma_start3A_55 = tpu.memref_slice %arg4[%dma_start3A, %dma_start3A_54] : memref<32x128xi32, #tpu.memory_space<vmem>> -> memref<29x128xi32, #tpu.memory_space<vmem>>
        %dma_start3A_56 = arith.constant 128 : i32
        %dma_start3A_57 = arith.constant 0 : i32
        %dma_start3A_58 = tpu.memref_slice %arg2[%arg1, %dma_start3A_56, %dma_start3A_57] : memref<16x157x128xi32, #tpu.memory_space<hbm>> -> memref<1x29x128xi32, #tpu.memory_space<hbm>>
        %dma_start3A_59 = tpu.memref_squeeze %dma_start3A_58 : memref<1x29x128xi32, #tpu.memory_space<hbm>> -> memref<29x128xi32, #tpu.memory_space<hbm>>
        %dma_start3A_60 = arith.constant 0 : i32
        %dma_start3A_61 = arith.constant 0 : i32
        %dma_start3A_62 = tpu.memref_slice %arg4[%dma_start3A_60, %dma_start3A_61] : memref<32x128xi32, #tpu.memory_space<vmem>> -> memref<29x128xi32, #tpu.memory_space<vmem>>
        %dma_start3A_63 = arith.constant 128 : i32
        %dma_start3A_64 = arith.constant 0 : i32
        %dma_start3A_65 = tpu.memref_slice %arg2[%arg1, %dma_start3A_63, %dma_start3A_64] : memref<16x157x128xi32, #tpu.memory_space<hbm>> -> memref<1x29x128xi32, #tpu.memory_space<hbm>>
        %dma_start3A_66 = tpu.memref_squeeze %dma_start3A_65 : memref<1x29x128xi32, #tpu.memory_space<hbm>> -> memref<29x128xi32, #tpu.memory_space<hbm>>
        tpu.enqueue_dma source(%dma_start3A_66 : memref<29x128xi32, #tpu.memory_space<hbm>>) target(%dma_start3A_62 : memref<29x128xi32, #tpu.memory_space<vmem>>) target_semaphore(%run_scoped3A : memref<!tpu.dma_semaphore, #tpu.memory_space<semaphore_mem>>)
        %dma_wait3A = arith.constant 0 : i32
        %dma_wait3A_67 = arith.constant 0 : i32
        %dma_wait3A_68 = tpu.memref_slice %arg4[%dma_wait3A, %dma_wait3A_67] : memref<32x128xi32, #tpu.memory_space<vmem>> -> memref<29x128xi32, #tpu.memory_space<vmem>>
        %dma_wait3A_69 = arith.constant 128 : i32
        %dma_wait3A_70 = arith.constant 0 : i32
        %dma_wait3A_71 = tpu.memref_slice %arg2[%arg1, %dma_wait3A_69, %dma_wait3A_70] : memref<16x157x128xi32, #tpu.memory_space<hbm>> -> memref<1x29x128xi32, #tpu.memory_space<hbm>>
        %dma_wait3A_72 = tpu.memref_squeeze %dma_wait3A_71 : memref<1x29x128xi32, #tpu.memory_space<hbm>> -> memref<29x128xi32, #tpu.memory_space<hbm>>
        %dma_wait3A_73 = arith.constant 0 : i32
        %dma_wait3A_74 = arith.constant 0 : i32
        %dma_wait3A_75 = tpu.memref_slice %arg4[%dma_wait3A_73, %dma_wait3A_74] : memref<32x128xi32, #tpu.memory_space<vmem>> -> memref<29x128xi32, #tpu.memory_space<vmem>>
        %dma_wait3A_76 = arith.constant 128 : i32
        %dma_wait3A_77 = arith.constant 0 : i32
        %dma_wait3A_78 = tpu.memref_slice %arg2[%arg1, %dma_wait3A_76, %dma_wait3A_77] : memref<16x157x128xi32, #tpu.memory_space<hbm>> -> memref<1x29x128xi32, #tpu.memory_space<hbm>>
        %dma_wait3A_79 = tpu.memref_squeeze %dma_wait3A_78 : memref<1x29x128xi32, #tpu.memory_space<hbm>> -> memref<29x128xi32, #tpu.memory_space<hbm>>
        tpu.wait_dma2 semaphore(%run_scoped3A : memref<!tpu.dma_semaphore, #tpu.memory_space<semaphore_mem>>) src(%dma_wait3A_79 : memref<29x128xi32, #tpu.memory_space<hbm>>) dst(%dma_wait3A_75 : memref<29x128xi32, #tpu.memory_space<vmem>>)
        tpu.yield
      }) : () -> ()
      %scan3A_47 = arith.constant 0 : i32
      %scan3A_48 = arith.constant 0 : i32
      %scan3A_49 = arith.constant 29 : i32
      %scan3A_50 = arith.addi %scan3A_48, %scan3A_49 : i32
      %scan3A_51 = arith.constant 1 : i32
      %scan3A_52 = scf.for %scan3A_54 = %scan3A_48 to %scan3A_50 step %scan3A_51 iter_args(%scan3A_55 = %scan3A_47) -> (i32)  : i32 {
        "tpu.region"() ({
          %run_scoped3A = tpu.sem_alloc : memref<!tpu.dma_semaphore, #tpu.memory_space<semaphore_mem>>
          %dma_start3A = arith.constant 0 : i32
          %dma_start3A_57 = tpu.memref_slice %arg5[%dma_start3A] : memref<1024xf32, #tpu.memory_space<vmem>> -> memref<128xf32, #tpu.memory_space<vmem>>
          %dma_start3A_58 = arith.constant 0 : i32
          %dma_start3A_59 = tpu.memref_slice %arg4[%scan3A_54, %dma_start3A_58] : memref<32x128xi32, #tpu.memory_space<vmem>> -> memref<1x128xi32, #tpu.memory_space<vmem>>
          %dma_start3A_60 = tpu.memref_squeeze %dma_start3A_59 : memref<1x128xi32, #tpu.memory_space<vmem>> -> memref<128xi32, #tpu.memory_space<vmem>>
          %dma_start3A_61 = arith.constant 0 : i32
          %dma_start3A_62 = tpu.memref_slice %arg7[%dma_start3A_61] : memref<10112xf32, #tpu.memory_space<vmem_shared>> -> memref<10112xf32, #tpu.memory_space<vmem_shared>>
          tpu.enqueue_indirect_dma source(%dma_start3A_57 : memref<128xf32, #tpu.memory_space<vmem>>) target(%dma_start3A_62 : memref<10112xf32, #tpu.memory_space<vmem_shared>>) offsets(%dma_start3A_60 : memref<128xi32, #tpu.memory_space<vmem>>) semaphore(%run_scoped3A : memref<!tpu.dma_semaphore, #tpu.memory_space<semaphore_mem>>) {add = true}
          %dma_wait3A = arith.constant 0 : i32
          %dma_wait3A_63 = tpu.memref_slice %arg5[%dma_wait3A] : memref<1024xf32, #tpu.memory_space<vmem>> -> memref<128xf32, #tpu.memory_space<vmem>>
          %dma_wait3A_64 = arith.constant 0 : i32
          %dma_wait3A_65 = tpu.memref_slice %arg4[%scan3A_54, %dma_wait3A_64] : memref<32x128xi32, #tpu.memory_space<vmem>> -> memref<1x128xi32, #tpu.memory_space<vmem>>
          %dma_wait3A_66 = tpu.memref_squeeze %dma_wait3A_65 : memref<1x128xi32, #tpu.memory_space<vmem>> -> memref<128xi32, #tpu.memory_space<vmem>>
          %dma_wait3A_67 = arith.constant 0 : i32
          %dma_wait3A_68 = tpu.memref_slice %arg7[%dma_wait3A_67] : memref<10112xf32, #tpu.memory_space<vmem_shared>> -> memref<10112xf32, #tpu.memory_space<vmem_shared>>
          tpu.wait_indirect_dma semaphore(%run_scoped3A : memref<!tpu.dma_semaphore, #tpu.memory_space<semaphore_mem>>) src(%dma_wait3A_63 : memref<128xf32, #tpu.memory_space<vmem>>) dst(%dma_wait3A_68 : memref<10112xf32, #tpu.memory_space<vmem_shared>>)
          tpu.yield
        }) : () -> ()
        %scan3A_56 = arith.constant 0 : i32
        scf.yield %scan3A_56 : i32
      }
      %scan3A_53 = arith.constant 29 : i32
    } else {
    }
    %barrier3A_12 = arith.constant 0 : index
    tpu.barrier barrier_id(%barrier3A_12)
    %lt3A_13 = arith.constant 10 : i32
    %lt3A_14 = arith.cmpi slt, %arg1, %lt3A_13 : i32
    %and3A_15 = arith.andi %eq3A_6, %lt3A_14 : i1
    %convert_element_type3A_16 = arith.extui %and3A_15 : i1 to i32
    %cond3A_17 = arith.constant 0 : i32
    %cond3A_18 = arith.cmpi ne, %convert_element_type3A_16, %cond3A_17 : i32
    scf.if %cond3A_18 {
      %mul3A = arith.constant 1000 : i32
      %mul3A_19 = arith.muli %arg1, %mul3A : i32
      "tpu.region"() ({
        %run_scoped3A = tpu.sem_alloc : memref<!tpu.dma_semaphore, #tpu.memory_space<semaphore_mem>>
        %dma_start3A = tpu.memref_slice %arg7[%mul3A_19] : memref<10112xf32, #tpu.memory_space<vmem_shared>> -> memref<1000xf32, #tpu.memory_space<vmem_shared>>
        %dma_start3A_22 = tpu.memref_slice %arg7[%mul3A_19] : memref<10112xf32, #tpu.memory_space<vmem_shared>> -> memref<1000xf32, #tpu.memory_space<vmem_shared>>
        tpu.enqueue_dma source(%dma_start3A_22 : memref<1000xf32, #tpu.memory_space<vmem_shared>>) target(%arg6 : memref<1000xf32, #tpu.memory_space<vmem>>) target_semaphore(%run_scoped3A : memref<!tpu.dma_semaphore, #tpu.memory_space<semaphore_mem>>)
        %dma_wait3A = tpu.memref_slice %arg7[%mul3A_19] : memref<10112xf32, #tpu.memory_space<vmem_shared>> -> memref<1000xf32, #tpu.memory_space<vmem_shared>>
        %dma_wait3A_23 = tpu.memref_slice %arg7[%mul3A_19] : memref<10112xf32, #tpu.memory_space<vmem_shared>> -> memref<1000xf32, #tpu.memory_space<vmem_shared>>
        tpu.wait_dma2 semaphore(%run_scoped3A : memref<!tpu.dma_semaphore, #tpu.memory_space<semaphore_mem>>) src(%dma_wait3A_23 : memref<1000xf32, #tpu.memory_space<vmem_shared>>) dst(%arg6 : memref<1000xf32, #tpu.memory_space<vmem>>)
        tpu.yield
      }) : () -> ()
      %mul3A_20 = arith.constant 1000 : i32
      %mul3A_21 = arith.muli %arg1, %mul3A_20 : i32
      "tpu.region"() ({
        %run_scoped3A = tpu.sem_alloc : memref<!tpu.dma_semaphore, #tpu.memory_space<semaphore_mem>>
        %dma_start3A = tpu.memref_slice %arg3[%mul3A_21] : memref<10000xf32, #tpu.memory_space<hbm>> -> memref<1000xf32, #tpu.memory_space<hbm>>
        %dma_start3A_22 = tpu.memref_slice %arg3[%mul3A_21] : memref<10000xf32, #tpu.memory_space<hbm>> -> memref<1000xf32, #tpu.memory_space<hbm>>
        tpu.enqueue_dma source(%arg6 : memref<1000xf32, #tpu.memory_space<vmem>>) target(%dma_start3A_22 : memref<1000xf32, #tpu.memory_space<hbm>>) target_semaphore(%run_scoped3A : memref<!tpu.dma_semaphore, #tpu.memory_space<semaphore_mem>>)
        %dma_wait3A = tpu.memref_slice %arg3[%mul3A_21] : memref<10000xf32, #tpu.memory_space<hbm>> -> memref<1000xf32, #tpu.memory_space<hbm>>
        %dma_wait3A_23 = tpu.memref_slice %arg3[%mul3A_21] : memref<10000xf32, #tpu.memory_space<hbm>> -> memref<1000xf32, #tpu.memory_space<hbm>>
        tpu.wait_dma2 semaphore(%run_scoped3A : memref<!tpu.dma_semaphore, #tpu.memory_space<semaphore_mem>>) src(%arg6 : memref<1000xf32, #tpu.memory_space<vmem>>) dst(%dma_wait3A_23 : memref<1000xf32, #tpu.memory_space<hbm>>)
        tpu.yield
      }) : () -> ()
    } else {
    }
    return
  }
}

#map = affine_map<(d0, d1) -> (0, 0)>
#map1 = affine_map<(d0, d1) -> (0, 0, 0, 0)>
#map2 = affine_map<(d0, d1) -> (0, 0, 0)>
module attributes {stable_mosaic.version = 14 : i64} {
  func.func @_agg_body(%arg0: i32, %arg1: i32, %arg2: memref<20000x128xf32, #tpu.memory_space<hbm>>, %arg3: memref<2x16x157x128xi32, #tpu.memory_space<hbm>>, %arg4: memref<16x157x128xi32, #tpu.memory_space<hbm>>, %arg5: memref<20000x128xf32, #tpu.memory_space<hbm>>, %arg6: memref<32x128xi32, #tpu.memory_space<vmem>>, %arg7: memref<32x128xi32, #tpu.memory_space<vmem>>, %arg8: memref<128x128xf32, #tpu.memory_space<vmem>>, %arg9: memref<10112x128xf32, #tpu.memory_space<vmem_shared>>, %arg10: memref<!tpu.dma_semaphore, #tpu.memory_space<semaphore_mem>>) attributes {dimension_semantics = [#tpu.dimension_semantics<core_parallel>, #tpu.dimension_semantics<subcore_parallel>], iteration_bounds = array<i64: 2, 16>, scalar_prefetch = 0 : i64, scratch_operands = 5 : i64, tpu.core_type = #tpu.core_type<sc_vector_subcore>, window_params = [{transform_indices = #map}, {transform_indices = #map1}, {transform_indices = #map2}, {transform_indices = #map}]} {
    %scan3A = arith.constant 0 : i32
    %scan3A_0 = arith.constant 0 : i32
    %scan3A_1 = arith.constant 1024 : i32
    %scan3A_2 = arith.addi %scan3A_0, %scan3A_1 : i32
    %scan3A_3 = arith.constant 1 : i32
    %scan3A_4 = scf.for %scan3A_89 = %scan3A_0 to %scan3A_2 step %scan3A_3 iter_args(%scan3A_90 = %scan3A) -> (i32)  : i32 {
      %broadcast_in_dim3A = arith.constant 0.000000e+00 : f32
      %broadcast_in_dim3A_91 = vector.broadcast %broadcast_in_dim3A : f32 to vector<16xf32>
      %jit3A = arith.constant 8 : i32
      %div3A = arith.divsi %scan3A_89, %jit3A : i32
      %sign3A = arith.constant 0 : i32
      %sign3A_92 = arith.cmpi sgt, %scan3A_89, %sign3A : i32
      %sign3A_93 = arith.extui %sign3A_92 : i1 to i32
      %sign3A_94 = arith.constant 0 : i32
      %sign3A_95 = arith.cmpi slt, %scan3A_89, %sign3A_94 : i32
      %sign3A_96 = arith.extui %sign3A_95 : i1 to i32
      %sign3A_97 = arith.subi %sign3A_93, %sign3A_96 : i32
      %sign3A_98 = arith.constant 0 : i32
      %sign3A_99 = arith.cmpi sgt, %jit3A, %sign3A_98 : i32
      %sign3A_100 = arith.extui %sign3A_99 : i1 to i32
      %sign3A_101 = arith.constant 0 : i32
      %sign3A_102 = arith.cmpi slt, %jit3A, %sign3A_101 : i32
      %sign3A_103 = arith.extui %sign3A_102 : i1 to i32
      %sign3A_104 = arith.subi %sign3A_100, %sign3A_103 : i32
      %ne3A = arith.cmpi ne, %sign3A_97, %sign3A_104 : i32
      %rem3A = arith.remsi %scan3A_89, %jit3A : i32
      %ne3A_105 = arith.constant 0 : i32
      %ne3A_106 = arith.cmpi ne, %rem3A, %ne3A_105 : i32
      %and3A = arith.andi %ne3A, %ne3A_106 : i1
      %sub3A = arith.constant 1 : i32
      %sub3A_107 = arith.subi %div3A, %sub3A : i32
      %select_n3A = arith.select %and3A, %sub3A_107, %div3A : i32
      %jit3A_108 = arith.constant 8 : i32
      %eq3A_109 = arith.constant 0 : i32
      %eq3A_110 = arith.cmpi eq, %jit3A_108, %eq3A_109 : i32
      %jit3A_111 = arith.constant 1 : i32
      %select_n3A_112 = arith.select %eq3A_110, %jit3A_111, %jit3A_108 : i32
      %rem3A_113 = arith.remsi %scan3A_89, %select_n3A_112 : i32
      %ne3A_114 = arith.constant 0 : i32
      %ne3A_115 = arith.cmpi ne, %rem3A_113, %ne3A_114 : i32
      %lt3A = arith.constant 0 : i32
      %lt3A_116 = arith.cmpi slt, %rem3A_113, %lt3A : i32
      %lt3A_117 = arith.constant 0 : i32
      %lt3A_118 = arith.cmpi slt, %select_n3A_112, %lt3A_117 : i32
      %ne3A_119 = arith.xori %lt3A_116, %lt3A_118 : i1
      %and3A_120 = arith.andi %ne3A_119, %ne3A_115 : i1
      %add3A_121 = arith.addi %rem3A_113, %select_n3A_112 : i32
      %select_n3A_122 = arith.select %and3A_120, %add3A_121, %rem3A_113 : i32
      %mul3A_123 = arith.constant 16 : i32
      %mul3A_124 = arith.muli %select_n3A_122, %mul3A_123 : i32
      %swap3A = arith.index_cast %select_n3A : i32 to index
      %swap3A_125 = arith.index_cast %mul3A_124 : i32 to index
      %swap3A_126 = tpu.vector_load %arg8[%swap3A, %swap3A_125] {strides = array<i32>} : memref<128x128xf32, #tpu.memory_space<vmem>>, vector<1x16xf32>,
      %swap3A_127 = vector.shape_cast %swap3A_126 : vector<1x16xf32> to vector<16xf32>
      %swap3A_128 = vector.shape_cast %broadcast_in_dim3A_91 : vector<16xf32> to vector<1x16xf32>
      tpu.vector_store %arg8[%swap3A, %swap3A_125], %swap3A_128 {strides = array<i32>} : memref<128x128xf32, #tpu.memory_space<vmem>>, vector<1x16xf32>,
      %scan3A_129 = arith.constant 0 : i32
      scf.yield %scan3A_129 : i32
    }
    %scan3A_5 = arith.constant 1024 : i32
    %mul3A = arith.constant 632 : i32
    %mul3A_6 = arith.muli %arg1, %mul3A : i32
    %add3A = arith.constant 0 : i32
    %add3A_7 = arith.addi %mul3A_6, %add3A : i32
    "tpu.region"() ({
      %run_scoped3A = tpu.sem_alloc : memref<!tpu.dma_semaphore, #tpu.memory_space<semaphore_mem>>
      %dma_start3A = arith.constant 0 : i32
      %dma_start3A_89 = tpu.memref_slice %arg9[%add3A_7, %dma_start3A] : memref<10112x128xf32, #tpu.memory_space<vmem_shared>> -> memref<128x128xf32, #tpu.memory_space<vmem_shared>>
      %dma_start3A_90 = arith.constant 0 : i32
      %dma_start3A_91 = tpu.memref_slice %arg9[%add3A_7, %dma_start3A_90] : memref<10112x128xf32, #tpu.memory_space<vmem_shared>> -> memref<128x128xf32, #tpu.memory_space<vmem_shared>>
      tpu.enqueue_dma source(%arg8 : memref<128x128xf32, #tpu.memory_space<vmem>>) target(%dma_start3A_91 : memref<128x128xf32, #tpu.memory_space<vmem_shared>>) target_semaphore(%run_scoped3A : memref<!tpu.dma_semaphore, #tpu.memory_space<semaphore_mem>>)
      %dma_wait3A = arith.constant 0 : i32
      %dma_wait3A_92 = tpu.memref_slice %arg9[%add3A_7, %dma_wait3A] : memref<10112x128xf32, #tpu.memory_space<vmem_shared>> -> memref<128x128xf32, #tpu.memory_space<vmem_shared>>
      %dma_wait3A_93 = arith.constant 0 : i32
      %dma_wait3A_94 = tpu.memref_slice %arg9[%add3A_7, %dma_wait3A_93] : memref<10112x128xf32, #tpu.memory_space<vmem_shared>> -> memref<128x128xf32, #tpu.memory_space<vmem_shared>>
      tpu.wait_dma2 semaphore(%run_scoped3A : memref<!tpu.dma_semaphore, #tpu.memory_space<semaphore_mem>>) src(%arg8 : memref<128x128xf32, #tpu.memory_space<vmem>>) dst(%dma_wait3A_94 : memref<128x128xf32, #tpu.memory_space<vmem_shared>>)
      tpu.yield
    }) : () -> ()
    %add3A_8 = arith.constant 128 : i32
    %add3A_9 = arith.addi %mul3A_6, %add3A_8 : i32
    "tpu.region"() ({
      %run_scoped3A = tpu.sem_alloc : memref<!tpu.dma_semaphore, #tpu.memory_space<semaphore_mem>>
      %dma_start3A = arith.constant 0 : i32
      %dma_start3A_89 = tpu.memref_slice %arg9[%add3A_9, %dma_start3A] : memref<10112x128xf32, #tpu.memory_space<vmem_shared>> -> memref<128x128xf32, #tpu.memory_space<vmem_shared>>
      %dma_start3A_90 = arith.constant 0 : i32
      %dma_start3A_91 = tpu.memref_slice %arg9[%add3A_9, %dma_start3A_90] : memref<10112x128xf32, #tpu.memory_space<vmem_shared>> -> memref<128x128xf32, #tpu.memory_space<vmem_shared>>
      tpu.enqueue_dma source(%arg8 : memref<128x128xf32, #tpu.memory_space<vmem>>) target(%dma_start3A_91 : memref<128x128xf32, #tpu.memory_space<vmem_shared>>) target_semaphore(%run_scoped3A : memref<!tpu.dma_semaphore, #tpu.memory_space<semaphore_mem>>)
      %dma_wait3A = arith.constant 0 : i32
      %dma_wait3A_92 = tpu.memref_slice %arg9[%add3A_9, %dma_wait3A] : memref<10112x128xf32, #tpu.memory_space<vmem_shared>> -> memref<128x128xf32, #tpu.memory_space<vmem_shared>>
      %dma_wait3A_93 = arith.constant 0 : i32
      %dma_wait3A_94 = tpu.memref_slice %arg9[%add3A_9, %dma_wait3A_93] : memref<10112x128xf32, #tpu.memory_space<vmem_shared>> -> memref<128x128xf32, #tpu.memory_space<vmem_shared>>
      tpu.wait_dma2 semaphore(%run_scoped3A : memref<!tpu.dma_semaphore, #tpu.memory_space<semaphore_mem>>) src(%arg8 : memref<128x128xf32, #tpu.memory_space<vmem>>) dst(%dma_wait3A_94 : memref<128x128xf32, #tpu.memory_space<vmem_shared>>)
      tpu.yield
    }) : () -> ()
    %add3A_10 = arith.constant 256 : i32
    %add3A_11 = arith.addi %mul3A_6, %add3A_10 : i32
    "tpu.region"() ({
      %run_scoped3A = tpu.sem_alloc : memref<!tpu.dma_semaphore, #tpu.memory_space<semaphore_mem>>
      %dma_start3A = arith.constant 0 : i32
      %dma_start3A_89 = tpu.memref_slice %arg9[%add3A_11, %dma_start3A] : memref<10112x128xf32, #tpu.memory_space<vmem_shared>> -> memref<128x128xf32, #tpu.memory_space<vmem_shared>>
      %dma_start3A_90 = arith.constant 0 : i32
      %dma_start3A_91 = tpu.memref_slice %arg9[%add3A_11, %dma_start3A_90] : memref<10112x128xf32, #tpu.memory_space<vmem_shared>> -> memref<128x128xf32, #tpu.memory_space<vmem_shared>>
      tpu.enqueue_dma source(%arg8 : memref<128x128xf32, #tpu.memory_space<vmem>>) target(%dma_start3A_91 : memref<128x128xf32, #tpu.memory_space<vmem_shared>>) target_semaphore(%run_scoped3A : memref<!tpu.dma_semaphore, #tpu.memory_space<semaphore_mem>>)
      %dma_wait3A = arith.constant 0 : i32
      %dma_wait3A_92 = tpu.memref_slice %arg9[%add3A_11, %dma_wait3A] : memref<10112x128xf32, #tpu.memory_space<vmem_shared>> -> memref<128x128xf32, #tpu.memory_space<vmem_shared>>
      %dma_wait3A_93 = arith.constant 0 : i32
      %dma_wait3A_94 = tpu.memref_slice %arg9[%add3A_11, %dma_wait3A_93] : memref<10112x128xf32, #tpu.memory_space<vmem_shared>> -> memref<128x128xf32, #tpu.memory_space<vmem_shared>>
      tpu.wait_dma2 semaphore(%run_scoped3A : memref<!tpu.dma_semaphore, #tpu.memory_space<semaphore_mem>>) src(%arg8 : memref<128x128xf32, #tpu.memory_space<vmem>>) dst(%dma_wait3A_94 : memref<128x128xf32, #tpu.memory_space<vmem_shared>>)
      tpu.yield
    }) : () -> ()
    %add3A_12 = arith.constant 384 : i32
    %add3A_13 = arith.addi %mul3A_6, %add3A_12 : i32
    "tpu.region"() ({
      %run_scoped3A = tpu.sem_alloc : memref<!tpu.dma_semaphore, #tpu.memory_space<semaphore_mem>>
      %dma_start3A = arith.constant 0 : i32
      %dma_start3A_89 = tpu.memref_slice %arg9[%add3A_13, %dma_start3A] : memref<10112x128xf32, #tpu.memory_space<vmem_shared>> -> memref<128x128xf32, #tpu.memory_space<vmem_shared>>
      %dma_start3A_90 = arith.constant 0 : i32
      %dma_start3A_91 = tpu.memref_slice %arg9[%add3A_13, %dma_start3A_90] : memref<10112x128xf32, #tpu.memory_space<vmem_shared>> -> memref<128x128xf32, #tpu.memory_space<vmem_shared>>
      tpu.enqueue_dma source(%arg8 : memref<128x128xf32, #tpu.memory_space<vmem>>) target(%dma_start3A_91 : memref<128x128xf32, #tpu.memory_space<vmem_shared>>) target_semaphore(%run_scoped3A : memref<!tpu.dma_semaphore, #tpu.memory_space<semaphore_mem>>)
      %dma_wait3A = arith.constant 0 : i32
      %dma_wait3A_92 = tpu.memref_slice %arg9[%add3A_13, %dma_wait3A] : memref<10112x128xf32, #tpu.memory_space<vmem_shared>> -> memref<128x128xf32, #tpu.memory_space<vmem_shared>>
      %dma_wait3A_93 = arith.constant 0 : i32
      %dma_wait3A_94 = tpu.memref_slice %arg9[%add3A_13, %dma_wait3A_93] : memref<10112x128xf32, #tpu.memory_space<vmem_shared>> -> memref<128x128xf32, #tpu.memory_space<vmem_shared>>
      tpu.wait_dma2 semaphore(%run_scoped3A : memref<!tpu.dma_semaphore, #tpu.memory_space<semaphore_mem>>) src(%arg8 : memref<128x128xf32, #tpu.memory_space<vmem>>) dst(%dma_wait3A_94 : memref<128x128xf32, #tpu.memory_space<vmem_shared>>)
      tpu.yield
    }) : () -> ()
    %add3A_14 = arith.constant 512 : i32
    %add3A_15 = arith.addi %mul3A_6, %add3A_14 : i32
    "tpu.region"() ({
      %run_scoped3A = tpu.sem_alloc : memref<!tpu.dma_semaphore, #tpu.memory_space<semaphore_mem>>
      %dma_start3A = arith.constant 0 : i32
      %dma_start3A_89 = arith.constant 0 : i32
      %dma_start3A_90 = tpu.memref_slice %arg8[%dma_start3A, %dma_start3A_89] : memref<128x128xf32, #tpu.memory_space<vmem>> -> memref<120x128xf32, #tpu.memory_space<vmem>>
      %dma_start3A_91 = arith.constant 0 : i32
      %dma_start3A_92 = tpu.memref_slice %arg9[%add3A_15, %dma_start3A_91] : memref<10112x128xf32, #tpu.memory_space<vmem_shared>> -> memref<120x128xf32, #tpu.memory_space<vmem_shared>>
      %dma_start3A_93 = arith.constant 0 : i32
      %dma_start3A_94 = tpu.memref_slice %arg9[%add3A_15, %dma_start3A_93] : memref<10112x128xf32, #tpu.memory_space<vmem_shared>> -> memref<120x128xf32, #tpu.memory_space<vmem_shared>>
      %dma_start3A_95 = arith.constant 0 : i32
      %dma_start3A_96 = arith.constant 0 : i32
      %dma_start3A_97 = tpu.memref_slice %arg8[%dma_start3A_95, %dma_start3A_96] : memref<128x128xf32, #tpu.memory_space<vmem>> -> memref<120x128xf32, #tpu.memory_space<vmem>>
      tpu.enqueue_dma source(%dma_start3A_97 : memref<120x128xf32, #tpu.memory_space<vmem>>) target(%dma_start3A_94 : memref<120x128xf32, #tpu.memory_space<vmem_shared>>) target_semaphore(%run_scoped3A : memref<!tpu.dma_semaphore, #tpu.memory_space<semaphore_mem>>)
      %dma_wait3A = arith.constant 0 : i32
      %dma_wait3A_98 = arith.constant 0 : i32
      %dma_wait3A_99 = tpu.memref_slice %arg8[%dma_wait3A, %dma_wait3A_98] : memref<128x128xf32, #tpu.memory_space<vmem>> -> memref<120x128xf32, #tpu.memory_space<vmem>>
      %dma_wait3A_100 = arith.constant 0 : i32
      %dma_wait3A_101 = tpu.memref_slice %arg9[%add3A_15, %dma_wait3A_100] : memref<10112x128xf32, #tpu.memory_space<vmem_shared>> -> memref<120x128xf32, #tpu.memory_space<vmem_shared>>
      %dma_wait3A_102 = arith.constant 0 : i32
      %dma_wait3A_103 = tpu.memref_slice %arg9[%add3A_15, %dma_wait3A_102] : memref<10112x128xf32, #tpu.memory_space<vmem_shared>> -> memref<120x128xf32, #tpu.memory_space<vmem_shared>>
      %dma_wait3A_104 = arith.constant 0 : i32
      %dma_wait3A_105 = arith.constant 0 : i32
      %dma_wait3A_106 = tpu.memref_slice %arg8[%dma_wait3A_104, %dma_wait3A_105] : memref<128x128xf32, #tpu.memory_space<vmem>> -> memref<120x128xf32, #tpu.memory_space<vmem>>
      tpu.wait_dma2 semaphore(%run_scoped3A : memref<!tpu.dma_semaphore, #tpu.memory_space<semaphore_mem>>) src(%dma_wait3A_106 : memref<120x128xf32, #tpu.memory_space<vmem>>) dst(%dma_wait3A_103 : memref<120x128xf32, #tpu.memory_space<vmem_shared>>)
      tpu.yield
    }) : () -> ()
    %barrier3A = arith.constant 0 : index
    tpu.barrier barrier_id(%barrier3A)
    "tpu.region"() ({
      %run_scoped3A = tpu.sem_alloc : memref<!tpu.dma_semaphore, #tpu.memory_space<semaphore_mem>>
      %dma_start3A = arith.constant 0 : i32
      %dma_start3A_89 = arith.constant 0 : i32
      %dma_start3A_90 = tpu.memref_slice %arg6[%dma_start3A, %dma_start3A_89] : memref<32x128xi32, #tpu.memory_space<vmem>> -> memref<32x128xi32, #tpu.memory_space<vmem>>
      %dma_start3A_91 = arith.constant 0 : i32
      %dma_start3A_92 = arith.constant 0 : i32
      %dma_start3A_93 = tpu.memref_slice %arg3[%arg0, %arg1, %dma_start3A_91, %dma_start3A_92] : memref<2x16x157x128xi32, #tpu.memory_space<hbm>> -> memref<1x1x32x128xi32, #tpu.memory_space<hbm>>
      %dma_start3A_94 = tpu.memref_squeeze %dma_start3A_93 : memref<1x1x32x128xi32, #tpu.memory_space<hbm>> -> memref<32x128xi32, #tpu.memory_space<hbm>>
      %dma_start3A_95 = arith.constant 0 : i32
      %dma_start3A_96 = arith.constant 0 : i32
      %dma_start3A_97 = tpu.memref_slice %arg6[%dma_start3A_95, %dma_start3A_96] : memref<32x128xi32, #tpu.memory_space<vmem>> -> memref<32x128xi32, #tpu.memory_space<vmem>>
      %dma_start3A_98 = arith.constant 0 : i32
      %dma_start3A_99 = arith.constant 0 : i32
      %dma_start3A_100 = tpu.memref_slice %arg3[%arg0, %arg1, %dma_start3A_98, %dma_start3A_99] : memref<2x16x157x128xi32, #tpu.memory_space<hbm>> -> memref<1x1x32x128xi32, #tpu.memory_space<hbm>>
      %dma_start3A_101 = tpu.memref_squeeze %dma_start3A_100 : memref<1x1x32x128xi32, #tpu.memory_space<hbm>> -> memref<32x128xi32, #tpu.memory_space<hbm>>
      tpu.enqueue_dma source(%dma_start3A_101 : memref<32x128xi32, #tpu.memory_space<hbm>>) target(%dma_start3A_97 : memref<32x128xi32, #tpu.memory_space<vmem>>) target_semaphore(%run_scoped3A : memref<!tpu.dma_semaphore, #tpu.memory_space<semaphore_mem>>)
      %dma_wait3A = arith.constant 0 : i32
      %dma_wait3A_102 = arith.constant 0 : i32
      %dma_wait3A_103 = tpu.memref_slice %arg6[%dma_wait3A, %dma_wait3A_102] : memref<32x128xi32, #tpu.memory_space<vmem>> -> memref<32x128xi32, #tpu.memory_space<vmem>>
      %dma_wait3A_104 = arith.constant 0 : i32
      %dma_wait3A_105 = arith.constant 0 : i32
      %dma_wait3A_106 = tpu.memref_slice %arg3[%arg0, %arg1, %dma_wait3A_104, %dma_wait3A_105] : memref<2x16x157x128xi32, #tpu.memory_space<hbm>> -> memref<1x1x32x128xi32, #tpu.memory_space<hbm>>
      %dma_wait3A_107 = tpu.memref_squeeze %dma_wait3A_106 : memref<1x1x32x128xi32, #tpu.memory_space<hbm>> -> memref<32x128xi32, #tpu.memory_space<hbm>>
      %dma_wait3A_108 = arith.constant 0 : i32
      %dma_wait3A_109 = arith.constant 0 : i32
      %dma_wait3A_110 = tpu.memref_slice %arg6[%dma_wait3A_108, %dma_wait3A_109] : memref<32x128xi32, #tpu.memory_space<vmem>> -> memref<32x128xi32, #tpu.memory_space<vmem>>
      %dma_wait3A_111 = arith.constant 0 : i32
      %dma_wait3A_112 = arith.constant 0 : i32
      %dma_wait3A_113 = tpu.memref_slice %arg3[%arg0, %arg1, %dma_wait3A_111, %dma_wait3A_112] : memref<2x16x157x128xi32, #tpu.memory_space<hbm>> -> memref<1x1x32x128xi32, #tpu.memory_space<hbm>>
      %dma_wait3A_114 = tpu.memref_squeeze %dma_wait3A_113 : memref<1x1x32x128xi32, #tpu.memory_space<hbm>> -> memref<32x128xi32, #tpu.memory_space<hbm>>
      tpu.wait_dma2 semaphore(%run_scoped3A : memref<!tpu.dma_semaphore, #tpu.memory_space<semaphore_mem>>) src(%dma_wait3A_114 : memref<32x128xi32, #tpu.memory_space<hbm>>) dst(%dma_wait3A_110 : memref<32x128xi32, #tpu.memory_space<vmem>>)
      tpu.yield
    }) : () -> ()
    "tpu.region"() ({
      %run_scoped3A = tpu.sem_alloc : memref<!tpu.dma_semaphore, #tpu.memory_space<semaphore_mem>>
      %dma_start3A = arith.constant 0 : i32
      %dma_start3A_89 = arith.constant 0 : i32
      %dma_start3A_90 = tpu.memref_slice %arg7[%dma_start3A, %dma_start3A_89] : memref<32x128xi32, #tpu.memory_space<vmem>> -> memref<32x128xi32, #tpu.memory_space<vmem>>
      %dma_start3A_91 = arith.constant 0 : i32
      %dma_start3A_92 = arith.constant 0 : i32
      %dma_start3A_93 = tpu.memref_slice %arg4[%arg1, %dma_start3A_91, %dma_start3A_92] : memref<16x157x128xi32, #tpu.memory_space<hbm>> -> memref<1x32x128xi32, #tpu.memory_space<hbm>>
      %dma_start3A_94 = tpu.memref_squeeze %dma_start3A_93 : memref<1x32x128xi32, #tpu.memory_space<hbm>> -> memref<32x128xi32, #tpu.memory_space<hbm>>
      %dma_start3A_95 = arith.constant 0 : i32
      %dma_start3A_96 = arith.constant 0 : i32
      %dma_start3A_97 = tpu.memref_slice %arg7[%dma_start3A_95, %dma_start3A_96] : memref<32x128xi32, #tpu.memory_space<vmem>> -> memref<32x128xi32, #tpu.memory_space<vmem>>
      %dma_start3A_98 = arith.constant 0 : i32
      %dma_start3A_99 = arith.constant 0 : i32
      %dma_start3A_100 = tpu.memref_slice %arg4[%arg1, %dma_start3A_98, %dma_start3A_99] : memref<16x157x128xi32, #tpu.memory_space<hbm>> -> memref<1x32x128xi32, #tpu.memory_space<hbm>>
      %dma_start3A_101 = tpu.memref_squeeze %dma_start3A_100 : memref<1x32x128xi32, #tpu.memory_space<hbm>> -> memref<32x128xi32, #tpu.memory_space<hbm>>
      tpu.enqueue_dma source(%dma_start3A_101 : memref<32x128xi32, #tpu.memory_space<hbm>>) target(%dma_start3A_97 : memref<32x128xi32, #tpu.memory_space<vmem>>) target_semaphore(%run_scoped3A : memref<!tpu.dma_semaphore, #tpu.memory_space<semaphore_mem>>)
      %dma_wait3A = arith.constant 0 : i32
      %dma_wait3A_102 = arith.constant 0 : i32
      %dma_wait3A_103 = tpu.memref_slice %arg7[%dma_wait3A, %dma_wait3A_102] : memref<32x128xi32, #tpu.memory_space<vmem>> -> memref<32x128xi32, #tpu.memory_space<vmem>>
      %dma_wait3A_104 = arith.constant 0 : i32
      %dma_wait3A_105 = arith.constant 0 : i32
      %dma_wait3A_106 = tpu.memref_slice %arg4[%arg1, %dma_wait3A_104, %dma_wait3A_105] : memref<16x157x128xi32, #tpu.memory_space<hbm>> -> memref<1x32x128xi32, #tpu.memory_space<hbm>>
      %dma_wait3A_107 = tpu.memref_squeeze %dma_wait3A_106 : memref<1x32x128xi32, #tpu.memory_space<hbm>> -> memref<32x128xi32, #tpu.memory_space<hbm>>
      %dma_wait3A_108 = arith.constant 0 : i32
      %dma_wait3A_109 = arith.constant 0 : i32
      %dma_wait3A_110 = tpu.memref_slice %arg7[%dma_wait3A_108, %dma_wait3A_109] : memref<32x128xi32, #tpu.memory_space<vmem>> -> memref<32x128xi32, #tpu.memory_space<vmem>>
      %dma_wait3A_111 = arith.constant 0 : i32
      %dma_wait3A_112 = arith.constant 0 : i32
      %dma_wait3A_113 = tpu.memref_slice %arg4[%arg1, %dma_wait3A_111, %dma_wait3A_112] : memref<16x157x128xi32, #tpu.memory_space<hbm>> -> memref<1x32x128xi32, #tpu.memory_space<hbm>>
      %dma_wait3A_114 = tpu.memref_squeeze %dma_wait3A_113 : memref<1x32x128xi32, #tpu.memory_space<hbm>> -> memref<32x128xi32, #tpu.memory_space<hbm>>
      tpu.wait_dma2 semaphore(%run_scoped3A : memref<!tpu.dma_semaphore, #tpu.memory_space<semaphore_mem>>) src(%dma_wait3A_114 : memref<32x128xi32, #tpu.memory_space<hbm>>) dst(%dma_wait3A_110 : memref<32x128xi32, #tpu.memory_space<vmem>>)
      tpu.yield
    }) : () -> ()
    %scan3A_16 = arith.constant 0 : i32
    %scan3A_17 = arith.constant 0 : i32
    %scan3A_18 = arith.constant 32 : i32
    %scan3A_19 = arith.addi %scan3A_17, %scan3A_18 : i32
    %scan3A_20 = arith.constant 1 : i32
    %scan3A_21 = scf.for %scan3A_89 = %scan3A_17 to %scan3A_19 step %scan3A_20 iter_args(%scan3A_90 = %scan3A_16) -> (i32)  : i32 {
      %dma_start3A = arith.constant 0 : i32
      %dma_start3A_91 = tpu.memref_slice %arg6[%scan3A_89, %dma_start3A] : memref<32x128xi32, #tpu.memory_space<vmem>> -> memref<1x128xi32, #tpu.memory_space<vmem>>
      %dma_start3A_92 = tpu.memref_squeeze %dma_start3A_91 : memref<1x128xi32, #tpu.memory_space<vmem>> -> memref<128xi32, #tpu.memory_space<vmem>>
      %dma_start3A_93 = arith.constant 0 : i32
      %dma_start3A_94 = arith.constant 0 : i32
      %dma_start3A_95 = tpu.memref_slice %arg2[%dma_start3A_93, %dma_start3A_94] : memref<20000x128xf32, #tpu.memory_space<hbm>> -> memref<20000x128xf32, #tpu.memory_space<hbm>>
      tpu.enqueue_indirect_dma source(%dma_start3A_95 : memref<20000x128xf32, #tpu.memory_space<hbm>>) target(%arg8 : memref<128x128xf32, #tpu.memory_space<vmem>>) offsets(%dma_start3A_92 : memref<128xi32, #tpu.memory_space<vmem>>) semaphore(%arg10 : memref<!tpu.dma_semaphore, #tpu.memory_space<semaphore_mem>>)
      %dma_wait3A = arith.constant 0 : i32
      %dma_wait3A_96 = tpu.memref_slice %arg6[%scan3A_89, %dma_wait3A] : memref<32x128xi32, #tpu.memory_space<vmem>> -> memref<1x128xi32, #tpu.memory_space<vmem>>
      %dma_wait3A_97 = tpu.memref_squeeze %dma_wait3A_96 : memref<1x128xi32, #tpu.memory_space<vmem>> -> memref<128xi32, #tpu.memory_space<vmem>>
      %dma_wait3A_98 = arith.constant 0 : i32
      %dma_wait3A_99 = arith.constant 0 : i32
      %dma_wait3A_100 = tpu.memref_slice %arg2[%dma_wait3A_98, %dma_wait3A_99] : memref<20000x128xf32, #tpu.memory_space<hbm>> -> memref<20000x128xf32, #tpu.memory_space<hbm>>
      tpu.wait_indirect_dma semaphore(%arg10 : memref<!tpu.dma_semaphore, #tpu.memory_space<semaphore_mem>>) src(%dma_wait3A_100 : memref<20000x128xf32, #tpu.memory_space<hbm>>) dst(%arg8 : memref<128x128xf32, #tpu.memory_space<vmem>>)
      "tpu.region"() ({
        %run_scoped3A = tpu.sem_alloc : memref<!tpu.dma_semaphore, #tpu.memory_space<semaphore_mem>>
        %dma_start3A_102 = arith.constant 0 : i32
        %dma_start3A_103 = tpu.memref_slice %arg7[%scan3A_89, %dma_start3A_102] : memref<32x128xi32, #tpu.memory_space<vmem>> -> memref<1x128xi32, #tpu.memory_space<vmem>>
        %dma_start3A_104 = tpu.memref_squeeze %dma_start3A_103 : memref<1x128xi32, #tpu.memory_space<vmem>> -> memref<128xi32, #tpu.memory_space<vmem>>
        %dma_start3A_105 = arith.constant 0 : i32
        %dma_start3A_106 = arith.constant 0 : i32
        %dma_start3A_107 = tpu.memref_slice %arg9[%dma_start3A_105, %dma_start3A_106] : memref<10112x128xf32, #tpu.memory_space<vmem_shared>> -> memref<10112x128xf32, #tpu.memory_space<vmem_shared>>
        tpu.enqueue_indirect_dma source(%arg8 : memref<128x128xf32, #tpu.memory_space<vmem>>) target(%dma_start3A_107 : memref<10112x128xf32, #tpu.memory_space<vmem_shared>>) offsets(%dma_start3A_104 : memref<128xi32, #tpu.memory_space<vmem>>) semaphore(%run_scoped3A : memref<!tpu.dma_semaphore, #tpu.memory_space<semaphore_mem>>) {add = true}
        %dma_wait3A_108 = arith.constant 0 : i32
        %dma_wait3A_109 = tpu.memref_slice %arg7[%scan3A_89, %dma_wait3A_108] : memref<32x128xi32, #tpu.memory_space<vmem>> -> memref<1x128xi32, #tpu.memory_space<vmem>>
        %dma_wait3A_110 = tpu.memref_squeeze %dma_wait3A_109 : memref<1x128xi32, #tpu.memory_space<vmem>> -> memref<128xi32, #tpu.memory_space<vmem>>
        %dma_wait3A_111 = arith.constant 0 : i32
        %dma_wait3A_112 = arith.constant 0 : i32
        %dma_wait3A_113 = tpu.memref_slice %arg9[%dma_wait3A_111, %dma_wait3A_112] : memref<10112x128xf32, #tpu.memory_space<vmem_shared>> -> memref<10112x128xf32, #tpu.memory_space<vmem_shared>>
        tpu.wait_indirect_dma semaphore(%run_scoped3A : memref<!tpu.dma_semaphore, #tpu.memory_space<semaphore_mem>>) src(%arg8 : memref<128x128xf32, #tpu.memory_space<vmem>>) dst(%dma_wait3A_113 : memref<10112x128xf32, #tpu.memory_space<vmem_shared>>)
        tpu.yield
      }) : () -> ()
      %scan3A_101 = arith.constant 0 : i32
      scf.yield %scan3A_101 : i32
    }
    %scan3A_22 = arith.constant 32 : i32
    "tpu.region"() ({
      %run_scoped3A = tpu.sem_alloc : memref<!tpu.dma_semaphore, #tpu.memory_space<semaphore_mem>>
      %dma_start3A = arith.constant 0 : i32
      %dma_start3A_89 = arith.constant 0 : i32
      %dma_start3A_90 = tpu.memref_slice %arg6[%dma_start3A, %dma_start3A_89] : memref<32x128xi32, #tpu.memory_space<vmem>> -> memref<32x128xi32, #tpu.memory_space<vmem>>
      %dma_start3A_91 = arith.constant 32 : i32
      %dma_start3A_92 = arith.constant 0 : i32
      %dma_start3A_93 = tpu.memref_slice %arg3[%arg0, %arg1, %dma_start3A_91, %dma_start3A_92] : memref<2x16x157x128xi32, #tpu.memory_space<hbm>> -> memref<1x1x32x128xi32, #tpu.memory_space<hbm>>
      %dma_start3A_94 = tpu.memref_squeeze %dma_start3A_93 : memref<1x1x32x128xi32, #tpu.memory_space<hbm>> -> memref<32x128xi32, #tpu.memory_space<hbm>>
      %dma_start3A_95 = arith.constant 0 : i32
      %dma_start3A_96 = arith.constant 0 : i32
      %dma_start3A_97 = tpu.memref_slice %arg6[%dma_start3A_95, %dma_start3A_96] : memref<32x128xi32, #tpu.memory_space<vmem>> -> memref<32x128xi32, #tpu.memory_space<vmem>>
      %dma_start3A_98 = arith.constant 32 : i32
      %dma_start3A_99 = arith.constant 0 : i32
      %dma_start3A_100 = tpu.memref_slice %arg3[%arg0, %arg1, %dma_start3A_98, %dma_start3A_99] : memref<2x16x157x128xi32, #tpu.memory_space<hbm>> -> memref<1x1x32x128xi32, #tpu.memory_space<hbm>>
      %dma_start3A_101 = tpu.memref_squeeze %dma_start3A_100 : memref<1x1x32x128xi32, #tpu.memory_space<hbm>> -> memref<32x128xi32, #tpu.memory_space<hbm>>
      tpu.enqueue_dma source(%dma_start3A_101 : memref<32x128xi32, #tpu.memory_space<hbm>>) target(%dma_start3A_97 : memref<32x128xi32, #tpu.memory_space<vmem>>) target_semaphore(%run_scoped3A : memref<!tpu.dma_semaphore, #tpu.memory_space<semaphore_mem>>)
      %dma_wait3A = arith.constant 0 : i32
      %dma_wait3A_102 = arith.constant 0 : i32
      %dma_wait3A_103 = tpu.memref_slice %arg6[%dma_wait3A, %dma_wait3A_102] : memref<32x128xi32, #tpu.memory_space<vmem>> -> memref<32x128xi32, #tpu.memory_space<vmem>>
      %dma_wait3A_104 = arith.constant 32 : i32
      %dma_wait3A_105 = arith.constant 0 : i32
      %dma_wait3A_106 = tpu.memref_slice %arg3[%arg0, %arg1, %dma_wait3A_104, %dma_wait3A_105] : memref<2x16x157x128xi32, #tpu.memory_space<hbm>> -> memref<1x1x32x128xi32, #tpu.memory_space<hbm>>
      %dma_wait3A_107 = tpu.memref_squeeze %dma_wait3A_106 : memref<1x1x32x128xi32, #tpu.memory_space<hbm>> -> memref<32x128xi32, #tpu.memory_space<hbm>>
      %dma_wait3A_108 = arith.constant 0 : i32
      %dma_wait3A_109 = arith.constant 0 : i32
      %dma_wait3A_110 = tpu.memref_slice %arg6[%dma_wait3A_108, %dma_wait3A_109] : memref<32x128xi32, #tpu.memory_space<vmem>> -> memref<32x128xi32, #tpu.memory_space<vmem>>
      %dma_wait3A_111 = arith.constant 32 : i32
      %dma_wait3A_112 = arith.constant 0 : i32
      %dma_wait3A_113 = tpu.memref_slice %arg3[%arg0, %arg1, %dma_wait3A_111, %dma_wait3A_112] : memref<2x16x157x128xi32, #tpu.memory_space<hbm>> -> memref<1x1x32x128xi32, #tpu.memory_space<hbm>>
      %dma_wait3A_114 = tpu.memref_squeeze %dma_wait3A_113 : memref<1x1x32x128xi32, #tpu.memory_space<hbm>> -> memref<32x128xi32, #tpu.memory_space<hbm>>
      tpu.wait_dma2 semaphore(%run_scoped3A : memref<!tpu.dma_semaphore, #tpu.memory_space<semaphore_mem>>) src(%dma_wait3A_114 : memref<32x128xi32, #tpu.memory_space<hbm>>) dst(%dma_wait3A_110 : memref<32x128xi32, #tpu.memory_space<vmem>>)
      tpu.yield
    }) : () -> ()
    "tpu.region"() ({
      %run_scoped3A = tpu.sem_alloc : memref<!tpu.dma_semaphore, #tpu.memory_space<semaphore_mem>>
      %dma_start3A = arith.constant 0 : i32
      %dma_start3A_89 = arith.constant 0 : i32
      %dma_start3A_90 = tpu.memref_slice %arg7[%dma_start3A, %dma_start3A_89] : memref<32x128xi32, #tpu.memory_space<vmem>> -> memref<32x128xi32, #tpu.memory_space<vmem>>
      %dma_start3A_91 = arith.constant 32 : i32
      %dma_start3A_92 = arith.constant 0 : i32
      %dma_start3A_93 = tpu.memref_slice %arg4[%arg1, %dma_start3A_91, %dma_start3A_92] : memref<16x157x128xi32, #tpu.memory_space<hbm>> -> memref<1x32x128xi32, #tpu.memory_space<hbm>>
      %dma_start3A_94 = tpu.memref_squeeze %dma_start3A_93 : memref<1x32x128xi32, #tpu.memory_space<hbm>> -> memref<32x128xi32, #tpu.memory_space<hbm>>
      %dma_start3A_95 = arith.constant 0 : i32
      %dma_start3A_96 = arith.constant 0 : i32
      %dma_start3A_97 = tpu.memref_slice %arg7[%dma_start3A_95, %dma_start3A_96] : memref<32x128xi32, #tpu.memory_space<vmem>> -> memref<32x128xi32, #tpu.memory_space<vmem>>
      %dma_start3A_98 = arith.constant 32 : i32
      %dma_start3A_99 = arith.constant 0 : i32
      %dma_start3A_100 = tpu.memref_slice %arg4[%arg1, %dma_start3A_98, %dma_start3A_99] : memref<16x157x128xi32, #tpu.memory_space<hbm>> -> memref<1x32x128xi32, #tpu.memory_space<hbm>>
      %dma_start3A_101 = tpu.memref_squeeze %dma_start3A_100 : memref<1x32x128xi32, #tpu.memory_space<hbm>> -> memref<32x128xi32, #tpu.memory_space<hbm>>
      tpu.enqueue_dma source(%dma_start3A_101 : memref<32x128xi32, #tpu.memory_space<hbm>>) target(%dma_start3A_97 : memref<32x128xi32, #tpu.memory_space<vmem>>) target_semaphore(%run_scoped3A : memref<!tpu.dma_semaphore, #tpu.memory_space<semaphore_mem>>)
      %dma_wait3A = arith.constant 0 : i32
      %dma_wait3A_102 = arith.constant 0 : i32
      %dma_wait3A_103 = tpu.memref_slice %arg7[%dma_wait3A, %dma_wait3A_102] : memref<32x128xi32, #tpu.memory_space<vmem>> -> memref<32x128xi32, #tpu.memory_space<vmem>>
      %dma_wait3A_104 = arith.constant 32 : i32
      %dma_wait3A_105 = arith.constant 0 : i32
      %dma_wait3A_106 = tpu.memref_slice %arg4[%arg1, %dma_wait3A_104, %dma_wait3A_105] : memref<16x157x128xi32, #tpu.memory_space<hbm>> -> memref<1x32x128xi32, #tpu.memory_space<hbm>>
      %dma_wait3A_107 = tpu.memref_squeeze %dma_wait3A_106 : memref<1x32x128xi32, #tpu.memory_space<hbm>> -> memref<32x128xi32, #tpu.memory_space<hbm>>
      %dma_wait3A_108 = arith.constant 0 : i32
      %dma_wait3A_109 = arith.constant 0 : i32
      %dma_wait3A_110 = tpu.memref_slice %arg7[%dma_wait3A_108, %dma_wait3A_109] : memref<32x128xi32, #tpu.memory_space<vmem>> -> memref<32x128xi32, #tpu.memory_space<vmem>>
      %dma_wait3A_111 = arith.constant 32 : i32
      %dma_wait3A_112 = arith.constant 0 : i32
      %dma_wait3A_113 = tpu.memref_slice %arg4[%arg1, %dma_wait3A_111, %dma_wait3A_112] : memref<16x157x128xi32, #tpu.memory_space<hbm>> -> memref<1x32x128xi32, #tpu.memory_space<hbm>>
      %dma_wait3A_114 = tpu.memref_squeeze %dma_wait3A_113 : memref<1x32x128xi32, #tpu.memory_space<hbm>> -> memref<32x128xi32, #tpu.memory_space<hbm>>
      tpu.wait_dma2 semaphore(%run_scoped3A : memref<!tpu.dma_semaphore, #tpu.memory_space<semaphore_mem>>) src(%dma_wait3A_114 : memref<32x128xi32, #tpu.memory_space<hbm>>) dst(%dma_wait3A_110 : memref<32x128xi32, #tpu.memory_space<vmem>>)
      tpu.yield
    }) : () -> ()
    %scan3A_23 = arith.constant 0 : i32
    %scan3A_24 = arith.constant 0 : i32
    %scan3A_25 = arith.constant 32 : i32
    %scan3A_26 = arith.addi %scan3A_24, %scan3A_25 : i32
    %scan3A_27 = arith.constant 1 : i32
    %scan3A_28 = scf.for %scan3A_89 = %scan3A_24 to %scan3A_26 step %scan3A_27 iter_args(%scan3A_90 = %scan3A_23) -> (i32)  : i32 {
      %dma_start3A = arith.constant 0 : i32
      %dma_start3A_91 = tpu.memref_slice %arg6[%scan3A_89, %dma_start3A] : memref<32x128xi32, #tpu.memory_space<vmem>> -> memref<1x128xi32, #tpu.memory_space<vmem>>
      %dma_start3A_92 = tpu.memref_squeeze %dma_start3A_91 : memref<1x128xi32, #tpu.memory_space<vmem>> -> memref<128xi32, #tpu.memory_space<vmem>>
      %dma_start3A_93 = arith.constant 0 : i32
      %dma_start3A_94 = arith.constant 0 : i32
      %dma_start3A_95 = tpu.memref_slice %arg2[%dma_start3A_93, %dma_start3A_94] : memref<20000x128xf32, #tpu.memory_space<hbm>> -> memref<20000x128xf32, #tpu.memory_space<hbm>>
      tpu.enqueue_indirect_dma source(%dma_start3A_95 : memref<20000x128xf32, #tpu.memory_space<hbm>>) target(%arg8 : memref<128x128xf32, #tpu.memory_space<vmem>>) offsets(%dma_start3A_92 : memref<128xi32, #tpu.memory_space<vmem>>) semaphore(%arg10 : memref<!tpu.dma_semaphore, #tpu.memory_space<semaphore_mem>>)
      %dma_wait3A = arith.constant 0 : i32
      %dma_wait3A_96 = tpu.memref_slice %arg6[%scan3A_89, %dma_wait3A] : memref<32x128xi32, #tpu.memory_space<vmem>> -> memref<1x128xi32, #tpu.memory_space<vmem>>
      %dma_wait3A_97 = tpu.memref_squeeze %dma_wait3A_96 : memref<1x128xi32, #tpu.memory_space<vmem>> -> memref<128xi32, #tpu.memory_space<vmem>>
      %dma_wait3A_98 = arith.constant 0 : i32
      %dma_wait3A_99 = arith.constant 0 : i32
      %dma_wait3A_100 = tpu.memref_slice %arg2[%dma_wait3A_98, %dma_wait3A_99] : memref<20000x128xf32, #tpu.memory_space<hbm>> -> memref<20000x128xf32, #tpu.memory_space<hbm>>
      tpu.wait_indirect_dma semaphore(%arg10 : memref<!tpu.dma_semaphore, #tpu.memory_space<semaphore_mem>>) src(%dma_wait3A_100 : memref<20000x128xf32, #tpu.memory_space<hbm>>) dst(%arg8 : memref<128x128xf32, #tpu.memory_space<vmem>>)
      "tpu.region"() ({
        %run_scoped3A = tpu.sem_alloc : memref<!tpu.dma_semaphore, #tpu.memory_space<semaphore_mem>>
        %dma_start3A_102 = arith.constant 0 : i32
        %dma_start3A_103 = tpu.memref_slice %arg7[%scan3A_89, %dma_start3A_102] : memref<32x128xi32, #tpu.memory_space<vmem>> -> memref<1x128xi32, #tpu.memory_space<vmem>>
        %dma_start3A_104 = tpu.memref_squeeze %dma_start3A_103 : memref<1x128xi32, #tpu.memory_space<vmem>> -> memref<128xi32, #tpu.memory_space<vmem>>
        %dma_start3A_105 = arith.constant 0 : i32
        %dma_start3A_106 = arith.constant 0 : i32
        %dma_start3A_107 = tpu.memref_slice %arg9[%dma_start3A_105, %dma_start3A_106] : memref<10112x128xf32, #tpu.memory_space<vmem_shared>> -> memref<10112x128xf32, #tpu.memory_space<vmem_shared>>
        tpu.enqueue_indirect_dma source(%arg8 : memref<128x128xf32, #tpu.memory_space<vmem>>) target(%dma_start3A_107 : memref<10112x128xf32, #tpu.memory_space<vmem_shared>>) offsets(%dma_start3A_104 : memref<128xi32, #tpu.memory_space<vmem>>) semaphore(%run_scoped3A : memref<!tpu.dma_semaphore, #tpu.memory_space<semaphore_mem>>) {add = true}
        %dma_wait3A_108 = arith.constant 0 : i32
        %dma_wait3A_109 = tpu.memref_slice %arg7[%scan3A_89, %dma_wait3A_108] : memref<32x128xi32, #tpu.memory_space<vmem>> -> memref<1x128xi32, #tpu.memory_space<vmem>>
        %dma_wait3A_110 = tpu.memref_squeeze %dma_wait3A_109 : memref<1x128xi32, #tpu.memory_space<vmem>> -> memref<128xi32, #tpu.memory_space<vmem>>
        %dma_wait3A_111 = arith.constant 0 : i32
        %dma_wait3A_112 = arith.constant 0 : i32
        %dma_wait3A_113 = tpu.memref_slice %arg9[%dma_wait3A_111, %dma_wait3A_112] : memref<10112x128xf32, #tpu.memory_space<vmem_shared>> -> memref<10112x128xf32, #tpu.memory_space<vmem_shared>>
        tpu.wait_indirect_dma semaphore(%run_scoped3A : memref<!tpu.dma_semaphore, #tpu.memory_space<semaphore_mem>>) src(%arg8 : memref<128x128xf32, #tpu.memory_space<vmem>>) dst(%dma_wait3A_113 : memref<10112x128xf32, #tpu.memory_space<vmem_shared>>)
        tpu.yield
      }) : () -> ()
      %scan3A_101 = arith.constant 0 : i32
      scf.yield %scan3A_101 : i32
    }
    %scan3A_29 = arith.constant 32 : i32
    "tpu.region"() ({
      %run_scoped3A = tpu.sem_alloc : memref<!tpu.dma_semaphore, #tpu.memory_space<semaphore_mem>>
      %dma_start3A = arith.constant 0 : i32
      %dma_start3A_89 = arith.constant 0 : i32
      %dma_start3A_90 = tpu.memref_slice %arg6[%dma_start3A, %dma_start3A_89] : memref<32x128xi32, #tpu.memory_space<vmem>> -> memref<32x128xi32, #tpu.memory_space<vmem>>
      %dma_start3A_91 = arith.constant 64 : i32
      %dma_start3A_92 = arith.constant 0 : i32
      %dma_start3A_93 = tpu.memref_slice %arg3[%arg0, %arg1, %dma_start3A_91, %dma_start3A_92] : memref<2x16x157x128xi32, #tpu.memory_space<hbm>> -> memref<1x1x32x128xi32, #tpu.memory_space<hbm>>
      %dma_start3A_94 = tpu.memref_squeeze %dma_start3A_93 : memref<1x1x32x128xi32, #tpu.memory_space<hbm>> -> memref<32x128xi32, #tpu.memory_space<hbm>>
      %dma_start3A_95 = arith.constant 0 : i32
      %dma_start3A_96 = arith.constant 0 : i32
      %dma_start3A_97 = tpu.memref_slice %arg6[%dma_start3A_95, %dma_start3A_96] : memref<32x128xi32, #tpu.memory_space<vmem>> -> memref<32x128xi32, #tpu.memory_space<vmem>>
      %dma_start3A_98 = arith.constant 64 : i32
      %dma_start3A_99 = arith.constant 0 : i32
      %dma_start3A_100 = tpu.memref_slice %arg3[%arg0, %arg1, %dma_start3A_98, %dma_start3A_99] : memref<2x16x157x128xi32, #tpu.memory_space<hbm>> -> memref<1x1x32x128xi32, #tpu.memory_space<hbm>>
      %dma_start3A_101 = tpu.memref_squeeze %dma_start3A_100 : memref<1x1x32x128xi32, #tpu.memory_space<hbm>> -> memref<32x128xi32, #tpu.memory_space<hbm>>
      tpu.enqueue_dma source(%dma_start3A_101 : memref<32x128xi32, #tpu.memory_space<hbm>>) target(%dma_start3A_97 : memref<32x128xi32, #tpu.memory_space<vmem>>) target_semaphore(%run_scoped3A : memref<!tpu.dma_semaphore, #tpu.memory_space<semaphore_mem>>)
      %dma_wait3A = arith.constant 0 : i32
      %dma_wait3A_102 = arith.constant 0 : i32
      %dma_wait3A_103 = tpu.memref_slice %arg6[%dma_wait3A, %dma_wait3A_102] : memref<32x128xi32, #tpu.memory_space<vmem>> -> memref<32x128xi32, #tpu.memory_space<vmem>>
      %dma_wait3A_104 = arith.constant 64 : i32
      %dma_wait3A_105 = arith.constant 0 : i32
      %dma_wait3A_106 = tpu.memref_slice %arg3[%arg0, %arg1, %dma_wait3A_104, %dma_wait3A_105] : memref<2x16x157x128xi32, #tpu.memory_space<hbm>> -> memref<1x1x32x128xi32, #tpu.memory_space<hbm>>
      %dma_wait3A_107 = tpu.memref_squeeze %dma_wait3A_106 : memref<1x1x32x128xi32, #tpu.memory_space<hbm>> -> memref<32x128xi32, #tpu.memory_space<hbm>>
      %dma_wait3A_108 = arith.constant 0 : i32
      %dma_wait3A_109 = arith.constant 0 : i32
      %dma_wait3A_110 = tpu.memref_slice %arg6[%dma_wait3A_108, %dma_wait3A_109] : memref<32x128xi32, #tpu.memory_space<vmem>> -> memref<32x128xi32, #tpu.memory_space<vmem>>
      %dma_wait3A_111 = arith.constant 64 : i32
      %dma_wait3A_112 = arith.constant 0 : i32
      %dma_wait3A_113 = tpu.memref_slice %arg3[%arg0, %arg1, %dma_wait3A_111, %dma_wait3A_112] : memref<2x16x157x128xi32, #tpu.memory_space<hbm>> -> memref<1x1x32x128xi32, #tpu.memory_space<hbm>>
      %dma_wait3A_114 = tpu.memref_squeeze %dma_wait3A_113 : memref<1x1x32x128xi32, #tpu.memory_space<hbm>> -> memref<32x128xi32, #tpu.memory_space<hbm>>
      tpu.wait_dma2 semaphore(%run_scoped3A : memref<!tpu.dma_semaphore, #tpu.memory_space<semaphore_mem>>) src(%dma_wait3A_114 : memref<32x128xi32, #tpu.memory_space<hbm>>) dst(%dma_wait3A_110 : memref<32x128xi32, #tpu.memory_space<vmem>>)
      tpu.yield
    }) : () -> ()
    "tpu.region"() ({
      %run_scoped3A = tpu.sem_alloc : memref<!tpu.dma_semaphore, #tpu.memory_space<semaphore_mem>>
      %dma_start3A = arith.constant 0 : i32
      %dma_start3A_89 = arith.constant 0 : i32
      %dma_start3A_90 = tpu.memref_slice %arg7[%dma_start3A, %dma_start3A_89] : memref<32x128xi32, #tpu.memory_space<vmem>> -> memref<32x128xi32, #tpu.memory_space<vmem>>
      %dma_start3A_91 = arith.constant 64 : i32
      %dma_start3A_92 = arith.constant 0 : i32
      %dma_start3A_93 = tpu.memref_slice %arg4[%arg1, %dma_start3A_91, %dma_start3A_92] : memref<16x157x128xi32, #tpu.memory_space<hbm>> -> memref<1x32x128xi32, #tpu.memory_space<hbm>>
      %dma_start3A_94 = tpu.memref_squeeze %dma_start3A_93 : memref<1x32x128xi32, #tpu.memory_space<hbm>> -> memref<32x128xi32, #tpu.memory_space<hbm>>
      %dma_start3A_95 = arith.constant 0 : i32
      %dma_start3A_96 = arith.constant 0 : i32
      %dma_start3A_97 = tpu.memref_slice %arg7[%dma_start3A_95, %dma_start3A_96] : memref<32x128xi32, #tpu.memory_space<vmem>> -> memref<32x128xi32, #tpu.memory_space<vmem>>
      %dma_start3A_98 = arith.constant 64 : i32
      %dma_start3A_99 = arith.constant 0 : i32
      %dma_start3A_100 = tpu.memref_slice %arg4[%arg1, %dma_start3A_98, %dma_start3A_99] : memref<16x157x128xi32, #tpu.memory_space<hbm>> -> memref<1x32x128xi32, #tpu.memory_space<hbm>>
      %dma_start3A_101 = tpu.memref_squeeze %dma_start3A_100 : memref<1x32x128xi32, #tpu.memory_space<hbm>> -> memref<32x128xi32, #tpu.memory_space<hbm>>
      tpu.enqueue_dma source(%dma_start3A_101 : memref<32x128xi32, #tpu.memory_space<hbm>>) target(%dma_start3A_97 : memref<32x128xi32, #tpu.memory_space<vmem>>) target_semaphore(%run_scoped3A : memref<!tpu.dma_semaphore, #tpu.memory_space<semaphore_mem>>)
      %dma_wait3A = arith.constant 0 : i32
      %dma_wait3A_102 = arith.constant 0 : i32
      %dma_wait3A_103 = tpu.memref_slice %arg7[%dma_wait3A, %dma_wait3A_102] : memref<32x128xi32, #tpu.memory_space<vmem>> -> memref<32x128xi32, #tpu.memory_space<vmem>>
      %dma_wait3A_104 = arith.constant 64 : i32
      %dma_wait3A_105 = arith.constant 0 : i32
      %dma_wait3A_106 = tpu.memref_slice %arg4[%arg1, %dma_wait3A_104, %dma_wait3A_105] : memref<16x157x128xi32, #tpu.memory_space<hbm>> -> memref<1x32x128xi32, #tpu.memory_space<hbm>>
      %dma_wait3A_107 = tpu.memref_squeeze %dma_wait3A_106 : memref<1x32x128xi32, #tpu.memory_space<hbm>> -> memref<32x128xi32, #tpu.memory_space<hbm>>
      %dma_wait3A_108 = arith.constant 0 : i32
      %dma_wait3A_109 = arith.constant 0 : i32
      %dma_wait3A_110 = tpu.memref_slice %arg7[%dma_wait3A_108, %dma_wait3A_109] : memref<32x128xi32, #tpu.memory_space<vmem>> -> memref<32x128xi32, #tpu.memory_space<vmem>>
      %dma_wait3A_111 = arith.constant 64 : i32
      %dma_wait3A_112 = arith.constant 0 : i32
      %dma_wait3A_113 = tpu.memref_slice %arg4[%arg1, %dma_wait3A_111, %dma_wait3A_112] : memref<16x157x128xi32, #tpu.memory_space<hbm>> -> memref<1x32x128xi32, #tpu.memory_space<hbm>>
      %dma_wait3A_114 = tpu.memref_squeeze %dma_wait3A_113 : memref<1x32x128xi32, #tpu.memory_space<hbm>> -> memref<32x128xi32, #tpu.memory_space<hbm>>
      tpu.wait_dma2 semaphore(%run_scoped3A : memref<!tpu.dma_semaphore, #tpu.memory_space<semaphore_mem>>) src(%dma_wait3A_114 : memref<32x128xi32, #tpu.memory_space<hbm>>) dst(%dma_wait3A_110 : memref<32x128xi32, #tpu.memory_space<vmem>>)
      tpu.yield
    }) : () -> ()
    %scan3A_30 = arith.constant 0 : i32
    %scan3A_31 = arith.constant 0 : i32
    %scan3A_32 = arith.constant 32 : i32
    %scan3A_33 = arith.addi %scan3A_31, %scan3A_32 : i32
    %scan3A_34 = arith.constant 1 : i32
    %scan3A_35 = scf.for %scan3A_89 = %scan3A_31 to %scan3A_33 step %scan3A_34 iter_args(%scan3A_90 = %scan3A_30) -> (i32)  : i32 {
      %dma_start3A = arith.constant 0 : i32
      %dma_start3A_91 = tpu.memref_slice %arg6[%scan3A_89, %dma_start3A] : memref<32x128xi32, #tpu.memory_space<vmem>> -> memref<1x128xi32, #tpu.memory_space<vmem>>
      %dma_start3A_92 = tpu.memref_squeeze %dma_start3A_91 : memref<1x128xi32, #tpu.memory_space<vmem>> -> memref<128xi32, #tpu.memory_space<vmem>>
      %dma_start3A_93 = arith.constant 0 : i32
      %dma_start3A_94 = arith.constant 0 : i32
      %dma_start3A_95 = tpu.memref_slice %arg2[%dma_start3A_93, %dma_start3A_94] : memref<20000x128xf32, #tpu.memory_space<hbm>> -> memref<20000x128xf32, #tpu.memory_space<hbm>>
      tpu.enqueue_indirect_dma source(%dma_start3A_95 : memref<20000x128xf32, #tpu.memory_space<hbm>>) target(%arg8 : memref<128x128xf32, #tpu.memory_space<vmem>>) offsets(%dma_start3A_92 : memref<128xi32, #tpu.memory_space<vmem>>) semaphore(%arg10 : memref<!tpu.dma_semaphore, #tpu.memory_space<semaphore_mem>>)
      %dma_wait3A = arith.constant 0 : i32
      %dma_wait3A_96 = tpu.memref_slice %arg6[%scan3A_89, %dma_wait3A] : memref<32x128xi32, #tpu.memory_space<vmem>> -> memref<1x128xi32, #tpu.memory_space<vmem>>
      %dma_wait3A_97 = tpu.memref_squeeze %dma_wait3A_96 : memref<1x128xi32, #tpu.memory_space<vmem>> -> memref<128xi32, #tpu.memory_space<vmem>>
      %dma_wait3A_98 = arith.constant 0 : i32
      %dma_wait3A_99 = arith.constant 0 : i32
      %dma_wait3A_100 = tpu.memref_slice %arg2[%dma_wait3A_98, %dma_wait3A_99] : memref<20000x128xf32, #tpu.memory_space<hbm>> -> memref<20000x128xf32, #tpu.memory_space<hbm>>
      tpu.wait_indirect_dma semaphore(%arg10 : memref<!tpu.dma_semaphore, #tpu.memory_space<semaphore_mem>>) src(%dma_wait3A_100 : memref<20000x128xf32, #tpu.memory_space<hbm>>) dst(%arg8 : memref<128x128xf32, #tpu.memory_space<vmem>>)
      "tpu.region"() ({
        %run_scoped3A = tpu.sem_alloc : memref<!tpu.dma_semaphore, #tpu.memory_space<semaphore_mem>>
        %dma_start3A_102 = arith.constant 0 : i32
        %dma_start3A_103 = tpu.memref_slice %arg7[%scan3A_89, %dma_start3A_102] : memref<32x128xi32, #tpu.memory_space<vmem>> -> memref<1x128xi32, #tpu.memory_space<vmem>>
        %dma_start3A_104 = tpu.memref_squeeze %dma_start3A_103 : memref<1x128xi32, #tpu.memory_space<vmem>> -> memref<128xi32, #tpu.memory_space<vmem>>
        %dma_start3A_105 = arith.constant 0 : i32
        %dma_start3A_106 = arith.constant 0 : i32
        %dma_start3A_107 = tpu.memref_slice %arg9[%dma_start3A_105, %dma_start3A_106] : memref<10112x128xf32, #tpu.memory_space<vmem_shared>> -> memref<10112x128xf32, #tpu.memory_space<vmem_shared>>
        tpu.enqueue_indirect_dma source(%arg8 : memref<128x128xf32, #tpu.memory_space<vmem>>) target(%dma_start3A_107 : memref<10112x128xf32, #tpu.memory_space<vmem_shared>>) offsets(%dma_start3A_104 : memref<128xi32, #tpu.memory_space<vmem>>) semaphore(%run_scoped3A : memref<!tpu.dma_semaphore, #tpu.memory_space<semaphore_mem>>) {add = true}
        %dma_wait3A_108 = arith.constant 0 : i32
        %dma_wait3A_109 = tpu.memref_slice %arg7[%scan3A_89, %dma_wait3A_108] : memref<32x128xi32, #tpu.memory_space<vmem>> -> memref<1x128xi32, #tpu.memory_space<vmem>>
        %dma_wait3A_110 = tpu.memref_squeeze %dma_wait3A_109 : memref<1x128xi32, #tpu.memory_space<vmem>> -> memref<128xi32, #tpu.memory_space<vmem>>
        %dma_wait3A_111 = arith.constant 0 : i32
        %dma_wait3A_112 = arith.constant 0 : i32
        %dma_wait3A_113 = tpu.memref_slice %arg9[%dma_wait3A_111, %dma_wait3A_112] : memref<10112x128xf32, #tpu.memory_space<vmem_shared>> -> memref<10112x128xf32, #tpu.memory_space<vmem_shared>>
        tpu.wait_indirect_dma semaphore(%run_scoped3A : memref<!tpu.dma_semaphore, #tpu.memory_space<semaphore_mem>>) src(%arg8 : memref<128x128xf32, #tpu.memory_space<vmem>>) dst(%dma_wait3A_113 : memref<10112x128xf32, #tpu.memory_space<vmem_shared>>)
        tpu.yield
      }) : () -> ()
      %scan3A_101 = arith.constant 0 : i32
      scf.yield %scan3A_101 : i32
    }
    %scan3A_36 = arith.constant 32 : i32
    "tpu.region"() ({
      %run_scoped3A = tpu.sem_alloc : memref<!tpu.dma_semaphore, #tpu.memory_space<semaphore_mem>>
      %dma_start3A = arith.constant 0 : i32
      %dma_start3A_89 = arith.constant 0 : i32
      %dma_start3A_90 = tpu.memref_slice %arg6[%dma_start3A, %dma_start3A_89] : memref<32x128xi32, #tpu.memory_space<vmem>> -> memref<32x128xi32, #tpu.memory_space<vmem>>
      %dma_start3A_91 = arith.constant 96 : i32
      %dma_start3A_92 = arith.constant 0 : i32
      %dma_start3A_93 = tpu.memref_slice %arg3[%arg0, %arg1, %dma_start3A_91, %dma_start3A_92] : memref<2x16x157x128xi32, #tpu.memory_space<hbm>> -> memref<1x1x32x128xi32, #tpu.memory_space<hbm>>
      %dma_start3A_94 = tpu.memref_squeeze %dma_start3A_93 : memref<1x1x32x128xi32, #tpu.memory_space<hbm>> -> memref<32x128xi32, #tpu.memory_space<hbm>>
      %dma_start3A_95 = arith.constant 0 : i32
      %dma_start3A_96 = arith.constant 0 : i32
      %dma_start3A_97 = tpu.memref_slice %arg6[%dma_start3A_95, %dma_start3A_96] : memref<32x128xi32, #tpu.memory_space<vmem>> -> memref<32x128xi32, #tpu.memory_space<vmem>>
      %dma_start3A_98 = arith.constant 96 : i32
      %dma_start3A_99 = arith.constant 0 : i32
      %dma_start3A_100 = tpu.memref_slice %arg3[%arg0, %arg1, %dma_start3A_98, %dma_start3A_99] : memref<2x16x157x128xi32, #tpu.memory_space<hbm>> -> memref<1x1x32x128xi32, #tpu.memory_space<hbm>>
      %dma_start3A_101 = tpu.memref_squeeze %dma_start3A_100 : memref<1x1x32x128xi32, #tpu.memory_space<hbm>> -> memref<32x128xi32, #tpu.memory_space<hbm>>
      tpu.enqueue_dma source(%dma_start3A_101 : memref<32x128xi32, #tpu.memory_space<hbm>>) target(%dma_start3A_97 : memref<32x128xi32, #tpu.memory_space<vmem>>) target_semaphore(%run_scoped3A : memref<!tpu.dma_semaphore, #tpu.memory_space<semaphore_mem>>)
      %dma_wait3A = arith.constant 0 : i32
      %dma_wait3A_102 = arith.constant 0 : i32
      %dma_wait3A_103 = tpu.memref_slice %arg6[%dma_wait3A, %dma_wait3A_102] : memref<32x128xi32, #tpu.memory_space<vmem>> -> memref<32x128xi32, #tpu.memory_space<vmem>>
      %dma_wait3A_104 = arith.constant 96 : i32
      %dma_wait3A_105 = arith.constant 0 : i32
      %dma_wait3A_106 = tpu.memref_slice %arg3[%arg0, %arg1, %dma_wait3A_104, %dma_wait3A_105] : memref<2x16x157x128xi32, #tpu.memory_space<hbm>> -> memref<1x1x32x128xi32, #tpu.memory_space<hbm>>
      %dma_wait3A_107 = tpu.memref_squeeze %dma_wait3A_106 : memref<1x1x32x128xi32, #tpu.memory_space<hbm>> -> memref<32x128xi32, #tpu.memory_space<hbm>>
      %dma_wait3A_108 = arith.constant 0 : i32
      %dma_wait3A_109 = arith.constant 0 : i32
      %dma_wait3A_110 = tpu.memref_slice %arg6[%dma_wait3A_108, %dma_wait3A_109] : memref<32x128xi32, #tpu.memory_space<vmem>> -> memref<32x128xi32, #tpu.memory_space<vmem>>
      %dma_wait3A_111 = arith.constant 96 : i32
      %dma_wait3A_112 = arith.constant 0 : i32
      %dma_wait3A_113 = tpu.memref_slice %arg3[%arg0, %arg1, %dma_wait3A_111, %dma_wait3A_112] : memref<2x16x157x128xi32, #tpu.memory_space<hbm>> -> memref<1x1x32x128xi32, #tpu.memory_space<hbm>>
      %dma_wait3A_114 = tpu.memref_squeeze %dma_wait3A_113 : memref<1x1x32x128xi32, #tpu.memory_space<hbm>> -> memref<32x128xi32, #tpu.memory_space<hbm>>
      tpu.wait_dma2 semaphore(%run_scoped3A : memref<!tpu.dma_semaphore, #tpu.memory_space<semaphore_mem>>) src(%dma_wait3A_114 : memref<32x128xi32, #tpu.memory_space<hbm>>) dst(%dma_wait3A_110 : memref<32x128xi32, #tpu.memory_space<vmem>>)
      tpu.yield
    }) : () -> ()
    "tpu.region"() ({
      %run_scoped3A = tpu.sem_alloc : memref<!tpu.dma_semaphore, #tpu.memory_space<semaphore_mem>>
      %dma_start3A = arith.constant 0 : i32
      %dma_start3A_89 = arith.constant 0 : i32
      %dma_start3A_90 = tpu.memref_slice %arg7[%dma_start3A, %dma_start3A_89] : memref<32x128xi32, #tpu.memory_space<vmem>> -> memref<32x128xi32, #tpu.memory_space<vmem>>
      %dma_start3A_91 = arith.constant 96 : i32
      %dma_start3A_92 = arith.constant 0 : i32
      %dma_start3A_93 = tpu.memref_slice %arg4[%arg1, %dma_start3A_91, %dma_start3A_92] : memref<16x157x128xi32, #tpu.memory_space<hbm>> -> memref<1x32x128xi32, #tpu.memory_space<hbm>>
      %dma_start3A_94 = tpu.memref_squeeze %dma_start3A_93 : memref<1x32x128xi32, #tpu.memory_space<hbm>> -> memref<32x128xi32, #tpu.memory_space<hbm>>
      %dma_start3A_95 = arith.constant 0 : i32
      %dma_start3A_96 = arith.constant 0 : i32
      %dma_start3A_97 = tpu.memref_slice %arg7[%dma_start3A_95, %dma_start3A_96] : memref<32x128xi32, #tpu.memory_space<vmem>> -> memref<32x128xi32, #tpu.memory_space<vmem>>
      %dma_start3A_98 = arith.constant 96 : i32
      %dma_start3A_99 = arith.constant 0 : i32
      %dma_start3A_100 = tpu.memref_slice %arg4[%arg1, %dma_start3A_98, %dma_start3A_99] : memref<16x157x128xi32, #tpu.memory_space<hbm>> -> memref<1x32x128xi32, #tpu.memory_space<hbm>>
      %dma_start3A_101 = tpu.memref_squeeze %dma_start3A_100 : memref<1x32x128xi32, #tpu.memory_space<hbm>> -> memref<32x128xi32, #tpu.memory_space<hbm>>
      tpu.enqueue_dma source(%dma_start3A_101 : memref<32x128xi32, #tpu.memory_space<hbm>>) target(%dma_start3A_97 : memref<32x128xi32, #tpu.memory_space<vmem>>) target_semaphore(%run_scoped3A : memref<!tpu.dma_semaphore, #tpu.memory_space<semaphore_mem>>)
      %dma_wait3A = arith.constant 0 : i32
      %dma_wait3A_102 = arith.constant 0 : i32
      %dma_wait3A_103 = tpu.memref_slice %arg7[%dma_wait3A, %dma_wait3A_102] : memref<32x128xi32, #tpu.memory_space<vmem>> -> memref<32x128xi32, #tpu.memory_space<vmem>>
      %dma_wait3A_104 = arith.constant 96 : i32
      %dma_wait3A_105 = arith.constant 0 : i32
      %dma_wait3A_106 = tpu.memref_slice %arg4[%arg1, %dma_wait3A_104, %dma_wait3A_105] : memref<16x157x128xi32, #tpu.memory_space<hbm>> -> memref<1x32x128xi32, #tpu.memory_space<hbm>>
      %dma_wait3A_107 = tpu.memref_squeeze %dma_wait3A_106 : memref<1x32x128xi32, #tpu.memory_space<hbm>> -> memref<32x128xi32, #tpu.memory_space<hbm>>
      %dma_wait3A_108 = arith.constant 0 : i32
      %dma_wait3A_109 = arith.constant 0 : i32
      %dma_wait3A_110 = tpu.memref_slice %arg7[%dma_wait3A_108, %dma_wait3A_109] : memref<32x128xi32, #tpu.memory_space<vmem>> -> memref<32x128xi32, #tpu.memory_space<vmem>>
      %dma_wait3A_111 = arith.constant 96 : i32
      %dma_wait3A_112 = arith.constant 0 : i32
      %dma_wait3A_113 = tpu.memref_slice %arg4[%arg1, %dma_wait3A_111, %dma_wait3A_112] : memref<16x157x128xi32, #tpu.memory_space<hbm>> -> memref<1x32x128xi32, #tpu.memory_space<hbm>>
      %dma_wait3A_114 = tpu.memref_squeeze %dma_wait3A_113 : memref<1x32x128xi32, #tpu.memory_space<hbm>> -> memref<32x128xi32, #tpu.memory_space<hbm>>
      tpu.wait_dma2 semaphore(%run_scoped3A : memref<!tpu.dma_semaphore, #tpu.memory_space<semaphore_mem>>) src(%dma_wait3A_114 : memref<32x128xi32, #tpu.memory_space<hbm>>) dst(%dma_wait3A_110 : memref<32x128xi32, #tpu.memory_space<vmem>>)
      tpu.yield
    }) : () -> ()
    %scan3A_37 = arith.constant 0 : i32
    %scan3A_38 = arith.constant 0 : i32
    %scan3A_39 = arith.constant 32 : i32
    %scan3A_40 = arith.addi %scan3A_38, %scan3A_39 : i32
    %scan3A_41 = arith.constant 1 : i32
    %scan3A_42 = scf.for %scan3A_89 = %scan3A_38 to %scan3A_40 step %scan3A_41 iter_args(%scan3A_90 = %scan3A_37) -> (i32)  : i32 {
      %dma_start3A = arith.constant 0 : i32
      %dma_start3A_91 = tpu.memref_slice %arg6[%scan3A_89, %dma_start3A] : memref<32x128xi32, #tpu.memory_space<vmem>> -> memref<1x128xi32, #tpu.memory_space<vmem>>
      %dma_start3A_92 = tpu.memref_squeeze %dma_start3A_91 : memref<1x128xi32, #tpu.memory_space<vmem>> -> memref<128xi32, #tpu.memory_space<vmem>>
      %dma_start3A_93 = arith.constant 0 : i32
      %dma_start3A_94 = arith.constant 0 : i32
      %dma_start3A_95 = tpu.memref_slice %arg2[%dma_start3A_93, %dma_start3A_94] : memref<20000x128xf32, #tpu.memory_space<hbm>> -> memref<20000x128xf32, #tpu.memory_space<hbm>>
      tpu.enqueue_indirect_dma source(%dma_start3A_95 : memref<20000x128xf32, #tpu.memory_space<hbm>>) target(%arg8 : memref<128x128xf32, #tpu.memory_space<vmem>>) offsets(%dma_start3A_92 : memref<128xi32, #tpu.memory_space<vmem>>) semaphore(%arg10 : memref<!tpu.dma_semaphore, #tpu.memory_space<semaphore_mem>>)
      %dma_wait3A = arith.constant 0 : i32
      %dma_wait3A_96 = tpu.memref_slice %arg6[%scan3A_89, %dma_wait3A] : memref<32x128xi32, #tpu.memory_space<vmem>> -> memref<1x128xi32, #tpu.memory_space<vmem>>
      %dma_wait3A_97 = tpu.memref_squeeze %dma_wait3A_96 : memref<1x128xi32, #tpu.memory_space<vmem>> -> memref<128xi32, #tpu.memory_space<vmem>>
      %dma_wait3A_98 = arith.constant 0 : i32
      %dma_wait3A_99 = arith.constant 0 : i32
      %dma_wait3A_100 = tpu.memref_slice %arg2[%dma_wait3A_98, %dma_wait3A_99] : memref<20000x128xf32, #tpu.memory_space<hbm>> -> memref<20000x128xf32, #tpu.memory_space<hbm>>
      tpu.wait_indirect_dma semaphore(%arg10 : memref<!tpu.dma_semaphore, #tpu.memory_space<semaphore_mem>>) src(%dma_wait3A_100 : memref<20000x128xf32, #tpu.memory_space<hbm>>) dst(%arg8 : memref<128x128xf32, #tpu.memory_space<vmem>>)
      "tpu.region"() ({
        %run_scoped3A = tpu.sem_alloc : memref<!tpu.dma_semaphore, #tpu.memory_space<semaphore_mem>>
        %dma_start3A_102 = arith.constant 0 : i32
        %dma_start3A_103 = tpu.memref_slice %arg7[%scan3A_89, %dma_start3A_102] : memref<32x128xi32, #tpu.memory_space<vmem>> -> memref<1x128xi32, #tpu.memory_space<vmem>>
        %dma_start3A_104 = tpu.memref_squeeze %dma_start3A_103 : memref<1x128xi32, #tpu.memory_space<vmem>> -> memref<128xi32, #tpu.memory_space<vmem>>
        %dma_start3A_105 = arith.constant 0 : i32
        %dma_start3A_106 = arith.constant 0 : i32
        %dma_start3A_107 = tpu.memref_slice %arg9[%dma_start3A_105, %dma_start3A_106] : memref<10112x128xf32, #tpu.memory_space<vmem_shared>> -> memref<10112x128xf32, #tpu.memory_space<vmem_shared>>
        tpu.enqueue_indirect_dma source(%arg8 : memref<128x128xf32, #tpu.memory_space<vmem>>) target(%dma_start3A_107 : memref<10112x128xf32, #tpu.memory_space<vmem_shared>>) offsets(%dma_start3A_104 : memref<128xi32, #tpu.memory_space<vmem>>) semaphore(%run_scoped3A : memref<!tpu.dma_semaphore, #tpu.memory_space<semaphore_mem>>) {add = true}
        %dma_wait3A_108 = arith.constant 0 : i32
        %dma_wait3A_109 = tpu.memref_slice %arg7[%scan3A_89, %dma_wait3A_108] : memref<32x128xi32, #tpu.memory_space<vmem>> -> memref<1x128xi32, #tpu.memory_space<vmem>>
        %dma_wait3A_110 = tpu.memref_squeeze %dma_wait3A_109 : memref<1x128xi32, #tpu.memory_space<vmem>> -> memref<128xi32, #tpu.memory_space<vmem>>
        %dma_wait3A_111 = arith.constant 0 : i32
        %dma_wait3A_112 = arith.constant 0 : i32
        %dma_wait3A_113 = tpu.memref_slice %arg9[%dma_wait3A_111, %dma_wait3A_112] : memref<10112x128xf32, #tpu.memory_space<vmem_shared>> -> memref<10112x128xf32, #tpu.memory_space<vmem_shared>>
        tpu.wait_indirect_dma semaphore(%run_scoped3A : memref<!tpu.dma_semaphore, #tpu.memory_space<semaphore_mem>>) src(%arg8 : memref<128x128xf32, #tpu.memory_space<vmem>>) dst(%dma_wait3A_113 : memref<10112x128xf32, #tpu.memory_space<vmem_shared>>)
        tpu.yield
      }) : () -> ()
      %scan3A_101 = arith.constant 0 : i32
      scf.yield %scan3A_101 : i32
    }
    %scan3A_43 = arith.constant 32 : i32
    "tpu.region"() ({
      %run_scoped3A = tpu.sem_alloc : memref<!tpu.dma_semaphore, #tpu.memory_space<semaphore_mem>>
      %dma_start3A = arith.constant 0 : i32
      %dma_start3A_89 = arith.constant 0 : i32
      %dma_start3A_90 = tpu.memref_slice %arg6[%dma_start3A, %dma_start3A_89] : memref<32x128xi32, #tpu.memory_space<vmem>> -> memref<29x128xi32, #tpu.memory_space<vmem>>
      %dma_start3A_91 = arith.constant 128 : i32
      %dma_start3A_92 = arith.constant 0 : i32
      %dma_start3A_93 = tpu.memref_slice %arg3[%arg0, %arg1, %dma_start3A_91, %dma_start3A_92] : memref<2x16x157x128xi32, #tpu.memory_space<hbm>> -> memref<1x1x29x128xi32, #tpu.memory_space<hbm>>
      %dma_start3A_94 = tpu.memref_squeeze %dma_start3A_93 : memref<1x1x29x128xi32, #tpu.memory_space<hbm>> -> memref<29x128xi32, #tpu.memory_space<hbm>>
      %dma_start3A_95 = arith.constant 0 : i32
      %dma_start3A_96 = arith.constant 0 : i32
      %dma_start3A_97 = tpu.memref_slice %arg6[%dma_start3A_95, %dma_start3A_96] : memref<32x128xi32, #tpu.memory_space<vmem>> -> memref<29x128xi32, #tpu.memory_space<vmem>>
      %dma_start3A_98 = arith.constant 128 : i32
      %dma_start3A_99 = arith.constant 0 : i32
      %dma_start3A_100 = tpu.memref_slice %arg3[%arg0, %arg1, %dma_start3A_98, %dma_start3A_99] : memref<2x16x157x128xi32, #tpu.memory_space<hbm>> -> memref<1x1x29x128xi32, #tpu.memory_space<hbm>>
      %dma_start3A_101 = tpu.memref_squeeze %dma_start3A_100 : memref<1x1x29x128xi32, #tpu.memory_space<hbm>> -> memref<29x128xi32, #tpu.memory_space<hbm>>
      tpu.enqueue_dma source(%dma_start3A_101 : memref<29x128xi32, #tpu.memory_space<hbm>>) target(%dma_start3A_97 : memref<29x128xi32, #tpu.memory_space<vmem>>) target_semaphore(%run_scoped3A : memref<!tpu.dma_semaphore, #tpu.memory_space<semaphore_mem>>)
      %dma_wait3A = arith.constant 0 : i32
      %dma_wait3A_102 = arith.constant 0 : i32
      %dma_wait3A_103 = tpu.memref_slice %arg6[%dma_wait3A, %dma_wait3A_102] : memref<32x128xi32, #tpu.memory_space<vmem>> -> memref<29x128xi32, #tpu.memory_space<vmem>>
      %dma_wait3A_104 = arith.constant 128 : i32
      %dma_wait3A_105 = arith.constant 0 : i32
      %dma_wait3A_106 = tpu.memref_slice %arg3[%arg0, %arg1, %dma_wait3A_104, %dma_wait3A_105] : memref<2x16x157x128xi32, #tpu.memory_space<hbm>> -> memref<1x1x29x128xi32, #tpu.memory_space<hbm>>
      %dma_wait3A_107 = tpu.memref_squeeze %dma_wait3A_106 : memref<1x1x29x128xi32, #tpu.memory_space<hbm>> -> memref<29x128xi32, #tpu.memory_space<hbm>>
      %dma_wait3A_108 = arith.constant 0 : i32
      %dma_wait3A_109 = arith.constant 0 : i32
      %dma_wait3A_110 = tpu.memref_slice %arg6[%dma_wait3A_108, %dma_wait3A_109] : memref<32x128xi32, #tpu.memory_space<vmem>> -> memref<29x128xi32, #tpu.memory_space<vmem>>
      %dma_wait3A_111 = arith.constant 128 : i32
      %dma_wait3A_112 = arith.constant 0 : i32
      %dma_wait3A_113 = tpu.memref_slice %arg3[%arg0, %arg1, %dma_wait3A_111, %dma_wait3A_112] : memref<2x16x157x128xi32, #tpu.memory_space<hbm>> -> memref<1x1x29x128xi32, #tpu.memory_space<hbm>>
      %dma_wait3A_114 = tpu.memref_squeeze %dma_wait3A_113 : memref<1x1x29x128xi32, #tpu.memory_space<hbm>> -> memref<29x128xi32, #tpu.memory_space<hbm>>
      tpu.wait_dma2 semaphore(%run_scoped3A : memref<!tpu.dma_semaphore, #tpu.memory_space<semaphore_mem>>) src(%dma_wait3A_114 : memref<29x128xi32, #tpu.memory_space<hbm>>) dst(%dma_wait3A_110 : memref<29x128xi32, #tpu.memory_space<vmem>>)
      tpu.yield
    }) : () -> ()
    "tpu.region"() ({
      %run_scoped3A = tpu.sem_alloc : memref<!tpu.dma_semaphore, #tpu.memory_space<semaphore_mem>>
      %dma_start3A = arith.constant 0 : i32
      %dma_start3A_89 = arith.constant 0 : i32
      %dma_start3A_90 = tpu.memref_slice %arg7[%dma_start3A, %dma_start3A_89] : memref<32x128xi32, #tpu.memory_space<vmem>> -> memref<29x128xi32, #tpu.memory_space<vmem>>
      %dma_start3A_91 = arith.constant 128 : i32
      %dma_start3A_92 = arith.constant 0 : i32
      %dma_start3A_93 = tpu.memref_slice %arg4[%arg1, %dma_start3A_91, %dma_start3A_92] : memref<16x157x128xi32, #tpu.memory_space<hbm>> -> memref<1x29x128xi32, #tpu.memory_space<hbm>>
      %dma_start3A_94 = tpu.memref_squeeze %dma_start3A_93 : memref<1x29x128xi32, #tpu.memory_space<hbm>> -> memref<29x128xi32, #tpu.memory_space<hbm>>
      %dma_start3A_95 = arith.constant 0 : i32
      %dma_start3A_96 = arith.constant 0 : i32
      %dma_start3A_97 = tpu.memref_slice %arg7[%dma_start3A_95, %dma_start3A_96] : memref<32x128xi32, #tpu.memory_space<vmem>> -> memref<29x128xi32, #tpu.memory_space<vmem>>
      %dma_start3A_98 = arith.constant 128 : i32
      %dma_start3A_99 = arith.constant 0 : i32
      %dma_start3A_100 = tpu.memref_slice %arg4[%arg1, %dma_start3A_98, %dma_start3A_99] : memref<16x157x128xi32, #tpu.memory_space<hbm>> -> memref<1x29x128xi32, #tpu.memory_space<hbm>>
      %dma_start3A_101 = tpu.memref_squeeze %dma_start3A_100 : memref<1x29x128xi32, #tpu.memory_space<hbm>> -> memref<29x128xi32, #tpu.memory_space<hbm>>
      tpu.enqueue_dma source(%dma_start3A_101 : memref<29x128xi32, #tpu.memory_space<hbm>>) target(%dma_start3A_97 : memref<29x128xi32, #tpu.memory_space<vmem>>) target_semaphore(%run_scoped3A : memref<!tpu.dma_semaphore, #tpu.memory_space<semaphore_mem>>)
      %dma_wait3A = arith.constant 0 : i32
      %dma_wait3A_102 = arith.constant 0 : i32
      %dma_wait3A_103 = tpu.memref_slice %arg7[%dma_wait3A, %dma_wait3A_102] : memref<32x128xi32, #tpu.memory_space<vmem>> -> memref<29x128xi32, #tpu.memory_space<vmem>>
      %dma_wait3A_104 = arith.constant 128 : i32
      %dma_wait3A_105 = arith.constant 0 : i32
      %dma_wait3A_106 = tpu.memref_slice %arg4[%arg1, %dma_wait3A_104, %dma_wait3A_105] : memref<16x157x128xi32, #tpu.memory_space<hbm>> -> memref<1x29x128xi32, #tpu.memory_space<hbm>>
      %dma_wait3A_107 = tpu.memref_squeeze %dma_wait3A_106 : memref<1x29x128xi32, #tpu.memory_space<hbm>> -> memref<29x128xi32, #tpu.memory_space<hbm>>
      %dma_wait3A_108 = arith.constant 0 : i32
      %dma_wait3A_109 = arith.constant 0 : i32
      %dma_wait3A_110 = tpu.memref_slice %arg7[%dma_wait3A_108, %dma_wait3A_109] : memref<32x128xi32, #tpu.memory_space<vmem>> -> memref<29x128xi32, #tpu.memory_space<vmem>>
      %dma_wait3A_111 = arith.constant 128 : i32
      %dma_wait3A_112 = arith.constant 0 : i32
      %dma_wait3A_113 = tpu.memref_slice %arg4[%arg1, %dma_wait3A_111, %dma_wait3A_112] : memref<16x157x128xi32, #tpu.memory_space<hbm>> -> memref<1x29x128xi32, #tpu.memory_space<hbm>>
      %dma_wait3A_114 = tpu.memref_squeeze %dma_wait3A_113 : memref<1x29x128xi32, #tpu.memory_space<hbm>> -> memref<29x128xi32, #tpu.memory_space<hbm>>
      tpu.wait_dma2 semaphore(%run_scoped3A : memref<!tpu.dma_semaphore, #tpu.memory_space<semaphore_mem>>) src(%dma_wait3A_114 : memref<29x128xi32, #tpu.memory_space<hbm>>) dst(%dma_wait3A_110 : memref<29x128xi32, #tpu.memory_space<vmem>>)
      tpu.yield
    }) : () -> ()
    %scan3A_44 = arith.constant 0 : i32
    %scan3A_45 = arith.constant 0 : i32
    %scan3A_46 = arith.constant 29 : i32
    %scan3A_47 = arith.addi %scan3A_45, %scan3A_46 : i32
    %scan3A_48 = arith.constant 1 : i32
    %scan3A_49 = scf.for %scan3A_89 = %scan3A_45 to %scan3A_47 step %scan3A_48 iter_args(%scan3A_90 = %scan3A_44) -> (i32)  : i32 {
      %dma_start3A = arith.constant 0 : i32
      %dma_start3A_91 = tpu.memref_slice %arg6[%scan3A_89, %dma_start3A] : memref<32x128xi32, #tpu.memory_space<vmem>> -> memref<1x128xi32, #tpu.memory_space<vmem>>
      %dma_start3A_92 = tpu.memref_squeeze %dma_start3A_91 : memref<1x128xi32, #tpu.memory_space<vmem>> -> memref<128xi32, #tpu.memory_space<vmem>>
      %dma_start3A_93 = arith.constant 0 : i32
      %dma_start3A_94 = arith.constant 0 : i32
      %dma_start3A_95 = tpu.memref_slice %arg2[%dma_start3A_93, %dma_start3A_94] : memref<20000x128xf32, #tpu.memory_space<hbm>> -> memref<20000x128xf32, #tpu.memory_space<hbm>>
      tpu.enqueue_indirect_dma source(%dma_start3A_95 : memref<20000x128xf32, #tpu.memory_space<hbm>>) target(%arg8 : memref<128x128xf32, #tpu.memory_space<vmem>>) offsets(%dma_start3A_92 : memref<128xi32, #tpu.memory_space<vmem>>) semaphore(%arg10 : memref<!tpu.dma_semaphore, #tpu.memory_space<semaphore_mem>>)
      %dma_wait3A = arith.constant 0 : i32
      %dma_wait3A_96 = tpu.memref_slice %arg6[%scan3A_89, %dma_wait3A] : memref<32x128xi32, #tpu.memory_space<vmem>> -> memref<1x128xi32, #tpu.memory_space<vmem>>
      %dma_wait3A_97 = tpu.memref_squeeze %dma_wait3A_96 : memref<1x128xi32, #tpu.memory_space<vmem>> -> memref<128xi32, #tpu.memory_space<vmem>>
      %dma_wait3A_98 = arith.constant 0 : i32
      %dma_wait3A_99 = arith.constant 0 : i32
      %dma_wait3A_100 = tpu.memref_slice %arg2[%dma_wait3A_98, %dma_wait3A_99] : memref<20000x128xf32, #tpu.memory_space<hbm>> -> memref<20000x128xf32, #tpu.memory_space<hbm>>
      tpu.wait_indirect_dma semaphore(%arg10 : memref<!tpu.dma_semaphore, #tpu.memory_space<semaphore_mem>>) src(%dma_wait3A_100 : memref<20000x128xf32, #tpu.memory_space<hbm>>) dst(%arg8 : memref<128x128xf32, #tpu.memory_space<vmem>>)
      "tpu.region"() ({
        %run_scoped3A = tpu.sem_alloc : memref<!tpu.dma_semaphore, #tpu.memory_space<semaphore_mem>>
        %dma_start3A_102 = arith.constant 0 : i32
        %dma_start3A_103 = tpu.memref_slice %arg7[%scan3A_89, %dma_start3A_102] : memref<32x128xi32, #tpu.memory_space<vmem>> -> memref<1x128xi32, #tpu.memory_space<vmem>>
        %dma_start3A_104 = tpu.memref_squeeze %dma_start3A_103 : memref<1x128xi32, #tpu.memory_space<vmem>> -> memref<128xi32, #tpu.memory_space<vmem>>
        %dma_start3A_105 = arith.constant 0 : i32
        %dma_start3A_106 = arith.constant 0 : i32
        %dma_start3A_107 = tpu.memref_slice %arg9[%dma_start3A_105, %dma_start3A_106] : memref<10112x128xf32, #tpu.memory_space<vmem_shared>> -> memref<10112x128xf32, #tpu.memory_space<vmem_shared>>
        tpu.enqueue_indirect_dma source(%arg8 : memref<128x128xf32, #tpu.memory_space<vmem>>) target(%dma_start3A_107 : memref<10112x128xf32, #tpu.memory_space<vmem_shared>>) offsets(%dma_start3A_104 : memref<128xi32, #tpu.memory_space<vmem>>) semaphore(%run_scoped3A : memref<!tpu.dma_semaphore, #tpu.memory_space<semaphore_mem>>) {add = true}
        %dma_wait3A_108 = arith.constant 0 : i32
        %dma_wait3A_109 = tpu.memref_slice %arg7[%scan3A_89, %dma_wait3A_108] : memref<32x128xi32, #tpu.memory_space<vmem>> -> memref<1x128xi32, #tpu.memory_space<vmem>>
        %dma_wait3A_110 = tpu.memref_squeeze %dma_wait3A_109 : memref<1x128xi32, #tpu.memory_space<vmem>> -> memref<128xi32, #tpu.memory_space<vmem>>
        %dma_wait3A_111 = arith.constant 0 : i32
        %dma_wait3A_112 = arith.constant 0 : i32
        %dma_wait3A_113 = tpu.memref_slice %arg9[%dma_wait3A_111, %dma_wait3A_112] : memref<10112x128xf32, #tpu.memory_space<vmem_shared>> -> memref<10112x128xf32, #tpu.memory_space<vmem_shared>>
        tpu.wait_indirect_dma semaphore(%run_scoped3A : memref<!tpu.dma_semaphore, #tpu.memory_space<semaphore_mem>>) src(%arg8 : memref<128x128xf32, #tpu.memory_space<vmem>>) dst(%dma_wait3A_113 : memref<10112x128xf32, #tpu.memory_space<vmem_shared>>)
        tpu.yield
      }) : () -> ()
      %scan3A_101 = arith.constant 0 : i32
      scf.yield %scan3A_101 : i32
    }
    %scan3A_50 = arith.constant 29 : i32
    %barrier3A_51 = arith.constant 0 : index
    tpu.barrier barrier_id(%barrier3A_51)
    %mul3A_52 = arith.constant 624 : i32
    %mul3A_53 = arith.muli %arg1, %mul3A_52 : i32
    %add3A_54 = arith.constant 0 : i32
    %add3A_55 = arith.addi %mul3A_53, %add3A_54 : i32
    "tpu.region"() ({
      %run_scoped3A = tpu.sem_alloc : memref<!tpu.dma_semaphore, #tpu.memory_space<semaphore_mem>>
      %dma_start3A = arith.constant 0 : i32
      %dma_start3A_89 = arith.constant 0 : i32
      %dma_start3A_90 = tpu.memref_slice %arg8[%dma_start3A, %dma_start3A_89] : memref<128x128xf32, #tpu.memory_space<vmem>> -> memref<128x128xf32, #tpu.memory_space<vmem>>
      %dma_start3A_91 = arith.constant 0 : i32
      %dma_start3A_92 = tpu.memref_slice %arg9[%add3A_55, %dma_start3A_91] : memref<10112x128xf32, #tpu.memory_space<vmem_shared>> -> memref<128x128xf32, #tpu.memory_space<vmem_shared>>
      %dma_start3A_93 = arith.constant 0 : i32
      %dma_start3A_94 = arith.constant 0 : i32
      %dma_start3A_95 = tpu.memref_slice %arg8[%dma_start3A_93, %dma_start3A_94] : memref<128x128xf32, #tpu.memory_space<vmem>> -> memref<128x128xf32, #tpu.memory_space<vmem>>
      %dma_start3A_96 = arith.constant 0 : i32
      %dma_start3A_97 = tpu.memref_slice %arg9[%add3A_55, %dma_start3A_96] : memref<10112x128xf32, #tpu.memory_space<vmem_shared>> -> memref<128x128xf32, #tpu.memory_space<vmem_shared>>
      tpu.enqueue_dma source(%dma_start3A_97 : memref<128x128xf32, #tpu.memory_space<vmem_shared>>) target(%dma_start3A_95 : memref<128x128xf32, #tpu.memory_space<vmem>>) target_semaphore(%run_scoped3A : memref<!tpu.dma_semaphore, #tpu.memory_space<semaphore_mem>>)
      %dma_wait3A = arith.constant 0 : i32
      %dma_wait3A_98 = arith.constant 0 : i32
      %dma_wait3A_99 = tpu.memref_slice %arg8[%dma_wait3A, %dma_wait3A_98] : memref<128x128xf32, #tpu.memory_space<vmem>> -> memref<128x128xf32, #tpu.memory_space<vmem>>
      %dma_wait3A_100 = arith.constant 0 : i32
      %dma_wait3A_101 = tpu.memref_slice %arg9[%add3A_55, %dma_wait3A_100] : memref<10112x128xf32, #tpu.memory_space<vmem_shared>> -> memref<128x128xf32, #tpu.memory_space<vmem_shared>>
      %dma_wait3A_102 = arith.constant 0 : i32
      %dma_wait3A_103 = arith.constant 0 : i32
      %dma_wait3A_104 = tpu.memref_slice %arg8[%dma_wait3A_102, %dma_wait3A_103] : memref<128x128xf32, #tpu.memory_space<vmem>> -> memref<128x128xf32, #tpu.memory_space<vmem>>
      %dma_wait3A_105 = arith.constant 0 : i32
      %dma_wait3A_106 = tpu.memref_slice %arg9[%add3A_55, %dma_wait3A_105] : memref<10112x128xf32, #tpu.memory_space<vmem_shared>> -> memref<128x128xf32, #tpu.memory_space<vmem_shared>>
      tpu.wait_dma2 semaphore(%run_scoped3A : memref<!tpu.dma_semaphore, #tpu.memory_space<semaphore_mem>>) src(%dma_wait3A_106 : memref<128x128xf32, #tpu.memory_space<vmem_shared>>) dst(%dma_wait3A_104 : memref<128x128xf32, #tpu.memory_space<vmem>>)
      tpu.yield
    }) : () -> ()
    %mul3A_56 = arith.constant 10000 : i32
    %mul3A_57 = arith.muli %arg0, %mul3A_56 : i32
    %add3A_58 = arith.addi %mul3A_57, %add3A_55 : i32
    "tpu.region"() ({
      %run_scoped3A = tpu.sem_alloc : memref<!tpu.dma_semaphore, #tpu.memory_space<semaphore_mem>>
      %dma_start3A = arith.constant 0 : i32
      %dma_start3A_89 = arith.constant 0 : i32
      %dma_start3A_90 = tpu.memref_slice %arg8[%dma_start3A, %dma_start3A_89] : memref<128x128xf32, #tpu.memory_space<vmem>> -> memref<128x128xf32, #tpu.memory_space<vmem>>
      %dma_start3A_91 = arith.constant 0 : i32
      %dma_start3A_92 = tpu.memref_slice %arg5[%add3A_58, %dma_start3A_91] : memref<20000x128xf32, #tpu.memory_space<hbm>> -> memref<128x128xf32, #tpu.memory_space<hbm>>
      %dma_start3A_93 = arith.constant 0 : i32
      %dma_start3A_94 = tpu.memref_slice %arg5[%add3A_58, %dma_start3A_93] : memref<20000x128xf32, #tpu.memory_space<hbm>> -> memref<128x128xf32, #tpu.memory_space<hbm>>
      %dma_start3A_95 = arith.constant 0 : i32
      %dma_start3A_96 = arith.constant 0 : i32
      %dma_start3A_97 = tpu.memref_slice %arg8[%dma_start3A_95, %dma_start3A_96] : memref<128x128xf32, #tpu.memory_space<vmem>> -> memref<128x128xf32, #tpu.memory_space<vmem>>
      tpu.enqueue_dma source(%dma_start3A_97 : memref<128x128xf32, #tpu.memory_space<vmem>>) target(%dma_start3A_94 : memref<128x128xf32, #tpu.memory_space<hbm>>) target_semaphore(%run_scoped3A : memref<!tpu.dma_semaphore, #tpu.memory_space<semaphore_mem>>)
      %dma_wait3A = arith.constant 0 : i32
      %dma_wait3A_98 = arith.constant 0 : i32
      %dma_wait3A_99 = tpu.memref_slice %arg8[%dma_wait3A, %dma_wait3A_98] : memref<128x128xf32, #tpu.memory_space<vmem>> -> memref<128x128xf32, #tpu.memory_space<vmem>>
      %dma_wait3A_100 = arith.constant 0 : i32
      %dma_wait3A_101 = tpu.memref_slice %arg5[%add3A_58, %dma_wait3A_100] : memref<20000x128xf32, #tpu.memory_space<hbm>> -> memref<128x128xf32, #tpu.memory_space<hbm>>
      %dma_wait3A_102 = arith.constant 0 : i32
      %dma_wait3A_103 = tpu.memref_slice %arg5[%add3A_58, %dma_wait3A_102] : memref<20000x128xf32, #tpu.memory_space<hbm>> -> memref<128x128xf32, #tpu.memory_space<hbm>>
      %dma_wait3A_104 = arith.constant 0 : i32
      %dma_wait3A_105 = arith.constant 0 : i32
      %dma_wait3A_106 = tpu.memref_slice %arg8[%dma_wait3A_104, %dma_wait3A_105] : memref<128x128xf32, #tpu.memory_space<vmem>> -> memref<128x128xf32, #tpu.memory_space<vmem>>
      tpu.wait_dma2 semaphore(%run_scoped3A : memref<!tpu.dma_semaphore, #tpu.memory_space<semaphore_mem>>) src(%dma_wait3A_106 : memref<128x128xf32, #tpu.memory_space<vmem>>) dst(%dma_wait3A_103 : memref<128x128xf32, #tpu.memory_space<hbm>>)
      tpu.yield
    }) : () -> ()
    %mul3A_59 = arith.constant 624 : i32
    %mul3A_60 = arith.muli %arg1, %mul3A_59 : i32
    %add3A_61 = arith.constant 128 : i32
    %add3A_62 = arith.addi %mul3A_60, %add3A_61 : i32
    "tpu.region"() ({
      %run_scoped3A = tpu.sem_alloc : memref<!tpu.dma_semaphore, #tpu.memory_space<semaphore_mem>>
      %dma_start3A = arith.constant 0 : i32
      %dma_start3A_89 = arith.constant 0 : i32
      %dma_start3A_90 = tpu.memref_slice %arg8[%dma_start3A, %dma_start3A_89] : memref<128x128xf32, #tpu.memory_space<vmem>> -> memref<128x128xf32, #tpu.memory_space<vmem>>
      %dma_start3A_91 = arith.constant 0 : i32
      %dma_start3A_92 = tpu.memref_slice %arg9[%add3A_62, %dma_start3A_91] : memref<10112x128xf32, #tpu.memory_space<vmem_shared>> -> memref<128x128xf32, #tpu.memory_space<vmem_shared>>
      %dma_start3A_93 = arith.constant 0 : i32
      %dma_start3A_94 = arith.constant 0 : i32
      %dma_start3A_95 = tpu.memref_slice %arg8[%dma_start3A_93, %dma_start3A_94] : memref<128x128xf32, #tpu.memory_space<vmem>> -> memref<128x128xf32, #tpu.memory_space<vmem>>
      %dma_start3A_96 = arith.constant 0 : i32
      %dma_start3A_97 = tpu.memref_slice %arg9[%add3A_62, %dma_start3A_96] : memref<10112x128xf32, #tpu.memory_space<vmem_shared>> -> memref<128x128xf32, #tpu.memory_space<vmem_shared>>
      tpu.enqueue_dma source(%dma_start3A_97 : memref<128x128xf32, #tpu.memory_space<vmem_shared>>) target(%dma_start3A_95 : memref<128x128xf32, #tpu.memory_space<vmem>>) target_semaphore(%run_scoped3A : memref<!tpu.dma_semaphore, #tpu.memory_space<semaphore_mem>>)
      %dma_wait3A = arith.constant 0 : i32
      %dma_wait3A_98 = arith.constant 0 : i32
      %dma_wait3A_99 = tpu.memref_slice %arg8[%dma_wait3A, %dma_wait3A_98] : memref<128x128xf32, #tpu.memory_space<vmem>> -> memref<128x128xf32, #tpu.memory_space<vmem>>
      %dma_wait3A_100 = arith.constant 0 : i32
      %dma_wait3A_101 = tpu.memref_slice %arg9[%add3A_62, %dma_wait3A_100] : memref<10112x128xf32, #tpu.memory_space<vmem_shared>> -> memref<128x128xf32, #tpu.memory_space<vmem_shared>>
      %dma_wait3A_102 = arith.constant 0 : i32
      %dma_wait3A_103 = arith.constant 0 : i32
      %dma_wait3A_104 = tpu.memref_slice %arg8[%dma_wait3A_102, %dma_wait3A_103] : memref<128x128xf32, #tpu.memory_space<vmem>> -> memref<128x128xf32, #tpu.memory_space<vmem>>
      %dma_wait3A_105 = arith.constant 0 : i32
      %dma_wait3A_106 = tpu.memref_slice %arg9[%add3A_62, %dma_wait3A_105] : memref<10112x128xf32, #tpu.memory_space<vmem_shared>> -> memref<128x128xf32, #tpu.memory_space<vmem_shared>>
      tpu.wait_dma2 semaphore(%run_scoped3A : memref<!tpu.dma_semaphore, #tpu.memory_space<semaphore_mem>>) src(%dma_wait3A_106 : memref<128x128xf32, #tpu.memory_space<vmem_shared>>) dst(%dma_wait3A_104 : memref<128x128xf32, #tpu.memory_space<vmem>>)
      tpu.yield
    }) : () -> ()
    %mul3A_63 = arith.constant 10000 : i32
    %mul3A_64 = arith.muli %arg0, %mul3A_63 : i32
    %add3A_65 = arith.addi %mul3A_64, %add3A_62 : i32
    "tpu.region"() ({
      %run_scoped3A = tpu.sem_alloc : memref<!tpu.dma_semaphore, #tpu.memory_space<semaphore_mem>>
      %dma_start3A = arith.constant 0 : i32
      %dma_start3A_89 = arith.constant 0 : i32
      %dma_start3A_90 = tpu.memref_slice %arg8[%dma_start3A, %dma_start3A_89] : memref<128x128xf32, #tpu.memory_space<vmem>> -> memref<128x128xf32, #tpu.memory_space<vmem>>
      %dma_start3A_91 = arith.constant 0 : i32
      %dma_start3A_92 = tpu.memref_slice %arg5[%add3A_65, %dma_start3A_91] : memref<20000x128xf32, #tpu.memory_space<hbm>> -> memref<128x128xf32, #tpu.memory_space<hbm>>
      %dma_start3A_93 = arith.constant 0 : i32
      %dma_start3A_94 = tpu.memref_slice %arg5[%add3A_65, %dma_start3A_93] : memref<20000x128xf32, #tpu.memory_space<hbm>> -> memref<128x128xf32, #tpu.memory_space<hbm>>
      %dma_start3A_95 = arith.constant 0 : i32
      %dma_start3A_96 = arith.constant 0 : i32
      %dma_start3A_97 = tpu.memref_slice %arg8[%dma_start3A_95, %dma_start3A_96] : memref<128x128xf32, #tpu.memory_space<vmem>> -> memref<128x128xf32, #tpu.memory_space<vmem>>
      tpu.enqueue_dma source(%dma_start3A_97 : memref<128x128xf32, #tpu.memory_space<vmem>>) target(%dma_start3A_94 : memref<128x128xf32, #tpu.memory_space<hbm>>) target_semaphore(%run_scoped3A : memref<!tpu.dma_semaphore, #tpu.memory_space<semaphore_mem>>)
      %dma_wait3A = arith.constant 0 : i32
      %dma_wait3A_98 = arith.constant 0 : i32
      %dma_wait3A_99 = tpu.memref_slice %arg8[%dma_wait3A, %dma_wait3A_98] : memref<128x128xf32, #tpu.memory_space<vmem>> -> memref<128x128xf32, #tpu.memory_space<vmem>>
      %dma_wait3A_100 = arith.constant 0 : i32
      %dma_wait3A_101 = tpu.memref_slice %arg5[%add3A_65, %dma_wait3A_100] : memref<20000x128xf32, #tpu.memory_space<hbm>> -> memref<128x128xf32, #tpu.memory_space<hbm>>
      %dma_wait3A_102 = arith.constant 0 : i32
      %dma_wait3A_103 = tpu.memref_slice %arg5[%add3A_65, %dma_wait3A_102] : memref<20000x128xf32, #tpu.memory_space<hbm>> -> memref<128x128xf32, #tpu.memory_space<hbm>>
      %dma_wait3A_104 = arith.constant 0 : i32
      %dma_wait3A_105 = arith.constant 0 : i32
      %dma_wait3A_106 = tpu.memref_slice %arg8[%dma_wait3A_104, %dma_wait3A_105] : memref<128x128xf32, #tpu.memory_space<vmem>> -> memref<128x128xf32, #tpu.memory_space<vmem>>
      tpu.wait_dma2 semaphore(%run_scoped3A : memref<!tpu.dma_semaphore, #tpu.memory_space<semaphore_mem>>) src(%dma_wait3A_106 : memref<128x128xf32, #tpu.memory_space<vmem>>) dst(%dma_wait3A_103 : memref<128x128xf32, #tpu.memory_space<hbm>>)
      tpu.yield
    }) : () -> ()
    %mul3A_66 = arith.constant 624 : i32
    %mul3A_67 = arith.muli %arg1, %mul3A_66 : i32
    %add3A_68 = arith.constant 256 : i32
    %add3A_69 = arith.addi %mul3A_67, %add3A_68 : i32
    "tpu.region"() ({
      %run_scoped3A = tpu.sem_alloc : memref<!tpu.dma_semaphore, #tpu.memory_space<semaphore_mem>>
      %dma_start3A = arith.constant 0 : i32
      %dma_start3A_89 = arith.constant 0 : i32
      %dma_start3A_90 = tpu.memref_slice %arg8[%dma_start3A, %dma_start3A_89] : memref<128x128xf32, #tpu.memory_space<vmem>> -> memref<128x128xf32, #tpu.memory_space<vmem>>
      %dma_start3A_91 = arith.constant 0 : i32
      %dma_start3A_92 = tpu.memref_slice %arg9[%add3A_69, %dma_start3A_91] : memref<10112x128xf32, #tpu.memory_space<vmem_shared>> -> memref<128x128xf32, #tpu.memory_space<vmem_shared>>
      %dma_start3A_93 = arith.constant 0 : i32
      %dma_start3A_94 = arith.constant 0 : i32
      %dma_start3A_95 = tpu.memref_slice %arg8[%dma_start3A_93, %dma_start3A_94] : memref<128x128xf32, #tpu.memory_space<vmem>> -> memref<128x128xf32, #tpu.memory_space<vmem>>
      %dma_start3A_96 = arith.constant 0 : i32
      %dma_start3A_97 = tpu.memref_slice %arg9[%add3A_69, %dma_start3A_96] : memref<10112x128xf32, #tpu.memory_space<vmem_shared>> -> memref<128x128xf32, #tpu.memory_space<vmem_shared>>
      tpu.enqueue_dma source(%dma_start3A_97 : memref<128x128xf32, #tpu.memory_space<vmem_shared>>) target(%dma_start3A_95 : memref<128x128xf32, #tpu.memory_space<vmem>>) target_semaphore(%run_scoped3A : memref<!tpu.dma_semaphore, #tpu.memory_space<semaphore_mem>>)
      %dma_wait3A = arith.constant 0 : i32
      %dma_wait3A_98 = arith.constant 0 : i32
      %dma_wait3A_99 = tpu.memref_slice %arg8[%dma_wait3A, %dma_wait3A_98] : memref<128x128xf32, #tpu.memory_space<vmem>> -> memref<128x128xf32, #tpu.memory_space<vmem>>
      %dma_wait3A_100 = arith.constant 0 : i32
      %dma_wait3A_101 = tpu.memref_slice %arg9[%add3A_69, %dma_wait3A_100] : memref<10112x128xf32, #tpu.memory_space<vmem_shared>> -> memref<128x128xf32, #tpu.memory_space<vmem_shared>>
      %dma_wait3A_102 = arith.constant 0 : i32
      %dma_wait3A_103 = arith.constant 0 : i32
      %dma_wait3A_104 = tpu.memref_slice %arg8[%dma_wait3A_102, %dma_wait3A_103] : memref<128x128xf32, #tpu.memory_space<vmem>> -> memref<128x128xf32, #tpu.memory_space<vmem>>
      %dma_wait3A_105 = arith.constant 0 : i32
      %dma_wait3A_106 = tpu.memref_slice %arg9[%add3A_69, %dma_wait3A_105] : memref<10112x128xf32, #tpu.memory_space<vmem_shared>> -> memref<128x128xf32, #tpu.memory_space<vmem_shared>>
      tpu.wait_dma2 semaphore(%run_scoped3A : memref<!tpu.dma_semaphore, #tpu.memory_space<semaphore_mem>>) src(%dma_wait3A_106 : memref<128x128xf32, #tpu.memory_space<vmem_shared>>) dst(%dma_wait3A_104 : memref<128x128xf32, #tpu.memory_space<vmem>>)
      tpu.yield
    }) : () -> ()
    %mul3A_70 = arith.constant 10000 : i32
    %mul3A_71 = arith.muli %arg0, %mul3A_70 : i32
    %add3A_72 = arith.addi %mul3A_71, %add3A_69 : i32
    "tpu.region"() ({
      %run_scoped3A = tpu.sem_alloc : memref<!tpu.dma_semaphore, #tpu.memory_space<semaphore_mem>>
      %dma_start3A = arith.constant 0 : i32
      %dma_start3A_89 = arith.constant 0 : i32
      %dma_start3A_90 = tpu.memref_slice %arg8[%dma_start3A, %dma_start3A_89] : memref<128x128xf32, #tpu.memory_space<vmem>> -> memref<128x128xf32, #tpu.memory_space<vmem>>
      %dma_start3A_91 = arith.constant 0 : i32
      %dma_start3A_92 = tpu.memref_slice %arg5[%add3A_72, %dma_start3A_91] : memref<20000x128xf32, #tpu.memory_space<hbm>> -> memref<128x128xf32, #tpu.memory_space<hbm>>
      %dma_start3A_93 = arith.constant 0 : i32
      %dma_start3A_94 = tpu.memref_slice %arg5[%add3A_72, %dma_start3A_93] : memref<20000x128xf32, #tpu.memory_space<hbm>> -> memref<128x128xf32, #tpu.memory_space<hbm>>
      %dma_start3A_95 = arith.constant 0 : i32
      %dma_start3A_96 = arith.constant 0 : i32
      %dma_start3A_97 = tpu.memref_slice %arg8[%dma_start3A_95, %dma_start3A_96] : memref<128x128xf32, #tpu.memory_space<vmem>> -> memref<128x128xf32, #tpu.memory_space<vmem>>
      tpu.enqueue_dma source(%dma_start3A_97 : memref<128x128xf32, #tpu.memory_space<vmem>>) target(%dma_start3A_94 : memref<128x128xf32, #tpu.memory_space<hbm>>) target_semaphore(%run_scoped3A : memref<!tpu.dma_semaphore, #tpu.memory_space<semaphore_mem>>)
      %dma_wait3A = arith.constant 0 : i32
      %dma_wait3A_98 = arith.constant 0 : i32
      %dma_wait3A_99 = tpu.memref_slice %arg8[%dma_wait3A, %dma_wait3A_98] : memref<128x128xf32, #tpu.memory_space<vmem>> -> memref<128x128xf32, #tpu.memory_space<vmem>>
      %dma_wait3A_100 = arith.constant 0 : i32
      %dma_wait3A_101 = tpu.memref_slice %arg5[%add3A_72, %dma_wait3A_100] : memref<20000x128xf32, #tpu.memory_space<hbm>> -> memref<128x128xf32, #tpu.memory_space<hbm>>
      %dma_wait3A_102 = arith.constant 0 : i32
      %dma_wait3A_103 = tpu.memref_slice %arg5[%add3A_72, %dma_wait3A_102] : memref<20000x128xf32, #tpu.memory_space<hbm>> -> memref<128x128xf32, #tpu.memory_space<hbm>>
      %dma_wait3A_104 = arith.constant 0 : i32
      %dma_wait3A_105 = arith.constant 0 : i32
      %dma_wait3A_106 = tpu.memref_slice %arg8[%dma_wait3A_104, %dma_wait3A_105] : memref<128x128xf32, #tpu.memory_space<vmem>> -> memref<128x128xf32, #tpu.memory_space<vmem>>
      tpu.wait_dma2 semaphore(%run_scoped3A : memref<!tpu.dma_semaphore, #tpu.memory_space<semaphore_mem>>) src(%dma_wait3A_106 : memref<128x128xf32, #tpu.memory_space<vmem>>) dst(%dma_wait3A_103 : memref<128x128xf32, #tpu.memory_space<hbm>>)
      tpu.yield
    }) : () -> ()
    %mul3A_73 = arith.constant 624 : i32
    %mul3A_74 = arith.muli %arg1, %mul3A_73 : i32
    %add3A_75 = arith.constant 384 : i32
    %add3A_76 = arith.addi %mul3A_74, %add3A_75 : i32
    "tpu.region"() ({
      %run_scoped3A = tpu.sem_alloc : memref<!tpu.dma_semaphore, #tpu.memory_space<semaphore_mem>>
      %dma_start3A = arith.constant 0 : i32
      %dma_start3A_89 = arith.constant 0 : i32
      %dma_start3A_90 = tpu.memref_slice %arg8[%dma_start3A, %dma_start3A_89] : memref<128x128xf32, #tpu.memory_space<vmem>> -> memref<128x128xf32, #tpu.memory_space<vmem>>
      %dma_start3A_91 = arith.constant 0 : i32
      %dma_start3A_92 = tpu.memref_slice %arg9[%add3A_76, %dma_start3A_91] : memref<10112x128xf32, #tpu.memory_space<vmem_shared>> -> memref<128x128xf32, #tpu.memory_space<vmem_shared>>
      %dma_start3A_93 = arith.constant 0 : i32
      %dma_start3A_94 = arith.constant 0 : i32
      %dma_start3A_95 = tpu.memref_slice %arg8[%dma_start3A_93, %dma_start3A_94] : memref<128x128xf32, #tpu.memory_space<vmem>> -> memref<128x128xf32, #tpu.memory_space<vmem>>
      %dma_start3A_96 = arith.constant 0 : i32
      %dma_start3A_97 = tpu.memref_slice %arg9[%add3A_76, %dma_start3A_96] : memref<10112x128xf32, #tpu.memory_space<vmem_shared>> -> memref<128x128xf32, #tpu.memory_space<vmem_shared>>
      tpu.enqueue_dma source(%dma_start3A_97 : memref<128x128xf32, #tpu.memory_space<vmem_shared>>) target(%dma_start3A_95 : memref<128x128xf32, #tpu.memory_space<vmem>>) target_semaphore(%run_scoped3A : memref<!tpu.dma_semaphore, #tpu.memory_space<semaphore_mem>>)
      %dma_wait3A = arith.constant 0 : i32
      %dma_wait3A_98 = arith.constant 0 : i32
      %dma_wait3A_99 = tpu.memref_slice %arg8[%dma_wait3A, %dma_wait3A_98] : memref<128x128xf32, #tpu.memory_space<vmem>> -> memref<128x128xf32, #tpu.memory_space<vmem>>
      %dma_wait3A_100 = arith.constant 0 : i32
      %dma_wait3A_101 = tpu.memref_slice %arg9[%add3A_76, %dma_wait3A_100] : memref<10112x128xf32, #tpu.memory_space<vmem_shared>> -> memref<128x128xf32, #tpu.memory_space<vmem_shared>>
      %dma_wait3A_102 = arith.constant 0 : i32
      %dma_wait3A_103 = arith.constant 0 : i32
      %dma_wait3A_104 = tpu.memref_slice %arg8[%dma_wait3A_102, %dma_wait3A_103] : memref<128x128xf32, #tpu.memory_space<vmem>> -> memref<128x128xf32, #tpu.memory_space<vmem>>
      %dma_wait3A_105 = arith.constant 0 : i32
      %dma_wait3A_106 = tpu.memref_slice %arg9[%add3A_76, %dma_wait3A_105] : memref<10112x128xf32, #tpu.memory_space<vmem_shared>> -> memref<128x128xf32, #tpu.memory_space<vmem_shared>>
      tpu.wait_dma2 semaphore(%run_scoped3A : memref<!tpu.dma_semaphore, #tpu.memory_space<semaphore_mem>>) src(%dma_wait3A_106 : memref<128x128xf32, #tpu.memory_space<vmem_shared>>) dst(%dma_wait3A_104 : memref<128x128xf32, #tpu.memory_space<vmem>>)
      tpu.yield
    }) : () -> ()
    %mul3A_77 = arith.constant 10000 : i32
    %mul3A_78 = arith.muli %arg0, %mul3A_77 : i32
    %add3A_79 = arith.addi %mul3A_78, %add3A_76 : i32
    "tpu.region"() ({
      %run_scoped3A = tpu.sem_alloc : memref<!tpu.dma_semaphore, #tpu.memory_space<semaphore_mem>>
      %dma_start3A = arith.constant 0 : i32
      %dma_start3A_89 = arith.constant 0 : i32
      %dma_start3A_90 = tpu.memref_slice %arg8[%dma_start3A, %dma_start3A_89] : memref<128x128xf32, #tpu.memory_space<vmem>> -> memref<128x128xf32, #tpu.memory_space<vmem>>
      %dma_start3A_91 = arith.constant 0 : i32
      %dma_start3A_92 = tpu.memref_slice %arg5[%add3A_79, %dma_start3A_91] : memref<20000x128xf32, #tpu.memory_space<hbm>> -> memref<128x128xf32, #tpu.memory_space<hbm>>
      %dma_start3A_93 = arith.constant 0 : i32
      %dma_start3A_94 = tpu.memref_slice %arg5[%add3A_79, %dma_start3A_93] : memref<20000x128xf32, #tpu.memory_space<hbm>> -> memref<128x128xf32, #tpu.memory_space<hbm>>
      %dma_start3A_95 = arith.constant 0 : i32
      %dma_start3A_96 = arith.constant 0 : i32
      %dma_start3A_97 = tpu.memref_slice %arg8[%dma_start3A_95, %dma_start3A_96] : memref<128x128xf32, #tpu.memory_space<vmem>> -> memref<128x128xf32, #tpu.memory_space<vmem>>
      tpu.enqueue_dma source(%dma_start3A_97 : memref<128x128xf32, #tpu.memory_space<vmem>>) target(%dma_start3A_94 : memref<128x128xf32, #tpu.memory_space<hbm>>) target_semaphore(%run_scoped3A : memref<!tpu.dma_semaphore, #tpu.memory_space<semaphore_mem>>)
      %dma_wait3A = arith.constant 0 : i32
      %dma_wait3A_98 = arith.constant 0 : i32
      %dma_wait3A_99 = tpu.memref_slice %arg8[%dma_wait3A, %dma_wait3A_98] : memref<128x128xf32, #tpu.memory_space<vmem>> -> memref<128x128xf32, #tpu.memory_space<vmem>>
      %dma_wait3A_100 = arith.constant 0 : i32
      %dma_wait3A_101 = tpu.memref_slice %arg5[%add3A_79, %dma_wait3A_100] : memref<20000x128xf32, #tpu.memory_space<hbm>> -> memref<128x128xf32, #tpu.memory_space<hbm>>
      %dma_wait3A_102 = arith.constant 0 : i32
      %dma_wait3A_103 = tpu.memref_slice %arg5[%add3A_79, %dma_wait3A_102] : memref<20000x128xf32, #tpu.memory_space<hbm>> -> memref<128x128xf32, #tpu.memory_space<hbm>>
      %dma_wait3A_104 = arith.constant 0 : i32
      %dma_wait3A_105 = arith.constant 0 : i32
      %dma_wait3A_106 = tpu.memref_slice %arg8[%dma_wait3A_104, %dma_wait3A_105] : memref<128x128xf32, #tpu.memory_space<vmem>> -> memref<128x128xf32, #tpu.memory_space<vmem>>
      tpu.wait_dma2 semaphore(%run_scoped3A : memref<!tpu.dma_semaphore, #tpu.memory_space<semaphore_mem>>) src(%dma_wait3A_106 : memref<128x128xf32, #tpu.memory_space<vmem>>) dst(%dma_wait3A_103 : memref<128x128xf32, #tpu.memory_space<hbm>>)
      tpu.yield
    }) : () -> ()
    %mul3A_80 = arith.constant 624 : i32
    %mul3A_81 = arith.muli %arg1, %mul3A_80 : i32
    %add3A_82 = arith.constant 512 : i32
    %add3A_83 = arith.addi %mul3A_81, %add3A_82 : i32
    "tpu.region"() ({
      %run_scoped3A = tpu.sem_alloc : memref<!tpu.dma_semaphore, #tpu.memory_space<semaphore_mem>>
      %dma_start3A = arith.constant 0 : i32
      %dma_start3A_89 = arith.constant 0 : i32
      %dma_start3A_90 = tpu.memref_slice %arg8[%dma_start3A, %dma_start3A_89] : memref<128x128xf32, #tpu.memory_space<vmem>> -> memref<112x128xf32, #tpu.memory_space<vmem>>
      %dma_start3A_91 = arith.constant 0 : i32
      %dma_start3A_92 = tpu.memref_slice %arg9[%add3A_83, %dma_start3A_91] : memref<10112x128xf32, #tpu.memory_space<vmem_shared>> -> memref<112x128xf32, #tpu.memory_space<vmem_shared>>
      %dma_start3A_93 = arith.constant 0 : i32
      %dma_start3A_94 = arith.constant 0 : i32
      %dma_start3A_95 = tpu.memref_slice %arg8[%dma_start3A_93, %dma_start3A_94] : memref<128x128xf32, #tpu.memory_space<vmem>> -> memref<112x128xf32, #tpu.memory_space<vmem>>
      %dma_start3A_96 = arith.constant 0 : i32
      %dma_start3A_97 = tpu.memref_slice %arg9[%add3A_83, %dma_start3A_96] : memref<10112x128xf32, #tpu.memory_space<vmem_shared>> -> memref<112x128xf32, #tpu.memory_space<vmem_shared>>
      tpu.enqueue_dma source(%dma_start3A_97 : memref<112x128xf32, #tpu.memory_space<vmem_shared>>) target(%dma_start3A_95 : memref<112x128xf32, #tpu.memory_space<vmem>>) target_semaphore(%run_scoped3A : memref<!tpu.dma_semaphore, #tpu.memory_space<semaphore_mem>>)
      %dma_wait3A = arith.constant 0 : i32
      %dma_wait3A_98 = arith.constant 0 : i32
      %dma_wait3A_99 = tpu.memref_slice %arg8[%dma_wait3A, %dma_wait3A_98] : memref<128x128xf32, #tpu.memory_space<vmem>> -> memref<112x128xf32, #tpu.memory_space<vmem>>
      %dma_wait3A_100 = arith.constant 0 : i32
      %dma_wait3A_101 = tpu.memref_slice %arg9[%add3A_83, %dma_wait3A_100] : memref<10112x128xf32, #tpu.memory_space<vmem_shared>> -> memref<112x128xf32, #tpu.memory_space<vmem_shared>>
      %dma_wait3A_102 = arith.constant 0 : i32
      %dma_wait3A_103 = arith.constant 0 : i32
      %dma_wait3A_104 = tpu.memref_slice %arg8[%dma_wait3A_102, %dma_wait3A_103] : memref<128x128xf32, #tpu.memory_space<vmem>> -> memref<112x128xf32, #tpu.memory_space<vmem>>
      %dma_wait3A_105 = arith.constant 0 : i32
      %dma_wait3A_106 = tpu.memref_slice %arg9[%add3A_83, %dma_wait3A_105] : memref<10112x128xf32, #tpu.memory_space<vmem_shared>> -> memref<112x128xf32, #tpu.memory_space<vmem_shared>>
      tpu.wait_dma2 semaphore(%run_scoped3A : memref<!tpu.dma_semaphore, #tpu.memory_space<semaphore_mem>>) src(%dma_wait3A_106 : memref<112x128xf32, #tpu.memory_space<vmem_shared>>) dst(%dma_wait3A_104 : memref<112x128xf32, #tpu.memory_space<vmem>>)
      tpu.yield
    }) : () -> ()
    %mul3A_84 = arith.constant 10000 : i32
    %mul3A_85 = arith.muli %arg0, %mul3A_84 : i32
    %add3A_86 = arith.addi %mul3A_85, %add3A_83 : i32
    "tpu.region"() ({
      %run_scoped3A = tpu.sem_alloc : memref<!tpu.dma_semaphore, #tpu.memory_space<semaphore_mem>>
      %dma_start3A = arith.constant 0 : i32
      %dma_start3A_89 = arith.constant 0 : i32
      %dma_start3A_90 = tpu.memref_slice %arg8[%dma_start3A, %dma_start3A_89] : memref<128x128xf32, #tpu.memory_space<vmem>> -> memref<112x128xf32, #tpu.memory_space<vmem>>
      %dma_start3A_91 = arith.constant 0 : i32
      %dma_start3A_92 = tpu.memref_slice %arg5[%add3A_86, %dma_start3A_91] : memref<20000x128xf32, #tpu.memory_space<hbm>> -> memref<112x128xf32, #tpu.memory_space<hbm>>
      %dma_start3A_93 = arith.constant 0 : i32
      %dma_start3A_94 = tpu.memref_slice %arg5[%add3A_86, %dma_start3A_93] : memref<20000x128xf32, #tpu.memory_space<hbm>> -> memref<112x128xf32, #tpu.memory_space<hbm>>
      %dma_start3A_95 = arith.constant 0 : i32
      %dma_start3A_96 = arith.constant 0 : i32
      %dma_start3A_97 = tpu.memref_slice %arg8[%dma_start3A_95, %dma_start3A_96] : memref<128x128xf32, #tpu.memory_space<vmem>> -> memref<112x128xf32, #tpu.memory_space<vmem>>
      tpu.enqueue_dma source(%dma_start3A_97 : memref<112x128xf32, #tpu.memory_space<vmem>>) target(%dma_start3A_94 : memref<112x128xf32, #tpu.memory_space<hbm>>) target_semaphore(%run_scoped3A : memref<!tpu.dma_semaphore, #tpu.memory_space<semaphore_mem>>)
      %dma_wait3A = arith.constant 0 : i32
      %dma_wait3A_98 = arith.constant 0 : i32
      %dma_wait3A_99 = tpu.memref_slice %arg8[%dma_wait3A, %dma_wait3A_98] : memref<128x128xf32, #tpu.memory_space<vmem>> -> memref<112x128xf32, #tpu.memory_space<vmem>>
      %dma_wait3A_100 = arith.constant 0 : i32
      %dma_wait3A_101 = tpu.memref_slice %arg5[%add3A_86, %dma_wait3A_100] : memref<20000x128xf32, #tpu.memory_space<hbm>> -> memref<112x128xf32, #tpu.memory_space<hbm>>
      %dma_wait3A_102 = arith.constant 0 : i32
      %dma_wait3A_103 = tpu.memref_slice %arg5[%add3A_86, %dma_wait3A_102] : memref<20000x128xf32, #tpu.memory_space<hbm>> -> memref<112x128xf32, #tpu.memory_space<hbm>>
      %dma_wait3A_104 = arith.constant 0 : i32
      %dma_wait3A_105 = arith.constant 0 : i32
      %dma_wait3A_106 = tpu.memref_slice %arg8[%dma_wait3A_104, %dma_wait3A_105] : memref<128x128xf32, #tpu.memory_space<vmem>> -> memref<112x128xf32, #tpu.memory_space<vmem>>
      tpu.wait_dma2 semaphore(%run_scoped3A : memref<!tpu.dma_semaphore, #tpu.memory_space<semaphore_mem>>) src(%dma_wait3A_106 : memref<112x128xf32, #tpu.memory_space<vmem>>) dst(%dma_wait3A_103 : memref<112x128xf32, #tpu.memory_space<hbm>>)
      tpu.yield
    }) : () -> ()
    %eq3A = arith.constant 0 : i32
    %eq3A_87 = arith.cmpi eq, %arg1, %eq3A : i32
    %convert_element_type3A = arith.extui %eq3A_87 : i1 to i32
    %cond3A = arith.constant 0 : i32
    %cond3A_88 = arith.cmpi ne, %convert_element_type3A, %cond3A : i32
    scf.if %cond3A_88 {
      "tpu.region"() ({
        %run_scoped3A = tpu.sem_alloc : memref<!tpu.dma_semaphore, #tpu.memory_space<semaphore_mem>>
        %dma_start3A = arith.constant 0 : i32
        %dma_start3A_93 = arith.constant 0 : i32
        %dma_start3A_94 = tpu.memref_slice %arg8[%dma_start3A, %dma_start3A_93] : memref<128x128xf32, #tpu.memory_space<vmem>> -> memref<16x128xf32, #tpu.memory_space<vmem>>
        %dma_start3A_95 = arith.constant 9984 : i32
        %dma_start3A_96 = arith.constant 0 : i32
        %dma_start3A_97 = tpu.memref_slice %arg9[%dma_start3A_95, %dma_start3A_96] : memref<10112x128xf32, #tpu.memory_space<vmem_shared>> -> memref<16x128xf32, #tpu.memory_space<vmem_shared>>
        %dma_start3A_98 = arith.constant 0 : i32
        %dma_start3A_99 = arith.constant 0 : i32
        %dma_start3A_100 = tpu.memref_slice %arg8[%dma_start3A_98, %dma_start3A_99] : memref<128x128xf32, #tpu.memory_space<vmem>> -> memref<16x128xf32, #tpu.memory_space<vmem>>
        %dma_start3A_101 = arith.constant 9984 : i32
        %dma_start3A_102 = arith.constant 0 : i32
        %dma_start3A_103 = tpu.memref_slice %arg9[%dma_start3A_101, %dma_start3A_102] : memref<10112x128xf32, #tpu.memory_space<vmem_shared>> -> memref<16x128xf32, #tpu.memory_space<vmem_shared>>
        tpu.enqueue_dma source(%dma_start3A_103 : memref<16x128xf32, #tpu.memory_space<vmem_shared>>) target(%dma_start3A_100 : memref<16x128xf32, #tpu.memory_space<vmem>>) target_semaphore(%run_scoped3A : memref<!tpu.dma_semaphore, #tpu.memory_space<semaphore_mem>>)
        %dma_wait3A = arith.constant 0 : i32
        %dma_wait3A_104 = arith.constant 0 : i32
        %dma_wait3A_105 = tpu.memref_slice %arg8[%dma_wait3A, %dma_wait3A_104] : memref<128x128xf32, #tpu.memory_space<vmem>> -> memref<16x128xf32, #tpu.memory_space<vmem>>
        %dma_wait3A_106 = arith.constant 9984 : i32
        %dma_wait3A_107 = arith.constant 0 : i32
        %dma_wait3A_108 = tpu.memref_slice %arg9[%dma_wait3A_106, %dma_wait3A_107] : memref<10112x128xf32, #tpu.memory_space<vmem_shared>> -> memref<16x128xf32, #tpu.memory_space<vmem_shared>>
        %dma_wait3A_109 = arith.constant 0 : i32
        %dma_wait3A_110 = arith.constant 0 : i32
        %dma_wait3A_111 = tpu.memref_slice %arg8[%dma_wait3A_109, %dma_wait3A_110] : memref<128x128xf32, #tpu.memory_space<vmem>> -> memref<16x128xf32, #tpu.memory_space<vmem>>
        %dma_wait3A_112 = arith.constant 9984 : i32
        %dma_wait3A_113 = arith.constant 0 : i32
        %dma_wait3A_114 = tpu.memref_slice %arg9[%dma_wait3A_112, %dma_wait3A_113] : memref<10112x128xf32, #tpu.memory_space<vmem_shared>> -> memref<16x128xf32, #tpu.memory_space<vmem_shared>>
        tpu.wait_dma2 semaphore(%run_scoped3A : memref<!tpu.dma_semaphore, #tpu.memory_space<semaphore_mem>>) src(%dma_wait3A_114 : memref<16x128xf32, #tpu.memory_space<vmem_shared>>) dst(%dma_wait3A_111 : memref<16x128xf32, #tpu.memory_space<vmem>>)
        tpu.yield
      }) : () -> ()
      %mul3A_89 = arith.constant 10000 : i32
      %mul3A_90 = arith.muli %arg0, %mul3A_89 : i32
      %add3A_91 = arith.constant 9984 : i32
      %add3A_92 = arith.addi %mul3A_90, %add3A_91 : i32
      "tpu.region"() ({
        %run_scoped3A = tpu.sem_alloc : memref<!tpu.dma_semaphore, #tpu.memory_space<semaphore_mem>>
        %dma_start3A = arith.constant 0 : i32
        %dma_start3A_93 = arith.constant 0 : i32
        %dma_start3A_94 = tpu.memref_slice %arg8[%dma_start3A, %dma_start3A_93] : memref<128x128xf32, #tpu.memory_space<vmem>> -> memref<16x128xf32, #tpu.memory_space<vmem>>
        %dma_start3A_95 = arith.constant 0 : i32
        %dma_start3A_96 = tpu.memref_slice %arg5[%add3A_92, %dma_start3A_95] : memref<20000x128xf32, #tpu.memory_space<hbm>> -> memref<16x128xf32, #tpu.memory_space<hbm>>
        %dma_start3A_97 = arith.constant 0 : i32
        %dma_start3A_98 = tpu.memref_slice %arg5[%add3A_92, %dma_start3A_97] : memref<20000x128xf32, #tpu.memory_space<hbm>> -> memref<16x128xf32, #tpu.memory_space<hbm>>
        %dma_start3A_99 = arith.constant 0 : i32
        %dma_start3A_100 = arith.constant 0 : i32
        %dma_start3A_101 = tpu.memref_slice %arg8[%dma_start3A_99, %dma_start3A_100] : memref<128x128xf32, #tpu.memory_space<vmem>> -> memref<16x128xf32, #tpu.memory_space<vmem>>
        tpu.enqueue_dma source(%dma_start3A_101 : memref<16x128xf32, #tpu.memory_space<vmem>>) target(%dma_start3A_98 : memref<16x128xf32, #tpu.memory_space<hbm>>) target_semaphore(%run_scoped3A : memref<!tpu.dma_semaphore, #tpu.memory_space<semaphore_mem>>)
        %dma_wait3A = arith.constant 0 : i32
        %dma_wait3A_102 = arith.constant 0 : i32
        %dma_wait3A_103 = tpu.memref_slice %arg8[%dma_wait3A, %dma_wait3A_102] : memref<128x128xf32, #tpu.memory_space<vmem>> -> memref<16x128xf32, #tpu.memory_space<vmem>>
        %dma_wait3A_104 = arith.constant 0 : i32
        %dma_wait3A_105 = tpu.memref_slice %arg5[%add3A_92, %dma_wait3A_104] : memref<20000x128xf32, #tpu.memory_space<hbm>> -> memref<16x128xf32, #tpu.memory_space<hbm>>
        %dma_wait3A_106 = arith.constant 0 : i32
        %dma_wait3A_107 = tpu.memref_slice %arg5[%add3A_92, %dma_wait3A_106] : memref<20000x128xf32, #tpu.memory_space<hbm>> -> memref<16x128xf32, #tpu.memory_space<hbm>>
        %dma_wait3A_108 = arith.constant 0 : i32
        %dma_wait3A_109 = arith.constant 0 : i32
        %dma_wait3A_110 = tpu.memref_slice %arg8[%dma_wait3A_108, %dma_wait3A_109] : memref<128x128xf32, #tpu.memory_space<vmem>> -> memref<16x128xf32, #tpu.memory_space<vmem>>
        tpu.wait_dma2 semaphore(%run_scoped3A : memref<!tpu.dma_semaphore, #tpu.memory_space<semaphore_mem>>) src(%dma_wait3A_110 : memref<16x128xf32, #tpu.memory_space<vmem>>) dst(%dma_wait3A_107 : memref<16x128xf32, #tpu.memory_space<hbm>>)
        tpu.yield
      }) : () -> ()
    } else {
    }
    return
  }
}

module attributes {stable_mosaic.version = 14 : i64} {
  func.func @_tc1_body(%arg0: i32, %arg1: i32, %arg2: memref<1000x128xf32, #tpu.memory_space<vmem>>, %arg3: memref<128x128xf32, #tpu.memory_space<vmem>>, %arg4: memref<1000x1xf32, #tpu.memory_space<vmem>>, %arg5: memref<1000x128xf32, #tpu.memory_space<vmem>>) attributes {dimension_semantics = [#tpu.dimension_semantics<arbitrary>, #tpu.dimension_semantics<arbitrary>], iteration_bounds = array<i64: 10, 2>, scalar_prefetch = 0 : i64, scratch_operands = 0 : i64, tpu.core_type = #tpu.core_type<tc>, window_params = [{transform_indices = @transform_0, window_bounds = array<i64: 1000, 128>}, {transform_indices = @transform_1, window_bounds = array<i64: 128, 128>}, {transform_indices = @transform_2, window_bounds = array<i64: 1000, 1>}, {transform_indices = @transform_3, window_bounds = array<i64: 1000, 128>}]} {
    %get3A = arith.constant 0 : index
    %get3A_0 = arith.constant 0 : index
    %get3A_1 = vector.load %arg4[%get3A, %get3A_0] : memref<1000x1xf32, #tpu.memory_space<vmem>>, vector<1000x1xf32>
    %squeeze3A = vector.shape_cast %get3A_1 : vector<1000x1xf32> to vector<1000xf32>
    %rsqrt3A = math.rsqrt %squeeze3A : vector<1000xf32>
    %get3A_2 = arith.constant 0 : index
    %get3A_3 = arith.constant 0 : index
    %get3A_4 = vector.load %arg2[%get3A_2, %get3A_3] : memref<1000x128xf32, #tpu.memory_space<vmem>>, vector<1000x128xf32>
    %get3A_5 = arith.constant 0 : index
    %get3A_6 = arith.constant 0 : index
    %get3A_7 = vector.load %arg3[%get3A_5, %get3A_6] : memref<128x128xf32, #tpu.memory_space<vmem>>, vector<128x128xf32>
    %dot_general3A = arith.constant dense<0.000000e+00> : vector<1000x128xf32>
    %dot_general3A_8 = tpu.matmul %get3A_4, %get3A_7, %dot_general3A {dimension_numbers = #tpu.dot_dimension_numbers<[1], [0], [0], [1], [0, 0, 1, 1], [], []>, precision = #tpu.contract_precision<fp32>, transpose_lhs_hint = false} : vector<1000x128xf32>, vector<128x128xf32>, vector<1000x128xf32> -> vector<1000x128xf32>
    %broadcast_in_dim3A = vector.shape_cast %rsqrt3A : vector<1000xf32> to vector<1000x1xf32>
    %mul3A = vector.broadcast %broadcast_in_dim3A : vector<1000x1xf32> to vector<1000x128xf32>
    %mul3A_9 = arith.mulf %dot_general3A_8, %mul3A : vector<1000x128xf32>
    %swap3A = arith.constant 0 : index
    %swap3A_10 = arith.constant 0 : index
    %swap3A_11 = vector.load %arg5[%swap3A, %swap3A_10] : memref<1000x128xf32, #tpu.memory_space<vmem>>, vector<1000x128xf32>
    tpu.vector_store %arg5[%swap3A, %swap3A_10], %mul3A_9 {strides = array<i32>} : memref<1000x128xf32, #tpu.memory_space<vmem>>, vector<1000x128xf32>,
    return
  }
  func.func @transform_0(%arg0: i32, %arg1: i32) -> (i32, i32) {
    %c0_i32 = arith.constant 0 : i32
    %c0_i32_0 = arith.constant 0 : i32
    return %arg0, %c0_i32 : i32, i32
  }
  func.func @transform_1(%arg0: i32, %arg1: i32) -> (i32, i32) {
    %c0_i32 = arith.constant 0 : i32
    %c0_i32_0 = arith.constant 0 : i32
    return %c0_i32, %arg1 : i32, i32
  }
  func.func @transform_2(%arg0: i32, %arg1: i32) -> (i32, i32) {
    %c0_i32 = arith.constant 0 : i32
    %c0_i32_0 = arith.constant 0 : i32
    return %arg0, %c0_i32 : i32, i32
  }
  func.func @transform_3(%arg0: i32, %arg1: i32) -> (i32, i32) {
    %mul3A = arith.constant 10 : i32
    %mul3A_0 = arith.muli %arg1, %mul3A : i32
    %add3A = arith.addi %mul3A_0, %arg0 : i32
    %c0_i32 = arith.constant 0 : i32
    %c0_i32_1 = arith.constant 0 : i32
    return %add3A, %c0_i32 : i32, i32
  }
}

module attributes {stable_mosaic.version = 14 : i64} {
  func.func @_tc2_body(%arg0: i32, %arg1: i32, %arg2: memref<1000x128xf32, #tpu.memory_space<vmem>>, %arg3: memref<1000x128xf32, #tpu.memory_space<vmem>>, %arg4: memref<1000x128xf32, #tpu.memory_space<vmem>>, %arg5: memref<1000x128xf32, #tpu.memory_space<vmem>>, %arg6: memref<1000x1xf32, #tpu.memory_space<vmem>>, %arg7: memref<1x256xf32, #tpu.memory_space<vmem>>, %arg8: memref<256x128xf32, #tpu.memory_space<vmem>>, %arg9: memref<1000x128xf32, #tpu.memory_space<vmem>>) attributes {dimension_semantics = [#tpu.dimension_semantics<arbitrary>, #tpu.dimension_semantics<arbitrary>], iteration_bounds = array<i64: 10, 2>, scalar_prefetch = 0 : i64, scratch_operands = 0 : i64, tpu.core_type = #tpu.core_type<tc>, window_params = [{transform_indices = @transform_0, window_bounds = array<i64: 1000, 128>}, {transform_indices = @transform_1, window_bounds = array<i64: 1000, 128>}, {transform_indices = @transform_2, window_bounds = array<i64: 1000, 128>}, {transform_indices = @transform_3, window_bounds = array<i64: 1000, 128>}, {transform_indices = @transform_4, window_bounds = array<i64: 1000, 1>}, {pipeline_mode = #tpu.pipeline_mode<synchronous>, transform_indices = @transform_5, window_bounds = array<i64: 1, 256>}, {transform_indices = @transform_6, window_bounds = array<i64: 256, 128>}, {transform_indices = @transform_7, window_bounds = array<i64: 1000, 128>}]} {
    %get3A = arith.constant 0 : index
    %get3A_0 = arith.constant 0 : index
    %get3A_1 = vector.load %arg6[%get3A, %get3A_0] : memref<1000x1xf32, #tpu.memory_space<vmem>>, vector<1000x1xf32>
    %rsqrt3A = math.rsqrt %get3A_1 : vector<1000x1xf32>
    %get3A_2 = arith.constant 0 : index
    %get3A_3 = arith.constant 0 : index
    %get3A_4 = vector.load %arg2[%get3A_2, %get3A_3] : memref<1000x128xf32, #tpu.memory_space<vmem>>, vector<1000x128xf32>
    %get3A_5 = arith.constant 0 : index
    %get3A_6 = arith.constant 0 : index
    %get3A_7 = vector.load %arg4[%get3A_5, %get3A_6] : memref<1000x128xf32, #tpu.memory_space<vmem>>, vector<1000x128xf32>
    %add3A = arith.addf %get3A_4, %get3A_7 : vector<1000x128xf32>
    %mul3A = vector.broadcast %rsqrt3A : vector<1000x1xf32> to vector<1000x128xf32>
    %mul3A_8 = arith.mulf %mul3A, %add3A : vector<1000x128xf32>
    %get3A_9 = arith.constant 0 : index
    %get3A_10 = arith.constant 0 : index
    %get3A_11 = vector.load %arg7[%get3A_9, %get3A_10] : memref<1x256xf32, #tpu.memory_space<vmem>>, vector<1x128xf32>
    %add3A_12 = vector.broadcast %get3A_11 : vector<1x128xf32> to vector<1000x128xf32>
    %add3A_13 = arith.addf %mul3A_8, %add3A_12 : vector<1000x128xf32>
    %max3A = arith.constant 0.000000e+00 : f32
    %max3A_14 = vector.broadcast %max3A : f32 to vector<1000x128xf32>
    %max3A_15 = arith.maximumf %add3A_13, %max3A_14 : vector<1000x128xf32>
    %get3A_16 = arith.constant 0 : index
    %get3A_17 = arith.constant 0 : index
    %get3A_18 = vector.load %arg3[%get3A_16, %get3A_17] : memref<1000x128xf32, #tpu.memory_space<vmem>>, vector<1000x128xf32>
    %get3A_19 = arith.constant 0 : index
    %get3A_20 = arith.constant 0 : index
    %get3A_21 = vector.load %arg5[%get3A_19, %get3A_20] : memref<1000x128xf32, #tpu.memory_space<vmem>>, vector<1000x128xf32>
    %add3A_22 = arith.addf %get3A_18, %get3A_21 : vector<1000x128xf32>
    %mul3A_23 = vector.broadcast %rsqrt3A : vector<1000x1xf32> to vector<1000x128xf32>
    %mul3A_24 = arith.mulf %mul3A_23, %add3A_22 : vector<1000x128xf32>
    %get3A_25 = arith.constant 0 : index
    %get3A_26 = arith.constant 128 : index
    %get3A_27 = vector.load %arg7[%get3A_25, %get3A_26] : memref<1x256xf32, #tpu.memory_space<vmem>>, vector<1x128xf32>
    %add3A_28 = vector.broadcast %get3A_27 : vector<1x128xf32> to vector<1000x128xf32>
    %add3A_29 = arith.addf %mul3A_24, %add3A_28 : vector<1000x128xf32>
    %max3A_30 = arith.constant 0.000000e+00 : f32
    %max3A_31 = vector.broadcast %max3A_30 : f32 to vector<1000x128xf32>
    %max3A_32 = arith.maximumf %add3A_29, %max3A_31 : vector<1000x128xf32>
    %concatenate3A = tpu.concatenate %max3A_15, %max3A_32 in 1 : vector<1000x128xf32>, vector<1000x128xf32> -> vector<1000x256xf32>
    %get3A_33 = arith.constant 0 : index
    %get3A_34 = arith.constant 0 : index
    %get3A_35 = vector.load %arg8[%get3A_33, %get3A_34] : memref<256x128xf32, #tpu.memory_space<vmem>>, vector<256x128xf32>
    %dot_general3A = arith.constant dense<0.000000e+00> : vector<1000x128xf32>
    %dot_general3A_36 = tpu.matmul %concatenate3A, %get3A_35, %dot_general3A {dimension_numbers = #tpu.dot_dimension_numbers<[1], [0], [0], [1], [0, 0, 1, 1], [], []>, precision = #tpu.contract_precision<fp32>, transpose_lhs_hint = false} : vector<1000x256xf32>, vector<256x128xf32>, vector<1000x128xf32> -> vector<1000x128xf32>
    %mul3A_37 = vector.broadcast %rsqrt3A : vector<1000x1xf32> to vector<1000x128xf32>
    %mul3A_38 = arith.mulf %dot_general3A_36, %mul3A_37 : vector<1000x128xf32>
    %swap3A = arith.constant 0 : index
    %swap3A_39 = arith.constant 0 : index
    %swap3A_40 = vector.load %arg9[%swap3A, %swap3A_39] : memref<1000x128xf32, #tpu.memory_space<vmem>>, vector<1000x128xf32>
    tpu.vector_store %arg9[%swap3A, %swap3A_39], %mul3A_38 {strides = array<i32>} : memref<1000x128xf32, #tpu.memory_space<vmem>>, vector<1000x128xf32>,
    return
  }
  func.func @transform_0(%arg0: i32, %arg1: i32) -> (i32, i32) {
    %c0_i32 = arith.constant 0 : i32
    %c0_i32_0 = arith.constant 0 : i32
    return %arg0, %c0_i32 : i32, i32
  }
  func.func @transform_1(%arg0: i32, %arg1: i32) -> (i32, i32) {
    %add3A = arith.constant 10 : i32
    %add3A_0 = arith.addi %add3A, %arg0 : i32
    %c0_i32 = arith.constant 0 : i32
    %c0_i32_1 = arith.constant 0 : i32
    return %add3A_0, %c0_i32 : i32, i32
  }
  func.func @transform_2(%arg0: i32, %arg1: i32) -> (i32, i32) {
    %c0_i32 = arith.constant 0 : i32
    %c0_i32_0 = arith.constant 0 : i32
    return %arg0, %c0_i32 : i32, i32
  }
  func.func @transform_3(%arg0: i32, %arg1: i32) -> (i32, i32) {
    %add3A = arith.constant 10 : i32
    %add3A_0 = arith.addi %add3A, %arg0 : i32
    %c0_i32 = arith.constant 0 : i32
    %c0_i32_1 = arith.constant 0 : i32
    return %add3A_0, %c0_i32 : i32, i32
  }
  func.func @transform_4(%arg0: i32, %arg1: i32) -> (i32, i32) {
    %c0_i32 = arith.constant 0 : i32
    %c0_i32_0 = arith.constant 0 : i32
    return %arg0, %c0_i32 : i32, i32
  }
  func.func @transform_5(%arg0: i32, %arg1: i32) -> (i32, i32) {
    %c0_i32 = arith.constant 0 : i32
    %c0_i32_0 = arith.constant 0 : i32
    %c0_i32_1 = arith.constant 0 : i32
    return %c0_i32, %c0_i32_0 : i32, i32
  }
  func.func @transform_6(%arg0: i32, %arg1: i32) -> (i32, i32) {
    %c0_i32 = arith.constant 0 : i32
    %c0_i32_0 = arith.constant 0 : i32
    return %c0_i32, %arg1 : i32, i32
  }
  func.func @transform_7(%arg0: i32, %arg1: i32) -> (i32, i32) {
    %mul3A = arith.constant 10 : i32
    %mul3A_0 = arith.muli %arg1, %mul3A : i32
    %add3A = arith.addi %mul3A_0, %arg0 : i32
    %c0_i32 = arith.constant 0 : i32
    %c0_i32_1 = arith.constant 0 : i32
    return %add3A, %c0_i32 : i32, i32
  }
}

module attributes {stable_mosaic.version = 14 : i64} {
  func.func @_tc3_body(%arg0: i32, %arg1: memref<1000x128xf32, #tpu.memory_space<vmem>>, %arg2: memref<1000x128xf32, #tpu.memory_space<vmem>>, %arg3: memref<1000x128xf32, #tpu.memory_space<vmem>>, %arg4: memref<1000x128xf32, #tpu.memory_space<vmem>>, %arg5: memref<1000x1xf32, #tpu.memory_space<vmem>>, %arg6: memref<1x256xf32, #tpu.memory_space<vmem>>, %arg7: memref<1000x256xf32, #tpu.memory_space<vmem>>) attributes {dimension_semantics = [#tpu.dimension_semantics<arbitrary>], iteration_bounds = array<i64: 10>, scalar_prefetch = 0 : i64, scratch_operands = 0 : i64, tpu.core_type = #tpu.core_type<tc>, window_params = [{transform_indices = @transform_0, window_bounds = array<i64: 1000, 128>}, {transform_indices = @transform_1, window_bounds = array<i64: 1000, 128>}, {transform_indices = @transform_2, window_bounds = array<i64: 1000, 128>}, {transform_indices = @transform_3, window_bounds = array<i64: 1000, 128>}, {transform_indices = @transform_4, window_bounds = array<i64: 1000, 1>}, {pipeline_mode = #tpu.pipeline_mode<synchronous>, transform_indices = @transform_5, window_bounds = array<i64: 1, 256>}, {transform_indices = @transform_6, window_bounds = array<i64: 1000, 256>}]} {
    %get3A = arith.constant 0 : index
    %get3A_0 = arith.constant 0 : index
    %get3A_1 = vector.load %arg5[%get3A, %get3A_0] : memref<1000x1xf32, #tpu.memory_space<vmem>>, vector<1000x1xf32>
    %rsqrt3A = math.rsqrt %get3A_1 : vector<1000x1xf32>
    %get3A_2 = arith.constant 0 : index
    %get3A_3 = arith.constant 0 : index
    %get3A_4 = vector.load %arg1[%get3A_2, %get3A_3] : memref<1000x128xf32, #tpu.memory_space<vmem>>, vector<1000x128xf32>
    %get3A_5 = arith.constant 0 : index
    %get3A_6 = arith.constant 0 : index
    %get3A_7 = vector.load %arg3[%get3A_5, %get3A_6] : memref<1000x128xf32, #tpu.memory_space<vmem>>, vector<1000x128xf32>
    %add3A = arith.addf %get3A_4, %get3A_7 : vector<1000x128xf32>
    %mul3A = vector.broadcast %rsqrt3A : vector<1000x1xf32> to vector<1000x128xf32>
    %mul3A_8 = arith.mulf %mul3A, %add3A : vector<1000x128xf32>
    %get3A_9 = arith.constant 0 : index
    %get3A_10 = arith.constant 0 : index
    %get3A_11 = vector.load %arg6[%get3A_9, %get3A_10] : memref<1x256xf32, #tpu.memory_space<vmem>>, vector<1x128xf32>
    %add3A_12 = vector.broadcast %get3A_11 : vector<1x128xf32> to vector<1000x128xf32>
    %add3A_13 = arith.addf %mul3A_8, %add3A_12 : vector<1000x128xf32>
    %max3A = arith.constant 0.000000e+00 : f32
    %max3A_14 = vector.broadcast %max3A : f32 to vector<1000x128xf32>
    %max3A_15 = arith.maximumf %add3A_13, %max3A_14 : vector<1000x128xf32>
    %get3A_16 = arith.constant 0 : index
    %get3A_17 = arith.constant 0 : index
    %get3A_18 = vector.load %arg2[%get3A_16, %get3A_17] : memref<1000x128xf32, #tpu.memory_space<vmem>>, vector<1000x128xf32>
    %get3A_19 = arith.constant 0 : index
    %get3A_20 = arith.constant 0 : index
    %get3A_21 = vector.load %arg4[%get3A_19, %get3A_20] : memref<1000x128xf32, #tpu.memory_space<vmem>>, vector<1000x128xf32>
    %add3A_22 = arith.addf %get3A_18, %get3A_21 : vector<1000x128xf32>
    %mul3A_23 = vector.broadcast %rsqrt3A : vector<1000x1xf32> to vector<1000x128xf32>
    %mul3A_24 = arith.mulf %mul3A_23, %add3A_22 : vector<1000x128xf32>
    %get3A_25 = arith.constant 0 : index
    %get3A_26 = arith.constant 128 : index
    %get3A_27 = vector.load %arg6[%get3A_25, %get3A_26] : memref<1x256xf32, #tpu.memory_space<vmem>>, vector<1x128xf32>
    %add3A_28 = vector.broadcast %get3A_27 : vector<1x128xf32> to vector<1000x128xf32>
    %add3A_29 = arith.addf %mul3A_24, %add3A_28 : vector<1000x128xf32>
    %max3A_30 = arith.constant 0.000000e+00 : f32
    %max3A_31 = vector.broadcast %max3A_30 : f32 to vector<1000x128xf32>
    %max3A_32 = arith.maximumf %add3A_29, %max3A_31 : vector<1000x128xf32>
    %concatenate3A = tpu.concatenate %max3A_15, %max3A_32 in 1 : vector<1000x128xf32>, vector<1000x128xf32> -> vector<1000x256xf32>
    %swap3A = arith.constant 0 : index
    %swap3A_33 = arith.constant 0 : index
    %swap3A_34 = vector.load %arg7[%swap3A, %swap3A_33] : memref<1000x256xf32, #tpu.memory_space<vmem>>, vector<1000x256xf32>
    tpu.vector_store %arg7[%swap3A, %swap3A_33], %concatenate3A {strides = array<i32>} : memref<1000x256xf32, #tpu.memory_space<vmem>>, vector<1000x256xf32>,
    return
  }
  func.func @transform_0(%arg0: i32) -> (i32, i32) {
    %c0_i32 = arith.constant 0 : i32
    %c0_i32_0 = arith.constant 0 : i32
    return %arg0, %c0_i32 : i32, i32
  }
  func.func @transform_1(%arg0: i32) -> (i32, i32) {
    %add3A = arith.constant 10 : i32
    %add3A_0 = arith.addi %add3A, %arg0 : i32
    %c0_i32 = arith.constant 0 : i32
    %c0_i32_1 = arith.constant 0 : i32
    return %add3A_0, %c0_i32 : i32, i32
  }
  func.func @transform_2(%arg0: i32) -> (i32, i32) {
    %c0_i32 = arith.constant 0 : i32
    %c0_i32_0 = arith.constant 0 : i32
    return %arg0, %c0_i32 : i32, i32
  }
  func.func @transform_3(%arg0: i32) -> (i32, i32) {
    %add3A = arith.constant 10 : i32
    %add3A_0 = arith.addi %add3A, %arg0 : i32
    %c0_i32 = arith.constant 0 : i32
    %c0_i32_1 = arith.constant 0 : i32
    return %add3A_0, %c0_i32 : i32, i32
  }
  func.func @transform_4(%arg0: i32) -> (i32, i32) {
    %c0_i32 = arith.constant 0 : i32
    %c0_i32_0 = arith.constant 0 : i32
    return %arg0, %c0_i32 : i32, i32
  }
  func.func @transform_5(%arg0: i32) -> (i32, i32) {
    %c0_i32 = arith.constant 0 : i32
    %c0_i32_0 = arith.constant 0 : i32
    %c0_i32_1 = arith.constant 0 : i32
    return %c0_i32, %c0_i32_0 : i32, i32
  }
  func.func @transform_6(%arg0: i32) -> (i32, i32) {
    %c0_i32 = arith.constant 0 : i32
    %c0_i32_0 = arith.constant 0 : i32
    return %arg0, %c0_i32 : i32, i32
  }
}

</mosaic_0001>

<sc_bundles>
// kernel: kernel.11.cloned.1.call-start
scs
__scs_entry_jumppad:
0x0: {  	(pc) =	sbr.rel $0x88, $3  }
0x1: {  	(tag) =	ssettag $0x0;
	lr =	simm.s32 $0x1  }
0x2: {  	[smem:$0x3F9B] =	sst lr;
	_ =	strace $0xD0000000  }
0x3: {  	_ = 	snop  }
0x4: {  	_ = 	snop  }
0x5: {  	_ = 	snop  }
0x6: {  	_ = 	snop  }
0x7: {  	_ = 	snop  }
__scs_overlays_trampoline_lowered:
0x8: {  	[smem:$0x3FAA] =	sst s0  }
0x9: {  	[smem:$0x3FAB] =	sst s1  }
0xa: {  	[smem:$0x3FAC] =	sst s2  }
0xb: {  	[smem:$0x3FAD] =	sst s3  }
0xc: {  	[smem:$0x3FAE] =	sst s4  }
0xd: {  	[smem:$0x3FAF] =	sst s5  }
0xe: {  	[smem:$0x3FB0] =	sst s6  }
0xf: {  	[smem:$0x3FB1] =	sst s7  }
0x10: {  	[smem:$0x3FB2] =	sst s8  }
0x11: {  	[smem:$0x3FB3] =	sst s9;
	s0 =	simm.s32 @!p0 $0x0  }
0x12: {  	s1 =	sld [smem:$0x3F99];
	s0 =	simm.s32 @p0 $0x1  }
0x13: {  	[smem:$0x3FB4] =	sst s0;
	s0 =	simm.s32 @!p1 $0x0  }
0x14: {  	s2 =	sld [smem:$0x3F98];
	s0 =	simm.s32 @p1 $0x1  }
0x15: {  	[smem:$0x3FB5] =	sst s0;
	s0 =	simm.s32 @!p2 $0x0  }
0x16: {  	s3 =	sld [smem:$0x3FDB];
	s0 =	simm.s32 @p2 $0x1  }
0x17: {  	s4 =	simm.s32 $0x1BF5;
	[smem:$0x3FB7] =	sst s0  }
0x18: {  	s0 =	sld [smem:$0x3F9A];
	_ =	swait.ge [sflag:s4], $0x0  }
0x19: {  	s7 =	sld [smem:$0x3F9B]  }
0x1a: {  	s8 =	sadd.s32 $0xFFFFE003, lr  }
0x1b: {  	s9 =	sadd.s32 $0xFFFFFEF7, lr;
	s5 =	simm.s32 $0xFFFFFFFF;
	p2 =	slt.u32 s8, $0xFFFFF086  }
0x1c: {  	p1 =	slt.u32 s9, $0xF7A;
	s5 =	simm.s32 @!p2 $0x0  }
0x1d: {  	s5 =	simm.s32 @p1 $0x1;
	p0 =	seq.s32 s7, s2  }
0x1e: {  	s7 =	smul.u32 @!p0 $0xF7A, s2;
	p2 =	seq.s32 @!p0 s5, $0x0  }
0x1f: {  	s9 =	smul.u32 $0xF7A, s1;
	s8 =	simm.s32 @!p0 $0x1BF5;
	p2 =	por !p2, p0  }
0x20: {  	[sflag:s8] =	ssyncset.s32 @!p0 $0xFFFFF086;
	s6 =	sadd.s32 @!p0 s3, s7;
	s7 =	simm.s32 @!p0 $0x108  }
0x21: {  	s3 =	sadd.s32 s3, s9;
	s6 =	sadd.s32 @!p0 $0x88, s6;
	s7 =	simm.s32 @p2 $0x1082  }
0x22: {  	[simem:s7], [sflag:s8] =	dma.local @!p0 [hbm:s6], $0xF7A  }
0x23: {  	s9 =	sor.u32 $0xD0000000, s2;
	s6 =	simm.s32 $0x108;
	_ =	swait.ge @!p0 [sflag:s8], $0x0  }
0x24: {  	s3 =	sadd.s32 $0x88, s3;
	s6 =	simm.s32 @!p1 $0x1082;
	[sflag:s4] =	ssyncset.s32 $0xFFFFF086  }
0x25: {  	[simem:s6], [sflag:s4] =	dma.local [hbm:s3], $0xF7A  }
0x26: {  	[smem:$0x3F9B] =	sst s1;
	(tag) =	ssettag s2;
	_ =	strace s9  }
0x27: {  	s1 =	sld [smem:$0x3FAB]  }
0x28: {  	s2 =	sld [smem:$0x3FAC]  }
0x29: {  	s4 =	sld [smem:$0x3FAE]  }
0x2a: {  	p0 =	seq.s32 s5, $0x0;
	s5 =	sld [smem:$0x3FAF]  }
0x2b: {  	s6 =	sld [smem:$0x3FB0]  }
0x2c: {  	s7 =	sld [smem:$0x3FB1]  }
0x2d: {  	s3 =	simm.s32 $0x108;
	s8 =	sld [smem:$0x3FB2]  }
0x2e: {  	s3 =	simm.s32 @!p0 $0x1082;
	s9 =	sld [smem:$0x3FB3]  }
0x2f: {  	lr =	sadd.s32 s0, s3;
	s0 =	sld [smem:$0x3FAA]  }
0x30: {  	s3 =	sld [smem:$0x3FAD]  }
0x31: {  	[smem:$0x3FB6] =	sst s10  }
0x32: {  	s10 =	sld [smem:$0x3FB4];
	_ =	sdelay $0x3  }
0x33: {  	p0 =	seq.s32 s10, $0x1;
	s10 =	sld [smem:$0x3FB6];
	_ =	sdelay $0x3  }
0x34: {  	[smem:$0x3FB6] =	sst s10  }
0x35: {  	s10 =	sld [smem:$0x3FB5];
	_ =	sdelay $0x3  }
0x36: {  	p1 =	seq.s32 s10, $0x1;
	s10 =	sld [smem:$0x3FB6];
	_ =	sdelay $0x3  }
0x37: {  	[smem:$0x3FB6] =	sst s10  }
0x38: {  	s10 =	sld [smem:$0x3FB7]  }
0x39: {  	_ = 	snop;
	(pc) =	sbr.ind lr, $3  }
0x3a: {  	_ = 	snop  }
0x3b: {  	_ = 	snop  }
0x3c: {  	p2 =	seq.s32 s10, $0x1;
	s10 =	sld [smem:$0x3FB6]  }
0x3d: {  	_ =	shalt  }
0x3e: {  	_ =	shalt  }
0x3f: {  	_ =	shalt  }
0x40: {  	_ =	shalt  }
0x41: {  	_ =	shalt  }
0x42: {  	_ =	shalt  }
0x43: {  	_ =	shalt  }
0x44: {  	_ =	shalt  }
0x45: {  	_ =	shalt  }
0x46: {  	_ =	shalt  }
0x47: {  	_ =	shalt  }
0x48: {  	_ =	shalt  }
0x49: {  	_ =	shalt  }
0x4a: {  	_ =	shalt  }
0x4b: {  	_ =	shalt  }
0x4c: {  	_ =	shalt  }
0x4d: {  	_ =	shalt  }
0x4e: {  	_ =	shalt  }
0x4f: {  	_ =	shalt  }
0x50: {  	_ =	shalt  }
0x51: {  	_ =	shalt  }
0x52: {  	_ =	shalt  }
0x53: {  	_ =	shalt  }
0x54: {  	_ =	shalt  }
0x55: {  	_ =	shalt  }
0x56: {  	_ =	shalt  }
0x57: {  	_ =	shalt  }
0x58: {  	_ =	shalt  }
0x59: {  	_ =	shalt  }
0x5a: {  	_ =	shalt  }
0x5b: {  	_ =	shalt  }
0x5c: {  	_ =	shalt  }
0x5d: {  	_ =	shalt  }
0x5e: {  	_ =	shalt  }
0x5f: {  	_ =	shalt  }
0x60: {  	_ =	shalt  }
0x61: {  	_ =	shalt  }
0x62: {  	_ =	shalt  }
0x63: {  	_ =	shalt  }
0x64: {  	_ =	shalt  }
0x65: {  	_ =	shalt  }
0x66: {  	_ =	shalt  }
0x67: {  	_ =	shalt  }
0x68: {  	_ =	shalt  }
0x69: {  	_ =	shalt  }
0x6a: {  	_ =	shalt  }
0x6b: {  	_ =	shalt  }
0x6c: {  	_ =	shalt  }
0x6d: {  	_ =	shalt  }
0x6e: {  	_ =	shalt  }
0x6f: {  	_ =	shalt  }
0x70: {  	_ =	shalt  }
0x71: {  	_ =	shalt  }
0x72: {  	_ =	shalt  }
0x73: {  	_ =	shalt  }
0x74: {  	_ =	shalt  }
0x75: {  	_ =	shalt  }
0x76: {  	_ =	shalt  }
0x77: {  	_ =	shalt  }
0x78: {  	_ =	shalt  }
0x79: {  	_ =	shalt  }
0x7a: {  	_ =	shalt  }
0x7b: {  	_ =	shalt  }
0x7c: {  	_ =	shalt  }
0x7d: {  	_ =	shalt  }
0x7e: {  	_ =	shalt  }
0x7f: {  	_ =	shalt  }
0x80: {  	_ =	shalt  }
0x81: {  	_ =	shalt  }
0x82: {  	_ =	shalt  }
0x83: {  	_ =	shalt  }
0x84: {  	_ =	shalt  }
0x85: {  	_ =	shalt  }
0x86: {  	_ =	shalt  }
0x87: {  	_ =	shalt  }
.Lfunc_end0:
.L_simem_size_0:
called_computation.1_lowered:
.L_overlay_start_0:
0x88: {  	s2 =	sld [smem:$0x3FD9]  }
0x89: {  	s3 =	sld [smem:$0x3FFE];
	_ =	sdelay $0x1  }
0x8a: {  	s1 =	srdreg.scid  }
0x8b: {  	s0 =	sand.u32 $0x1, s1  }
0x8c: {  	s17 =	sshll.u32 s0, $0xA;
	s2 =	sadd.s32 s3, s2  }
0x8d: {  	s2 =	sadd.s32 s2, s17  }
0x8e: {  	[smem:$0x3FC2] =	sst s2  }
0x8f: {  	_ = 	snop  }
0x90: {  	s2 =	sld [smem:$0x3FD0];
	(tm) =	ssettm $0x1  }
0x91: {  	s18 =	sld [smem:$0x3FFB];
	_ =	sdelay $0x3  }
0x92: {  	_ =	strace s18  }
0x93: {  	s3 =	sld [smem:$0x3FFC];
	_ =	sdelay $0x3  }
0x94: {  	_ =	strace s3  }
0x95: {  	s3 =	sld [smem:$0x3FFD];
	_ =	sdelay $0x3  }
0x96: {  	_ =	strace s3  }
0x97: {  	_ =	strace $0x8FFFFFFF  }
0x98: {  	s19 =	sld [smem:$0x3FDB];
	_ =	sdelay $0x1  }
0x99: {  	s4 =	simm.s32 $_scs_section_size  }
0x9a: {  	s5 =	simm.s32 $_size__tile_overlayer_lowered;
	s6 =	simm.s32 $_tile_overlayer_lowered  }
0x9b: {  	s22 =	simm.s32 $0x1BFF;
	s21 =	sshll.u32 s6, $0x1;
	s3 =	sadd.s32 s4, s19  }
0x9c: {  	s7 =	simm.s32 $0x0;
	s20 =	sshll.u32 s5, $0x1;
	s5 =	sadd.s32 s21, s3  }
0x9d: {  	[timem:s7], [sflag:s22] =	dma.local [hbm:s5], s20  }
0x9e: {  	_ =	swait.ge [sflag:s22], s20  }
0x9f: {  	s4 =	ssub.s32 $0x0, s20;
	[sflag:s22] =	ssyncset.done $0x0  }
0xa0: {  	[sflag:s22] =	ssyncadd.s32 s4;
	_ =	sdelay $0x1  }
0xa1: {  	s23 =	simm.s32 $0x1B8B  }
0xa2: {  	_ =	swait.ge [sflag:s23], $0x1  }
0xa3: {  	[sflag:s23] =	ssyncset.done $0x0  }
0xa4: {  	s25 =	simm.s32 $0x1B8E;
	s24 =	sld [smem:$0x3FFE];
	[sflag:s23] =	ssyncadd.s32 $0xFFFFFFFF  }
0xa5: {  	s26 =	simm.s32 $execute0_lowered;
	[smem:$0x3FD2] =	sst s25  }
0xa6: {  	s5 =	sshll.u32 s26, $0x1;
	_ =	strace $0x80000049;
	[dreg:$0x1] =	wrdreg $0xFFFFFFFF  }
0xa7: {  	s28 =	simm.s32 $_size_execute0_lowered;
	s3 =	sadd.s32 s3, s5;
	[dreg:$0x0] =	wrdreg $0x0  }
0xa8: {  	s5 =	sshll.u32 s28, $0x1;
	[dreg:$0x2] =	wrdreg s3  }
0xa9: {  	[dreg:$0x3] =	wrdreg s5  }
0xaa: {  	[dreg:$0x4] =	wrdreg $0xC0  }
0xab: {  	_ =	task [dreg:s7], $0x5FFFF  }
0xac: {  	[dreg:$0x1] =	wrdreg $0xFFFFFFFF  }
0xad: {  	[dreg:$0x0] =	wrdreg $0x60  }
0xae: {  	[dreg:$0x2] =	wrdreg s2  }
0xaf: {  	[dreg:$0x3] =	wrdreg s24  }
0xb0: {  	[dreg:$0x4] =	wrdreg $0x60000  }
0xb1: {  	[dreg:$0x5] =	wrdreg $0x9  }
0xb2: {  	_ =	task.clear_ibuf [dreg:s7], $0x6FFFF;
	_ =	strace $0x90000049  }
0xb3: {  	s29 =	simm.s32 $0x9;
	_ =	strace $0x8000004B  }
0xb4: {  	_ =	swait.ge [sflag:s29], $0x1  }
0xb5: {  	[sflag:s29] =	ssyncadd.s32 $0xFFFFFFFF  }
0xb6: {  	_ =	strace $0x9000004B  }
0xb7: {  	_ =	sfence  }
0xb8: {  	s30 =	sld [smem:$0x0];
	_ =	sdelay $0x2  }
0xb9: {  	s31 =	sshll.u32 s1, $0xD;
	s1 =	sshrl.u32 s1, $0x2  }
0xba: {  	s3 =	sand.u32 $0x4000, s31;
	s1 =	sadd.s32 s1, s30  }
0xbb: {  	s0 =	sor.u32 s3, s0;
	s1 =	sshll.u32 s1, $0x11  }
0xbc: {  	s0 =	sor.u32 s1, s0  }
0xbd: {  	s0 =	sadd.s32 $0x8F2B, s0  }
0xbe: {  	[sflag:s0] =	ssyncadd.remote.s32 $0x1  }
0xbf: {  	_ =	sfence.sel $0xFFFF  }
0xc0: {  	[dreg:$0x0] =	wrdreg $0xFFFFFFFF;
	(pc) =	sbr.abs _section_cstart, $3  }
0xc1: {  	[dreg:$0x1] =	wrdreg $0xFFFFFFFF  }
0xc2: {  	_ =	task.clear_ibuf [dreg:s7], $0x2FFFF;
	_ =	strace $0x9FFFFFFF  }
0xc3: {  	(tm) =	ssettm $0x7FFFFFFF  }
tec
execute0_lowered:
.L_overlay_start_1:
0x0: {  	(tag) =	ssettag $0x1  }
0x1: {  	s0 =	rddreg [dreg:$0x0]  }
0x2: {  	s1 =	srdreg.scid;
	s5 =	stileid.u32  }
0x3: {  	s4 =	rddreg [dreg:$0x1];
	s7 =	smul.u32 $0x5000, s5  }
0x4: {  	s2 =	rddreg [dreg:$0x2];
	s3 =	simm.s32 $0x0;
	s9 =	smul.u32 $0x4F000, s5  }
0x5: {  	s1 =	sand.u32 $0x1, s1;
	[smem:$0x7FF] =	sst s3;
	s16 =	smul.u32 $0x270, s5  }
0x6: {  	s11 =	sadd.s32 $0x1FA00, s4;
	p0 =	sne.s32 s5, $0x0;
	s6 =	smul.u32 $0x50000, s1  }
0x7: {  	_ =	strace $0x8000004A;
	s8 =	ssub.s32 $0x2, s1;
	s19 =	smul.u32 $0x2710, s1  }
0x8: {  	s1 =	smul.u32 $0x138800, s1;
	s10 =	sshrl.u32 s8, $0x1;
	s14 =	sshrl.u32 s9, $0x2  }
0x9: {  	s21 =	sadd.s32 $0x80, s16;
	s9 =	sadd.s32 $0x200, s16;
	s6 =	sadd.s32 s7, s6  }
0xa: {  	s7 =	sshrl.u32 s7, $0x3;
	s8 =	ssub.s32 s8, s10;
	s22 =	sadd.s32 s16, s19  }
0xb: {  	s10 =	sadd.s32 s19, s9;
	s1 =	sshrl.u32 s1, $0x3;
	s6 =	sshrl.u32 s6, $0x3  }
0xc: {  	s7 =	sadd.s32 s7, s4;
	s10 =	sshll.u32 s10, $0x4;
	s1 =	sadd.s32 s11, s1  }
0xd: {  	s6 =	sadd.s32 s6, s4;
	s4 =	sadd.s32 s14, s2;
	s17 =	sadd.s32 $0x1A00, s7  }
0xe: {  	s12 =	sadd.s32 $0x1C00, s7;
	s13 =	sadd.s32 $0x1E00, s7;
	s14 =	sadd.s32 s19, s21  }
0xf: {  	s21 =	sshll.u32 s21, $0x7;
	s15 =	sadd.s32 $0xBA00, s6;
	[dreg:$0x5] =	wrdreg s17  }
0x10: {  	s18 =	sadd.s32 $0xBC00, s6;
	[dreg:$0x7] =	wrdreg s12;
	s20 =	sadd.s32 $0xBE00, s6  }
0x11: {  	[dreg:$0x9] =	wrdreg s13;
	s13 =	sshll.u32 s22, $0x4;
	s14 =	sshll.u32 s14, $0x4  }
0x12: {  	s22 =	sadd.s32 $0x100, s16;
	s17 =	sadd.s32 $0xC200, s6;
	s21 =	sadd.s32 s21, s2  }
0x13: {  	s28 =	sadd.s32 $0x4000, s4;
	s29 =	sadd.s32 $0x8000, s4;
	[dreg:$0x4] =	wrdreg s15  }
0x14: {  	s30 =	sadd.s32 $0xC000, s4;
	s31 =	sadd.s32 $0x10000, s4;
	[dreg:$0x6] =	wrdreg s18  }
0x15: {  	[dreg:$0x8] =	wrdreg s20;
	s13 =	sadd.s32 s11, s13;
	s23 =	sadd.s32 s11, s14  }
0x16: {  	s24 =	sadd.s32 s19, s22;
	s15 =	sadd.s32 s11, s10;
	s14 =	smul.u32 $0x4E000, s5  }
0x17: {  	s18 =	sadd.s32 $0x2000, s7;
	s5 =	simm.s32 $0x2000;
	[dreg:$0xa] =	wrdreg s13  }
0x18: {  	s10 =	simm.s32 $0x0;
	[dreg:$0xb] =	wrdreg s23;
	s13 =	sshll.u32 s24, $0x4  }
0x19: {  	s23 =	sadd.s32 $0x180, s16;
	s16 =	sadd.s32 $0xC000, s6;
	s24 =	sshll.u32 s22, $0x7  }
0x1a: {  	s6 =	simm.s32 $0x2;
	s25 =	sadd.s32 s19, s23;
	s13 =	sadd.s32 s11, s13  }
0x1b: {  	s19 =	sadd.s32 $0x2200, s7;
	s20 =	sshrl.u32 s14, $0x2;
	s22 =	sadd.s32 s24, s2  }
0x1c: {  	s7 =	simm.s32 $0x1000;
	[dreg:$0xc] =	wrdreg s13;
	s26 =	sshll.u32 s25, $0x4  }
0x1d: {  	s20 =	sadd.s32 s20, s2;
	s25 =	sshll.u32 s23, $0x7;
	s13 =	sadd.s32 s11, s26  }
0x1e: {  	s26 =	sshll.u32 s9, $0x7;
	s23 =	sadd.s32 s25, s2;
	s25 =	sadd.s32 $0x27000, s1  }
0x1f: {  	s1 =	sadd.s32 $0x138000, s2;
	s9 =	simm.s32 $0x1;
	[dreg:$0xd] =	wrdreg s13  }
0x20: {  	v0 =	vimm.f32 $0.0e+00;
	s24 =	sadd.s32 s26, s2;
	s26 =	smax.u32 s8, $0x1;
	s8 =	simm.s32 $0x80  }
.LBB2_1:
0x21: {  	s11 =	sand.u32 $0xFE00, s3  }
0x22: {  	s12 =	sand.u32 $0x70, s3;
	s13 =	sshrl.u32 s11, $0x2  }
0x23: {  	s11 =	simm.s32 $0x40;
	s13 =	sor.u32 s12, s13;
	s12 =	simm.s32 $0x0  }
.LBB2_2:
0x24: {  	p1 =	sne.s32 s11, $0xFFC0  }
0x25: {  	[tilespmem:s13+$0x2000] =	vst v0;
	s12 =	sadd.s32 $0x10, s12;
	s13 =	smov.u32 s11;
	s11 =	sadd.s32 $0x40, s11  }
.Ltmp0:
0x26: {  	(pc) =	sbr.rel @p1 .LBB2_2-.Ltmp0, $4  }
0x27: {  	_ = 	snop  }
0x28: {  	s13 =	sand.u32 $0xFE00, s13  }
0x29: {  	s14 =	sand.u32 $0x70, s12;
	s13 =	sshrl.u32 s13, $0x2  }
0x2a: {  	s13 =	sor.u32 s14, s13  }
0x2b: {  	[tilespmem:s13+$0x2000] =	vst v0  }
0x2c: {  	[spmem:s4] =	stream.linear.scatter [tilespmem:s5], [sflag:$0x2], $0x4000, $0x38;
	[tilespmem:$0x19C00] =	vst v63  }
0x2d: {  	_ =	swait.ge [sflag:s6], $0x4000  }
0x2e: {  	[sflag:s6] =	ssyncset.done $0x0  }
0x2f: {  	[sflag:s6] =	ssyncadd.s32 $0xFFFFC000  }
0x30: {  	[spmem:s28] =	stream.linear.scatter [tilespmem:s5], [sflag:$0x2], $0x4000, $0x38;
	[tilespmem:$0x19C00] =	vst v63  }
0x31: {  	_ =	swait.ge [sflag:s6], $0x4000  }
0x32: {  	[sflag:s6] =	ssyncset.done $0x0  }
0x33: {  	[sflag:s6] =	ssyncadd.s32 $0xFFFFC000  }
0x34: {  	[spmem:s29] =	stream.linear.scatter [tilespmem:s5], [sflag:$0x2], $0x4000, $0x38;
	[tilespmem:$0x19C00] =	vst v63  }
0x35: {  	_ =	swait.ge [sflag:s6], $0x4000  }
0x36: {  	[sflag:s6] =	ssyncset.done $0x0  }
0x37: {  	[sflag:s6] =	ssyncadd.s32 $0xFFFFC000  }
0x38: {  	[spmem:s30] =	stream.linear.scatter [tilespmem:s5], [sflag:$0x2], $0x4000, $0x38;
	[tilespmem:$0x19C00] =	vst v63  }
0x39: {  	_ =	swait.ge [sflag:s6], $0x4000  }
0x3a: {  	[sflag:s6] =	ssyncset.done $0x0  }
0x3b: {  	[sflag:s6] =	ssyncadd.s32 $0xFFFFC000  }
0x3c: {  	[spmem:s31] =	stream.linear.scatter [tilespmem:s5], [sflag:$0x2], $0x3C00, $0x38;
	[tilespmem:$0x19C00] =	vst v63  }
0x3d: {  	_ =	swait.ge [sflag:s6], $0x3C00  }
0x3e: {  	[sflag:s6] =	ssyncset.done $0x0  }
0x3f: {  	[sflag:s6] =	ssyncadd.s32 $0xFFFFC400  }
0x40: {  	[bflag:$0x0] =	sbarrier.arrive $0xFFFF  }
0x41: {  	s11 =	simm.s32 $0x0;
	s12 =	rddreg [dreg:$0x4]  }
0x42: {  	[tilespmem:s11], [sflag:$0x2] =	stream.linear.gather [hbm4b:s12+s11], $0x1000, $0x38;
	[tilespmem:$0x19C00] =	vst v63  }
0x43: {  	_ =	swait.ge [sflag:s6], $0x1000  }
0x44: {  	[sflag:s6] =	ssyncset.done $0x0  }
0x45: {  	s14 =	rddreg [dreg:$0x5];
	[sflag:s6] =	ssyncadd.s32 $0xFFFFF000  }
0x46: {  	[tilespmem:s7], [sflag:$0x2] =	stream.linear.gather [hbm4b:s14+s11], $0x1000, $0x38;
	[tilespmem:$0x19C00] =	vst v63  }
0x47: {  	_ =	swait.ge [sflag:s6], $0x1000  }
0x48: {  	[sflag:s6] =	ssyncset.done $0x0  }
0x49: {  	s13 =	simm.s32 $0x0;
	[sflag:s6] =	ssyncadd.s32 $0xFFFFF000  }
0x4a: {  	[tilespmem:s5], [sflag:$0x1] =	stream.indirect.gather [hbm4b:s0+s8], $0x80, s13, s8, $0xb8;
	[tilespmem:$0x19C00] =	vst v63  }
0x4b: {  	_ =	swait.ge [sflag:s9], $0x4000  }
0x4c: {  	[sflag:s9] =	ssyncset.done $0x0  }
0x4d: {  	s14 =	simm.s32 $0x1000;
	[sflag:s9] =	ssyncadd.s32 $0xFFFFC000  }
0x4e: {  	[spmem:s2] =	stream.indirect.scatter.add.f32 [tilespmem:s5], [sflag:$0x2], $0x80, s14, s8, $0xb8;
	[tilespmem:$0x19C00] =	vst v63  }
0x4f: {  	_ =	swait.ge [sflag:s6], $0x4000  }
0x50: {  	s12 =	simm.s32 $0x400;
	s11 =	simm.s32 $0x200;
	[sflag:s6] =	ssyncset.done $0x0  }
.LBB2_4:
0x51: {  	s13 =	sshra.s32 s11, $0x2  }
0x52: {  	[sflag:s6] =	ssyncadd.s32 $0xFFFFC000;
	s11 =	smov.u32 s12;
	s14 =	sadd.s32 $0x200, s12  }
0x53: {  	[tilespmem:s5], [sflag:$0x1] =	stream.indirect.gather [hbm4b:s0+s8], $0x80, s13, s8, $0xb8;
	[tilespmem:$0x19C00] =	vst v63  }
0x54: {  	p1 =	sne.s32 s12, $0x3E00;
	_ =	swait.ge [sflag:s9], $0x4000  }
.Ltmp1:
0x55: {  	[sflag:s9] =	ssyncset.done $0x0;
	(pc) =	sbr.rel @p1 .LBB2_4-.Ltmp1, $4  }
0x56: {  	s12 =	sadd.s32 $0x1000, s13;
	[sflag:s9] =	ssyncadd.s32 $0xFFFFC000  }
0x57: {  	[spmem:s2] =	stream.indirect.scatter.add.f32 [tilespmem:s5], [sflag:$0x2], $0x80, s12, s8, $0xb8;
	[tilespmem:$0x19C00] =	vst v63  }
0x58: {  	_ =	swait.ge [sflag:s6], $0x4000  }
0x59: {  	s12 =	smov.u32 s14;
	[sflag:s6] =	ssyncset.done $0x0  }
0x5a: {  	s11 =	sshra.s32 s11, $0x2;
	[sflag:s6] =	ssyncadd.s32 $0xFFFFC000  }
0x5b: {  	[tilespmem:s5], [sflag:$0x1] =	stream.indirect.gather [hbm4b:s0+s8], $0x80, s11, s8, $0xb8;
	[tilespmem:$0x19C00] =	vst v63  }
0x5c: {  	_ =	swait.ge [sflag:s9], $0x4000  }
0x5d: {  	[sflag:s9] =	ssyncset.done $0x0  }
0x5e: {  	s11 =	sadd.s32 $0x1000, s11;
	[sflag:s9] =	ssyncadd.s32 $0xFFFFC000  }
0x5f: {  	[spmem:s2] =	stream.indirect.scatter.add.f32 [tilespmem:s5], [sflag:$0x2], $0x80, s11, s8, $0xb8;
	[tilespmem:$0x19C00] =	vst v63  }
0x60: {  	_ =	swait.ge [sflag:s6], $0x4000  }
0x61: {  	[sflag:s6] =	ssyncset.done $0x0  }
0x62: {  	s13 =	simm.s32 $0x0;
	s12 =	rddreg [dreg:$0x6];
	[sflag:s6] =	ssyncadd.s32 $0xFFFFC000  }
0x63: {  	[tilespmem:s13], [sflag:$0x2] =	stream.linear.gather [hbm4b:s12+s13], $0x1000, $0x38;
	[tilespmem:$0x19C00] =	vst v63  }
0x64: {  	_ =	swait.ge [sflag:s6], $0x1000  }
0x65: {  	[sflag:s6] =	ssyncset.done $0x0  }
0x66: {  	s14 =	rddreg [dreg:$0x7];
	[sflag:s6] =	ssyncadd.s32 $0xFFFFF000  }
0x67: {  	[tilespmem:s7], [sflag:$0x2] =	stream.linear.gather [hbm4b:s14+s13], $0x1000, $0x38;
	[tilespmem:$0x19C00] =	vst v63  }
0x68: {  	_ =	swait.ge [sflag:s6], $0x1000  }
0x69: {  	[sflag:s6] =	ssyncset.done $0x0  }
0x6a: {  	s13 =	simm.s32 $0x0;
	[sflag:s6] =	ssyncadd.s32 $0xFFFFF000  }
0x6b: {  	[tilespmem:s5], [sflag:$0x1] =	stream.indirect.gather [hbm4b:s0+s8], $0x80, s13, s8, $0xb8;
	[tilespmem:$0x19C00] =	vst v63  }
0x6c: {  	_ =	swait.ge [sflag:s9], $0x4000  }
0x6d: {  	[sflag:s9] =	ssyncset.done $0x0  }
0x6e: {  	s14 =	simm.s32 $0x1000;
	[sflag:s9] =	ssyncadd.s32 $0xFFFFC000  }
0x6f: {  	[spmem:s2] =	stream.indirect.scatter.add.f32 [tilespmem:s5], [sflag:$0x2], $0x80, s14, s8, $0xb8;
	[tilespmem:$0x19C00] =	vst v63  }
0x70: {  	_ =	swait.ge [sflag:s6], $0x4000  }
0x71: {  	s11 =	simm.s32 $0x200;
	s12 =	simm.s32 $0x400;
	[sflag:s6] =	ssyncset.done $0x0  }
.LBB2_6:
0x72: {  	s13 =	sshra.s32 s11, $0x2  }
0x73: {  	[sflag:s6] =	ssyncadd.s32 $0xFFFFC000;
	s11 =	smov.u32 s12;
	s14 =	sadd.s32 $0x200, s12  }
0x74: {  	[tilespmem:s5], [sflag:$0x1] =	stream.indirect.gather [hbm4b:s0+s8], $0x80, s13, s8, $0xb8;
	[tilespmem:$0x19C00] =	vst v63  }
0x75: {  	p1 =	sne.s32 s12, $0x3E00;
	_ =	swait.ge [sflag:s9], $0x4000  }
.Ltmp2:
0x76: {  	[sflag:s9] =	ssyncset.done $0x0;
	(pc) =	sbr.rel @p1 .LBB2_6-.Ltmp2, $4  }
0x77: {  	s12 =	sadd.s32 $0x1000, s13;
	[sflag:s9] =	ssyncadd.s32 $0xFFFFC000  }
0x78: {  	[spmem:s2] =	stream.indirect.scatter.add.f32 [tilespmem:s5], [sflag:$0x2], $0x80, s12, s8, $0xb8;
	[tilespmem:$0x19C00] =	vst v63  }
0x79: {  	_ =	swait.ge [sflag:s6], $0x4000  }
0x7a: {  	s12 =	smov.u32 s14;
	[sflag:s6] =	ssyncset.done $0x0  }
0x7b: {  	s11 =	sshra.s32 s11, $0x2;
	[sflag:s6] =	ssyncadd.s32 $0xFFFFC000  }
0x7c: {  	[tilespmem:s5], [sflag:$0x1] =	stream.indirect.gather [hbm4b:s0+s8], $0x80, s11, s8, $0xb8;
	[tilespmem:$0x19C00] =	vst v63  }
0x7d: {  	_ =	swait.ge [sflag:s9], $0x4000  }
0x7e: {  	[sflag:s9] =	ssyncset.done $0x0  }
0x7f: {  	s11 =	sadd.s32 $0x1000, s11;
	[sflag:s9] =	ssyncadd.s32 $0xFFFFC000  }
0x80: {  	[spmem:s2] =	stream.indirect.scatter.add.f32 [tilespmem:s5], [sflag:$0x2], $0x80, s11, s8, $0xb8;
	[tilespmem:$0x19C00] =	vst v63  }
0x81: {  	_ =	swait.ge [sflag:s6], $0x4000  }
0x82: {  	[sflag:s6] =	ssyncset.done $0x0  }
0x83: {  	s13 =	simm.s32 $0x0;
	s12 =	rddreg [dreg:$0x8];
	[sflag:s6] =	ssyncadd.s32 $0xFFFFC000  }
0x84: {  	[tilespmem:s13], [sflag:$0x2] =	stream.linear.gather [hbm4b:s12+s13], $0x1000, $0x38;
	[tilespmem:$0x19C00] =	vst v63  }
0x85: {  	_ =	swait.ge [sflag:s6], $0x1000  }
0x86: {  	[sflag:s6] =	ssyncset.done $0x0  }
0x87: {  	s14 =	rddreg [dreg:$0x9];
	[sflag:s6] =	ssyncadd.s32 $0xFFFFF000  }
0x88: {  	[tilespmem:s7], [sflag:$0x2] =	stream.linear.gather [hbm4b:s14+s13], $0x1000, $0x38;
	[tilespmem:$0x19C00] =	vst v63  }
0x89: {  	_ =	swait.ge [sflag:s6], $0x1000  }
0x8a: {  	[sflag:s6] =	ssyncset.done $0x0  }
0x8b: {  	s13 =	simm.s32 $0x0;
	[sflag:s6] =	ssyncadd.s32 $0xFFFFF000  }
0x8c: {  	[tilespmem:s5], [sflag:$0x1] =	stream.indirect.gather [hbm4b:s0+s8], $0x80, s13, s8, $0xb8;
	[tilespmem:$0x19C00] =	vst v63  }
0x8d: {  	_ =	swait.ge [sflag:s9], $0x4000  }
0x8e: {  	[sflag:s9] =	ssyncset.done $0x0  }
0x8f: {  	s14 =	simm.s32 $0x1000;
	[sflag:s9] =	ssyncadd.s32 $0xFFFFC000  }
0x90: {  	[spmem:s2] =	stream.indirect.scatter.add.f32 [tilespmem:s5], [sflag:$0x2], $0x80, s14, s8, $0xb8;
	[tilespmem:$0x19C00] =	vst v63  }
0x91: {  	_ =	swait.ge [sflag:s6], $0x4000  }
0x92: {  	s11 =	simm.s32 $0x200;
	s12 =	simm.s32 $0x400;
	[sflag:s6] =	ssyncset.done $0x0  }
.LBB2_8:
0x93: {  	s13 =	sshra.s32 s11, $0x2  }
0x94: {  	[sflag:s6] =	ssyncadd.s32 $0xFFFFC000;
	s11 =	smov.u32 s12;
	s14 =	sadd.s32 $0x200, s12  }
0x95: {  	[tilespmem:s5], [sflag:$0x1] =	stream.indirect.gather [hbm4b:s0+s8], $0x80, s13, s8, $0xb8;
	[tilespmem:$0x19C00] =	vst v63  }
0x96: {  	p1 =	sne.s32 s12, $0x3E00;
	_ =	swait.ge [sflag:s9], $0x4000  }
.Ltmp3:
0x97: {  	[sflag:s9] =	ssyncset.done $0x0;
	(pc) =	sbr.rel @p1 .LBB2_8-.Ltmp3, $4  }
0x98: {  	s12 =	sadd.s32 $0x1000, s13;
	[sflag:s9] =	ssyncadd.s32 $0xFFFFC000  }
0x99: {  	[spmem:s2] =	stream.indirect.scatter.add.f32 [tilespmem:s5], [sflag:$0x2], $0x80, s12, s8, $0xb8;
	[tilespmem:$0x19C00] =	vst v63  }
0x9a: {  	_ =	swait.ge [sflag:s6], $0x4000  }
0x9b: {  	s12 =	smov.u32 s14;
	[sflag:s6] =	ssyncset.done $0x0  }
0x9c: {  	s11 =	sshra.s32 s11, $0x2;
	[sflag:s6] =	ssyncadd.s32 $0xFFFFC000  }
0x9d: {  	[tilespmem:s5], [sflag:$0x1] =	stream.indirect.gather [hbm4b:s0+s8], $0x80, s11, s8, $0xb8;
	[tilespmem:$0x19C00] =	vst v63  }
0x9e: {  	_ =	swait.ge [sflag:s9], $0x4000  }
0x9f: {  	[sflag:s9] =	ssyncset.done $0x0  }
0xa0: {  	s11 =	sadd.s32 $0x1000, s11;
	[sflag:s9] =	ssyncadd.s32 $0xFFFFC000  }
0xa1: {  	[spmem:s2] =	stream.indirect.scatter.add.f32 [tilespmem:s5], [sflag:$0x2], $0x80, s11, s8, $0xb8;
	[tilespmem:$0x19C00] =	vst v63  }
0xa2: {  	_ =	swait.ge [sflag:s6], $0x4000  }
0xa3: {  	[sflag:s6] =	ssyncset.done $0x0  }
0xa4: {  	s12 =	simm.s32 $0x0;
	[sflag:s6] =	ssyncadd.s32 $0xFFFFC000  }
0xa5: {  	[tilespmem:s12], [sflag:$0x2] =	stream.linear.gather [hbm4b:s16+s12], $0x1000, $0x38;
	[tilespmem:$0x19C00] =	vst v63  }
0xa6: {  	_ =	swait.ge [sflag:s6], $0x1000  }
0xa7: {  	[sflag:s6] =	ssyncset.done $0x0  }
0xa8: {  	[sflag:s6] =	ssyncadd.s32 $0xFFFFF000  }
0xa9: {  	[tilespmem:s7], [sflag:$0x2] =	stream.linear.gather [hbm4b:s18+s12], $0x1000, $0x38;
	[tilespmem:$0x19C00] =	vst v63  }
0xaa: {  	_ =	swait.ge [sflag:s6], $0x1000  }
0xab: {  	[sflag:s6] =	ssyncset.done $0x0  }
0xac: {  	s13 =	simm.s32 $0x0;
	[sflag:s6] =	ssyncadd.s32 $0xFFFFF000  }
0xad: {  	[tilespmem:s5], [sflag:$0x1] =	stream.indirect.gather [hbm4b:s0+s8], $0x80, s13, s8, $0xb8;
	[tilespmem:$0x19C00] =	vst v63  }
0xae: {  	_ =	swait.ge [sflag:s9], $0x4000  }
0xaf: {  	[sflag:s9] =	ssyncset.done $0x0  }
0xb0: {  	s14 =	simm.s32 $0x1000;
	[sflag:s9] =	ssyncadd.s32 $0xFFFFC000  }
0xb1: {  	[spmem:s2] =	stream.indirect.scatter.add.f32 [tilespmem:s5], [sflag:$0x2], $0x80, s14, s8, $0xb8;
	[tilespmem:$0x19C00] =	vst v63  }
0xb2: {  	_ =	swait.ge [sflag:s6], $0x4000  }
0xb3: {  	s11 =	simm.s32 $0x200;
	s12 =	simm.s32 $0x400;
	[sflag:s6] =	ssyncset.done $0x0  }
.LBB2_10:
0xb4: {  	s13 =	sshra.s32 s11, $0x2  }
0xb5: {  	[sflag:s6] =	ssyncadd.s32 $0xFFFFC000;
	s11 =	smov.u32 s12;
	s14 =	sadd.s32 $0x200, s12  }
0xb6: {  	[tilespmem:s5], [sflag:$0x1] =	stream.indirect.gather [hbm4b:s0+s8], $0x80, s13, s8, $0xb8;
	[tilespmem:$0x19C00] =	vst v63  }
0xb7: {  	p1 =	sne.s32 s12, $0x3E00;
	_ =	swait.ge [sflag:s9], $0x4000  }
.Ltmp4:
0xb8: {  	[sflag:s9] =	ssyncset.done $0x0;
	(pc) =	sbr.rel @p1 .LBB2_10-.Ltmp4, $4  }
0xb9: {  	s12 =	sadd.s32 $0x1000, s13;
	[sflag:s9] =	ssyncadd.s32 $0xFFFFC000  }
0xba: {  	[spmem:s2] =	stream.indirect.scatter.add.f32 [tilespmem:s5], [sflag:$0x2], $0x80, s12, s8, $0xb8;
	[tilespmem:$0x19C00] =	vst v63  }
0xbb: {  	_ =	swait.ge [sflag:s6], $0x4000  }
0xbc: {  	s12 =	smov.u32 s14;
	[sflag:s6] =	ssyncset.done $0x0  }
0xbd: {  	s11 =	sshra.s32 s11, $0x2;
	[sflag:s6] =	ssyncadd.s32 $0xFFFFC000  }
0xbe: {  	[tilespmem:s5], [sflag:$0x1] =	stream.indirect.gather [hbm4b:s0+s8], $0x80, s11, s8, $0xb8;
	[tilespmem:$0x19C00] =	vst v63  }
0xbf: {  	_ =	swait.ge [sflag:s9], $0x4000  }
0xc0: {  	[sflag:s9] =	ssyncset.done $0x0  }
0xc1: {  	s11 =	sadd.s32 $0x1000, s11;
	[sflag:s9] =	ssyncadd.s32 $0xFFFFC000  }
0xc2: {  	[spmem:s2] =	stream.indirect.scatter.add.f32 [tilespmem:s5], [sflag:$0x2], $0x80, s11, s8, $0xb8;
	[tilespmem:$0x19C00] =	vst v63  }
0xc3: {  	_ =	swait.ge [sflag:s6], $0x4000  }
0xc4: {  	[sflag:s6] =	ssyncset.done $0x0  }
0xc5: {  	s12 =	simm.s32 $0x0;
	[sflag:s6] =	ssyncadd.s32 $0xFFFFC000  }
0xc6: {  	[tilespmem:s12], [sflag:$0x2] =	stream.linear.gather [hbm4b:s17+s12], $0xE80, $0x38;
	[tilespmem:$0x19C00] =	vst v63  }
0xc7: {  	_ =	swait.ge [sflag:s6], $0xE80  }
0xc8: {  	[sflag:s6] =	ssyncset.done $0x0  }
0xc9: {  	[sflag:s6] =	ssyncadd.s32 $0xFFFFF180  }
0xca: {  	[tilespmem:s7], [sflag:$0x2] =	stream.linear.gather [hbm4b:s19+s12], $0xE80, $0x38;
	[tilespmem:$0x19C00] =	vst v63  }
0xcb: {  	_ =	swait.ge [sflag:s6], $0xE80  }
0xcc: {  	[sflag:s6] =	ssyncset.done $0x0  }
0xcd: {  	s13 =	simm.s32 $0x0;
	[sflag:s6] =	ssyncadd.s32 $0xFFFFF180  }
0xce: {  	[tilespmem:s5], [sflag:$0x1] =	stream.indirect.gather [hbm4b:s0+s8], $0x80, s13, s8, $0xb8;
	[tilespmem:$0x19C00] =	vst v63  }
0xcf: {  	_ =	swait.ge [sflag:s9], $0x4000  }
0xd0: {  	[sflag:s9] =	ssyncset.done $0x0  }
0xd1: {  	s14 =	simm.s32 $0x1000;
	[sflag:s9] =	ssyncadd.s32 $0xFFFFC000  }
0xd2: {  	[spmem:s2] =	stream.indirect.scatter.add.f32 [tilespmem:s5], [sflag:$0x2], $0x80, s14, s8, $0xb8;
	[tilespmem:$0x19C00] =	vst v63  }
0xd3: {  	_ =	swait.ge [sflag:s6], $0x4000  }
0xd4: {  	s11 =	simm.s32 $0x200;
	s12 =	simm.s32 $0x400;
	[sflag:s6] =	ssyncset.done $0x0  }
.LBB2_12:
0xd5: {  	s13 =	sshra.s32 s11, $0x2  }
0xd6: {  	[sflag:s6] =	ssyncadd.s32 $0xFFFFC000;
	s11 =	smov.u32 s12;
	s14 =	sadd.s32 $0x200, s12  }
0xd7: {  	[tilespmem:s5], [sflag:$0x1] =	stream.indirect.gather [hbm4b:s0+s8], $0x80, s13, s8, $0xb8;
	[tilespmem:$0x19C00] =	vst v63  }
0xd8: {  	p1 =	sne.s32 s12, $0x3800;
	_ =	swait.ge [sflag:s9], $0x4000  }
.Ltmp5:
0xd9: {  	[sflag:s9] =	ssyncset.done $0x0;
	(pc) =	sbr.rel @p1 .LBB2_12-.Ltmp5, $4  }
0xda: {  	s12 =	sadd.s32 $0x1000, s13;
	[sflag:s9] =	ssyncadd.s32 $0xFFFFC000  }
0xdb: {  	[spmem:s2] =	stream.indirect.scatter.add.f32 [tilespmem:s5], [sflag:$0x2], $0x80, s12, s8, $0xb8;
	[tilespmem:$0x19C00] =	vst v63  }
0xdc: {  	_ =	swait.ge [sflag:s6], $0x4000  }
0xdd: {  	s12 =	smov.u32 s14;
	[sflag:s6] =	ssyncset.done $0x0  }
0xde: {  	s11 =	sshra.s32 s11, $0x2;
	[sflag:s6] =	ssyncadd.s32 $0xFFFFC000  }
0xdf: {  	[tilespmem:s5], [sflag:$0x1] =	stream.indirect.gather [hbm4b:s0+s8], $0x80, s11, s8, $0xb8;
	[tilespmem:$0x19C00] =	vst v63  }
0xe0: {  	_ =	swait.ge [sflag:s9], $0x4000  }
0xe1: {  	[sflag:s9] =	ssyncset.done $0x0  }
0xe2: {  	s11 =	sadd.s32 $0x1000, s11;
	[sflag:s9] =	ssyncadd.s32 $0xFFFFC000  }
0xe3: {  	[spmem:s2] =	stream.indirect.scatter.add.f32 [tilespmem:s5], [sflag:$0x2], $0x80, s11, s8, $0xb8;
	[tilespmem:$0x19C00] =	vst v63  }
0xe4: {  	_ =	swait.ge [sflag:s6], $0x4000  }
0xe5: {  	[sflag:s6] =	ssyncset.done $0x0  }
0xe6: {  	[sflag:s6] =	ssyncadd.s32 $0xFFFFC000  }
0xe7: {  	[bflag:$0x0] =	sbarrier.arrive $0xFFFF  }
0xe8: {  	[tilespmem:s5], [sflag:$0x2] =	stream.linear.gather [spmem:s20], $0x4000, $0x38;
	[tilespmem:$0x19C00] =	vst v63  }
0xe9: {  	_ =	swait.ge [sflag:s6], $0x4000  }
0xea: {  	[sflag:s6] =	ssyncset.done $0x0  }
0xeb: {  	s14 =	rddreg [dreg:$0xa];
	[sflag:s6] =	ssyncadd.s32 $0xFFFFC000  }
0xec: {  	[hbm4b:s14+s3] =	stream.linear.scatter [tilespmem:s5], [sflag:$0x2], $0x4000, $0x38;
	[tilespmem:$0x19C00] =	vst v63  }
0xed: {  	_ =	swait.ge [sflag:s6], $0x4000  }
0xee: {  	[sflag:s6] =	ssyncset.done $0x0  }
0xef: {  	[sflag:s6] =	ssyncadd.s32 $0xFFFFC000  }
0xf0: {  	[tilespmem:s5], [sflag:$0x2] =	stream.linear.gather [spmem:s21], $0x4000, $0x38;
	[tilespmem:$0x19C00] =	vst v63  }
0xf1: {  	_ =	swait.ge [sflag:s6], $0x4000  }
0xf2: {  	[sflag:s6] =	ssyncset.done $0x0  }
0xf3: {  	s12 =	rddreg [dreg:$0xb];
	[sflag:s6] =	ssyncadd.s32 $0xFFFFC000  }
0xf4: {  	[hbm4b:s12+s3] =	stream.linear.scatter [tilespmem:s5], [sflag:$0x2], $0x4000, $0x38;
	[tilespmem:$0x19C00] =	vst v63  }
0xf5: {  	_ =	swait.ge [sflag:s6], $0x4000  }
0xf6: {  	[sflag:s6] =	ssyncset.done $0x0  }
0xf7: {  	[sflag:s6] =	ssyncadd.s32 $0xFFFFC000  }
0xf8: {  	[tilespmem:s5], [sflag:$0x2] =	stream.linear.gather [spmem:s22], $0x4000, $0x38;
	[tilespmem:$0x19C00] =	vst v63  }
0xf9: {  	_ =	swait.ge [sflag:s6], $0x4000  }
0xfa: {  	[sflag:s6] =	ssyncset.done $0x0  }
0xfb: {  	s13 =	rddreg [dreg:$0xc];
	[sflag:s6] =	ssyncadd.s32 $0xFFFFC000  }
0xfc: {  	[hbm4b:s13+s3] =	stream.linear.scatter [tilespmem:s5], [sflag:$0x2], $0x4000, $0x38;
	[tilespmem:$0x19C00] =	vst v63  }
0xfd: {  	_ =	swait.ge [sflag:s6], $0x4000  }
0xfe: {  	[sflag:s6] =	ssyncset.done $0x0  }
0xff: {  	[sflag:s6] =	ssyncadd.s32 $0xFFFFC000  }
0x100: {  	[tilespmem:s5], [sflag:$0x2] =	stream.linear.gather [spmem:s23], $0x4000, $0x38;
	[tilespmem:$0x19C00] =	vst v63  }
0x101: {  	_ =	swait.ge [sflag:s6], $0x4000  }
0x102: {  	[sflag:s6] =	ssyncset.done $0x0  }
0x103: {  	s14 =	rddreg [dreg:$0xd];
	[sflag:s6] =	ssyncadd.s32 $0xFFFFC000  }
0x104: {  	[hbm4b:s14+s3] =	stream.linear.scatter [tilespmem:s5], [sflag:$0x2], $0x4000, $0x38;
	[tilespmem:$0x19C00] =	vst v63  }
0x105: {  	_ =	swait.ge [sflag:s6], $0x4000  }
0x106: {  	[sflag:s6] =	ssyncset.done $0x0  }
0x107: {  	[sflag:s6] =	ssyncadd.s32 $0xFFFFC000  }
0x108: {  	[tilespmem:s5], [sflag:$0x2] =	stream.linear.gather [spmem:s24], $0x3800, $0x38;
	[tilespmem:$0x19C00] =	vst v63  }
0x109: {  	_ =	swait.ge [sflag:s6], $0x3800  }
0x10a: {  	[sflag:s6] =	ssyncset.done $0x0  }
0x10b: {  	[sflag:s6] =	ssyncadd.s32 $0xFFFFC800  }
0x10c: {  	[hbm4b:s15+s3] =	stream.linear.scatter [tilespmem:s5], [sflag:$0x2], $0x3800, $0x38;
	[tilespmem:$0x19C00] =	vst v63  }
0x10d: {  	_ =	swait.ge [sflag:s6], $0x3800  }
0x10e: {  	[sflag:s6] =	ssyncset.done $0x0  }
0x10f: {  	s11 =	simm.s32 @!p0 $0x2000;
	s12 =	simm.s32 @!p0 $0x2;
	[sflag:s6] =	ssyncadd.s32 $0xFFFFC800  }
0x110: {  	[tilespmem:s11], [sflag:$0x2] =	stream.linear.gather @!p0 [spmem:s1], $0x800, $0x38;
	[tilespmem:$0x19C00] =	vst v63  }
0x111: {  	s10 =	sadd.s32 $0x1, s10;
	_ =	swait.ge @!p0 [sflag:s12], $0x800  }
0x112: {  	p1 =	sne.s32 s10, s26;
	[sflag:s12] =	ssyncset.done @!p0 $0x0  }
.Ltmp6:
0x113: {  	s13 =	simm.s32 @!p0 $0x0;
	[sflag:s12] =	ssyncadd.s32 @!p0 $0xFFFFF800;
	(pc) =	sbr.rel @p1 .LBB2_1-.Ltmp6, $4  }
0x114: {  	[hbm4b:s25+s13] =	stream.linear.scatter @!p0 [tilespmem:s11], [sflag:$0x2], $0x800, $0x38;
	[tilespmem:$0x19C00] =	vst v63  }
0x115: {  	_ =	swait.ge @!p0 [sflag:s12], $0x800  }
0x116: {  	[sflag:s12] =	ssyncset.done @!p0 $0x0  }
0x117: {  	[sflag:s12] =	ssyncadd.s32 @!p0 $0xFFFFF800  }
0x118: {  	_ =	sfence.sel $0x180000  }
0x119: {  	[bflag:$0x0] =	sbarrier.arrive $0xFFFF  }
0x11a: {  	_ =	strace $0x9000004A  }
0x11b: {  	[bflag:$0x2] =	sbarrier.arrive $0xFFFF  }
0x11c: {  	s0 =	rddreg [dreg:$0x3]  }
0x11d: {  	s0 =	sadd.s32 @!p0 $0x100000, s0  }
0x11e: {  	[sflag:s0] =	ssyncadd.tile.s32 @!p0 $0x1;
	_ =	shalt  }
.Lfunc_end2:
_tile_overlayer_lowered:
.L_overlay_start_2:
0x11f: {  	(tag) =	ssettag $0x2  }
0x120: {  	s0 =	rddreg [dreg:$0x0];
	s2 =	stileid.u32  }
0x121: {  	s1 =	rddreg [dreg:$0x1];
	p0 =	sne.s32 s2, $0x0  }
0x122: {  	s3 =	rddreg [dreg:$0x2];
	[bflag:$0x3] =	sbarrier.arrive $0xFFFF;
	s2 =	simm.s32 @!p0 $0x1C02  }
0x123: {  	[timem:s3], [sflag:s2] =	dma.local @!p0 [hbm:s0], s1  }
0x124: {  	s0 =	simm.s32 @!p0 $0x2  }
0x125: {  	_ =	swait.ge @!p0 [sflag:s0], s1  }
0x126: {  	s1 =	ssub.s32 @!p0 $0x0, s1;
	[sflag:s0] =	ssyncset.done @!p0 $0x0  }
0x127: {  	[sflag:s0] =	ssyncadd.s32 @!p0 s1  }
0x128: {  	[bflag:$0x3] =	sbarrier.arrive $0xFFFF  }
0x129: {  	_ =	shalt  }

// kernel: kernel.14.cloned.1.call-start
scs
__scs_entry_jumppad:
0x0: {  	(pc) =	sbr.rel $0x88, $3  }
0x1: {  	(tag) =	ssettag $0x0;
	lr =	simm.s32 $0x1  }
0x2: {  	[smem:$0x3F9B] =	sst lr;
	_ =	strace $0xD0000000  }
0x3: {  	_ = 	snop  }
0x4: {  	_ = 	snop  }
0x5: {  	_ = 	snop  }
0x6: {  	_ = 	snop  }
0x7: {  	_ = 	snop  }
__scs_overlays_trampoline_lowered:
0x8: {  	[smem:$0x3FAA] =	sst s0  }
0x9: {  	[smem:$0x3FAB] =	sst s1  }
0xa: {  	[smem:$0x3FAC] =	sst s2  }
0xb: {  	[smem:$0x3FAD] =	sst s3  }
0xc: {  	[smem:$0x3FAE] =	sst s4  }
0xd: {  	[smem:$0x3FAF] =	sst s5  }
0xe: {  	[smem:$0x3FB0] =	sst s6  }
0xf: {  	[smem:$0x3FB1] =	sst s7  }
0x10: {  	[smem:$0x3FB2] =	sst s8  }
0x11: {  	[smem:$0x3FB3] =	sst s9;
	s0 =	simm.s32 @!p0 $0x0  }
0x12: {  	s1 =	sld [smem:$0x3F99];
	s0 =	simm.s32 @p0 $0x1  }
0x13: {  	[smem:$0x3FB4] =	sst s0;
	s0 =	simm.s32 @!p1 $0x0  }
0x14: {  	s2 =	sld [smem:$0x3F98];
	s0 =	simm.s32 @p1 $0x1  }
0x15: {  	[smem:$0x3FB5] =	sst s0;
	s0 =	simm.s32 @!p2 $0x0  }
0x16: {  	s3 =	sld [smem:$0x3FDB];
	s0 =	simm.s32 @p2 $0x1  }
0x17: {  	s4 =	simm.s32 $0x1BF5;
	[smem:$0x3FB7] =	sst s0  }
0x18: {  	s0 =	sld [smem:$0x3F9A];
	_ =	swait.ge [sflag:s4], $0x0  }
0x19: {  	s7 =	sld [smem:$0x3F9B]  }
0x1a: {  	s8 =	sadd.s32 $0xFFFFE003, lr  }
0x1b: {  	s9 =	sadd.s32 $0xFFFFFEF7, lr;
	s5 =	simm.s32 $0xFFFFFFFF;
	p2 =	slt.u32 s8, $0xFFFFF086  }
0x1c: {  	p1 =	slt.u32 s9, $0xF7A;
	s5 =	simm.s32 @!p2 $0x0  }
0x1d: {  	s5 =	simm.s32 @p1 $0x1;
	p0 =	seq.s32 s7, s2  }
0x1e: {  	s7 =	smul.u32 @!p0 $0xF7A, s2;
	p2 =	seq.s32 @!p0 s5, $0x0  }
0x1f: {  	s9 =	smul.u32 $0xF7A, s1;
	s8 =	simm.s32 @!p0 $0x1BF5;
	p2 =	por !p2, p0  }
0x20: {  	[sflag:s8] =	ssyncset.s32 @!p0 $0xFFFFF086;
	s6 =	sadd.s32 @!p0 s3, s7;
	s7 =	simm.s32 @!p0 $0x108  }
0x21: {  	s3 =	sadd.s32 s3, s9;
	s6 =	sadd.s32 @!p0 $0x88, s6;
	s7 =	simm.s32 @p2 $0x1082  }
0x22: {  	[simem:s7], [sflag:s8] =	dma.local @!p0 [hbm:s6], $0xF7A  }
0x23: {  	s9 =	sor.u32 $0xD0000000, s2;
	s6 =	simm.s32 $0x108;
	_ =	swait.ge @!p0 [sflag:s8], $0x0  }
0x24: {  	s3 =	sadd.s32 $0x88, s3;
	s6 =	simm.s32 @!p1 $0x1082;
	[sflag:s4] =	ssyncset.s32 $0xFFFFF086  }
0x25: {  	[simem:s6], [sflag:s4] =	dma.local [hbm:s3], $0xF7A  }
0x26: {  	[smem:$0x3F9B] =	sst s1;
	(tag) =	ssettag s2;
	_ =	strace s9  }
0x27: {  	s1 =	sld [smem:$0x3FAB]  }
0x28: {  	s2 =	sld [smem:$0x3FAC]  }
0x29: {  	s4 =	sld [smem:$0x3FAE]  }
0x2a: {  	p0 =	seq.s32 s5, $0x0;
	s5 =	sld [smem:$0x3FAF]  }
0x2b: {  	s6 =	sld [smem:$0x3FB0]  }
0x2c: {  	s7 =	sld [smem:$0x3FB1]  }
0x2d: {  	s3 =	simm.s32 $0x108;
	s8 =	sld [smem:$0x3FB2]  }
0x2e: {  	s3 =	simm.s32 @!p0 $0x1082;
	s9 =	sld [smem:$0x3FB3]  }
0x2f: {  	lr =	sadd.s32 s0, s3;
	s0 =	sld [smem:$0x3FAA]  }
0x30: {  	s3 =	sld [smem:$0x3FAD]  }
0x31: {  	[smem:$0x3FB6] =	sst s10  }
0x32: {  	s10 =	sld [smem:$0x3FB4];
	_ =	sdelay $0x3  }
0x33: {  	p0 =	seq.s32 s10, $0x1;
	s10 =	sld [smem:$0x3FB6];
	_ =	sdelay $0x3  }
0x34: {  	[smem:$0x3FB6] =	sst s10  }
0x35: {  	s10 =	sld [smem:$0x3FB5];
	_ =	sdelay $0x3  }
0x36: {  	p1 =	seq.s32 s10, $0x1;
	s10 =	sld [smem:$0x3FB6];
	_ =	sdelay $0x3  }
0x37: {  	[smem:$0x3FB6] =	sst s10  }
0x38: {  	s10 =	sld [smem:$0x3FB7]  }
0x39: {  	_ = 	snop;
	(pc) =	sbr.ind lr, $3  }
0x3a: {  	_ = 	snop  }
0x3b: {  	_ = 	snop  }
0x3c: {  	p2 =	seq.s32 s10, $0x1;
	s10 =	sld [smem:$0x3FB6]  }
0x3d: {  	_ =	shalt  }
0x3e: {  	_ =	shalt  }
0x3f: {  	_ =	shalt  }
0x40: {  	_ =	shalt  }
0x41: {  	_ =	shalt  }
0x42: {  	_ =	shalt  }
0x43: {  	_ =	shalt  }
0x44: {  	_ =	shalt  }
0x45: {  	_ =	shalt  }
0x46: {  	_ =	shalt  }
0x47: {  	_ =	shalt  }
0x48: {  	_ =	shalt  }
0x49: {  	_ =	shalt  }
0x4a: {  	_ =	shalt  }
0x4b: {  	_ =	shalt  }
0x4c: {  	_ =	shalt  }
0x4d: {  	_ =	shalt  }
0x4e: {  	_ =	shalt  }
0x4f: {  	_ =	shalt  }
0x50: {  	_ =	shalt  }
0x51: {  	_ =	shalt  }
0x52: {  	_ =	shalt  }
0x53: {  	_ =	shalt  }
0x54: {  	_ =	shalt  }
0x55: {  	_ =	shalt  }
0x56: {  	_ =	shalt  }
0x57: {  	_ =	shalt  }
0x58: {  	_ =	shalt  }
0x59: {  	_ =	shalt  }
0x5a: {  	_ =	shalt  }
0x5b: {  	_ =	shalt  }
0x5c: {  	_ =	shalt  }
0x5d: {  	_ =	shalt  }
0x5e: {  	_ =	shalt  }
0x5f: {  	_ =	shalt  }
0x60: {  	_ =	shalt  }
0x61: {  	_ =	shalt  }
0x62: {  	_ =	shalt  }
0x63: {  	_ =	shalt  }
0x64: {  	_ =	shalt  }
0x65: {  	_ =	shalt  }
0x66: {  	_ =	shalt  }
0x67: {  	_ =	shalt  }
0x68: {  	_ =	shalt  }
0x69: {  	_ =	shalt  }
0x6a: {  	_ =	shalt  }
0x6b: {  	_ =	shalt  }
0x6c: {  	_ =	shalt  }
0x6d: {  	_ =	shalt  }
0x6e: {  	_ =	shalt  }
0x6f: {  	_ =	shalt  }
0x70: {  	_ =	shalt  }
0x71: {  	_ =	shalt  }
0x72: {  	_ =	shalt  }
0x73: {  	_ =	shalt  }
0x74: {  	_ =	shalt  }
0x75: {  	_ =	shalt  }
0x76: {  	_ =	shalt  }
0x77: {  	_ =	shalt  }
0x78: {  	_ =	shalt  }
0x79: {  	_ =	shalt  }
0x7a: {  	_ =	shalt  }
0x7b: {  	_ =	shalt  }
0x7c: {  	_ =	shalt  }
0x7d: {  	_ =	shalt  }
0x7e: {  	_ =	shalt  }
0x7f: {  	_ =	shalt  }
0x80: {  	_ =	shalt  }
0x81: {  	_ =	shalt  }
0x82: {  	_ =	shalt  }
0x83: {  	_ =	shalt  }
0x84: {  	_ =	shalt  }
0x85: {  	_ =	shalt  }
0x86: {  	_ =	shalt  }
0x87: {  	_ =	shalt  }
.Lfunc_end0:
.L_simem_size_0:
called_computation.2_lowered:
.L_overlay_start_0:
0x88: {  	s2 =	sld [smem:$0x3FD9]  }
0x89: {  	s3 =	sld [smem:$0x3FFE];
	_ =	sdelay $0x1  }
0x8a: {  	s1 =	srdreg.scid  }
0x8b: {  	s0 =	sand.u32 $0x1, s1  }
0x8c: {  	s17 =	sshll.u32 s0, $0xA;
	s2 =	sadd.s32 s3, s2  }
0x8d: {  	s2 =	sadd.s32 s2, s17  }
0x8e: {  	[smem:$0x3FC2] =	sst s2  }
0x8f: {  	_ = 	snop  }
0x90: {  	s2 =	sld [smem:$0x3FD0];
	(tm) =	ssettm $0x1  }
0x91: {  	s18 =	sld [smem:$0x3FFB];
	_ =	sdelay $0x3  }
0x92: {  	_ =	strace s18  }
0x93: {  	s3 =	sld [smem:$0x3FFC];
	_ =	sdelay $0x3  }
0x94: {  	_ =	strace s3  }
0x95: {  	s3 =	sld [smem:$0x3FFD];
	_ =	sdelay $0x3  }
0x96: {  	_ =	strace s3  }
0x97: {  	_ =	strace $0x8FFFFFFF  }
0x98: {  	s19 =	sld [smem:$0x3FDB];
	_ =	sdelay $0x1  }
0x99: {  	s4 =	simm.s32 $_scs_section_size  }
0x9a: {  	s5 =	simm.s32 $_size__tile_overlayer_lowered;
	s6 =	simm.s32 $_tile_overlayer_lowered  }
0x9b: {  	s22 =	simm.s32 $0x1BFF;
	s21 =	sshll.u32 s6, $0x1;
	s3 =	sadd.s32 s4, s19  }
0x9c: {  	s7 =	simm.s32 $0x0;
	s20 =	sshll.u32 s5, $0x1;
	s5 =	sadd.s32 s21, s3  }
0x9d: {  	[timem:s7], [sflag:s22] =	dma.local [hbm:s5], s20  }
0x9e: {  	_ =	swait.ge [sflag:s22], s20  }
0x9f: {  	s4 =	ssub.s32 $0x0, s20;
	[sflag:s22] =	ssyncset.done $0x0  }
0xa0: {  	[sflag:s22] =	ssyncadd.s32 s4;
	_ =	sdelay $0x1  }
0xa1: {  	s23 =	simm.s32 $0x1B8B  }
0xa2: {  	_ =	swait.ge [sflag:s23], $0x1  }
0xa3: {  	[sflag:s23] =	ssyncset.done $0x0  }
0xa4: {  	s25 =	simm.s32 $0x1B8E;
	s24 =	sld [smem:$0x3FFE];
	[sflag:s23] =	ssyncadd.s32 $0xFFFFFFFF  }
0xa5: {  	s26 =	simm.s32 $execute0_lowered;
	[smem:$0x3FD2] =	sst s25  }
0xa6: {  	s5 =	sshll.u32 s26, $0x1;
	_ =	strace $0x8000004C;
	[dreg:$0x1] =	wrdreg $0xFFFFFFFF  }
0xa7: {  	s28 =	simm.s32 $_size_execute0_lowered;
	s3 =	sadd.s32 s3, s5;
	[dreg:$0x0] =	wrdreg $0x0  }
0xa8: {  	s5 =	sshll.u32 s28, $0x1;
	[dreg:$0x2] =	wrdreg s3  }
0xa9: {  	[dreg:$0x3] =	wrdreg s5  }
0xaa: {  	[dreg:$0x4] =	wrdreg $0xC0  }
0xab: {  	_ =	task [dreg:s7], $0x5FFFF  }
0xac: {  	[dreg:$0x1] =	wrdreg $0xFFFFFFFF  }
0xad: {  	[dreg:$0x0] =	wrdreg $0x60  }
0xae: {  	[dreg:$0x2] =	wrdreg s24  }
0xaf: {  	[dreg:$0x3] =	wrdreg s2  }
0xb0: {  	[dreg:$0x4] =	wrdreg $0x60000  }
0xb1: {  	[dreg:$0x5] =	wrdreg $0x9  }
0xb2: {  	_ =	task.clear_ibuf [dreg:s7], $0x6FFFF;
	_ =	strace $0x9000004C  }
0xb3: {  	s29 =	simm.s32 $0x9;
	_ =	strace $0x8000004E  }
0xb4: {  	_ =	swait.ge [sflag:s29], $0x1  }
0xb5: {  	[sflag:s29] =	ssyncadd.s32 $0xFFFFFFFF  }
0xb6: {  	_ =	strace $0x9000004E  }
0xb7: {  	_ =	sfence  }
0xb8: {  	s30 =	sld [smem:$0x0];
	_ =	sdelay $0x2  }
0xb9: {  	s31 =	sshll.u32 s1, $0xD;
	s1 =	sshrl.u32 s1, $0x2  }
0xba: {  	s3 =	sand.u32 $0x4000, s31;
	s1 =	sadd.s32 s1, s30  }
0xbb: {  	s0 =	sor.u32 s3, s0;
	s1 =	sshll.u32 s1, $0x11  }
0xbc: {  	s0 =	sor.u32 s1, s0  }
0xbd: {  	s0 =	sadd.s32 $0x8F2B, s0  }
0xbe: {  	[sflag:s0] =	ssyncadd.remote.s32 $0x1  }
0xbf: {  	_ =	sfence.sel $0xFFFF  }
0xc0: {  	[dreg:$0x0] =	wrdreg $0xFFFFFFFF;
	(pc) =	sbr.abs _section_cstart, $3  }
0xc1: {  	[dreg:$0x1] =	wrdreg $0xFFFFFFFF  }
0xc2: {  	_ =	task.clear_ibuf [dreg:s7], $0x2FFFF;
	_ =	strace $0x9FFFFFFF  }
0xc3: {  	(tm) =	ssettm $0x7FFFFFFF  }
tec
execute0_lowered:
.L_overlay_start_1:
0x0: {  	(tag) =	ssettag $0x1  }
0x1: {  	s7 =	stileid.u32  }
0x2: {  	s0 =	rddreg [dreg:$0x0];
	s8 =	smul.u32 $0x5000, s7  }
0x3: {  	s2 =	srdreg.scid;
	s10 =	smul.u32 $0x4F000, s7  }
0x4: {  	s5 =	rddreg [dreg:$0x1];
	s6 =	sand.u32 $0x1, s2;
	s16 =	smul.u32 $0x270, s7  }
0x5: {  	s1 =	rddreg [dreg:$0x2];
	s2 =	simm.s32 $0x0;
	s4 =	smul.u32 $0x50000, s6  }
0x6: {  	s3 =	sadd.s32 $0x1FA00, s0;
	p0 =	sne.s32 s7, $0x0;
	s19 =	smul.u32 $0x2710, s6  }
0x7: {  	[smem:$0x7FF] =	sst s2;
	s9 =	ssub.s32 $0x2, s6;
	s6 =	smul.u32 $0x138800, s6  }
0x8: {  	_ =	strace $0x8000004D;
	s12 =	sshrl.u32 s8, $0x3;
	s13 =	sshrl.u32 s9, $0x1  }
0x9: {  	s14 =	sshrl.u32 s10, $0x2;
	s21 =	sadd.s32 $0x80, s16;
	s4 =	sadd.s32 s8, s4  }
0xa: {  	s8 =	ssub.s32 s9, s13;
	s22 =	sadd.s32 s16, s19;
	s9 =	sadd.s32 $0x200, s16  }
0xb: {  	s6 =	sshrl.u32 s6, $0x3;
	s4 =	sshrl.u32 s4, $0x3;
	s10 =	sadd.s32 s19, s9  }
0xc: {  	s11 =	sadd.s32 s4, s0;
	s0 =	sadd.s32 s12, s0;
	s4 =	sadd.s32 s14, s1  }
0xd: {  	s14 =	sadd.s32 s19, s21;
	s10 =	sshll.u32 s10, $0x4;
	s15 =	sadd.s32 $0xBA00, s11  }
0xe: {  	s21 =	sshll.u32 s21, $0x7;
	s17 =	sadd.s32 $0x1A00, s0;
	[dreg:$0x4] =	wrdreg s15  }
0xf: {  	s18 =	sadd.s32 $0xBC00, s11;
	s12 =	sadd.s32 $0x1C00, s0;
	[dreg:$0x5] =	wrdreg s17  }
0x10: {  	s20 =	sadd.s32 $0xBE00, s11;
	s13 =	sadd.s32 $0x1E00, s0;
	[dreg:$0x6] =	wrdreg s18  }
0x11: {  	s14 =	sshll.u32 s14, $0x4;
	s21 =	sadd.s32 s21, s1;
	[dreg:$0x7] =	wrdreg s12  }
0x12: {  	s28 =	sadd.s32 $0x4000, s4;
	s29 =	sadd.s32 $0x8000, s4;
	[dreg:$0x8] =	wrdreg s20  }
0x13: {  	s30 =	sadd.s32 $0xC000, s4;
	s31 =	sadd.s32 $0x10000, s4;
	[dreg:$0x9] =	wrdreg s13  }
0x14: {  	s13 =	sshll.u32 s22, $0x4;
	s22 =	sadd.s32 $0x100, s16;
	s23 =	sadd.s32 s5, s14  }
0x15: {  	s15 =	sadd.s32 s5, s10;
	s14 =	smul.u32 $0x4E000, s7;
	s17 =	sadd.s32 $0xC200, s11  }
0x16: {  	s18 =	sadd.s32 $0x2000, s0;
	s7 =	simm.s32 $0x1000;
	s10 =	simm.s32 $0x0  }
0x17: {  	s13 =	sadd.s32 s5, s13;
	[dreg:$0xb] =	wrdreg s23;
	s24 =	sadd.s32 s19, s22  }
0x18: {  	s23 =	sadd.s32 $0x180, s16;
	s16 =	sadd.s32 $0xC000, s11;
	[dreg:$0xa] =	wrdreg s13  }
0x19: {  	s13 =	sshll.u32 s24, $0x4;
	s25 =	sadd.s32 s19, s23;
	s19 =	sadd.s32 $0x2200, s0  }
0x1a: {  	s20 =	sshrl.u32 s14, $0x2;
	s24 =	sshll.u32 s22, $0x7;
	s0 =	sadd.s32 $0x138000, s1  }
0x1b: {  	s13 =	sadd.s32 s5, s13;
	s26 =	sshll.u32 s25, $0x4;
	s20 =	sadd.s32 s20, s1  }
0x1c: {  	s22 =	sadd.s32 s24, s1;
	s25 =	sshll.u32 s23, $0x7;
	[dreg:$0xc] =	wrdreg s13  }
0x1d: {  	s13 =	sadd.s32 s5, s26;
	s5 =	sadd.s32 s5, s6;
	s26 =	sshll.u32 s9, $0x7  }
0x1e: {  	s23 =	sadd.s32 s25, s1;
	s6 =	simm.s32 $0x2;
	s9 =	simm.s32 $0x1  }
0x1f: {  	[dreg:$0xd] =	wrdreg s13;
	s24 =	sadd.s32 s26, s1;
	s25 =	sadd.s32 $0x27000, s5  }
0x20: {  	v0 =	vimm.f32 $0.0e+00;
	s26 =	smax.u32 s8, $0x1;
	s5 =	simm.s32 $0x2000;
	s8 =	simm.s32 $0x80  }
.LBB2_1:
0x21: {  	s11 =	sand.u32 $0xFE00, s2  }
0x22: {  	s12 =	sand.u32 $0x70, s2;
	s13 =	sshrl.u32 s11, $0x2  }
0x23: {  	s11 =	simm.s32 $0x40;
	s13 =	sor.u32 s12, s13;
	s12 =	simm.s32 $0x0  }
.LBB2_2:
0x24: {  	p1 =	sne.s32 s11, $0xFFC0  }
0x25: {  	[tilespmem:s13+$0x2000] =	vst v0;
	s12 =	sadd.s32 $0x10, s12;
	s13 =	smov.u32 s11;
	s11 =	sadd.s32 $0x40, s11  }
.Ltmp0:
0x26: {  	(pc) =	sbr.rel @p1 .LBB2_2-.Ltmp0, $4  }
0x27: {  	_ = 	snop  }
0x28: {  	s13 =	sand.u32 $0xFE00, s13  }
0x29: {  	s14 =	sand.u32 $0x70, s12;
	s13 =	sshrl.u32 s13, $0x2  }
0x2a: {  	s13 =	sor.u32 s14, s13  }
0x2b: {  	[tilespmem:s13+$0x2000] =	vst v0  }
0x2c: {  	[spmem:s4] =	stream.linear.scatter [tilespmem:s5], [sflag:$0x2], $0x4000, $0x38;
	[tilespmem:$0x19C00] =	vst v63  }
0x2d: {  	_ =	swait.ge [sflag:s6], $0x4000  }
0x2e: {  	[sflag:s6] =	ssyncset.done $0x0  }
0x2f: {  	[sflag:s6] =	ssyncadd.s32 $0xFFFFC000  }
0x30: {  	[spmem:s28] =	stream.linear.scatter [tilespmem:s5], [sflag:$0x2], $0x4000, $0x38;
	[tilespmem:$0x19C00] =	vst v63  }
0x31: {  	_ =	swait.ge [sflag:s6], $0x4000  }
0x32: {  	[sflag:s6] =	ssyncset.done $0x0  }
0x33: {  	[sflag:s6] =	ssyncadd.s32 $0xFFFFC000  }
0x34: {  	[spmem:s29] =	stream.linear.scatter [tilespmem:s5], [sflag:$0x2], $0x4000, $0x38;
	[tilespmem:$0x19C00] =	vst v63  }
0x35: {  	_ =	swait.ge [sflag:s6], $0x4000  }
0x36: {  	[sflag:s6] =	ssyncset.done $0x0  }
0x37: {  	[sflag:s6] =	ssyncadd.s32 $0xFFFFC000  }
0x38: {  	[spmem:s30] =	stream.linear.scatter [tilespmem:s5], [sflag:$0x2], $0x4000, $0x38;
	[tilespmem:$0x19C00] =	vst v63  }
0x39: {  	_ =	swait.ge [sflag:s6], $0x4000  }
0x3a: {  	[sflag:s6] =	ssyncset.done $0x0  }
0x3b: {  	[sflag:s6] =	ssyncadd.s32 $0xFFFFC000  }
0x3c: {  	[spmem:s31] =	stream.linear.scatter [tilespmem:s5], [sflag:$0x2], $0x3C00, $0x38;
	[tilespmem:$0x19C00] =	vst v63  }
0x3d: {  	_ =	swait.ge [sflag:s6], $0x3C00  }
0x3e: {  	[sflag:s6] =	ssyncset.done $0x0  }
0x3f: {  	[sflag:s6] =	ssyncadd.s32 $0xFFFFC400  }
0x40: {  	[bflag:$0x0] =	sbarrier.arrive $0xFFFF  }
0x41: {  	s11 =	simm.s32 $0x0;
	s12 =	rddreg [dreg:$0x4]  }
0x42: {  	[tilespmem:s11], [sflag:$0x2] =	stream.linear.gather [hbm4b:s12+s11], $0x1000, $0x38;
	[tilespmem:$0x19C00] =	vst v63  }
0x43: {  	_ =	swait.ge [sflag:s6], $0x1000  }
0x44: {  	[sflag:s6] =	ssyncset.done $0x0  }
0x45: {  	s14 =	rddreg [dreg:$0x5];
	[sflag:s6] =	ssyncadd.s32 $0xFFFFF000  }
0x46: {  	[tilespmem:s7], [sflag:$0x2] =	stream.linear.gather [hbm4b:s14+s11], $0x1000, $0x38;
	[tilespmem:$0x19C00] =	vst v63  }
0x47: {  	_ =	swait.ge [sflag:s6], $0x1000  }
0x48: {  	[sflag:s6] =	ssyncset.done $0x0  }
0x49: {  	s13 =	simm.s32 $0x0;
	[sflag:s6] =	ssyncadd.s32 $0xFFFFF000  }
0x4a: {  	[tilespmem:s5], [sflag:$0x1] =	stream.indirect.gather [hbm4b:s3+s8], $0x80, s13, s8, $0xb8;
	[tilespmem:$0x19C00] =	vst v63  }
0x4b: {  	_ =	swait.ge [sflag:s9], $0x4000  }
0x4c: {  	[sflag:s9] =	ssyncset.done $0x0  }
0x4d: {  	s14 =	simm.s32 $0x1000;
	[sflag:s9] =	ssyncadd.s32 $0xFFFFC000  }
0x4e: {  	[spmem:s1] =	stream.indirect.scatter.add.f32 [tilespmem:s5], [sflag:$0x2], $0x80, s14, s8, $0xb8;
	[tilespmem:$0x19C00] =	vst v63  }
0x4f: {  	_ =	swait.ge [sflag:s6], $0x4000  }
0x50: {  	s12 =	simm.s32 $0x400;
	s11 =	simm.s32 $0x200;
	[sflag:s6] =	ssyncset.done $0x0  }
.LBB2_4:
0x51: {  	s13 =	sshra.s32 s11, $0x2  }
0x52: {  	[sflag:s6] =	ssyncadd.s32 $0xFFFFC000;
	s11 =	smov.u32 s12;
	s14 =	sadd.s32 $0x200, s12  }
0x53: {  	[tilespmem:s5], [sflag:$0x1] =	stream.indirect.gather [hbm4b:s3+s8], $0x80, s13, s8, $0xb8;
	[tilespmem:$0x19C00] =	vst v63  }
0x54: {  	p1 =	sne.s32 s12, $0x3E00;
	_ =	swait.ge [sflag:s9], $0x4000  }
.Ltmp1:
0x55: {  	[sflag:s9] =	ssyncset.done $0x0;
	(pc) =	sbr.rel @p1 .LBB2_4-.Ltmp1, $4  }
0x56: {  	s12 =	sadd.s32 $0x1000, s13;
	[sflag:s9] =	ssyncadd.s32 $0xFFFFC000  }
0x57: {  	[spmem:s1] =	stream.indirect.scatter.add.f32 [tilespmem:s5], [sflag:$0x2], $0x80, s12, s8, $0xb8;
	[tilespmem:$0x19C00] =	vst v63  }
0x58: {  	_ =	swait.ge [sflag:s6], $0x4000  }
0x59: {  	s12 =	smov.u32 s14;
	[sflag:s6] =	ssyncset.done $0x0  }
0x5a: {  	s11 =	sshra.s32 s11, $0x2;
	[sflag:s6] =	ssyncadd.s32 $0xFFFFC000  }
0x5b: {  	[tilespmem:s5], [sflag:$0x1] =	stream.indirect.gather [hbm4b:s3+s8], $0x80, s11, s8, $0xb8;
	[tilespmem:$0x19C00] =	vst v63  }
0x5c: {  	_ =	swait.ge [sflag:s9], $0x4000  }
0x5d: {  	[sflag:s9] =	ssyncset.done $0x0  }
0x5e: {  	s11 =	sadd.s32 $0x1000, s11;
	[sflag:s9] =	ssyncadd.s32 $0xFFFFC000  }
0x5f: {  	[spmem:s1] =	stream.indirect.scatter.add.f32 [tilespmem:s5], [sflag:$0x2], $0x80, s11, s8, $0xb8;
	[tilespmem:$0x19C00] =	vst v63  }
0x60: {  	_ =	swait.ge [sflag:s6], $0x4000  }
0x61: {  	[sflag:s6] =	ssyncset.done $0x0  }
0x62: {  	s13 =	simm.s32 $0x0;
	s12 =	rddreg [dreg:$0x6];
	[sflag:s6] =	ssyncadd.s32 $0xFFFFC000  }
0x63: {  	[tilespmem:s13], [sflag:$0x2] =	stream.linear.gather [hbm4b:s12+s13], $0x1000, $0x38;
	[tilespmem:$0x19C00] =	vst v63  }
0x64: {  	_ =	swait.ge [sflag:s6], $0x1000  }
0x65: {  	[sflag:s6] =	ssyncset.done $0x0  }
0x66: {  	s14 =	rddreg [dreg:$0x7];
	[sflag:s6] =	ssyncadd.s32 $0xFFFFF000  }
0x67: {  	[tilespmem:s7], [sflag:$0x2] =	stream.linear.gather [hbm4b:s14+s13], $0x1000, $0x38;
	[tilespmem:$0x19C00] =	vst v63  }
0x68: {  	_ =	swait.ge [sflag:s6], $0x1000  }
0x69: {  	[sflag:s6] =	ssyncset.done $0x0  }
0x6a: {  	s13 =	simm.s32 $0x0;
	[sflag:s6] =	ssyncadd.s32 $0xFFFFF000  }
0x6b: {  	[tilespmem:s5], [sflag:$0x1] =	stream.indirect.gather [hbm4b:s3+s8], $0x80, s13, s8, $0xb8;
	[tilespmem:$0x19C00] =	vst v63  }
0x6c: {  	_ =	swait.ge [sflag:s9], $0x4000  }
0x6d: {  	[sflag:s9] =	ssyncset.done $0x0  }
0x6e: {  	s14 =	simm.s32 $0x1000;
	[sflag:s9] =	ssyncadd.s32 $0xFFFFC000  }
0x6f: {  	[spmem:s1] =	stream.indirect.scatter.add.f32 [tilespmem:s5], [sflag:$0x2], $0x80, s14, s8, $0xb8;
	[tilespmem:$0x19C00] =	vst v63  }
0x70: {  	_ =	swait.ge [sflag:s6], $0x4000  }
0x71: {  	s11 =	simm.s32 $0x200;
	s12 =	simm.s32 $0x400;
	[sflag:s6] =	ssyncset.done $0x0  }
.LBB2_6:
0x72: {  	s13 =	sshra.s32 s11, $0x2  }
0x73: {  	[sflag:s6] =	ssyncadd.s32 $0xFFFFC000;
	s11 =	smov.u32 s12;
	s14 =	sadd.s32 $0x200, s12  }
0x74: {  	[tilespmem:s5], [sflag:$0x1] =	stream.indirect.gather [hbm4b:s3+s8], $0x80, s13, s8, $0xb8;
	[tilespmem:$0x19C00] =	vst v63  }
0x75: {  	p1 =	sne.s32 s12, $0x3E00;
	_ =	swait.ge [sflag:s9], $0x4000  }
.Ltmp2:
0x76: {  	[sflag:s9] =	ssyncset.done $0x0;
	(pc) =	sbr.rel @p1 .LBB2_6-.Ltmp2, $4  }
0x77: {  	s12 =	sadd.s32 $0x1000, s13;
	[sflag:s9] =	ssyncadd.s32 $0xFFFFC000  }
0x78: {  	[spmem:s1] =	stream.indirect.scatter.add.f32 [tilespmem:s5], [sflag:$0x2], $0x80, s12, s8, $0xb8;
	[tilespmem:$0x19C00] =	vst v63  }
0x79: {  	_ =	swait.ge [sflag:s6], $0x4000  }
0x7a: {  	s12 =	smov.u32 s14;
	[sflag:s6] =	ssyncset.done $0x0  }
0x7b: {  	s11 =	sshra.s32 s11, $0x2;
	[sflag:s6] =	ssyncadd.s32 $0xFFFFC000  }
0x7c: {  	[tilespmem:s5], [sflag:$0x1] =	stream.indirect.gather [hbm4b:s3+s8], $0x80, s11, s8, $0xb8;
	[tilespmem:$0x19C00] =	vst v63  }
0x7d: {  	_ =	swait.ge [sflag:s9], $0x4000  }
0x7e: {  	[sflag:s9] =	ssyncset.done $0x0  }
0x7f: {  	s11 =	sadd.s32 $0x1000, s11;
	[sflag:s9] =	ssyncadd.s32 $0xFFFFC000  }
0x80: {  	[spmem:s1] =	stream.indirect.scatter.add.f32 [tilespmem:s5], [sflag:$0x2], $0x80, s11, s8, $0xb8;
	[tilespmem:$0x19C00] =	vst v63  }
0x81: {  	_ =	swait.ge [sflag:s6], $0x4000  }
0x82: {  	[sflag:s6] =	ssyncset.done $0x0  }
0x83: {  	s13 =	simm.s32 $0x0;
	s12 =	rddreg [dreg:$0x8];
	[sflag:s6] =	ssyncadd.s32 $0xFFFFC000  }
0x84: {  	[tilespmem:s13], [sflag:$0x2] =	stream.linear.gather [hbm4b:s12+s13], $0x1000, $0x38;
	[tilespmem:$0x19C00] =	vst v63  }
0x85: {  	_ =	swait.ge [sflag:s6], $0x1000  }
0x86: {  	[sflag:s6] =	ssyncset.done $0x0  }
0x87: {  	s14 =	rddreg [dreg:$0x9];
	[sflag:s6] =	ssyncadd.s32 $0xFFFFF000  }
0x88: {  	[tilespmem:s7], [sflag:$0x2] =	stream.linear.gather [hbm4b:s14+s13], $0x1000, $0x38;
	[tilespmem:$0x19C00] =	vst v63  }
0x89: {  	_ =	swait.ge [sflag:s6], $0x1000  }
0x8a: {  	[sflag:s6] =	ssyncset.done $0x0  }
0x8b: {  	s13 =	simm.s32 $0x0;
	[sflag:s6] =	ssyncadd.s32 $0xFFFFF000  }
0x8c: {  	[tilespmem:s5], [sflag:$0x1] =	stream.indirect.gather [hbm4b:s3+s8], $0x80, s13, s8, $0xb8;
	[tilespmem:$0x19C00] =	vst v63  }
0x8d: {  	_ =	swait.ge [sflag:s9], $0x4000  }
0x8e: {  	[sflag:s9] =	ssyncset.done $0x0  }
0x8f: {  	s14 =	simm.s32 $0x1000;
	[sflag:s9] =	ssyncadd.s32 $0xFFFFC000  }
0x90: {  	[spmem:s1] =	stream.indirect.scatter.add.f32 [tilespmem:s5], [sflag:$0x2], $0x80, s14, s8, $0xb8;
	[tilespmem:$0x19C00] =	vst v63  }
0x91: {  	_ =	swait.ge [sflag:s6], $0x4000  }
0x92: {  	s11 =	simm.s32 $0x200;
	s12 =	simm.s32 $0x400;
	[sflag:s6] =	ssyncset.done $0x0  }
.LBB2_8:
0x93: {  	s13 =	sshra.s32 s11, $0x2  }
0x94: {  	[sflag:s6] =	ssyncadd.s32 $0xFFFFC000;
	s11 =	smov.u32 s12;
	s14 =	sadd.s32 $0x200, s12  }
0x95: {  	[tilespmem:s5], [sflag:$0x1] =	stream.indirect.gather [hbm4b:s3+s8], $0x80, s13, s8, $0xb8;
	[tilespmem:$0x19C00] =	vst v63  }
0x96: {  	p1 =	sne.s32 s12, $0x3E00;
	_ =	swait.ge [sflag:s9], $0x4000  }
.Ltmp3:
0x97: {  	[sflag:s9] =	ssyncset.done $0x0;
	(pc) =	sbr.rel @p1 .LBB2_8-.Ltmp3, $4  }
0x98: {  	s12 =	sadd.s32 $0x1000, s13;
	[sflag:s9] =	ssyncadd.s32 $0xFFFFC000  }
0x99: {  	[spmem:s1] =	stream.indirect.scatter.add.f32 [tilespmem:s5], [sflag:$0x2], $0x80, s12, s8, $0xb8;
	[tilespmem:$0x19C00] =	vst v63  }
0x9a: {  	_ =	swait.ge [sflag:s6], $0x4000  }
0x9b: {  	s12 =	smov.u32 s14;
	[sflag:s6] =	ssyncset.done $0x0  }
0x9c: {  	s11 =	sshra.s32 s11, $0x2;
	[sflag:s6] =	ssyncadd.s32 $0xFFFFC000  }
0x9d: {  	[tilespmem:s5], [sflag:$0x1] =	stream.indirect.gather [hbm4b:s3+s8], $0x80, s11, s8, $0xb8;
	[tilespmem:$0x19C00] =	vst v63  }
0x9e: {  	_ =	swait.ge [sflag:s9], $0x4000  }
0x9f: {  	[sflag:s9] =	ssyncset.done $0x0  }
0xa0: {  	s11 =	sadd.s32 $0x1000, s11;
	[sflag:s9] =	ssyncadd.s32 $0xFFFFC000  }
0xa1: {  	[spmem:s1] =	stream.indirect.scatter.add.f32 [tilespmem:s5], [sflag:$0x2], $0x80, s11, s8, $0xb8;
	[tilespmem:$0x19C00] =	vst v63  }
0xa2: {  	_ =	swait.ge [sflag:s6], $0x4000  }
0xa3: {  	[sflag:s6] =	ssyncset.done $0x0  }
0xa4: {  	s12 =	simm.s32 $0x0;
	[sflag:s6] =	ssyncadd.s32 $0xFFFFC000  }
0xa5: {  	[tilespmem:s12], [sflag:$0x2] =	stream.linear.gather [hbm4b:s16+s12], $0x1000, $0x38;
	[tilespmem:$0x19C00] =	vst v63  }
0xa6: {  	_ =	swait.ge [sflag:s6], $0x1000  }
0xa7: {  	[sflag:s6] =	ssyncset.done $0x0  }
0xa8: {  	[sflag:s6] =	ssyncadd.s32 $0xFFFFF000  }
0xa9: {  	[tilespmem:s7], [sflag:$0x2] =	stream.linear.gather [hbm4b:s18+s12], $0x1000, $0x38;
	[tilespmem:$0x19C00] =	vst v63  }
0xaa: {  	_ =	swait.ge [sflag:s6], $0x1000  }
0xab: {  	[sflag:s6] =	ssyncset.done $0x0  }
0xac: {  	s13 =	simm.s32 $0x0;
	[sflag:s6] =	ssyncadd.s32 $0xFFFFF000  }
0xad: {  	[tilespmem:s5], [sflag:$0x1] =	stream.indirect.gather [hbm4b:s3+s8], $0x80, s13, s8, $0xb8;
	[tilespmem:$0x19C00] =	vst v63  }
0xae: {  	_ =	swait.ge [sflag:s9], $0x4000  }
0xaf: {  	[sflag:s9] =	ssyncset.done $0x0  }
0xb0: {  	s14 =	simm.s32 $0x1000;
	[sflag:s9] =	ssyncadd.s32 $0xFFFFC000  }
0xb1: {  	[spmem:s1] =	stream.indirect.scatter.add.f32 [tilespmem:s5], [sflag:$0x2], $0x80, s14, s8, $0xb8;
	[tilespmem:$0x19C00] =	vst v63  }
0xb2: {  	_ =	swait.ge [sflag:s6], $0x4000  }
0xb3: {  	s11 =	simm.s32 $0x200;
	s12 =	simm.s32 $0x400;
	[sflag:s6] =	ssyncset.done $0x0  }
.LBB2_10:
0xb4: {  	s13 =	sshra.s32 s11, $0x2  }
0xb5: {  	[sflag:s6] =	ssyncadd.s32 $0xFFFFC000;
	s11 =	smov.u32 s12;
	s14 =	sadd.s32 $0x200, s12  }
0xb6: {  	[tilespmem:s5], [sflag:$0x1] =	stream.indirect.gather [hbm4b:s3+s8], $0x80, s13, s8, $0xb8;
	[tilespmem:$0x19C00] =	vst v63  }
0xb7: {  	p1 =	sne.s32 s12, $0x3E00;
	_ =	swait.ge [sflag:s9], $0x4000  }
.Ltmp4:
0xb8: {  	[sflag:s9] =	ssyncset.done $0x0;
	(pc) =	sbr.rel @p1 .LBB2_10-.Ltmp4, $4  }
0xb9: {  	s12 =	sadd.s32 $0x1000, s13;
	[sflag:s9] =	ssyncadd.s32 $0xFFFFC000  }
0xba: {  	[spmem:s1] =	stream.indirect.scatter.add.f32 [tilespmem:s5], [sflag:$0x2], $0x80, s12, s8, $0xb8;
	[tilespmem:$0x19C00] =	vst v63  }
0xbb: {  	_ =	swait.ge [sflag:s6], $0x4000  }
0xbc: {  	s12 =	smov.u32 s14;
	[sflag:s6] =	ssyncset.done $0x0  }
0xbd: {  	s11 =	sshra.s32 s11, $0x2;
	[sflag:s6] =	ssyncadd.s32 $0xFFFFC000  }
0xbe: {  	[tilespmem:s5], [sflag:$0x1] =	stream.indirect.gather [hbm4b:s3+s8], $0x80, s11, s8, $0xb8;
	[tilespmem:$0x19C00] =	vst v63  }
0xbf: {  	_ =	swait.ge [sflag:s9], $0x4000  }
0xc0: {  	[sflag:s9] =	ssyncset.done $0x0  }
0xc1: {  	s11 =	sadd.s32 $0x1000, s11;
	[sflag:s9] =	ssyncadd.s32 $0xFFFFC000  }
0xc2: {  	[spmem:s1] =	stream.indirect.scatter.add.f32 [tilespmem:s5], [sflag:$0x2], $0x80, s11, s8, $0xb8;
	[tilespmem:$0x19C00] =	vst v63  }
0xc3: {  	_ =	swait.ge [sflag:s6], $0x4000  }
0xc4: {  	[sflag:s6] =	ssyncset.done $0x0  }
0xc5: {  	s12 =	simm.s32 $0x0;
	[sflag:s6] =	ssyncadd.s32 $0xFFFFC000  }
0xc6: {  	[tilespmem:s12], [sflag:$0x2] =	stream.linear.gather [hbm4b:s17+s12], $0xE80, $0x38;
	[tilespmem:$0x19C00] =	vst v63  }
0xc7: {  	_ =	swait.ge [sflag:s6], $0xE80  }
0xc8: {  	[sflag:s6] =	ssyncset.done $0x0  }
0xc9: {  	[sflag:s6] =	ssyncadd.s32 $0xFFFFF180  }
0xca: {  	[tilespmem:s7], [sflag:$0x2] =	stream.linear.gather [hbm4b:s19+s12], $0xE80, $0x38;
	[tilespmem:$0x19C00] =	vst v63  }
0xcb: {  	_ =	swait.ge [sflag:s6], $0xE80  }
0xcc: {  	[sflag:s6] =	ssyncset.done $0x0  }
0xcd: {  	s13 =	simm.s32 $0x0;
	[sflag:s6] =	ssyncadd.s32 $0xFFFFF180  }
0xce: {  	[tilespmem:s5], [sflag:$0x1] =	stream.indirect.gather [hbm4b:s3+s8], $0x80, s13, s8, $0xb8;
	[tilespmem:$0x19C00] =	vst v63  }
0xcf: {  	_ =	swait.ge [sflag:s9], $0x4000  }
0xd0: {  	[sflag:s9] =	ssyncset.done $0x0  }
0xd1: {  	s14 =	simm.s32 $0x1000;
	[sflag:s9] =	ssyncadd.s32 $0xFFFFC000  }
0xd2: {  	[spmem:s1] =	stream.indirect.scatter.add.f32 [tilespmem:s5], [sflag:$0x2], $0x80, s14, s8, $0xb8;
	[tilespmem:$0x19C00] =	vst v63  }
0xd3: {  	_ =	swait.ge [sflag:s6], $0x4000  }
0xd4: {  	s11 =	simm.s32 $0x200;
	s12 =	simm.s32 $0x400;
	[sflag:s6] =	ssyncset.done $0x0  }
.LBB2_12:
0xd5: {  	s13 =	sshra.s32 s11, $0x2  }
0xd6: {  	[sflag:s6] =	ssyncadd.s32 $0xFFFFC000;
	s11 =	smov.u32 s12;
	s14 =	sadd.s32 $0x200, s12  }
0xd7: {  	[tilespmem:s5], [sflag:$0x1] =	stream.indirect.gather [hbm4b:s3+s8], $0x80, s13, s8, $0xb8;
	[tilespmem:$0x19C00] =	vst v63  }
0xd8: {  	p1 =	sne.s32 s12, $0x3800;
	_ =	swait.ge [sflag:s9], $0x4000  }
.Ltmp5:
0xd9: {  	[sflag:s9] =	ssyncset.done $0x0;
	(pc) =	sbr.rel @p1 .LBB2_12-.Ltmp5, $4  }
0xda: {  	s12 =	sadd.s32 $0x1000, s13;
	[sflag:s9] =	ssyncadd.s32 $0xFFFFC000  }
0xdb: {  	[spmem:s1] =	stream.indirect.scatter.add.f32 [tilespmem:s5], [sflag:$0x2], $0x80, s12, s8, $0xb8;
	[tilespmem:$0x19C00] =	vst v63  }
0xdc: {  	_ =	swait.ge [sflag:s6], $0x4000  }
0xdd: {  	s12 =	smov.u32 s14;
	[sflag:s6] =	ssyncset.done $0x0  }
0xde: {  	s11 =	sshra.s32 s11, $0x2;
	[sflag:s6] =	ssyncadd.s32 $0xFFFFC000  }
0xdf: {  	[tilespmem:s5], [sflag:$0x1] =	stream.indirect.gather [hbm4b:s3+s8], $0x80, s11, s8, $0xb8;
	[tilespmem:$0x19C00] =	vst v63  }
0xe0: {  	_ =	swait.ge [sflag:s9], $0x4000  }
0xe1: {  	[sflag:s9] =	ssyncset.done $0x0  }
0xe2: {  	s11 =	sadd.s32 $0x1000, s11;
	[sflag:s9] =	ssyncadd.s32 $0xFFFFC000  }
0xe3: {  	[spmem:s1] =	stream.indirect.scatter.add.f32 [tilespmem:s5], [sflag:$0x2], $0x80, s11, s8, $0xb8;
	[tilespmem:$0x19C00] =	vst v63  }
0xe4: {  	_ =	swait.ge [sflag:s6], $0x4000  }
0xe5: {  	[sflag:s6] =	ssyncset.done $0x0  }
0xe6: {  	[sflag:s6] =	ssyncadd.s32 $0xFFFFC000  }
0xe7: {  	[bflag:$0x0] =	sbarrier.arrive $0xFFFF  }
0xe8: {  	[tilespmem:s5], [sflag:$0x2] =	stream.linear.gather [spmem:s20], $0x4000, $0x38;
	[tilespmem:$0x19C00] =	vst v63  }
0xe9: {  	_ =	swait.ge [sflag:s6], $0x4000  }
0xea: {  	[sflag:s6] =	ssyncset.done $0x0  }
0xeb: {  	s14 =	rddreg [dreg:$0xa];
	[sflag:s6] =	ssyncadd.s32 $0xFFFFC000  }
0xec: {  	[hbm4b:s14+s2] =	stream.linear.scatter [tilespmem:s5], [sflag:$0x2], $0x4000, $0x38;
	[tilespmem:$0x19C00] =	vst v63  }
0xed: {  	_ =	swait.ge [sflag:s6], $0x4000  }
0xee: {  	[sflag:s6] =	ssyncset.done $0x0  }
0xef: {  	[sflag:s6] =	ssyncadd.s32 $0xFFFFC000  }
0xf0: {  	[tilespmem:s5], [sflag:$0x2] =	stream.linear.gather [spmem:s21], $0x4000, $0x38;
	[tilespmem:$0x19C00] =	vst v63  }
0xf1: {  	_ =	swait.ge [sflag:s6], $0x4000  }
0xf2: {  	[sflag:s6] =	ssyncset.done $0x0  }
0xf3: {  	s12 =	rddreg [dreg:$0xb];
	[sflag:s6] =	ssyncadd.s32 $0xFFFFC000  }
0xf4: {  	[hbm4b:s12+s2] =	stream.linear.scatter [tilespmem:s5], [sflag:$0x2], $0x4000, $0x38;
	[tilespmem:$0x19C00] =	vst v63  }
0xf5: {  	_ =	swait.ge [sflag:s6], $0x4000  }
0xf6: {  	[sflag:s6] =	ssyncset.done $0x0  }
0xf7: {  	[sflag:s6] =	ssyncadd.s32 $0xFFFFC000  }
0xf8: {  	[tilespmem:s5], [sflag:$0x2] =	stream.linear.gather [spmem:s22], $0x4000, $0x38;
	[tilespmem:$0x19C00] =	vst v63  }
0xf9: {  	_ =	swait.ge [sflag:s6], $0x4000  }
0xfa: {  	[sflag:s6] =	ssyncset.done $0x0  }
0xfb: {  	s13 =	rddreg [dreg:$0xc];
	[sflag:s6] =	ssyncadd.s32 $0xFFFFC000  }
0xfc: {  	[hbm4b:s13+s2] =	stream.linear.scatter [tilespmem:s5], [sflag:$0x2], $0x4000, $0x38;
	[tilespmem:$0x19C00] =	vst v63  }
0xfd: {  	_ =	swait.ge [sflag:s6], $0x4000  }
0xfe: {  	[sflag:s6] =	ssyncset.done $0x0  }
0xff: {  	[sflag:s6] =	ssyncadd.s32 $0xFFFFC000  }
0x100: {  	[tilespmem:s5], [sflag:$0x2] =	stream.linear.gather [spmem:s23], $0x4000, $0x38;
	[tilespmem:$0x19C00] =	vst v63  }
0x101: {  	_ =	swait.ge [sflag:s6], $0x4000  }
0x102: {  	[sflag:s6] =	ssyncset.done $0x0  }
0x103: {  	s14 =	rddreg [dreg:$0xd];
	[sflag:s6] =	ssyncadd.s32 $0xFFFFC000  }
0x104: {  	[hbm4b:s14+s2] =	stream.linear.scatter [tilespmem:s5], [sflag:$0x2], $0x4000, $0x38;
	[tilespmem:$0x19C00] =	vst v63  }
0x105: {  	_ =	swait.ge [sflag:s6], $0x4000  }
0x106: {  	[sflag:s6] =	ssyncset.done $0x0  }
0x107: {  	[sflag:s6] =	ssyncadd.s32 $0xFFFFC000  }
0x108: {  	[tilespmem:s5], [sflag:$0x2] =	stream.linear.gather [spmem:s24], $0x3800, $0x38;
	[tilespmem:$0x19C00] =	vst v63  }
0x109: {  	_ =	swait.ge [sflag:s6], $0x3800  }
0x10a: {  	[sflag:s6] =	ssyncset.done $0x0  }
0x10b: {  	[sflag:s6] =	ssyncadd.s32 $0xFFFFC800  }
0x10c: {  	[hbm4b:s15+s2] =	stream.linear.scatter [tilespmem:s5], [sflag:$0x2], $0x3800, $0x38;
	[tilespmem:$0x19C00] =	vst v63  }
0x10d: {  	_ =	swait.ge [sflag:s6], $0x3800  }
0x10e: {  	[sflag:s6] =	ssyncset.done $0x0  }
0x10f: {  	s11 =	simm.s32 @!p0 $0x2000;
	s12 =	simm.s32 @!p0 $0x2;
	[sflag:s6] =	ssyncadd.s32 $0xFFFFC800  }
0x110: {  	[tilespmem:s11], [sflag:$0x2] =	stream.linear.gather @!p0 [spmem:s0], $0x800, $0x38;
	[tilespmem:$0x19C00] =	vst v63  }
0x111: {  	s10 =	sadd.s32 $0x1, s10;
	_ =	swait.ge @!p0 [sflag:s12], $0x800  }
0x112: {  	p1 =	sne.s32 s10, s26;
	[sflag:s12] =	ssyncset.done @!p0 $0x0  }
.Ltmp6:
0x113: {  	s13 =	simm.s32 @!p0 $0x0;
	[sflag:s12] =	ssyncadd.s32 @!p0 $0xFFFFF800;
	(pc) =	sbr.rel @p1 .LBB2_1-.Ltmp6, $4  }
0x114: {  	[hbm4b:s25+s13] =	stream.linear.scatter @!p0 [tilespmem:s11], [sflag:$0x2], $0x800, $0x38;
	[tilespmem:$0x19C00] =	vst v63  }
0x115: {  	_ =	swait.ge @!p0 [sflag:s12], $0x800  }
0x116: {  	[sflag:s12] =	ssyncset.done @!p0 $0x0  }
0x117: {  	[sflag:s12] =	ssyncadd.s32 @!p0 $0xFFFFF800  }
0x118: {  	_ =	sfence.sel $0x180000  }
0x119: {  	[bflag:$0x0] =	sbarrier.arrive $0xFFFF  }
0x11a: {  	_ =	strace $0x9000004D  }
0x11b: {  	[bflag:$0x2] =	sbarrier.arrive $0xFFFF  }
0x11c: {  	s0 =	rddreg [dreg:$0x3]  }
0x11d: {  	s0 =	sadd.s32 @!p0 $0x100000, s0  }
0x11e: {  	[sflag:s0] =	ssyncadd.tile.s32 @!p0 $0x1;
	_ =	shalt  }
.Lfunc_end2:
_tile_overlayer_lowered:
.L_overlay_start_2:
0x11f: {  	(tag) =	ssettag $0x2  }
0x120: {  	s0 =	rddreg [dreg:$0x0];
	s2 =	stileid.u32  }
0x121: {  	s1 =	rddreg [dreg:$0x1];
	p0 =	sne.s32 s2, $0x0  }
0x122: {  	s3 =	rddreg [dreg:$0x2];
	[bflag:$0x3] =	sbarrier.arrive $0xFFFF;
	s2 =	simm.s32 @!p0 $0x1C02  }
0x123: {  	[timem:s3], [sflag:s2] =	dma.local @!p0 [hbm:s0], s1  }
0x124: {  	s0 =	simm.s32 @!p0 $0x2  }
0x125: {  	_ =	swait.ge @!p0 [sflag:s0], s1  }
0x126: {  	s1 =	ssub.s32 @!p0 $0x0, s1;
	[sflag:s0] =	ssyncset.done @!p0 $0x0  }
0x127: {  	[sflag:s0] =	ssyncadd.s32 @!p0 s1  }
0x128: {  	[bflag:$0x3] =	sbarrier.arrive $0xFFFF  }
0x129: {  	_ =	shalt  }

// kernel: kernel.8.cloned.1.call-start
scs
__scs_entry_jumppad:
0x0: {  	(pc) =	sbr.rel $0x88, $3  }
0x1: {  	(tag) =	ssettag $0x0;
	lr =	simm.s32 $0x1  }
0x2: {  	[smem:$0x3F9B] =	sst lr;
	_ =	strace $0xD0000000  }
0x3: {  	_ = 	snop  }
0x4: {  	_ = 	snop  }
0x5: {  	_ = 	snop  }
0x6: {  	_ = 	snop  }
0x7: {  	_ = 	snop  }
__scs_overlays_trampoline_lowered:
0x8: {  	[smem:$0x3FAA] =	sst s0  }
0x9: {  	[smem:$0x3FAB] =	sst s1  }
0xa: {  	[smem:$0x3FAC] =	sst s2  }
0xb: {  	[smem:$0x3FAD] =	sst s3  }
0xc: {  	[smem:$0x3FAE] =	sst s4  }
0xd: {  	[smem:$0x3FAF] =	sst s5  }
0xe: {  	[smem:$0x3FB0] =	sst s6  }
0xf: {  	[smem:$0x3FB1] =	sst s7  }
0x10: {  	[smem:$0x3FB2] =	sst s8  }
0x11: {  	[smem:$0x3FB3] =	sst s9;
	s0 =	simm.s32 @!p0 $0x0  }
0x12: {  	s1 =	sld [smem:$0x3F99];
	s0 =	simm.s32 @p0 $0x1  }
0x13: {  	[smem:$0x3FB4] =	sst s0;
	s0 =	simm.s32 @!p1 $0x0  }
0x14: {  	s2 =	sld [smem:$0x3F98];
	s0 =	simm.s32 @p1 $0x1  }
0x15: {  	[smem:$0x3FB5] =	sst s0;
	s0 =	simm.s32 @!p2 $0x0  }
0x16: {  	s3 =	sld [smem:$0x3FDB];
	s0 =	simm.s32 @p2 $0x1  }
0x17: {  	s4 =	simm.s32 $0x1BF5;
	[smem:$0x3FB7] =	sst s0  }
0x18: {  	s0 =	sld [smem:$0x3F9A];
	_ =	swait.ge [sflag:s4], $0x0  }
0x19: {  	s7 =	sld [smem:$0x3F9B]  }
0x1a: {  	s8 =	sadd.s32 $0xFFFFE003, lr  }
0x1b: {  	s9 =	sadd.s32 $0xFFFFFEF7, lr;
	s5 =	simm.s32 $0xFFFFFFFF;
	p2 =	slt.u32 s8, $0xFFFFF086  }
0x1c: {  	p1 =	slt.u32 s9, $0xF7A;
	s5 =	simm.s32 @!p2 $0x0  }
0x1d: {  	s5 =	simm.s32 @p1 $0x1;
	p0 =	seq.s32 s7, s2  }
0x1e: {  	s7 =	smul.u32 @!p0 $0xF7A, s2;
	p2 =	seq.s32 @!p0 s5, $0x0  }
0x1f: {  	s9 =	smul.u32 $0xF7A, s1;
	s8 =	simm.s32 @!p0 $0x1BF5;
	p2 =	por !p2, p0  }
0x20: {  	[sflag:s8] =	ssyncset.s32 @!p0 $0xFFFFF086;
	s6 =	sadd.s32 @!p0 s3, s7;
	s7 =	simm.s32 @!p0 $0x108  }
0x21: {  	s3 =	sadd.s32 s3, s9;
	s6 =	sadd.s32 @!p0 $0x88, s6;
	s7 =	simm.s32 @p2 $0x1082  }
0x22: {  	[simem:s7], [sflag:s8] =	dma.local @!p0 [hbm:s6], $0xF7A  }
0x23: {  	s9 =	sor.u32 $0xD0000000, s2;
	s6 =	simm.s32 $0x108;
	_ =	swait.ge @!p0 [sflag:s8], $0x0  }
0x24: {  	s3 =	sadd.s32 $0x88, s3;
	s6 =	simm.s32 @!p1 $0x1082;
	[sflag:s4] =	ssyncset.s32 $0xFFFFF086  }
0x25: {  	[simem:s6], [sflag:s4] =	dma.local [hbm:s3], $0xF7A  }
0x26: {  	[smem:$0x3F9B] =	sst s1;
	(tag) =	ssettag s2;
	_ =	strace s9  }
0x27: {  	s1 =	sld [smem:$0x3FAB]  }
0x28: {  	s2 =	sld [smem:$0x3FAC]  }
0x29: {  	s4 =	sld [smem:$0x3FAE]  }
0x2a: {  	p0 =	seq.s32 s5, $0x0;
	s5 =	sld [smem:$0x3FAF]  }
0x2b: {  	s6 =	sld [smem:$0x3FB0]  }
0x2c: {  	s7 =	sld [smem:$0x3FB1]  }
0x2d: {  	s3 =	simm.s32 $0x108;
	s8 =	sld [smem:$0x3FB2]  }
0x2e: {  	s3 =	simm.s32 @!p0 $0x1082;
	s9 =	sld [smem:$0x3FB3]  }
0x2f: {  	lr =	sadd.s32 s0, s3;
	s0 =	sld [smem:$0x3FAA]  }
0x30: {  	s3 =	sld [smem:$0x3FAD]  }
0x31: {  	[smem:$0x3FB6] =	sst s10  }
0x32: {  	s10 =	sld [smem:$0x3FB4];
	_ =	sdelay $0x3  }
0x33: {  	p0 =	seq.s32 s10, $0x1;
	s10 =	sld [smem:$0x3FB6];
	_ =	sdelay $0x3  }
0x34: {  	[smem:$0x3FB6] =	sst s10  }
0x35: {  	s10 =	sld [smem:$0x3FB5];
	_ =	sdelay $0x3  }
0x36: {  	p1 =	seq.s32 s10, $0x1;
	s10 =	sld [smem:$0x3FB6];
	_ =	sdelay $0x3  }
0x37: {  	[smem:$0x3FB6] =	sst s10  }
0x38: {  	s10 =	sld [smem:$0x3FB7]  }
0x39: {  	_ = 	snop;
	(pc) =	sbr.ind lr, $3  }
0x3a: {  	_ = 	snop  }
0x3b: {  	_ = 	snop  }
0x3c: {  	p2 =	seq.s32 s10, $0x1;
	s10 =	sld [smem:$0x3FB6]  }
0x3d: {  	_ =	shalt  }
0x3e: {  	_ =	shalt  }
0x3f: {  	_ =	shalt  }
0x40: {  	_ =	shalt  }
0x41: {  	_ =	shalt  }
0x42: {  	_ =	shalt  }
0x43: {  	_ =	shalt  }
0x44: {  	_ =	shalt  }
0x45: {  	_ =	shalt  }
0x46: {  	_ =	shalt  }
0x47: {  	_ =	shalt  }
0x48: {  	_ =	shalt  }
0x49: {  	_ =	shalt  }
0x4a: {  	_ =	shalt  }
0x4b: {  	_ =	shalt  }
0x4c: {  	_ =	shalt  }
0x4d: {  	_ =	shalt  }
0x4e: {  	_ =	shalt  }
0x4f: {  	_ =	shalt  }
0x50: {  	_ =	shalt  }
0x51: {  	_ =	shalt  }
0x52: {  	_ =	shalt  }
0x53: {  	_ =	shalt  }
0x54: {  	_ =	shalt  }
0x55: {  	_ =	shalt  }
0x56: {  	_ =	shalt  }
0x57: {  	_ =	shalt  }
0x58: {  	_ =	shalt  }
0x59: {  	_ =	shalt  }
0x5a: {  	_ =	shalt  }
0x5b: {  	_ =	shalt  }
0x5c: {  	_ =	shalt  }
0x5d: {  	_ =	shalt  }
0x5e: {  	_ =	shalt  }
0x5f: {  	_ =	shalt  }
0x60: {  	_ =	shalt  }
0x61: {  	_ =	shalt  }
0x62: {  	_ =	shalt  }
0x63: {  	_ =	shalt  }
0x64: {  	_ =	shalt  }
0x65: {  	_ =	shalt  }
0x66: {  	_ =	shalt  }
0x67: {  	_ =	shalt  }
0x68: {  	_ =	shalt  }
0x69: {  	_ =	shalt  }
0x6a: {  	_ =	shalt  }
0x6b: {  	_ =	shalt  }
0x6c: {  	_ =	shalt  }
0x6d: {  	_ =	shalt  }
0x6e: {  	_ =	shalt  }
0x6f: {  	_ =	shalt  }
0x70: {  	_ =	shalt  }
0x71: {  	_ =	shalt  }
0x72: {  	_ =	shalt  }
0x73: {  	_ =	shalt  }
0x74: {  	_ =	shalt  }
0x75: {  	_ =	shalt  }
0x76: {  	_ =	shalt  }
0x77: {  	_ =	shalt  }
0x78: {  	_ =	shalt  }
0x79: {  	_ =	shalt  }
0x7a: {  	_ =	shalt  }
0x7b: {  	_ =	shalt  }
0x7c: {  	_ =	shalt  }
0x7d: {  	_ =	shalt  }
0x7e: {  	_ =	shalt  }
0x7f: {  	_ =	shalt  }
0x80: {  	_ =	shalt  }
0x81: {  	_ =	shalt  }
0x82: {  	_ =	shalt  }
0x83: {  	_ =	shalt  }
0x84: {  	_ =	shalt  }
0x85: {  	_ =	shalt  }
0x86: {  	_ =	shalt  }
0x87: {  	_ =	shalt  }
.Lfunc_end0:
.L_simem_size_0:
called_computation_lowered:
.L_overlay_start_0:
0x88: {  	s2 =	sld [smem:$0x3FD9]  }
0x89: {  	s3 =	sld [smem:$0x3FFE];
	_ =	sdelay $0x1  }
0x8a: {  	s1 =	srdreg.scid  }
0x8b: {  	s0 =	sand.u32 $0x1, s1  }
0x8c: {  	s17 =	sshll.u32 s0, $0xA;
	s2 =	sadd.s32 s3, s2  }
0x8d: {  	s2 =	sadd.s32 s2, s17  }
0x8e: {  	[smem:$0x3FC2] =	sst s2  }
0x8f: {  	_ = 	snop  }
0x90: {  	s2 =	sld [smem:$0x3FD0];
	(tm) =	ssettm $0x1  }
0x91: {  	s18 =	sld [smem:$0x3FFB];
	_ =	sdelay $0x3  }
0x92: {  	_ =	strace s18  }
0x93: {  	s3 =	sld [smem:$0x3FFC];
	_ =	sdelay $0x3  }
0x94: {  	_ =	strace s3  }
0x95: {  	s3 =	sld [smem:$0x3FFD];
	_ =	sdelay $0x3  }
0x96: {  	_ =	strace s3  }
0x97: {  	_ =	strace $0x8FFFFFFF  }
0x98: {  	s19 =	sld [smem:$0x3FDB];
	_ =	sdelay $0x1  }
0x99: {  	s4 =	simm.s32 $_scs_section_size  }
0x9a: {  	s5 =	simm.s32 $_size__tile_overlayer_lowered;
	s6 =	simm.s32 $_tile_overlayer_lowered  }
0x9b: {  	s22 =	simm.s32 $0x1BFF;
	s21 =	sshll.u32 s6, $0x1;
	s3 =	sadd.s32 s4, s19  }
0x9c: {  	s7 =	simm.s32 $0x0;
	s20 =	sshll.u32 s5, $0x1;
	s5 =	sadd.s32 s21, s3  }
0x9d: {  	[timem:s7], [sflag:s22] =	dma.local [hbm:s5], s20  }
0x9e: {  	_ =	swait.ge [sflag:s22], s20  }
0x9f: {  	s4 =	ssub.s32 $0x0, s20;
	[sflag:s22] =	ssyncset.done $0x0  }
0xa0: {  	[sflag:s22] =	ssyncadd.s32 s4;
	_ =	sdelay $0x1  }
0xa1: {  	s23 =	simm.s32 $0x1B8B  }
0xa2: {  	_ =	swait.ge [sflag:s23], $0x1  }
0xa3: {  	[sflag:s23] =	ssyncset.done $0x0  }
0xa4: {  	s25 =	simm.s32 $0x1B8E;
	s24 =	sld [smem:$0x3FFE];
	[sflag:s23] =	ssyncadd.s32 $0xFFFFFFFF  }
0xa5: {  	s26 =	simm.s32 $execute0_lowered;
	[smem:$0x3FD2] =	sst s25  }
0xa6: {  	s5 =	sshll.u32 s26, $0x1;
	_ =	strace $0x80000046;
	[dreg:$0x1] =	wrdreg $0xFFFFFFFF  }
0xa7: {  	s28 =	simm.s32 $_size_execute0_lowered;
	s3 =	sadd.s32 s3, s5;
	[dreg:$0x0] =	wrdreg $0x0  }
0xa8: {  	s5 =	sshll.u32 s28, $0x1;
	[dreg:$0x2] =	wrdreg s3  }
0xa9: {  	[dreg:$0x3] =	wrdreg s5  }
0xaa: {  	[dreg:$0x4] =	wrdreg $0xC0  }
0xab: {  	_ =	task [dreg:s7], $0x5FFFF  }
0xac: {  	[dreg:$0x1] =	wrdreg $0xFFFFFFFF  }
0xad: {  	[dreg:$0x0] =	wrdreg $0x60  }
0xae: {  	[dreg:$0x2] =	wrdreg s24  }
0xaf: {  	[dreg:$0x3] =	wrdreg s2  }
0xb0: {  	[dreg:$0x4] =	wrdreg $0x18000  }
0xb1: {  	[dreg:$0x5] =	wrdreg $0x9  }
0xb2: {  	_ =	task.clear_ibuf [dreg:s7], $0x6FFFF;
	_ =	strace $0x90000046  }
0xb3: {  	s29 =	simm.s32 $0x9;
	_ =	strace $0x80000048  }
0xb4: {  	_ =	swait.ge [sflag:s29], $0x1  }
0xb5: {  	[sflag:s29] =	ssyncadd.s32 $0xFFFFFFFF  }
0xb6: {  	_ =	strace $0x90000048  }
0xb7: {  	_ =	sfence  }
0xb8: {  	s30 =	sld [smem:$0x0];
	_ =	sdelay $0x2  }
0xb9: {  	s31 =	sshll.u32 s1, $0xD;
	s1 =	sshrl.u32 s1, $0x2  }
0xba: {  	s3 =	sand.u32 $0x4000, s31;
	s1 =	sadd.s32 s1, s30  }
0xbb: {  	s0 =	sor.u32 s3, s0;
	s1 =	sshll.u32 s1, $0x11  }
0xbc: {  	s0 =	sor.u32 s1, s0  }
0xbd: {  	s0 =	sadd.s32 $0x8F2B, s0  }
0xbe: {  	[sflag:s0] =	ssyncadd.remote.s32 $0x1  }
0xbf: {  	_ =	sfence.sel $0xFFFF  }
0xc0: {  	[dreg:$0x0] =	wrdreg $0xFFFFFFFF;
	(pc) =	sbr.abs _section_cstart, $3  }
0xc1: {  	[dreg:$0x1] =	wrdreg $0xFFFFFFFF  }
0xc2: {  	_ =	task.clear_ibuf [dreg:s7], $0x2FFFF;
	_ =	strace $0x9FFFFFFF  }
0xc3: {  	(tm) =	ssettm $0x7FFFFFFF  }
tec
execute0_lowered:
.L_overlay_start_1:
0x0: {  	(tag) =	ssettag $0x1  }
0x1: {  	s4 =	rddreg [dreg:$0x0]  }
0x2: {  	s11 =	rddreg [dreg:$0x1]  }
0x3: {  	s2 =	rddreg [dreg:$0x2];
	s1 =	stileid.u32  }
0x4: {  	s0 =	rddreg [dreg:$0x3];
	s3 =	simm.s32 $0x0;
	s6 =	srdreg.scid  }
0x5: {  	s14 =	simm.s32 $0x1;
	s15 =	simm.s32 $0x80;
	s5 =	smul.u32 $0x5000, s1  }
0x6: {  	[smem:$0x7FF] =	sst s3;
	s6 =	sand.u32 $0x1, s6;
	s30 =	smul.u32 $0xFA0, s1  }
0x7: {  	p1 =	slt.u32 s1, $0xA;
	s10 =	smul.u32 $0x3E8, s1;
	_ =	strace $0x80000047  }
0x8: {  	s29 =	ssub.s32 $0x2, s6;
	p0 =	seq.s32 s6, $0x0;
	s5 =	sshrl.u32 s5, $0x3  }
0x9: {  	s7 =	sshrl.u32 s29, $0x1;
	p1 =	por !p0, !p1;
	s31 =	sshrl.u32 s30, $0x2  }
.Ltmp0:
0xa: {  	s13 =	sshrl.u32 s10, $0x3;
	s10 =	sadd.s32 s10, s2;
	(pc) =	sbr.rel .LBB2_1-.Ltmp0, $4  }
0xb: {  	s9 =	sadd.s32 s5, s4;
	s12 =	ssub.s32 s29, s7;
	p1 =	por !p1, !p1  }
0xc: {  	s4 =	sadd.s32 s31, s2;
	s11 =	sadd.s32 s11, s13;
	s13 =	simm.s32 $0x1000  }
0xd: {  	s5 =	sadd.s32 $0x1A00, s9;
	s6 =	sadd.s32 $0x1C00, s9;
	s7 =	sadd.s32 $0x1E00, s9  }
0xe: {  	v0 =	vimm.f32 $1.000000000e+00;
	s8 =	sadd.s32 $0x2000, s9;
	s9 =	sadd.s32 $0x2200, s9;
	s12 =	smax.u32 s12, $0x1  }
.LBB2_17:
0xf: {  	[bflag:$0x0] =	sbarrier.arrive $0xFFFF  }
.LBB2_18:
0x10: {  	s3 =	sadd.s32 $0x1, s3  }
0x11: {  	p2 =	sne.s32 s3, s12  }
.Ltmp1:
0x12: {  	_ = 	snop;
	(pc) =	sbr.rel @!p2 .LBB2_19-.Ltmp1, $1  }
0x13: {  	_ =	sdelay $0x3  }
.LBB2_1:
0x14: {  	s16 =	simm.s32 $0x40;
	s17 =	simm.s32 $0x0  }
.LBB2_2:
0x15: {  	p2 =	sne.s32 s16, $0xFC0;
	[tilespmem:s17+$0x1000] =	vst v0;
	s17 =	smov.u32 s16;
	s16 =	sadd.s32 $0x40, s16  }
.Ltmp2:
0x16: {  	(pc) =	sbr.rel @p2 .LBB2_2-.Ltmp2, $2  }
0x17: {  	_ =	sdelay $0x2  }
0x18: {  	s17 =	sshra.s32 s17, $0x2  }
.Ltmp3:
0x19: {  	(pc) =	sbr.rel @!p1 .LBB2_16-.Ltmp3, $2  }
0x1a: {  	_ =	sdelay $0x2  }
0x1b: {  	[tilespmem:s17+$0x1000] =	vst v0  }
0x1c: {  	[spmem:s4] =	stream.linear.scatter [tilespmem:s13], [sflag:$0x1], $0x3E8, $0x38;
	[tilespmem:$0x1A78] =	vst v63  }
.Ltmp4:
0x1d: {  	_ =	swait.ge [sflag:s14], $0x3E8;
	(pc) =	sbr.rel .LBB2_5-.Ltmp4, $3  }
0x1e: {  	[sflag:s14] =	ssyncset.done $0x0  }
0x1f: {  	[sflag:s14] =	ssyncadd.s32 $0xFFFFFC18  }
0x20: {  	[bflag:$0x0] =	sbarrier.arrive $0xFFFF;
	_ =	sdelay $0x1  }
.LBB2_16:
.Ltmp5:
0x21: {  	(pc) =	sbr.rel @!p0 .LBB2_17-.Ltmp5, $2  }
0x22: {  	_ =	sdelay $0x1  }
0x23: {  	[bflag:$0x0] =	sbarrier.arrive $0xFFFF;
	_ =	sdelay $0x1  }
.LBB2_5:
0x24: {  	s16 =	simm.s32 $0x0  }
0x25: {  	[tilespmem:s16], [sflag:$0x1] =	stream.linear.gather [hbm4b:s5+s16], $0x1000, $0x38;
	[tilespmem:$0x1A78] =	vst v63  }
0x26: {  	_ =	swait.ge [sflag:s14], $0x1000  }
0x27: {  	[sflag:s14] =	ssyncset.done $0x0  }
0x28: {  	s31 =	simm.s32 $0x0;
	[sflag:s14] =	ssyncadd.s32 $0xFFFFF000  }
0x29: {  	[spmem:s2] =	stream.indirect.scatter.add.f32 [tilespmem:s13], [sflag:$0x1], $0x1, s31, s15, $0xb8;
	[tilespmem:$0x1A78] =	vst v63  }
0x2a: {  	_ =	swait.ge [sflag:s14], $0x80  }
0x2b: {  	s16 =	simm.s32 $0x200;
	[sflag:s14] =	ssyncset.done $0x0  }
.LBB2_6:
0x2c: {  	s17 =	sshra.s32 s16, $0x2;
	[sflag:s14] =	ssyncadd.s32 $0xFFFFFF80;
	p2 =	sne.s32 s16, $0x3E00  }
0x2d: {  	[spmem:s2] =	stream.indirect.scatter.add.f32 [tilespmem:s13], [sflag:$0x1], $0x1, s17, s15, $0xb8;
	[tilespmem:$0x1A78] =	vst v63  }
.Ltmp6:
0x2e: {  	_ = 	snop;
	(pc) =	sbr.rel @p2 .LBB2_6-.Ltmp6, $4  }
0x2f: {  	_ = 	snop  }
0x30: {  	s16 =	sadd.s32 $0x200, s16  }
0x31: {  	_ =	swait.ge [sflag:s14], $0x80  }
0x32: {  	[sflag:s14] =	ssyncset.done $0x0  }
0x33: {  	[sflag:s14] =	ssyncadd.s32 $0xFFFFFF80;
	s16 =	simm.s32 $0x0  }
0x34: {  	[tilespmem:s16], [sflag:$0x1] =	stream.linear.gather [hbm4b:s6+s16], $0x1000, $0x38;
	[tilespmem:$0x1A78] =	vst v63  }
0x35: {  	_ =	swait.ge [sflag:s14], $0x1000  }
0x36: {  	[sflag:s14] =	ssyncset.done $0x0  }
0x37: {  	s31 =	simm.s32 $0x0;
	[sflag:s14] =	ssyncadd.s32 $0xFFFFF000  }
0x38: {  	[spmem:s2] =	stream.indirect.scatter.add.f32 [tilespmem:s13], [sflag:$0x1], $0x1, s31, s15, $0xb8;
	[tilespmem:$0x1A78] =	vst v63  }
0x39: {  	_ =	swait.ge [sflag:s14], $0x80  }
0x3a: {  	s16 =	simm.s32 $0x200;
	[sflag:s14] =	ssyncset.done $0x0  }
.LBB2_8:
0x3b: {  	s17 =	sshra.s32 s16, $0x2;
	[sflag:s14] =	ssyncadd.s32 $0xFFFFFF80;
	p2 =	sne.s32 s16, $0x3E00  }
0x3c: {  	[spmem:s2] =	stream.indirect.scatter.add.f32 [tilespmem:s13], [sflag:$0x1], $0x1, s17, s15, $0xb8;
	[tilespmem:$0x1A78] =	vst v63  }
.Ltmp7:
0x3d: {  	_ = 	snop;
	(pc) =	sbr.rel @p2 .LBB2_8-.Ltmp7, $4  }
0x3e: {  	_ = 	snop  }
0x3f: {  	s16 =	sadd.s32 $0x200, s16  }
0x40: {  	_ =	swait.ge [sflag:s14], $0x80  }
0x41: {  	[sflag:s14] =	ssyncset.done $0x0  }
0x42: {  	[sflag:s14] =	ssyncadd.s32 $0xFFFFFF80;
	s16 =	simm.s32 $0x0  }
0x43: {  	[tilespmem:s16], [sflag:$0x1] =	stream.linear.gather [hbm4b:s7+s16], $0x1000, $0x38;
	[tilespmem:$0x1A78] =	vst v63  }
0x44: {  	_ =	swait.ge [sflag:s14], $0x1000  }
0x45: {  	[sflag:s14] =	ssyncset.done $0x0  }
0x46: {  	s31 =	simm.s32 $0x0;
	[sflag:s14] =	ssyncadd.s32 $0xFFFFF000  }
0x47: {  	[spmem:s2] =	stream.indirect.scatter.add.f32 [tilespmem:s13], [sflag:$0x1], $0x1, s31, s15, $0xb8;
	[tilespmem:$0x1A78] =	vst v63  }
0x48: {  	_ =	swait.ge [sflag:s14], $0x80  }
0x49: {  	s16 =	simm.s32 $0x200;
	[sflag:s14] =	ssyncset.done $0x0  }
.LBB2_10:
0x4a: {  	s17 =	sshra.s32 s16, $0x2;
	[sflag:s14] =	ssyncadd.s32 $0xFFFFFF80;
	p2 =	sne.s32 s16, $0x3E00  }
0x4b: {  	[spmem:s2] =	stream.indirect.scatter.add.f32 [tilespmem:s13], [sflag:$0x1], $0x1, s17, s15, $0xb8;
	[tilespmem:$0x1A78] =	vst v63  }
.Ltmp8:
0x4c: {  	_ = 	snop;
	(pc) =	sbr.rel @p2 .LBB2_10-.Ltmp8, $4  }
0x4d: {  	_ = 	snop  }
0x4e: {  	s16 =	sadd.s32 $0x200, s16  }
0x4f: {  	_ =	swait.ge [sflag:s14], $0x80  }
0x50: {  	[sflag:s14] =	ssyncset.done $0x0  }
0x51: {  	[sflag:s14] =	ssyncadd.s32 $0xFFFFFF80;
	s16 =	simm.s32 $0x0  }
0x52: {  	[tilespmem:s16], [sflag:$0x1] =	stream.linear.gather [hbm4b:s8+s16], $0x1000, $0x38;
	[tilespmem:$0x1A78] =	vst v63  }
0x53: {  	_ =	swait.ge [sflag:s14], $0x1000  }
0x54: {  	[sflag:s14] =	ssyncset.done $0x0  }
0x55: {  	s31 =	simm.s32 $0x0;
	[sflag:s14] =	ssyncadd.s32 $0xFFFFF000  }
0x56: {  	[spmem:s2] =	stream.indirect.scatter.add.f32 [tilespmem:s13], [sflag:$0x1], $0x1, s31, s15, $0xb8;
	[tilespmem:$0x1A78] =	vst v63  }
0x57: {  	_ =	swait.ge [sflag:s14], $0x80  }
0x58: {  	s16 =	simm.s32 $0x200;
	[sflag:s14] =	ssyncset.done $0x0  }
.LBB2_12:
0x59: {  	s17 =	sshra.s32 s16, $0x2;
	[sflag:s14] =	ssyncadd.s32 $0xFFFFFF80;
	p2 =	sne.s32 s16, $0x3E00  }
0x5a: {  	[spmem:s2] =	stream.indirect.scatter.add.f32 [tilespmem:s13], [sflag:$0x1], $0x1, s17, s15, $0xb8;
	[tilespmem:$0x1A78] =	vst v63  }
.Ltmp9:
0x5b: {  	_ = 	snop;
	(pc) =	sbr.rel @p2 .LBB2_12-.Ltmp9, $4  }
0x5c: {  	_ = 	snop  }
0x5d: {  	s16 =	sadd.s32 $0x200, s16  }
0x5e: {  	_ =	swait.ge [sflag:s14], $0x80  }
0x5f: {  	[sflag:s14] =	ssyncset.done $0x0  }
0x60: {  	[sflag:s14] =	ssyncadd.s32 $0xFFFFFF80;
	s16 =	simm.s32 $0x0  }
0x61: {  	[tilespmem:s16], [sflag:$0x1] =	stream.linear.gather [hbm4b:s9+s16], $0xE80, $0x38;
	[tilespmem:$0x1A78] =	vst v63  }
0x62: {  	_ =	swait.ge [sflag:s14], $0xE80  }
0x63: {  	[sflag:s14] =	ssyncset.done $0x0  }
0x64: {  	s31 =	simm.s32 $0x0;
	[sflag:s14] =	ssyncadd.s32 $0xFFFFF180  }
0x65: {  	[spmem:s2] =	stream.indirect.scatter.add.f32 [tilespmem:s13], [sflag:$0x1], $0x1, s31, s15, $0xb8;
	[tilespmem:$0x1A78] =	vst v63  }
0x66: {  	_ =	swait.ge [sflag:s14], $0x80  }
0x67: {  	s16 =	simm.s32 $0x200;
	[sflag:s14] =	ssyncset.done $0x0  }
.LBB2_14:
0x68: {  	s17 =	sshra.s32 s16, $0x2;
	[sflag:s14] =	ssyncadd.s32 $0xFFFFFF80;
	p2 =	sne.s32 s16, $0x3800  }
0x69: {  	[spmem:s2] =	stream.indirect.scatter.add.f32 [tilespmem:s13], [sflag:$0x1], $0x1, s17, s15, $0xb8;
	[tilespmem:$0x1A78] =	vst v63  }
.Ltmp10:
0x6a: {  	_ = 	snop;
	(pc) =	sbr.rel @p2 .LBB2_14-.Ltmp10, $4  }
0x6b: {  	_ = 	snop  }
0x6c: {  	s16 =	sadd.s32 $0x200, s16  }
0x6d: {  	_ =	swait.ge [sflag:s14], $0x80  }
0x6e: {  	[sflag:s14] =	ssyncset.done $0x0  }
0x6f: {  	[sflag:s14] =	ssyncadd.s32 $0xFFFFFF80  }
0x70: {  	s16 =	simm.s32 @p1 $0x1400;
	s17 =	simm.s32 @p1 $0x1;
	[bflag:$0x0] =	sbarrier.arrive $0xFFFF  }
0x71: {  	[tilespmem:s16], [sflag:$0x1] =	stream.linear.gather @p1 [spmem:s10], $0x3E8, $0x38;
	[tilespmem:$0x1A78] =	vst v63  }
0x72: {  	_ =	swait.ge @p1 [sflag:s17], $0x3E8  }
0x73: {  	[sflag:s17] =	ssyncset.done @p1 $0x0  }
.Ltmp11:
0x74: {  	s18 =	simm.s32 @p1 $0x0;
	[sflag:s17] =	ssyncadd.s32 @p1 $0xFFFFFC18;
	(pc) =	sbr.rel .LBB2_18-.Ltmp11, $4  }
0x75: {  	[hbm4b:s11+s18] =	stream.linear.scatter @p1 [tilespmem:s16], [sflag:$0x1], $0x3E8, $0x38;
	[tilespmem:$0x1A78] =	vst v63  }
0x76: {  	_ =	swait.ge @p1 [sflag:s17], $0x3E8  }
0x77: {  	[sflag:s17] =	ssyncset.done @p1 $0x0  }
0x78: {  	[sflag:s17] =	ssyncadd.s32 @p1 $0xFFFFFC18  }
.LBB2_19:
0x79: {  	_ =	sfence.sel $0x180000  }
0x7a: {  	[bflag:$0x0] =	sbarrier.arrive $0xFFFF  }
0x7b: {  	p0 =	sne.s32 s1, $0x0;
	_ =	strace $0x90000047  }
0x7c: {  	s0 =	sadd.s32 @!p0 $0x100000, s0;
	[bflag:$0x2] =	sbarrier.arrive $0xFFFF  }
0x7d: {  	[sflag:s0] =	ssyncadd.tile.s32 @!p0 $0x1;
	_ =	shalt  }
.Lfunc_end2:
_tile_overlayer_lowered:
.L_overlay_start_2:
0x7e: {  	(tag) =	ssettag $0x2  }
0x7f: {  	s0 =	rddreg [dreg:$0x0];
	s2 =	stileid.u32  }
0x80: {  	s1 =	rddreg [dreg:$0x1];
	p0 =	sne.s32 s2, $0x0  }
0x81: {  	s3 =	rddreg [dreg:$0x2];
	[bflag:$0x3] =	sbarrier.arrive $0xFFFF;
	s2 =	simm.s32 @!p0 $0x1C01  }
0x82: {  	[timem:s3], [sflag:s2] =	dma.local @!p0 [hbm:s0], s1  }
0x83: {  	s0 =	simm.s32 @!p0 $0x1  }
0x84: {  	_ =	swait.ge @!p0 [sflag:s0], s1  }
0x85: {  	s1 =	ssub.s32 @!p0 $0x0, s1;
	[sflag:s0] =	ssyncset.done @!p0 $0x0  }
0x86: {  	[sflag:s0] =	ssyncadd.s32 @!p0 s1  }
0x87: {  	[bflag:$0x3] =	sbarrier.arrive $0xFFFF  }
0x88: {  	_ =	shalt  }

</sc_bundles>
